<compile_context>
chip_gen: v7x
topology: tpu7x:2x2x1
jax: 0.10.2.dev20260603
libtpu: 0.0.44.dev20260713+nightly
codegen_flags: <defaults>
</compile_context>

<pallas_src>
import jax
import jax.numpy as jnp
from jax import lax
from jax.experimental import pallas as pl
from jax.experimental.pallas import tpu as pltpu
from jax.experimental.pallas import tpu_sc as plsc

B = 16384
D = 50
NU = 1000000
SW = 64

_info = plsc.get_sparse_core_info()
_NC, _NS = _info.num_cores, _info.num_subcores
_NW = _NC * _NS
_BPW = B // _NW

_mesh = plsc.VectorSubcoreMesh(core_axis_name="c", subcore_axis_name="s")

def _sc_user_body(u_idx, tabt, out1d, idx_v, strip_v, *bufs_sems):
    bufs, sems = bufs_sems[:8], bufs_sems[8:]
    rows = [lax.broadcasted_iota(jnp.int32, (16,), 0) + 16 * k2
            for k2 in range(4)]
    rows[3] = jnp.where(rows[3] < D, rows[3], 0)
    wid = lax.axis_index("s") * _NC + lax.axis_index("c")
    base = wid * _BPW
    pltpu.sync_copy(u_idx.at[pl.ds(base, _BPW)], idx_v)

    def fetch(buf, sem, r):
        coff = pl.multiple_of((r // 128) * 128, 128)
        pltpu.async_copy(tabt.at[:, pl.ds(coff, 128)], buf, sem)

    def extract(buf, sem, j, r):
        pltpu.make_async_copy(tabt.at[:, pl.ds(0, 128)], buf, sem).wait()
        lane = jnp.full((16,), r % 128, jnp.int32)
        for k2 in range(4):
            vals = plsc.load_gather(buf, [rows[k2], lane])
            strip_v[pl.ds(j * SW + 16 * k2, 16)] = vals

    v0 = idx_v[pl.ds(0, 16)]
    for k in range(8):
        fetch(bufs[k], sems[k], v0[k])

    def main(g, _):
        v = idx_v[pl.ds(g * 16, 16)]
        vn = idx_v[pl.ds((g + 1) * 16, 16)]
        for k in range(16):
            j = g * 16 + k
            extract(bufs[k % 8], sems[k % 8], j, v[k])
            nxt = v[k + 8] if k < 8 else vn[k - 8]
            fetch(bufs[k % 8], sems[k % 8], nxt)
        return 0

    lax.fori_loop(0, (_BPW // 16) - 1, main, 0)
    vt = idx_v[pl.ds(_BPW - 16, 16)]
    for k in range(16):
        extract(bufs[k % 8], sems[k % 8], _BPW - 16 + k, vt[k])
        if k < 8:
            fetch(bufs[k % 8], sems[k % 8], vt[k + 8])
    pltpu.sync_copy(strip_v, out1d.at[pl.ds(base * SW, _BPW * SW)])


_sc_user = pl.kernel(
    _sc_user_body,
    mesh=_mesh,
    out_type=jax.ShapeDtypeStruct((B * SW,), jnp.float32),
    scratch_types=[
        pltpu.VMEM((_BPW,), jnp.int32),
        pltpu.VMEM((_BPW * SW,), jnp.float32),
    ] + [pltpu.VMEM((D, 128), jnp.float32)] * 8
      + [pltpu.SemaphoreType.DMA] * 8,
    compiler_params=pltpu.CompilerParams(needs_layout_passes=False),
)


def _sc_rest_body(n_idx, c_idx, s_idx, e_idx,
                  nt, ct, st, et,
                  on, oc, osub, oe,
                  idx_v, rows_v, sem):
    wid = lax.axis_index("s") * _NC + lax.axis_index("c")
    base = wid * _BPW
    for idx_hbm, tab, out in ((n_idx, nt, on), (c_idx, ct, oc),
                              (s_idx, st, osub), (e_idx, et, oe)):
        pltpu.sync_copy(idx_hbm.at[pl.ds(base, _BPW)], idx_v)

        def issue(g, _):
            v = idx_v[pl.ds(g * 16, 16)]
            for k in range(16):
                pltpu.async_copy(tab.at[pl.ds(v[k], 1)],
                                 rows_v.at[pl.ds(g * 16 + k, 1)], sem)
            return 0

        lax.fori_loop(0, _BPW // 16, issue, 0)
        pltpu.make_async_copy(out.at[pl.ds(base, _BPW)], rows_v, sem).wait()
        pltpu.sync_copy(rows_v, out.at[pl.ds(base, _BPW)])


_sc_rest = pl.kernel(
    _sc_rest_body,
    mesh=_mesh,
    out_type=[jax.ShapeDtypeStruct((B, D), jnp.float32)] * 4,
    scratch_types=[
        pltpu.VMEM((_BPW,), jnp.int32),
        pltpu.VMEM((_BPW, D), jnp.float32),
        pltpu.SemaphoreType.DMA,
    ],
)

_BM = 2048


def _tc_body(u_ref, n_ref, c_ref, s_ref, e_ref, w_ref, b_ref, o_ref):
    w = w_ref[...]
    u = u_ref[...][:, :D]
    z = jnp.dot(n_ref[...], w[0:D], preferred_element_type=jnp.float32)
    z = z + jnp.dot(c_ref[...], w[D:2 * D], preferred_element_type=jnp.float32)
    z = z + jnp.dot(s_ref[...], w[2 * D:3 * D], preferred_element_type=jnp.float32)
    z = z + jnp.dot(e_ref[...], w[3 * D:4 * D], preferred_element_type=jnp.float32)
    z = z + b_ref[...]
    sg = 1.0 / (1.0 + jnp.exp(-z))
    d = jnp.sum(u * sg, axis=1, keepdims=True)
    o_ref[...] = 1.0 / (1.0 + jnp.exp(-d))


_tc_fuse = pl.pallas_call(
    _tc_body,
    grid=(B // _BM,),
    in_specs=[pl.BlockSpec((_BM, SW), lambda i: (i, 0))] +
             [pl.BlockSpec((_BM, D), lambda i: (i, 0))] * 4 + [
        pl.BlockSpec((4 * D, D), lambda i: (0, 0)),
        pl.BlockSpec((1, D), lambda i: (0, 0)),
    ],
    out_specs=pl.BlockSpec((_BM, 1), lambda i: (i, 0)),
    out_shape=jax.ShapeDtypeStruct((B, 1), jnp.float32),
)


def kernel(users, items, categories, subcategories, entities,
           user_table, news_table, cat_table, subcat_table, entity_table, W, b):
    u = users.astype(jnp.int32)
    n = items.astype(jnp.int32)
    c = categories.astype(jnp.int32)
    s = subcategories.astype(jnp.int32)
    e = entities[:, 0].astype(jnp.int32)
    gu = _sc_user(u, user_table.T).reshape(B, SW)
    gn, gc, gsub, ge = _sc_rest(n, c, s, e, news_table, cat_table,
                                subcat_table, entity_table)
    out = _tc_fuse(gu, gn, gc, gsub, ge, W, b.reshape(1, D))
    return out.reshape(B)

# --- scband reference (transcript-rebuilt; emitter-appended) ---
"""Pipeline reference for scband-gmf-84267258348009 (READ-ONLY COPY).

The authoritative reference and input builder live on the scoring server;
editing this copy changes nothing except your own understanding.
"""

import jax, jax.numpy as jnp
import numpy as np

B = 16384
D = 50
NUM_USERS = 1000000
NUM_NEWS = 100000
NUM_CAT = 1000
NUM_SUBCAT = 1000
NUM_ENT = 100000


def setup_inputs(seed: int = 0) -> dict:
    key = jax.random.key(seed)
    ks = jax.random.split(key, 12)
    users = jax.random.randint(ks[0], (B,), 0, NUM_USERS, dtype=jnp.int64 if jax.config.jax_enable_x64 else jnp.int32)
    items = jax.random.randint(ks[1], (B,), 0, NUM_NEWS)
    categories = jax.random.randint(ks[2], (B,), 0, NUM_CAT)
    subcategories = jax.random.randint(ks[3], (B,), 0, NUM_SUBCAT)
    entities = jax.random.randint(ks[4], (B, 2), 0, NUM_ENT)
    user_table = jax.random.normal(ks[5], (NUM_USERS, D), dtype=jnp.float32) * 0.05
    news_table = jax.random.normal(ks[6], (NUM_NEWS, D), dtype=jnp.float32) * 0.05
    cat_table = jax.random.normal(ks[7], (NUM_CAT, D), dtype=jnp.float32) * 0.05
    subcat_table = jax.random.normal(ks[8], (NUM_SUBCAT, D), dtype=jnp.float32) * 0.05
    entity_table = jax.random.normal(ks[9], (NUM_ENT, D), dtype=jnp.float32) * 0.05
    W = jax.random.normal(ks[10], (4 * D, D), dtype=jnp.float32) * 0.05
    b = jnp.zeros((D,), dtype=jnp.float32)
    return {
        "users": users,
        "items": items,
        "categories": categories,
        "subcategories": subcategories,
        "entities": entities,
        "user_table": user_table,
        "news_table": news_table,
        "cat_table": cat_table,
        "subcat_table": subcat_table,
        "entity_table": entity_table,
        "W": W,
        "b": b,
    }


def reference(users, items, categories, subcategories, entities,
              user_table, news_table, cat_table, subcat_table, entity_table, W, b):
    user_embeddings = jnp.take(user_table, users, axis=0)
    news_embeddings = jnp.take(news_table, items, axis=0)
    cat_embeddings = jnp.take(cat_table, categories, axis=0)
    sub_cat_embeddings = jnp.take(subcat_table, subcategories, axis=0)
    entity_embeddings_1 = jnp.take(entity_table, entities[:, 0], axis=0)
    news_cat_concat = jnp.concatenate(
        [news_embeddings, cat_embeddings, sub_cat_embeddings, entity_embeddings_1], axis=1)
    news_cat_embedding = news_cat_concat @ W + b
    news_cat_embedding = jax.nn.sigmoid(news_cat_embedding)
    dot_prod = jnp.sum(user_embeddings * news_cat_embedding, axis=1)
    return jax.nn.sigmoid(dot_prod)

if __name__ == "__main__":
    import jax
    _d = setup_inputs()
    print(jax.jit(kernel)(*tuple(_d.values())))

</pallas_src>

<mosaic_0001>
#map = affine_map<(d0, d1) -> (0)>
#map1 = affine_map<(d0, d1) -> (0, 0)>
module attributes {stable_mosaic.version = 14 : i64} {
  func.func @_sc_rest_body(%arg0: i32, %arg1: i32, %arg2: memref<16384xi32, #tpu.memory_space<hbm>>, %arg3: memref<16384xi32, #tpu.memory_space<hbm>>, %arg4: memref<16384xi32, #tpu.memory_space<hbm>>, %arg5: memref<16384xi32, #tpu.memory_space<hbm>>, %arg6: memref<100000x50xf32, #tpu.memory_space<hbm>>, %arg7: memref<1000x50xf32, #tpu.memory_space<hbm>>, %arg8: memref<1000x50xf32, #tpu.memory_space<hbm>>, %arg9: memref<100000x50xf32, #tpu.memory_space<hbm>>, %arg10: memref<16384x50xf32, #tpu.memory_space<hbm>>, %arg11: memref<16384x50xf32, #tpu.memory_space<hbm>>, %arg12: memref<16384x50xf32, #tpu.memory_space<hbm>>, %arg13: memref<16384x50xf32, #tpu.memory_space<hbm>>, %arg14: memref<512xi32, #tpu.memory_space<vmem>>, %arg15: memref<512x50xf32, #tpu.memory_space<vmem>>, %arg16: memref<!tpu.dma_semaphore, #tpu.memory_space<semaphore_mem>>) attributes {dimension_semantics = [#tpu.dimension_semantics<core_parallel>, #tpu.dimension_semantics<subcore_parallel>], iteration_bounds = array<i64: 2, 16>, scalar_prefetch = 0 : i64, scratch_operands = 3 : i64, tpu.core_type = #tpu.core_type<sc_vector_subcore>, window_params = [{transform_indices = #map}, {transform_indices = #map}, {transform_indices = #map}, {transform_indices = #map}, {transform_indices = #map1}, {transform_indices = #map1}, {transform_indices = #map1}, {transform_indices = #map1}, {transform_indices = #map1}, {transform_indices = #map1}, {transform_indices = #map1}, {transform_indices = #map1}]} {
    %mul3A = arith.constant 2 : i32
    %mul3A_0 = arith.muli %arg1, %mul3A : i32
    %add3A = arith.addi %mul3A_0, %arg0 : i32
    %mul3A_1 = arith.constant 512 : i32
    %mul3A_2 = arith.muli %add3A, %mul3A_1 : i32
    "tpu.region"() ({
      %run_scoped3A = tpu.sem_alloc : memref<!tpu.dma_semaphore, #tpu.memory_space<semaphore_mem>>
      %dma_start3A = tpu.memref_slice %arg2[%mul3A_2] : memref<16384xi32, #tpu.memory_space<hbm>> -> memref<512xi32, #tpu.memory_space<hbm>>
      %dma_start3A_45 = tpu.memref_slice %arg2[%mul3A_2] : memref<16384xi32, #tpu.memory_space<hbm>> -> memref<512xi32, #tpu.memory_space<hbm>>
      tpu.enqueue_dma source(%dma_start3A_45 : memref<512xi32, #tpu.memory_space<hbm>>) target(%arg14 : memref<512xi32, #tpu.memory_space<vmem>>) target_semaphore(%run_scoped3A : memref<!tpu.dma_semaphore, #tpu.memory_space<semaphore_mem>>)
      %dma_wait3A_46 = tpu.memref_slice %arg2[%mul3A_2] : memref<16384xi32, #tpu.memory_space<hbm>> -> memref<512xi32, #tpu.memory_space<hbm>>
      %dma_wait3A_47 = tpu.memref_slice %arg2[%mul3A_2] : memref<16384xi32, #tpu.memory_space<hbm>> -> memref<512xi32, #tpu.memory_space<hbm>>
      tpu.wait_dma2 semaphore(%run_scoped3A : memref<!tpu.dma_semaphore, #tpu.memory_space<semaphore_mem>>) src(%dma_wait3A_47 : memref<512xi32, #tpu.memory_space<hbm>>) dst(%arg14 : memref<512xi32, #tpu.memory_space<vmem>>)
      tpu.yield
    }) : () -> ()
    %scan3A = arith.constant 0 : i32
    %scan3A_3 = arith.constant 0 : i32
    %scan3A_4 = arith.constant 32 : i32
    %scan3A_5 = arith.addi %scan3A_3, %scan3A_4 : i32
    %scan3A_6 = arith.constant 1 : i32
    %scan3A_7 = scf.for %scan3A_45 = %scan3A_3 to %scan3A_5 step %scan3A_6 iter_args(%scan3A_46 = %scan3A) -> (i32)  : i32 {
      %mul3A_47 = arith.constant 16 : i32
      %mul3A_48 = arith.muli %scan3A_45, %mul3A_47 : i32
      %get3A = arith.index_cast %mul3A_48 : i32 to index
      %get3A_49 = tpu.vector_load %arg14[%get3A] {strides = array<i32>} : memref<512xi32, #tpu.memory_space<vmem>>, vector<16xi32>,
      %slice3A = vector.extract_strided_slice %get3A_49 {offsets = [0], sizes = [1], strides = [1]} : vector<16xi32> to vector<1xi32>
      %squeeze3A = vector.extract %slice3A[0] : i32 from vector<1xi32>
      %mul3A_50 = arith.constant 16 : i32
      %mul3A_51 = arith.muli %scan3A_45, %mul3A_50 : i32
      %add3A_52 = arith.constant 0 : i32
      %add3A_53 = arith.addi %mul3A_51, %add3A_52 : i32
      %dma_start3A = arith.constant 0 : i32
      %dma_start3A_54 = tpu.memref_slice %arg15[%add3A_53, %dma_start3A] : memref<512x50xf32, #tpu.memory_space<vmem>> -> memref<1x50xf32, #tpu.memory_space<vmem>>
      %dma_start3A_55 = arith.constant 0 : i32
      %dma_start3A_56 = tpu.memref_slice %arg6[%squeeze3A, %dma_start3A_55] : memref<100000x50xf32, #tpu.memory_space<hbm>> -> memref<1x50xf32, #tpu.memory_space<hbm>>
      %dma_start3A_57 = arith.constant 0 : i32
      %dma_start3A_58 = tpu.memref_slice %arg15[%add3A_53, %dma_start3A_57] : memref<512x50xf32, #tpu.memory_space<vmem>> -> memref<1x50xf32, #tpu.memory_space<vmem>>
      %dma_start3A_59 = arith.constant 0 : i32
      %dma_start3A_60 = tpu.memref_slice %arg6[%squeeze3A, %dma_start3A_59] : memref<100000x50xf32, #tpu.memory_space<hbm>> -> memref<1x50xf32, #tpu.memory_space<hbm>>
      tpu.enqueue_dma source(%dma_start3A_60 : memref<1x50xf32, #tpu.memory_space<hbm>>) target(%dma_start3A_58 : memref<1x50xf32, #tpu.memory_space<vmem>>) target_semaphore(%arg16 : memref<!tpu.dma_semaphore, #tpu.memory_space<semaphore_mem>>)
      %slice3A_61 = vector.extract_strided_slice %get3A_49 {offsets = [1], sizes = [1], strides = [1]} : vector<16xi32> to vector<1xi32>
      %squeeze3A_62 = vector.extract %slice3A_61[0] : i32 from vector<1xi32>
      %mul3A_63 = arith.constant 16 : i32
      %mul3A_64 = arith.muli %scan3A_45, %mul3A_63 : i32
      %add3A_65 = arith.constant 1 : i32
      %add3A_66 = arith.addi %mul3A_64, %add3A_65 : i32
      %dma_start3A_67 = arith.constant 0 : i32
      %dma_start3A_68 = tpu.memref_slice %arg15[%add3A_66, %dma_start3A_67] : memref<512x50xf32, #tpu.memory_space<vmem>> -> memref<1x50xf32, #tpu.memory_space<vmem>>
      %dma_start3A_69 = arith.constant 0 : i32
      %dma_start3A_70 = tpu.memref_slice %arg6[%squeeze3A_62, %dma_start3A_69] : memref<100000x50xf32, #tpu.memory_space<hbm>> -> memref<1x50xf32, #tpu.memory_space<hbm>>
      %dma_start3A_71 = arith.constant 0 : i32
      %dma_start3A_72 = tpu.memref_slice %arg15[%add3A_66, %dma_start3A_71] : memref<512x50xf32, #tpu.memory_space<vmem>> -> memref<1x50xf32, #tpu.memory_space<vmem>>
      %dma_start3A_73 = arith.constant 0 : i32
      %dma_start3A_74 = tpu.memref_slice %arg6[%squeeze3A_62, %dma_start3A_73] : memref<100000x50xf32, #tpu.memory_space<hbm>> -> memref<1x50xf32, #tpu.memory_space<hbm>>
      tpu.enqueue_dma source(%dma_start3A_74 : memref<1x50xf32, #tpu.memory_space<hbm>>) target(%dma_start3A_72 : memref<1x50xf32, #tpu.memory_space<vmem>>) target_semaphore(%arg16 : memref<!tpu.dma_semaphore, #tpu.memory_space<semaphore_mem>>)
      %slice3A_75 = vector.extract_strided_slice %get3A_49 {offsets = [2], sizes = [1], strides = [1]} : vector<16xi32> to vector<1xi32>
      %squeeze3A_76 = vector.extract %slice3A_75[0] : i32 from vector<1xi32>
      %mul3A_77 = arith.constant 16 : i32
      %mul3A_78 = arith.muli %scan3A_45, %mul3A_77 : i32
      %add3A_79 = arith.constant 2 : i32
      %add3A_80 = arith.addi %mul3A_78, %add3A_79 : i32
      %dma_start3A_81 = arith.constant 0 : i32
      %dma_start3A_82 = tpu.memref_slice %arg15[%add3A_80, %dma_start3A_81] : memref<512x50xf32, #tpu.memory_space<vmem>> -> memref<1x50xf32, #tpu.memory_space<vmem>>
      %dma_start3A_83 = arith.constant 0 : i32
      %dma_start3A_84 = tpu.memref_slice %arg6[%squeeze3A_76, %dma_start3A_83] : memref<100000x50xf32, #tpu.memory_space<hbm>> -> memref<1x50xf32, #tpu.memory_space<hbm>>
      %dma_start3A_85 = arith.constant 0 : i32
      %dma_start3A_86 = tpu.memref_slice %arg15[%add3A_80, %dma_start3A_85] : memref<512x50xf32, #tpu.memory_space<vmem>> -> memref<1x50xf32, #tpu.memory_space<vmem>>
      %dma_start3A_87 = arith.constant 0 : i32
      %dma_start3A_88 = tpu.memref_slice %arg6[%squeeze3A_76, %dma_start3A_87] : memref<100000x50xf32, #tpu.memory_space<hbm>> -> memref<1x50xf32, #tpu.memory_space<hbm>>
      tpu.enqueue_dma source(%dma_start3A_88 : memref<1x50xf32, #tpu.memory_space<hbm>>) target(%dma_start3A_86 : memref<1x50xf32, #tpu.memory_space<vmem>>) target_semaphore(%arg16 : memref<!tpu.dma_semaphore, #tpu.memory_space<semaphore_mem>>)
      %slice3A_89 = vector.extract_strided_slice %get3A_49 {offsets = [3], sizes = [1], strides = [1]} : vector<16xi32> to vector<1xi32>
      %squeeze3A_90 = vector.extract %slice3A_89[0] : i32 from vector<1xi32>
      %mul3A_91 = arith.constant 16 : i32
      %mul3A_92 = arith.muli %scan3A_45, %mul3A_91 : i32
      %add3A_93 = arith.constant 3 : i32
      %add3A_94 = arith.addi %mul3A_92, %add3A_93 : i32
      %dma_start3A_95 = arith.constant 0 : i32
      %dma_start3A_96 = tpu.memref_slice %arg15[%add3A_94, %dma_start3A_95] : memref<512x50xf32, #tpu.memory_space<vmem>> -> memref<1x50xf32, #tpu.memory_space<vmem>>
      %dma_start3A_97 = arith.constant 0 : i32
      %dma_start3A_98 = tpu.memref_slice %arg6[%squeeze3A_90, %dma_start3A_97] : memref<100000x50xf32, #tpu.memory_space<hbm>> -> memref<1x50xf32, #tpu.memory_space<hbm>>
      %dma_start3A_99 = arith.constant 0 : i32
      %dma_start3A_100 = tpu.memref_slice %arg15[%add3A_94, %dma_start3A_99] : memref<512x50xf32, #tpu.memory_space<vmem>> -> memref<1x50xf32, #tpu.memory_space<vmem>>
      %dma_start3A_101 = arith.constant 0 : i32
      %dma_start3A_102 = tpu.memref_slice %arg6[%squeeze3A_90, %dma_start3A_101] : memref<100000x50xf32, #tpu.memory_space<hbm>> -> memref<1x50xf32, #tpu.memory_space<hbm>>
      tpu.enqueue_dma source(%dma_start3A_102 : memref<1x50xf32, #tpu.memory_space<hbm>>) target(%dma_start3A_100 : memref<1x50xf32, #tpu.memory_space<vmem>>) target_semaphore(%arg16 : memref<!tpu.dma_semaphore, #tpu.memory_space<semaphore_mem>>)
      %slice3A_103 = vector.extract_strided_slice %get3A_49 {offsets = [4], sizes = [1], strides = [1]} : vector<16xi32> to vector<1xi32>
      %squeeze3A_104 = vector.extract %slice3A_103[0] : i32 from vector<1xi32>
      %mul3A_105 = arith.constant 16 : i32
      %mul3A_106 = arith.muli %scan3A_45, %mul3A_105 : i32
      %add3A_107 = arith.constant 4 : i32
      %add3A_108 = arith.addi %mul3A_106, %add3A_107 : i32
      %dma_start3A_109 = arith.constant 0 : i32
      %dma_start3A_110 = tpu.memref_slice %arg15[%add3A_108, %dma_start3A_109] : memref<512x50xf32, #tpu.memory_space<vmem>> -> memref<1x50xf32, #tpu.memory_space<vmem>>
      %dma_start3A_111 = arith.constant 0 : i32
      %dma_start3A_112 = tpu.memref_slice %arg6[%squeeze3A_104, %dma_start3A_111] : memref<100000x50xf32, #tpu.memory_space<hbm>> -> memref<1x50xf32, #tpu.memory_space<hbm>>
      %dma_start3A_113 = arith.constant 0 : i32
      %dma_start3A_114 = tpu.memref_slice %arg15[%add3A_108, %dma_start3A_113] : memref<512x50xf32, #tpu.memory_space<vmem>> -> memref<1x50xf32, #tpu.memory_space<vmem>>
      %dma_start3A_115 = arith.constant 0 : i32
      %dma_start3A_116 = tpu.memref_slice %arg6[%squeeze3A_104, %dma_start3A_115] : memref<100000x50xf32, #tpu.memory_space<hbm>> -> memref<1x50xf32, #tpu.memory_space<hbm>>
      tpu.enqueue_dma source(%dma_start3A_116 : memref<1x50xf32, #tpu.memory_space<hbm>>) target(%dma_start3A_114 : memref<1x50xf32, #tpu.memory_space<vmem>>) target_semaphore(%arg16 : memref<!tpu.dma_semaphore, #tpu.memory_space<semaphore_mem>>)
      %slice3A_117 = vector.extract_strided_slice %get3A_49 {offsets = [5], sizes = [1], strides = [1]} : vector<16xi32> to vector<1xi32>
      %squeeze3A_118 = vector.extract %slice3A_117[0] : i32 from vector<1xi32>
      %mul3A_119 = arith.constant 16 : i32
      %mul3A_120 = arith.muli %scan3A_45, %mul3A_119 : i32
      %add3A_121 = arith.constant 5 : i32
      %add3A_122 = arith.addi %mul3A_120, %add3A_121 : i32
      %dma_start3A_123 = arith.constant 0 : i32
      %dma_start3A_124 = tpu.memref_slice %arg15[%add3A_122, %dma_start3A_123] : memref<512x50xf32, #tpu.memory_space<vmem>> -> memref<1x50xf32, #tpu.memory_space<vmem>>
      %dma_start3A_125 = arith.constant 0 : i32
      %dma_start3A_126 = tpu.memref_slice %arg6[%squeeze3A_118, %dma_start3A_125] : memref<100000x50xf32, #tpu.memory_space<hbm>> -> memref<1x50xf32, #tpu.memory_space<hbm>>
      %dma_start3A_127 = arith.constant 0 : i32
      %dma_start3A_128 = tpu.memref_slice %arg15[%add3A_122, %dma_start3A_127] : memref<512x50xf32, #tpu.memory_space<vmem>> -> memref<1x50xf32, #tpu.memory_space<vmem>>
      %dma_start3A_129 = arith.constant 0 : i32
      %dma_start3A_130 = tpu.memref_slice %arg6[%squeeze3A_118, %dma_start3A_129] : memref<100000x50xf32, #tpu.memory_space<hbm>> -> memref<1x50xf32, #tpu.memory_space<hbm>>
      tpu.enqueue_dma source(%dma_start3A_130 : memref<1x50xf32, #tpu.memory_space<hbm>>) target(%dma_start3A_128 : memref<1x50xf32, #tpu.memory_space<vmem>>) target_semaphore(%arg16 : memref<!tpu.dma_semaphore, #tpu.memory_space<semaphore_mem>>)
      %slice3A_131 = vector.extract_strided_slice %get3A_49 {offsets = [6], sizes = [1], strides = [1]} : vector<16xi32> to vector<1xi32>
      %squeeze3A_132 = vector.extract %slice3A_131[0] : i32 from vector<1xi32>
      %mul3A_133 = arith.constant 16 : i32
      %mul3A_134 = arith.muli %scan3A_45, %mul3A_133 : i32
      %add3A_135 = arith.constant 6 : i32
      %add3A_136 = arith.addi %mul3A_134, %add3A_135 : i32
      %dma_start3A_137 = arith.constant 0 : i32
      %dma_start3A_138 = tpu.memref_slice %arg15[%add3A_136, %dma_start3A_137] : memref<512x50xf32, #tpu.memory_space<vmem>> -> memref<1x50xf32, #tpu.memory_space<vmem>>
      %dma_start3A_139 = arith.constant 0 : i32
      %dma_start3A_140 = tpu.memref_slice %arg6[%squeeze3A_132, %dma_start3A_139] : memref<100000x50xf32, #tpu.memory_space<hbm>> -> memref<1x50xf32, #tpu.memory_space<hbm>>
      %dma_start3A_141 = arith.constant 0 : i32
      %dma_start3A_142 = tpu.memref_slice %arg15[%add3A_136, %dma_start3A_141] : memref<512x50xf32, #tpu.memory_space<vmem>> -> memref<1x50xf32, #tpu.memory_space<vmem>>
      %dma_start3A_143 = arith.constant 0 : i32
      %dma_start3A_144 = tpu.memref_slice %arg6[%squeeze3A_132, %dma_start3A_143] : memref<100000x50xf32, #tpu.memory_space<hbm>> -> memref<1x50xf32, #tpu.memory_space<hbm>>
      tpu.enqueue_dma source(%dma_start3A_144 : memref<1x50xf32, #tpu.memory_space<hbm>>) target(%dma_start3A_142 : memref<1x50xf32, #tpu.memory_space<vmem>>) target_semaphore(%arg16 : memref<!tpu.dma_semaphore, #tpu.memory_space<semaphore_mem>>)
      %slice3A_145 = vector.extract_strided_slice %get3A_49 {offsets = [7], sizes = [1], strides = [1]} : vector<16xi32> to vector<1xi32>
      %squeeze3A_146 = vector.extract %slice3A_145[0] : i32 from vector<1xi32>
      %mul3A_147 = arith.constant 16 : i32
      %mul3A_148 = arith.muli %scan3A_45, %mul3A_147 : i32
      %add3A_149 = arith.constant 7 : i32
      %add3A_150 = arith.addi %mul3A_148, %add3A_149 : i32
      %dma_start3A_151 = arith.constant 0 : i32
      %dma_start3A_152 = tpu.memref_slice %arg15[%add3A_150, %dma_start3A_151] : memref<512x50xf32, #tpu.memory_space<vmem>> -> memref<1x50xf32, #tpu.memory_space<vmem>>
      %dma_start3A_153 = arith.constant 0 : i32
      %dma_start3A_154 = tpu.memref_slice %arg6[%squeeze3A_146, %dma_start3A_153] : memref<100000x50xf32, #tpu.memory_space<hbm>> -> memref<1x50xf32, #tpu.memory_space<hbm>>
      %dma_start3A_155 = arith.constant 0 : i32
      %dma_start3A_156 = tpu.memref_slice %arg15[%add3A_150, %dma_start3A_155] : memref<512x50xf32, #tpu.memory_space<vmem>> -> memref<1x50xf32, #tpu.memory_space<vmem>>
      %dma_start3A_157 = arith.constant 0 : i32
      %dma_start3A_158 = tpu.memref_slice %arg6[%squeeze3A_146, %dma_start3A_157] : memref<100000x50xf32, #tpu.memory_space<hbm>> -> memref<1x50xf32, #tpu.memory_space<hbm>>
      tpu.enqueue_dma source(%dma_start3A_158 : memref<1x50xf32, #tpu.memory_space<hbm>>) target(%dma_start3A_156 : memref<1x50xf32, #tpu.memory_space<vmem>>) target_semaphore(%arg16 : memref<!tpu.dma_semaphore, #tpu.memory_space<semaphore_mem>>)
      %slice3A_159 = vector.extract_strided_slice %get3A_49 {offsets = [8], sizes = [1], strides = [1]} : vector<16xi32> to vector<1xi32>
      %squeeze3A_160 = vector.extract %slice3A_159[0] : i32 from vector<1xi32>
      %mul3A_161 = arith.constant 16 : i32
      %mul3A_162 = arith.muli %scan3A_45, %mul3A_161 : i32
      %add3A_163 = arith.constant 8 : i32
      %add3A_164 = arith.addi %mul3A_162, %add3A_163 : i32
      %dma_start3A_165 = arith.constant 0 : i32
      %dma_start3A_166 = tpu.memref_slice %arg15[%add3A_164, %dma_start3A_165] : memref<512x50xf32, #tpu.memory_space<vmem>> -> memref<1x50xf32, #tpu.memory_space<vmem>>
      %dma_start3A_167 = arith.constant 0 : i32
      %dma_start3A_168 = tpu.memref_slice %arg6[%squeeze3A_160, %dma_start3A_167] : memref<100000x50xf32, #tpu.memory_space<hbm>> -> memref<1x50xf32, #tpu.memory_space<hbm>>
      %dma_start3A_169 = arith.constant 0 : i32
      %dma_start3A_170 = tpu.memref_slice %arg15[%add3A_164, %dma_start3A_169] : memref<512x50xf32, #tpu.memory_space<vmem>> -> memref<1x50xf32, #tpu.memory_space<vmem>>
      %dma_start3A_171 = arith.constant 0 : i32
      %dma_start3A_172 = tpu.memref_slice %arg6[%squeeze3A_160, %dma_start3A_171] : memref<100000x50xf32, #tpu.memory_space<hbm>> -> memref<1x50xf32, #tpu.memory_space<hbm>>
      tpu.enqueue_dma source(%dma_start3A_172 : memref<1x50xf32, #tpu.memory_space<hbm>>) target(%dma_start3A_170 : memref<1x50xf32, #tpu.memory_space<vmem>>) target_semaphore(%arg16 : memref<!tpu.dma_semaphore, #tpu.memory_space<semaphore_mem>>)
      %slice3A_173 = vector.extract_strided_slice %get3A_49 {offsets = [9], sizes = [1], strides = [1]} : vector<16xi32> to vector<1xi32>
      %squeeze3A_174 = vector.extract %slice3A_173[0] : i32 from vector<1xi32>
      %mul3A_175 = arith.constant 16 : i32
      %mul3A_176 = arith.muli %scan3A_45, %mul3A_175 : i32
      %add3A_177 = arith.constant 9 : i32
      %add3A_178 = arith.addi %mul3A_176, %add3A_177 : i32
      %dma_start3A_179 = arith.constant 0 : i32
      %dma_start3A_180 = tpu.memref_slice %arg15[%add3A_178, %dma_start3A_179] : memref<512x50xf32, #tpu.memory_space<vmem>> -> memref<1x50xf32, #tpu.memory_space<vmem>>
      %dma_start3A_181 = arith.constant 0 : i32
      %dma_start3A_182 = tpu.memref_slice %arg6[%squeeze3A_174, %dma_start3A_181] : memref<100000x50xf32, #tpu.memory_space<hbm>> -> memref<1x50xf32, #tpu.memory_space<hbm>>
      %dma_start3A_183 = arith.constant 0 : i32
      %dma_start3A_184 = tpu.memref_slice %arg15[%add3A_178, %dma_start3A_183] : memref<512x50xf32, #tpu.memory_space<vmem>> -> memref<1x50xf32, #tpu.memory_space<vmem>>
      %dma_start3A_185 = arith.constant 0 : i32
      %dma_start3A_186 = tpu.memref_slice %arg6[%squeeze3A_174, %dma_start3A_185] : memref<100000x50xf32, #tpu.memory_space<hbm>> -> memref<1x50xf32, #tpu.memory_space<hbm>>
      tpu.enqueue_dma source(%dma_start3A_186 : memref<1x50xf32, #tpu.memory_space<hbm>>) target(%dma_start3A_184 : memref<1x50xf32, #tpu.memory_space<vmem>>) target_semaphore(%arg16 : memref<!tpu.dma_semaphore, #tpu.memory_space<semaphore_mem>>)
      %slice3A_187 = vector.extract_strided_slice %get3A_49 {offsets = [10], sizes = [1], strides = [1]} : vector<16xi32> to vector<1xi32>
      %squeeze3A_188 = vector.extract %slice3A_187[0] : i32 from vector<1xi32>
      %mul3A_189 = arith.constant 16 : i32
      %mul3A_190 = arith.muli %scan3A_45, %mul3A_189 : i32
      %add3A_191 = arith.constant 10 : i32
      %add3A_192 = arith.addi %mul3A_190, %add3A_191 : i32
      %dma_start3A_193 = arith.constant 0 : i32
      %dma_start3A_194 = tpu.memref_slice %arg15[%add3A_192, %dma_start3A_193] : memref<512x50xf32, #tpu.memory_space<vmem>> -> memref<1x50xf32, #tpu.memory_space<vmem>>
      %dma_start3A_195 = arith.constant 0 : i32
      %dma_start3A_196 = tpu.memref_slice %arg6[%squeeze3A_188, %dma_start3A_195] : memref<100000x50xf32, #tpu.memory_space<hbm>> -> memref<1x50xf32, #tpu.memory_space<hbm>>
      %dma_start3A_197 = arith.constant 0 : i32
      %dma_start3A_198 = tpu.memref_slice %arg15[%add3A_192, %dma_start3A_197] : memref<512x50xf32, #tpu.memory_space<vmem>> -> memref<1x50xf32, #tpu.memory_space<vmem>>
      %dma_start3A_199 = arith.constant 0 : i32
      %dma_start3A_200 = tpu.memref_slice %arg6[%squeeze3A_188, %dma_start3A_199] : memref<100000x50xf32, #tpu.memory_space<hbm>> -> memref<1x50xf32, #tpu.memory_space<hbm>>
      tpu.enqueue_dma source(%dma_start3A_200 : memref<1x50xf32, #tpu.memory_space<hbm>>) target(%dma_start3A_198 : memref<1x50xf32, #tpu.memory_space<vmem>>) target_semaphore(%arg16 : memref<!tpu.dma_semaphore, #tpu.memory_space<semaphore_mem>>)
      %slice3A_201 = vector.extract_strided_slice %get3A_49 {offsets = [11], sizes = [1], strides = [1]} : vector<16xi32> to vector<1xi32>
      %squeeze3A_202 = vector.extract %slice3A_201[0] : i32 from vector<1xi32>
      %mul3A_203 = arith.constant 16 : i32
      %mul3A_204 = arith.muli %scan3A_45, %mul3A_203 : i32
      %add3A_205 = arith.constant 11 : i32
      %add3A_206 = arith.addi %mul3A_204, %add3A_205 : i32
      %dma_start3A_207 = arith.constant 0 : i32
      %dma_start3A_208 = tpu.memref_slice %arg15[%add3A_206, %dma_start3A_207] : memref<512x50xf32, #tpu.memory_space<vmem>> -> memref<1x50xf32, #tpu.memory_space<vmem>>
      %dma_start3A_209 = arith.constant 0 : i32
      %dma_start3A_210 = tpu.memref_slice %arg6[%squeeze3A_202, %dma_start3A_209] : memref<100000x50xf32, #tpu.memory_space<hbm>> -> memref<1x50xf32, #tpu.memory_space<hbm>>
      %dma_start3A_211 = arith.constant 0 : i32
      %dma_start3A_212 = tpu.memref_slice %arg15[%add3A_206, %dma_start3A_211] : memref<512x50xf32, #tpu.memory_space<vmem>> -> memref<1x50xf32, #tpu.memory_space<vmem>>
      %dma_start3A_213 = arith.constant 0 : i32
      %dma_start3A_214 = tpu.memref_slice %arg6[%squeeze3A_202, %dma_start3A_213] : memref<100000x50xf32, #tpu.memory_space<hbm>> -> memref<1x50xf32, #tpu.memory_space<hbm>>
      tpu.enqueue_dma source(%dma_start3A_214 : memref<1x50xf32, #tpu.memory_space<hbm>>) target(%dma_start3A_212 : memref<1x50xf32, #tpu.memory_space<vmem>>) target_semaphore(%arg16 : memref<!tpu.dma_semaphore, #tpu.memory_space<semaphore_mem>>)
      %slice3A_215 = vector.extract_strided_slice %get3A_49 {offsets = [12], sizes = [1], strides = [1]} : vector<16xi32> to vector<1xi32>
      %squeeze3A_216 = vector.extract %slice3A_215[0] : i32 from vector<1xi32>
      %mul3A_217 = arith.constant 16 : i32
      %mul3A_218 = arith.muli %scan3A_45, %mul3A_217 : i32
      %add3A_219 = arith.constant 12 : i32
      %add3A_220 = arith.addi %mul3A_218, %add3A_219 : i32
      %dma_start3A_221 = arith.constant 0 : i32
      %dma_start3A_222 = tpu.memref_slice %arg15[%add3A_220, %dma_start3A_221] : memref<512x50xf32, #tpu.memory_space<vmem>> -> memref<1x50xf32, #tpu.memory_space<vmem>>
      %dma_start3A_223 = arith.constant 0 : i32
      %dma_start3A_224 = tpu.memref_slice %arg6[%squeeze3A_216, %dma_start3A_223] : memref<100000x50xf32, #tpu.memory_space<hbm>> -> memref<1x50xf32, #tpu.memory_space<hbm>>
      %dma_start3A_225 = arith.constant 0 : i32
      %dma_start3A_226 = tpu.memref_slice %arg15[%add3A_220, %dma_start3A_225] : memref<512x50xf32, #tpu.memory_space<vmem>> -> memref<1x50xf32, #tpu.memory_space<vmem>>
      %dma_start3A_227 = arith.constant 0 : i32
      %dma_start3A_228 = tpu.memref_slice %arg6[%squeeze3A_216, %dma_start3A_227] : memref<100000x50xf32, #tpu.memory_space<hbm>> -> memref<1x50xf32, #tpu.memory_space<hbm>>
      tpu.enqueue_dma source(%dma_start3A_228 : memref<1x50xf32, #tpu.memory_space<hbm>>) target(%dma_start3A_226 : memref<1x50xf32, #tpu.memory_space<vmem>>) target_semaphore(%arg16 : memref<!tpu.dma_semaphore, #tpu.memory_space<semaphore_mem>>)
      %slice3A_229 = vector.extract_strided_slice %get3A_49 {offsets = [13], sizes = [1], strides = [1]} : vector<16xi32> to vector<1xi32>
      %squeeze3A_230 = vector.extract %slice3A_229[0] : i32 from vector<1xi32>
      %mul3A_231 = arith.constant 16 : i32
      %mul3A_232 = arith.muli %scan3A_45, %mul3A_231 : i32
      %add3A_233 = arith.constant 13 : i32
      %add3A_234 = arith.addi %mul3A_232, %add3A_233 : i32
      %dma_start3A_235 = arith.constant 0 : i32
      %dma_start3A_236 = tpu.memref_slice %arg15[%add3A_234, %dma_start3A_235] : memref<512x50xf32, #tpu.memory_space<vmem>> -> memref<1x50xf32, #tpu.memory_space<vmem>>
      %dma_start3A_237 = arith.constant 0 : i32
      %dma_start3A_238 = tpu.memref_slice %arg6[%squeeze3A_230, %dma_start3A_237] : memref<100000x50xf32, #tpu.memory_space<hbm>> -> memref<1x50xf32, #tpu.memory_space<hbm>>
      %dma_start3A_239 = arith.constant 0 : i32
      %dma_start3A_240 = tpu.memref_slice %arg15[%add3A_234, %dma_start3A_239] : memref<512x50xf32, #tpu.memory_space<vmem>> -> memref<1x50xf32, #tpu.memory_space<vmem>>
      %dma_start3A_241 = arith.constant 0 : i32
      %dma_start3A_242 = tpu.memref_slice %arg6[%squeeze3A_230, %dma_start3A_241] : memref<100000x50xf32, #tpu.memory_space<hbm>> -> memref<1x50xf32, #tpu.memory_space<hbm>>
      tpu.enqueue_dma source(%dma_start3A_242 : memref<1x50xf32, #tpu.memory_space<hbm>>) target(%dma_start3A_240 : memref<1x50xf32, #tpu.memory_space<vmem>>) target_semaphore(%arg16 : memref<!tpu.dma_semaphore, #tpu.memory_space<semaphore_mem>>)
      %slice3A_243 = vector.extract_strided_slice %get3A_49 {offsets = [14], sizes = [1], strides = [1]} : vector<16xi32> to vector<1xi32>
      %squeeze3A_244 = vector.extract %slice3A_243[0] : i32 from vector<1xi32>
      %mul3A_245 = arith.constant 16 : i32
      %mul3A_246 = arith.muli %scan3A_45, %mul3A_245 : i32
      %add3A_247 = arith.constant 14 : i32
      %add3A_248 = arith.addi %mul3A_246, %add3A_247 : i32
      %dma_start3A_249 = arith.constant 0 : i32
      %dma_start3A_250 = tpu.memref_slice %arg15[%add3A_248, %dma_start3A_249] : memref<512x50xf32, #tpu.memory_space<vmem>> -> memref<1x50xf32, #tpu.memory_space<vmem>>
      %dma_start3A_251 = arith.constant 0 : i32
      %dma_start3A_252 = tpu.memref_slice %arg6[%squeeze3A_244, %dma_start3A_251] : memref<100000x50xf32, #tpu.memory_space<hbm>> -> memref<1x50xf32, #tpu.memory_space<hbm>>
      %dma_start3A_253 = arith.constant 0 : i32
      %dma_start3A_254 = tpu.memref_slice %arg15[%add3A_248, %dma_start3A_253] : memref<512x50xf32, #tpu.memory_space<vmem>> -> memref<1x50xf32, #tpu.memory_space<vmem>>
      %dma_start3A_255 = arith.constant 0 : i32
      %dma_start3A_256 = tpu.memref_slice %arg6[%squeeze3A_244, %dma_start3A_255] : memref<100000x50xf32, #tpu.memory_space<hbm>> -> memref<1x50xf32, #tpu.memory_space<hbm>>
      tpu.enqueue_dma source(%dma_start3A_256 : memref<1x50xf32, #tpu.memory_space<hbm>>) target(%dma_start3A_254 : memref<1x50xf32, #tpu.memory_space<vmem>>) target_semaphore(%arg16 : memref<!tpu.dma_semaphore, #tpu.memory_space<semaphore_mem>>)
      %slice3A_257 = vector.extract_strided_slice %get3A_49 {offsets = [15], sizes = [1], strides = [1]} : vector<16xi32> to vector<1xi32>
      %squeeze3A_258 = vector.extract %slice3A_257[0] : i32 from vector<1xi32>
      %mul3A_259 = arith.constant 16 : i32
      %mul3A_260 = arith.muli %scan3A_45, %mul3A_259 : i32
      %add3A_261 = arith.constant 15 : i32
      %add3A_262 = arith.addi %mul3A_260, %add3A_261 : i32
      %dma_start3A_263 = arith.constant 0 : i32
      %dma_start3A_264 = tpu.memref_slice %arg15[%add3A_262, %dma_start3A_263] : memref<512x50xf32, #tpu.memory_space<vmem>> -> memref<1x50xf32, #tpu.memory_space<vmem>>
      %dma_start3A_265 = arith.constant 0 : i32
      %dma_start3A_266 = tpu.memref_slice %arg6[%squeeze3A_258, %dma_start3A_265] : memref<100000x50xf32, #tpu.memory_space<hbm>> -> memref<1x50xf32, #tpu.memory_space<hbm>>
      %dma_start3A_267 = arith.constant 0 : i32
      %dma_start3A_268 = tpu.memref_slice %arg15[%add3A_262, %dma_start3A_267] : memref<512x50xf32, #tpu.memory_space<vmem>> -> memref<1x50xf32, #tpu.memory_space<vmem>>
      %dma_start3A_269 = arith.constant 0 : i32
      %dma_start3A_270 = tpu.memref_slice %arg6[%squeeze3A_258, %dma_start3A_269] : memref<100000x50xf32, #tpu.memory_space<hbm>> -> memref<1x50xf32, #tpu.memory_space<hbm>>
      tpu.enqueue_dma source(%dma_start3A_270 : memref<1x50xf32, #tpu.memory_space<hbm>>) target(%dma_start3A_268 : memref<1x50xf32, #tpu.memory_space<vmem>>) target_semaphore(%arg16 : memref<!tpu.dma_semaphore, #tpu.memory_space<semaphore_mem>>)
      %scan3A_271 = arith.constant 0 : i32
      scf.yield %scan3A_271 : i32
    }
    %scan3A_8 = arith.constant 32 : i32
    %dma_wait3A = arith.constant 0 : i32
    %dma_wait3A_9 = tpu.memref_slice %arg10[%mul3A_2, %dma_wait3A] : memref<16384x50xf32, #tpu.memory_space<hbm>> -> memref<512x50xf32, #tpu.memory_space<hbm>>
    %dma_wait3A_10 = arith.constant 0 : i32
    %dma_wait3A_11 = tpu.memref_slice %arg10[%mul3A_2, %dma_wait3A_10] : memref<16384x50xf32, #tpu.memory_space<hbm>> -> memref<512x50xf32, #tpu.memory_space<hbm>>
    tpu.wait_dma2 semaphore(%arg16 : memref<!tpu.dma_semaphore, #tpu.memory_space<semaphore_mem>>) src(%dma_wait3A_11 : memref<512x50xf32, #tpu.memory_space<hbm>>) dst(%arg15 : memref<512x50xf32, #tpu.memory_space<vmem>>)
    "tpu.region"() ({
      %run_scoped3A = tpu.sem_alloc : memref<!tpu.dma_semaphore, #tpu.memory_space<semaphore_mem>>
      %dma_start3A = arith.constant 0 : i32
      %dma_start3A_45 = tpu.memref_slice %arg10[%mul3A_2, %dma_start3A] : memref<16384x50xf32, #tpu.memory_space<hbm>> -> memref<512x50xf32, #tpu.memory_space<hbm>>
      %dma_start3A_46 = arith.constant 0 : i32
      %dma_start3A_47 = tpu.memref_slice %arg10[%mul3A_2, %dma_start3A_46] : memref<16384x50xf32, #tpu.memory_space<hbm>> -> memref<512x50xf32, #tpu.memory_space<hbm>>
      tpu.enqueue_dma source(%arg15 : memref<512x50xf32, #tpu.memory_space<vmem>>) target(%dma_start3A_47 : memref<512x50xf32, #tpu.memory_space<hbm>>) target_semaphore(%run_scoped3A : memref<!tpu.dma_semaphore, #tpu.memory_space<semaphore_mem>>)
      %dma_wait3A_48 = arith.constant 0 : i32
      %dma_wait3A_49 = tpu.memref_slice %arg10[%mul3A_2, %dma_wait3A_48] : memref<16384x50xf32, #tpu.memory_space<hbm>> -> memref<512x50xf32, #tpu.memory_space<hbm>>
      %dma_wait3A_50 = arith.constant 0 : i32
      %dma_wait3A_51 = tpu.memref_slice %arg10[%mul3A_2, %dma_wait3A_50] : memref<16384x50xf32, #tpu.memory_space<hbm>> -> memref<512x50xf32, #tpu.memory_space<hbm>>
      tpu.wait_dma2 semaphore(%run_scoped3A : memref<!tpu.dma_semaphore, #tpu.memory_space<semaphore_mem>>) src(%arg15 : memref<512x50xf32, #tpu.memory_space<vmem>>) dst(%dma_wait3A_51 : memref<512x50xf32, #tpu.memory_space<hbm>>)
      tpu.yield
    }) : () -> ()
    "tpu.region"() ({
      %run_scoped3A = tpu.sem_alloc : memref<!tpu.dma_semaphore, #tpu.memory_space<semaphore_mem>>
      %dma_start3A = tpu.memref_slice %arg3[%mul3A_2] : memref<16384xi32, #tpu.memory_space<hbm>> -> memref<512xi32, #tpu.memory_space<hbm>>
      %dma_start3A_45 = tpu.memref_slice %arg3[%mul3A_2] : memref<16384xi32, #tpu.memory_space<hbm>> -> memref<512xi32, #tpu.memory_space<hbm>>
      tpu.enqueue_dma source(%dma_start3A_45 : memref<512xi32, #tpu.memory_space<hbm>>) target(%arg14 : memref<512xi32, #tpu.memory_space<vmem>>) target_semaphore(%run_scoped3A : memref<!tpu.dma_semaphore, #tpu.memory_space<semaphore_mem>>)
      %dma_wait3A_46 = tpu.memref_slice %arg3[%mul3A_2] : memref<16384xi32, #tpu.memory_space<hbm>> -> memref<512xi32, #tpu.memory_space<hbm>>
      %dma_wait3A_47 = tpu.memref_slice %arg3[%mul3A_2] : memref<16384xi32, #tpu.memory_space<hbm>> -> memref<512xi32, #tpu.memory_space<hbm>>
      tpu.wait_dma2 semaphore(%run_scoped3A : memref<!tpu.dma_semaphore, #tpu.memory_space<semaphore_mem>>) src(%dma_wait3A_47 : memref<512xi32, #tpu.memory_space<hbm>>) dst(%arg14 : memref<512xi32, #tpu.memory_space<vmem>>)
      tpu.yield
    }) : () -> ()
    %scan3A_12 = arith.constant 0 : i32
    %scan3A_13 = arith.constant 0 : i32
    %scan3A_14 = arith.constant 32 : i32
    %scan3A_15 = arith.addi %scan3A_13, %scan3A_14 : i32
    %scan3A_16 = arith.constant 1 : i32
    %scan3A_17 = scf.for %scan3A_45 = %scan3A_13 to %scan3A_15 step %scan3A_16 iter_args(%scan3A_46 = %scan3A_12) -> (i32)  : i32 {
      %mul3A_47 = arith.constant 16 : i32
      %mul3A_48 = arith.muli %scan3A_45, %mul3A_47 : i32
      %get3A = arith.index_cast %mul3A_48 : i32 to index
      %get3A_49 = tpu.vector_load %arg14[%get3A] {strides = array<i32>} : memref<512xi32, #tpu.memory_space<vmem>>, vector<16xi32>,
      %slice3A = vector.extract_strided_slice %get3A_49 {offsets = [0], sizes = [1], strides = [1]} : vector<16xi32> to vector<1xi32>
      %squeeze3A = vector.extract %slice3A[0] : i32 from vector<1xi32>
      %mul3A_50 = arith.constant 16 : i32
      %mul3A_51 = arith.muli %scan3A_45, %mul3A_50 : i32
      %add3A_52 = arith.constant 0 : i32
      %add3A_53 = arith.addi %mul3A_51, %add3A_52 : i32
      %dma_start3A = arith.constant 0 : i32
      %dma_start3A_54 = tpu.memref_slice %arg15[%add3A_53, %dma_start3A] : memref<512x50xf32, #tpu.memory_space<vmem>> -> memref<1x50xf32, #tpu.memory_space<vmem>>
      %dma_start3A_55 = arith.constant 0 : i32
      %dma_start3A_56 = tpu.memref_slice %arg7[%squeeze3A, %dma_start3A_55] : memref<1000x50xf32, #tpu.memory_space<hbm>> -> memref<1x50xf32, #tpu.memory_space<hbm>>
      %dma_start3A_57 = arith.constant 0 : i32
      %dma_start3A_58 = tpu.memref_slice %arg15[%add3A_53, %dma_start3A_57] : memref<512x50xf32, #tpu.memory_space<vmem>> -> memref<1x50xf32, #tpu.memory_space<vmem>>
      %dma_start3A_59 = arith.constant 0 : i32
      %dma_start3A_60 = tpu.memref_slice %arg7[%squeeze3A, %dma_start3A_59] : memref<1000x50xf32, #tpu.memory_space<hbm>> -> memref<1x50xf32, #tpu.memory_space<hbm>>
      tpu.enqueue_dma source(%dma_start3A_60 : memref<1x50xf32, #tpu.memory_space<hbm>>) target(%dma_start3A_58 : memref<1x50xf32, #tpu.memory_space<vmem>>) target_semaphore(%arg16 : memref<!tpu.dma_semaphore, #tpu.memory_space<semaphore_mem>>)
      %slice3A_61 = vector.extract_strided_slice %get3A_49 {offsets = [1], sizes = [1], strides = [1]} : vector<16xi32> to vector<1xi32>
      %squeeze3A_62 = vector.extract %slice3A_61[0] : i32 from vector<1xi32>
      %mul3A_63 = arith.constant 16 : i32
      %mul3A_64 = arith.muli %scan3A_45, %mul3A_63 : i32
      %add3A_65 = arith.constant 1 : i32
      %add3A_66 = arith.addi %mul3A_64, %add3A_65 : i32
      %dma_start3A_67 = arith.constant 0 : i32
      %dma_start3A_68 = tpu.memref_slice %arg15[%add3A_66, %dma_start3A_67] : memref<512x50xf32, #tpu.memory_space<vmem>> -> memref<1x50xf32, #tpu.memory_space<vmem>>
      %dma_start3A_69 = arith.constant 0 : i32
      %dma_start3A_70 = tpu.memref_slice %arg7[%squeeze3A_62, %dma_start3A_69] : memref<1000x50xf32, #tpu.memory_space<hbm>> -> memref<1x50xf32, #tpu.memory_space<hbm>>
      %dma_start3A_71 = arith.constant 0 : i32
      %dma_start3A_72 = tpu.memref_slice %arg15[%add3A_66, %dma_start3A_71] : memref<512x50xf32, #tpu.memory_space<vmem>> -> memref<1x50xf32, #tpu.memory_space<vmem>>
      %dma_start3A_73 = arith.constant 0 : i32
      %dma_start3A_74 = tpu.memref_slice %arg7[%squeeze3A_62, %dma_start3A_73] : memref<1000x50xf32, #tpu.memory_space<hbm>> -> memref<1x50xf32, #tpu.memory_space<hbm>>
      tpu.enqueue_dma source(%dma_start3A_74 : memref<1x50xf32, #tpu.memory_space<hbm>>) target(%dma_start3A_72 : memref<1x50xf32, #tpu.memory_space<vmem>>) target_semaphore(%arg16 : memref<!tpu.dma_semaphore, #tpu.memory_space<semaphore_mem>>)
      %slice3A_75 = vector.extract_strided_slice %get3A_49 {offsets = [2], sizes = [1], strides = [1]} : vector<16xi32> to vector<1xi32>
      %squeeze3A_76 = vector.extract %slice3A_75[0] : i32 from vector<1xi32>
      %mul3A_77 = arith.constant 16 : i32
      %mul3A_78 = arith.muli %scan3A_45, %mul3A_77 : i32
      %add3A_79 = arith.constant 2 : i32
      %add3A_80 = arith.addi %mul3A_78, %add3A_79 : i32
      %dma_start3A_81 = arith.constant 0 : i32
      %dma_start3A_82 = tpu.memref_slice %arg15[%add3A_80, %dma_start3A_81] : memref<512x50xf32, #tpu.memory_space<vmem>> -> memref<1x50xf32, #tpu.memory_space<vmem>>
      %dma_start3A_83 = arith.constant 0 : i32
      %dma_start3A_84 = tpu.memref_slice %arg7[%squeeze3A_76, %dma_start3A_83] : memref<1000x50xf32, #tpu.memory_space<hbm>> -> memref<1x50xf32, #tpu.memory_space<hbm>>
      %dma_start3A_85 = arith.constant 0 : i32
      %dma_start3A_86 = tpu.memref_slice %arg15[%add3A_80, %dma_start3A_85] : memref<512x50xf32, #tpu.memory_space<vmem>> -> memref<1x50xf32, #tpu.memory_space<vmem>>
      %dma_start3A_87 = arith.constant 0 : i32
      %dma_start3A_88 = tpu.memref_slice %arg7[%squeeze3A_76, %dma_start3A_87] : memref<1000x50xf32, #tpu.memory_space<hbm>> -> memref<1x50xf32, #tpu.memory_space<hbm>>
      tpu.enqueue_dma source(%dma_start3A_88 : memref<1x50xf32, #tpu.memory_space<hbm>>) target(%dma_start3A_86 : memref<1x50xf32, #tpu.memory_space<vmem>>) target_semaphore(%arg16 : memref<!tpu.dma_semaphore, #tpu.memory_space<semaphore_mem>>)
      %slice3A_89 = vector.extract_strided_slice %get3A_49 {offsets = [3], sizes = [1], strides = [1]} : vector<16xi32> to vector<1xi32>
      %squeeze3A_90 = vector.extract %slice3A_89[0] : i32 from vector<1xi32>
      %mul3A_91 = arith.constant 16 : i32
      %mul3A_92 = arith.muli %scan3A_45, %mul3A_91 : i32
      %add3A_93 = arith.constant 3 : i32
      %add3A_94 = arith.addi %mul3A_92, %add3A_93 : i32
      %dma_start3A_95 = arith.constant 0 : i32
      %dma_start3A_96 = tpu.memref_slice %arg15[%add3A_94, %dma_start3A_95] : memref<512x50xf32, #tpu.memory_space<vmem>> -> memref<1x50xf32, #tpu.memory_space<vmem>>
      %dma_start3A_97 = arith.constant 0 : i32
      %dma_start3A_98 = tpu.memref_slice %arg7[%squeeze3A_90, %dma_start3A_97] : memref<1000x50xf32, #tpu.memory_space<hbm>> -> memref<1x50xf32, #tpu.memory_space<hbm>>
      %dma_start3A_99 = arith.constant 0 : i32
      %dma_start3A_100 = tpu.memref_slice %arg15[%add3A_94, %dma_start3A_99] : memref<512x50xf32, #tpu.memory_space<vmem>> -> memref<1x50xf32, #tpu.memory_space<vmem>>
      %dma_start3A_101 = arith.constant 0 : i32
      %dma_start3A_102 = tpu.memref_slice %arg7[%squeeze3A_90, %dma_start3A_101] : memref<1000x50xf32, #tpu.memory_space<hbm>> -> memref<1x50xf32, #tpu.memory_space<hbm>>
      tpu.enqueue_dma source(%dma_start3A_102 : memref<1x50xf32, #tpu.memory_space<hbm>>) target(%dma_start3A_100 : memref<1x50xf32, #tpu.memory_space<vmem>>) target_semaphore(%arg16 : memref<!tpu.dma_semaphore, #tpu.memory_space<semaphore_mem>>)
      %slice3A_103 = vector.extract_strided_slice %get3A_49 {offsets = [4], sizes = [1], strides = [1]} : vector<16xi32> to vector<1xi32>
      %squeeze3A_104 = vector.extract %slice3A_103[0] : i32 from vector<1xi32>
      %mul3A_105 = arith.constant 16 : i32
      %mul3A_106 = arith.muli %scan3A_45, %mul3A_105 : i32
      %add3A_107 = arith.constant 4 : i32
      %add3A_108 = arith.addi %mul3A_106, %add3A_107 : i32
      %dma_start3A_109 = arith.constant 0 : i32
      %dma_start3A_110 = tpu.memref_slice %arg15[%add3A_108, %dma_start3A_109] : memref<512x50xf32, #tpu.memory_space<vmem>> -> memref<1x50xf32, #tpu.memory_space<vmem>>
      %dma_start3A_111 = arith.constant 0 : i32
      %dma_start3A_112 = tpu.memref_slice %arg7[%squeeze3A_104, %dma_start3A_111] : memref<1000x50xf32, #tpu.memory_space<hbm>> -> memref<1x50xf32, #tpu.memory_space<hbm>>
      %dma_start3A_113 = arith.constant 0 : i32
      %dma_start3A_114 = tpu.memref_slice %arg15[%add3A_108, %dma_start3A_113] : memref<512x50xf32, #tpu.memory_space<vmem>> -> memref<1x50xf32, #tpu.memory_space<vmem>>
      %dma_start3A_115 = arith.constant 0 : i32
      %dma_start3A_116 = tpu.memref_slice %arg7[%squeeze3A_104, %dma_start3A_115] : memref<1000x50xf32, #tpu.memory_space<hbm>> -> memref<1x50xf32, #tpu.memory_space<hbm>>
      tpu.enqueue_dma source(%dma_start3A_116 : memref<1x50xf32, #tpu.memory_space<hbm>>) target(%dma_start3A_114 : memref<1x50xf32, #tpu.memory_space<vmem>>) target_semaphore(%arg16 : memref<!tpu.dma_semaphore, #tpu.memory_space<semaphore_mem>>)
      %slice3A_117 = vector.extract_strided_slice %get3A_49 {offsets = [5], sizes = [1], strides = [1]} : vector<16xi32> to vector<1xi32>
      %squeeze3A_118 = vector.extract %slice3A_117[0] : i32 from vector<1xi32>
      %mul3A_119 = arith.constant 16 : i32
      %mul3A_120 = arith.muli %scan3A_45, %mul3A_119 : i32
      %add3A_121 = arith.constant 5 : i32
      %add3A_122 = arith.addi %mul3A_120, %add3A_121 : i32
      %dma_start3A_123 = arith.constant 0 : i32
      %dma_start3A_124 = tpu.memref_slice %arg15[%add3A_122, %dma_start3A_123] : memref<512x50xf32, #tpu.memory_space<vmem>> -> memref<1x50xf32, #tpu.memory_space<vmem>>
      %dma_start3A_125 = arith.constant 0 : i32
      %dma_start3A_126 = tpu.memref_slice %arg7[%squeeze3A_118, %dma_start3A_125] : memref<1000x50xf32, #tpu.memory_space<hbm>> -> memref<1x50xf32, #tpu.memory_space<hbm>>
      %dma_start3A_127 = arith.constant 0 : i32
      %dma_start3A_128 = tpu.memref_slice %arg15[%add3A_122, %dma_start3A_127] : memref<512x50xf32, #tpu.memory_space<vmem>> -> memref<1x50xf32, #tpu.memory_space<vmem>>
      %dma_start3A_129 = arith.constant 0 : i32
      %dma_start3A_130 = tpu.memref_slice %arg7[%squeeze3A_118, %dma_start3A_129] : memref<1000x50xf32, #tpu.memory_space<hbm>> -> memref<1x50xf32, #tpu.memory_space<hbm>>
      tpu.enqueue_dma source(%dma_start3A_130 : memref<1x50xf32, #tpu.memory_space<hbm>>) target(%dma_start3A_128 : memref<1x50xf32, #tpu.memory_space<vmem>>) target_semaphore(%arg16 : memref<!tpu.dma_semaphore, #tpu.memory_space<semaphore_mem>>)
      %slice3A_131 = vector.extract_strided_slice %get3A_49 {offsets = [6], sizes = [1], strides = [1]} : vector<16xi32> to vector<1xi32>
      %squeeze3A_132 = vector.extract %slice3A_131[0] : i32 from vector<1xi32>
      %mul3A_133 = arith.constant 16 : i32
      %mul3A_134 = arith.muli %scan3A_45, %mul3A_133 : i32
      %add3A_135 = arith.constant 6 : i32
      %add3A_136 = arith.addi %mul3A_134, %add3A_135 : i32
      %dma_start3A_137 = arith.constant 0 : i32
      %dma_start3A_138 = tpu.memref_slice %arg15[%add3A_136, %dma_start3A_137] : memref<512x50xf32, #tpu.memory_space<vmem>> -> memref<1x50xf32, #tpu.memory_space<vmem>>
      %dma_start3A_139 = arith.constant 0 : i32
      %dma_start3A_140 = tpu.memref_slice %arg7[%squeeze3A_132, %dma_start3A_139] : memref<1000x50xf32, #tpu.memory_space<hbm>> -> memref<1x50xf32, #tpu.memory_space<hbm>>
      %dma_start3A_141 = arith.constant 0 : i32
      %dma_start3A_142 = tpu.memref_slice %arg15[%add3A_136, %dma_start3A_141] : memref<512x50xf32, #tpu.memory_space<vmem>> -> memref<1x50xf32, #tpu.memory_space<vmem>>
      %dma_start3A_143 = arith.constant 0 : i32
      %dma_start3A_144 = tpu.memref_slice %arg7[%squeeze3A_132, %dma_start3A_143] : memref<1000x50xf32, #tpu.memory_space<hbm>> -> memref<1x50xf32, #tpu.memory_space<hbm>>
      tpu.enqueue_dma source(%dma_start3A_144 : memref<1x50xf32, #tpu.memory_space<hbm>>) target(%dma_start3A_142 : memref<1x50xf32, #tpu.memory_space<vmem>>) target_semaphore(%arg16 : memref<!tpu.dma_semaphore, #tpu.memory_space<semaphore_mem>>)
      %slice3A_145 = vector.extract_strided_slice %get3A_49 {offsets = [7], sizes = [1], strides = [1]} : vector<16xi32> to vector<1xi32>
      %squeeze3A_146 = vector.extract %slice3A_145[0] : i32 from vector<1xi32>
      %mul3A_147 = arith.constant 16 : i32
      %mul3A_148 = arith.muli %scan3A_45, %mul3A_147 : i32
      %add3A_149 = arith.constant 7 : i32
      %add3A_150 = arith.addi %mul3A_148, %add3A_149 : i32
      %dma_start3A_151 = arith.constant 0 : i32
      %dma_start3A_152 = tpu.memref_slice %arg15[%add3A_150, %dma_start3A_151] : memref<512x50xf32, #tpu.memory_space<vmem>> -> memref<1x50xf32, #tpu.memory_space<vmem>>
      %dma_start3A_153 = arith.constant 0 : i32
      %dma_start3A_154 = tpu.memref_slice %arg7[%squeeze3A_146, %dma_start3A_153] : memref<1000x50xf32, #tpu.memory_space<hbm>> -> memref<1x50xf32, #tpu.memory_space<hbm>>
      %dma_start3A_155 = arith.constant 0 : i32
      %dma_start3A_156 = tpu.memref_slice %arg15[%add3A_150, %dma_start3A_155] : memref<512x50xf32, #tpu.memory_space<vmem>> -> memref<1x50xf32, #tpu.memory_space<vmem>>
      %dma_start3A_157 = arith.constant 0 : i32
      %dma_start3A_158 = tpu.memref_slice %arg7[%squeeze3A_146, %dma_start3A_157] : memref<1000x50xf32, #tpu.memory_space<hbm>> -> memref<1x50xf32, #tpu.memory_space<hbm>>
      tpu.enqueue_dma source(%dma_start3A_158 : memref<1x50xf32, #tpu.memory_space<hbm>>) target(%dma_start3A_156 : memref<1x50xf32, #tpu.memory_space<vmem>>) target_semaphore(%arg16 : memref<!tpu.dma_semaphore, #tpu.memory_space<semaphore_mem>>)
      %slice3A_159 = vector.extract_strided_slice %get3A_49 {offsets = [8], sizes = [1], strides = [1]} : vector<16xi32> to vector<1xi32>
      %squeeze3A_160 = vector.extract %slice3A_159[0] : i32 from vector<1xi32>
      %mul3A_161 = arith.constant 16 : i32
      %mul3A_162 = arith.muli %scan3A_45, %mul3A_161 : i32
      %add3A_163 = arith.constant 8 : i32
      %add3A_164 = arith.addi %mul3A_162, %add3A_163 : i32
      %dma_start3A_165 = arith.constant 0 : i32
      %dma_start3A_166 = tpu.memref_slice %arg15[%add3A_164, %dma_start3A_165] : memref<512x50xf32, #tpu.memory_space<vmem>> -> memref<1x50xf32, #tpu.memory_space<vmem>>
      %dma_start3A_167 = arith.constant 0 : i32
      %dma_start3A_168 = tpu.memref_slice %arg7[%squeeze3A_160, %dma_start3A_167] : memref<1000x50xf32, #tpu.memory_space<hbm>> -> memref<1x50xf32, #tpu.memory_space<hbm>>
      %dma_start3A_169 = arith.constant 0 : i32
      %dma_start3A_170 = tpu.memref_slice %arg15[%add3A_164, %dma_start3A_169] : memref<512x50xf32, #tpu.memory_space<vmem>> -> memref<1x50xf32, #tpu.memory_space<vmem>>
      %dma_start3A_171 = arith.constant 0 : i32
      %dma_start3A_172 = tpu.memref_slice %arg7[%squeeze3A_160, %dma_start3A_171] : memref<1000x50xf32, #tpu.memory_space<hbm>> -> memref<1x50xf32, #tpu.memory_space<hbm>>
      tpu.enqueue_dma source(%dma_start3A_172 : memref<1x50xf32, #tpu.memory_space<hbm>>) target(%dma_start3A_170 : memref<1x50xf32, #tpu.memory_space<vmem>>) target_semaphore(%arg16 : memref<!tpu.dma_semaphore, #tpu.memory_space<semaphore_mem>>)
      %slice3A_173 = vector.extract_strided_slice %get3A_49 {offsets = [9], sizes = [1], strides = [1]} : vector<16xi32> to vector<1xi32>
      %squeeze3A_174 = vector.extract %slice3A_173[0] : i32 from vector<1xi32>
      %mul3A_175 = arith.constant 16 : i32
      %mul3A_176 = arith.muli %scan3A_45, %mul3A_175 : i32
      %add3A_177 = arith.constant 9 : i32
      %add3A_178 = arith.addi %mul3A_176, %add3A_177 : i32
      %dma_start3A_179 = arith.constant 0 : i32
      %dma_start3A_180 = tpu.memref_slice %arg15[%add3A_178, %dma_start3A_179] : memref<512x50xf32, #tpu.memory_space<vmem>> -> memref<1x50xf32, #tpu.memory_space<vmem>>
      %dma_start3A_181 = arith.constant 0 : i32
      %dma_start3A_182 = tpu.memref_slice %arg7[%squeeze3A_174, %dma_start3A_181] : memref<1000x50xf32, #tpu.memory_space<hbm>> -> memref<1x50xf32, #tpu.memory_space<hbm>>
      %dma_start3A_183 = arith.constant 0 : i32
      %dma_start3A_184 = tpu.memref_slice %arg15[%add3A_178, %dma_start3A_183] : memref<512x50xf32, #tpu.memory_space<vmem>> -> memref<1x50xf32, #tpu.memory_space<vmem>>
      %dma_start3A_185 = arith.constant 0 : i32
      %dma_start3A_186 = tpu.memref_slice %arg7[%squeeze3A_174, %dma_start3A_185] : memref<1000x50xf32, #tpu.memory_space<hbm>> -> memref<1x50xf32, #tpu.memory_space<hbm>>
      tpu.enqueue_dma source(%dma_start3A_186 : memref<1x50xf32, #tpu.memory_space<hbm>>) target(%dma_start3A_184 : memref<1x50xf32, #tpu.memory_space<vmem>>) target_semaphore(%arg16 : memref<!tpu.dma_semaphore, #tpu.memory_space<semaphore_mem>>)
      %slice3A_187 = vector.extract_strided_slice %get3A_49 {offsets = [10], sizes = [1], strides = [1]} : vector<16xi32> to vector<1xi32>
      %squeeze3A_188 = vector.extract %slice3A_187[0] : i32 from vector<1xi32>
      %mul3A_189 = arith.constant 16 : i32
      %mul3A_190 = arith.muli %scan3A_45, %mul3A_189 : i32
      %add3A_191 = arith.constant 10 : i32
      %add3A_192 = arith.addi %mul3A_190, %add3A_191 : i32
      %dma_start3A_193 = arith.constant 0 : i32
      %dma_start3A_194 = tpu.memref_slice %arg15[%add3A_192, %dma_start3A_193] : memref<512x50xf32, #tpu.memory_space<vmem>> -> memref<1x50xf32, #tpu.memory_space<vmem>>
      %dma_start3A_195 = arith.constant 0 : i32
      %dma_start3A_196 = tpu.memref_slice %arg7[%squeeze3A_188, %dma_start3A_195] : memref<1000x50xf32, #tpu.memory_space<hbm>> -> memref<1x50xf32, #tpu.memory_space<hbm>>
      %dma_start3A_197 = arith.constant 0 : i32
      %dma_start3A_198 = tpu.memref_slice %arg15[%add3A_192, %dma_start3A_197] : memref<512x50xf32, #tpu.memory_space<vmem>> -> memref<1x50xf32, #tpu.memory_space<vmem>>
      %dma_start3A_199 = arith.constant 0 : i32
      %dma_start3A_200 = tpu.memref_slice %arg7[%squeeze3A_188, %dma_start3A_199] : memref<1000x50xf32, #tpu.memory_space<hbm>> -> memref<1x50xf32, #tpu.memory_space<hbm>>
      tpu.enqueue_dma source(%dma_start3A_200 : memref<1x50xf32, #tpu.memory_space<hbm>>) target(%dma_start3A_198 : memref<1x50xf32, #tpu.memory_space<vmem>>) target_semaphore(%arg16 : memref<!tpu.dma_semaphore, #tpu.memory_space<semaphore_mem>>)
      %slice3A_201 = vector.extract_strided_slice %get3A_49 {offsets = [11], sizes = [1], strides = [1]} : vector<16xi32> to vector<1xi32>
      %squeeze3A_202 = vector.extract %slice3A_201[0] : i32 from vector<1xi32>
      %mul3A_203 = arith.constant 16 : i32
      %mul3A_204 = arith.muli %scan3A_45, %mul3A_203 : i32
      %add3A_205 = arith.constant 11 : i32
      %add3A_206 = arith.addi %mul3A_204, %add3A_205 : i32
      %dma_start3A_207 = arith.constant 0 : i32
      %dma_start3A_208 = tpu.memref_slice %arg15[%add3A_206, %dma_start3A_207] : memref<512x50xf32, #tpu.memory_space<vmem>> -> memref<1x50xf32, #tpu.memory_space<vmem>>
      %dma_start3A_209 = arith.constant 0 : i32
      %dma_start3A_210 = tpu.memref_slice %arg7[%squeeze3A_202, %dma_start3A_209] : memref<1000x50xf32, #tpu.memory_space<hbm>> -> memref<1x50xf32, #tpu.memory_space<hbm>>
      %dma_start3A_211 = arith.constant 0 : i32
      %dma_start3A_212 = tpu.memref_slice %arg15[%add3A_206, %dma_start3A_211] : memref<512x50xf32, #tpu.memory_space<vmem>> -> memref<1x50xf32, #tpu.memory_space<vmem>>
      %dma_start3A_213 = arith.constant 0 : i32
      %dma_start3A_214 = tpu.memref_slice %arg7[%squeeze3A_202, %dma_start3A_213] : memref<1000x50xf32, #tpu.memory_space<hbm>> -> memref<1x50xf32, #tpu.memory_space<hbm>>
      tpu.enqueue_dma source(%dma_start3A_214 : memref<1x50xf32, #tpu.memory_space<hbm>>) target(%dma_start3A_212 : memref<1x50xf32, #tpu.memory_space<vmem>>) target_semaphore(%arg16 : memref<!tpu.dma_semaphore, #tpu.memory_space<semaphore_mem>>)
      %slice3A_215 = vector.extract_strided_slice %get3A_49 {offsets = [12], sizes = [1], strides = [1]} : vector<16xi32> to vector<1xi32>
      %squeeze3A_216 = vector.extract %slice3A_215[0] : i32 from vector<1xi32>
      %mul3A_217 = arith.constant 16 : i32
      %mul3A_218 = arith.muli %scan3A_45, %mul3A_217 : i32
      %add3A_219 = arith.constant 12 : i32
      %add3A_220 = arith.addi %mul3A_218, %add3A_219 : i32
      %dma_start3A_221 = arith.constant 0 : i32
      %dma_start3A_222 = tpu.memref_slice %arg15[%add3A_220, %dma_start3A_221] : memref<512x50xf32, #tpu.memory_space<vmem>> -> memref<1x50xf32, #tpu.memory_space<vmem>>
      %dma_start3A_223 = arith.constant 0 : i32
      %dma_start3A_224 = tpu.memref_slice %arg7[%squeeze3A_216, %dma_start3A_223] : memref<1000x50xf32, #tpu.memory_space<hbm>> -> memref<1x50xf32, #tpu.memory_space<hbm>>
      %dma_start3A_225 = arith.constant 0 : i32
      %dma_start3A_226 = tpu.memref_slice %arg15[%add3A_220, %dma_start3A_225] : memref<512x50xf32, #tpu.memory_space<vmem>> -> memref<1x50xf32, #tpu.memory_space<vmem>>
      %dma_start3A_227 = arith.constant 0 : i32
      %dma_start3A_228 = tpu.memref_slice %arg7[%squeeze3A_216, %dma_start3A_227] : memref<1000x50xf32, #tpu.memory_space<hbm>> -> memref<1x50xf32, #tpu.memory_space<hbm>>
      tpu.enqueue_dma source(%dma_start3A_228 : memref<1x50xf32, #tpu.memory_space<hbm>>) target(%dma_start3A_226 : memref<1x50xf32, #tpu.memory_space<vmem>>) target_semaphore(%arg16 : memref<!tpu.dma_semaphore, #tpu.memory_space<semaphore_mem>>)
      %slice3A_229 = vector.extract_strided_slice %get3A_49 {offsets = [13], sizes = [1], strides = [1]} : vector<16xi32> to vector<1xi32>
      %squeeze3A_230 = vector.extract %slice3A_229[0] : i32 from vector<1xi32>
      %mul3A_231 = arith.constant 16 : i32
      %mul3A_232 = arith.muli %scan3A_45, %mul3A_231 : i32
      %add3A_233 = arith.constant 13 : i32
      %add3A_234 = arith.addi %mul3A_232, %add3A_233 : i32
      %dma_start3A_235 = arith.constant 0 : i32
      %dma_start3A_236 = tpu.memref_slice %arg15[%add3A_234, %dma_start3A_235] : memref<512x50xf32, #tpu.memory_space<vmem>> -> memref<1x50xf32, #tpu.memory_space<vmem>>
      %dma_start3A_237 = arith.constant 0 : i32
      %dma_start3A_238 = tpu.memref_slice %arg7[%squeeze3A_230, %dma_start3A_237] : memref<1000x50xf32, #tpu.memory_space<hbm>> -> memref<1x50xf32, #tpu.memory_space<hbm>>
      %dma_start3A_239 = arith.constant 0 : i32
      %dma_start3A_240 = tpu.memref_slice %arg15[%add3A_234, %dma_start3A_239] : memref<512x50xf32, #tpu.memory_space<vmem>> -> memref<1x50xf32, #tpu.memory_space<vmem>>
      %dma_start3A_241 = arith.constant 0 : i32
      %dma_start3A_242 = tpu.memref_slice %arg7[%squeeze3A_230, %dma_start3A_241] : memref<1000x50xf32, #tpu.memory_space<hbm>> -> memref<1x50xf32, #tpu.memory_space<hbm>>
      tpu.enqueue_dma source(%dma_start3A_242 : memref<1x50xf32, #tpu.memory_space<hbm>>) target(%dma_start3A_240 : memref<1x50xf32, #tpu.memory_space<vmem>>) target_semaphore(%arg16 : memref<!tpu.dma_semaphore, #tpu.memory_space<semaphore_mem>>)
      %slice3A_243 = vector.extract_strided_slice %get3A_49 {offsets = [14], sizes = [1], strides = [1]} : vector<16xi32> to vector<1xi32>
      %squeeze3A_244 = vector.extract %slice3A_243[0] : i32 from vector<1xi32>
      %mul3A_245 = arith.constant 16 : i32
      %mul3A_246 = arith.muli %scan3A_45, %mul3A_245 : i32
      %add3A_247 = arith.constant 14 : i32
      %add3A_248 = arith.addi %mul3A_246, %add3A_247 : i32
      %dma_start3A_249 = arith.constant 0 : i32
      %dma_start3A_250 = tpu.memref_slice %arg15[%add3A_248, %dma_start3A_249] : memref<512x50xf32, #tpu.memory_space<vmem>> -> memref<1x50xf32, #tpu.memory_space<vmem>>
      %dma_start3A_251 = arith.constant 0 : i32
      %dma_start3A_252 = tpu.memref_slice %arg7[%squeeze3A_244, %dma_start3A_251] : memref<1000x50xf32, #tpu.memory_space<hbm>> -> memref<1x50xf32, #tpu.memory_space<hbm>>
      %dma_start3A_253 = arith.constant 0 : i32
      %dma_start3A_254 = tpu.memref_slice %arg15[%add3A_248, %dma_start3A_253] : memref<512x50xf32, #tpu.memory_space<vmem>> -> memref<1x50xf32, #tpu.memory_space<vmem>>
      %dma_start3A_255 = arith.constant 0 : i32
      %dma_start3A_256 = tpu.memref_slice %arg7[%squeeze3A_244, %dma_start3A_255] : memref<1000x50xf32, #tpu.memory_space<hbm>> -> memref<1x50xf32, #tpu.memory_space<hbm>>
      tpu.enqueue_dma source(%dma_start3A_256 : memref<1x50xf32, #tpu.memory_space<hbm>>) target(%dma_start3A_254 : memref<1x50xf32, #tpu.memory_space<vmem>>) target_semaphore(%arg16 : memref<!tpu.dma_semaphore, #tpu.memory_space<semaphore_mem>>)
      %slice3A_257 = vector.extract_strided_slice %get3A_49 {offsets = [15], sizes = [1], strides = [1]} : vector<16xi32> to vector<1xi32>
      %squeeze3A_258 = vector.extract %slice3A_257[0] : i32 from vector<1xi32>
      %mul3A_259 = arith.constant 16 : i32
      %mul3A_260 = arith.muli %scan3A_45, %mul3A_259 : i32
      %add3A_261 = arith.constant 15 : i32
      %add3A_262 = arith.addi %mul3A_260, %add3A_261 : i32
      %dma_start3A_263 = arith.constant 0 : i32
      %dma_start3A_264 = tpu.memref_slice %arg15[%add3A_262, %dma_start3A_263] : memref<512x50xf32, #tpu.memory_space<vmem>> -> memref<1x50xf32, #tpu.memory_space<vmem>>
      %dma_start3A_265 = arith.constant 0 : i32
      %dma_start3A_266 = tpu.memref_slice %arg7[%squeeze3A_258, %dma_start3A_265] : memref<1000x50xf32, #tpu.memory_space<hbm>> -> memref<1x50xf32, #tpu.memory_space<hbm>>
      %dma_start3A_267 = arith.constant 0 : i32
      %dma_start3A_268 = tpu.memref_slice %arg15[%add3A_262, %dma_start3A_267] : memref<512x50xf32, #tpu.memory_space<vmem>> -> memref<1x50xf32, #tpu.memory_space<vmem>>
      %dma_start3A_269 = arith.constant 0 : i32
      %dma_start3A_270 = tpu.memref_slice %arg7[%squeeze3A_258, %dma_start3A_269] : memref<1000x50xf32, #tpu.memory_space<hbm>> -> memref<1x50xf32, #tpu.memory_space<hbm>>
      tpu.enqueue_dma source(%dma_start3A_270 : memref<1x50xf32, #tpu.memory_space<hbm>>) target(%dma_start3A_268 : memref<1x50xf32, #tpu.memory_space<vmem>>) target_semaphore(%arg16 : memref<!tpu.dma_semaphore, #tpu.memory_space<semaphore_mem>>)
      %scan3A_271 = arith.constant 0 : i32
      scf.yield %scan3A_271 : i32
    }
    %scan3A_18 = arith.constant 32 : i32
    %dma_wait3A_19 = arith.constant 0 : i32
    %dma_wait3A_20 = tpu.memref_slice %arg11[%mul3A_2, %dma_wait3A_19] : memref<16384x50xf32, #tpu.memory_space<hbm>> -> memref<512x50xf32, #tpu.memory_space<hbm>>
    %dma_wait3A_21 = arith.constant 0 : i32
    %dma_wait3A_22 = tpu.memref_slice %arg11[%mul3A_2, %dma_wait3A_21] : memref<16384x50xf32, #tpu.memory_space<hbm>> -> memref<512x50xf32, #tpu.memory_space<hbm>>
    tpu.wait_dma2 semaphore(%arg16 : memref<!tpu.dma_semaphore, #tpu.memory_space<semaphore_mem>>) src(%dma_wait3A_22 : memref<512x50xf32, #tpu.memory_space<hbm>>) dst(%arg15 : memref<512x50xf32, #tpu.memory_space<vmem>>)
    "tpu.region"() ({
      %run_scoped3A = tpu.sem_alloc : memref<!tpu.dma_semaphore, #tpu.memory_space<semaphore_mem>>
      %dma_start3A = arith.constant 0 : i32
      %dma_start3A_45 = tpu.memref_slice %arg11[%mul3A_2, %dma_start3A] : memref<16384x50xf32, #tpu.memory_space<hbm>> -> memref<512x50xf32, #tpu.memory_space<hbm>>
      %dma_start3A_46 = arith.constant 0 : i32
      %dma_start3A_47 = tpu.memref_slice %arg11[%mul3A_2, %dma_start3A_46] : memref<16384x50xf32, #tpu.memory_space<hbm>> -> memref<512x50xf32, #tpu.memory_space<hbm>>
      tpu.enqueue_dma source(%arg15 : memref<512x50xf32, #tpu.memory_space<vmem>>) target(%dma_start3A_47 : memref<512x50xf32, #tpu.memory_space<hbm>>) target_semaphore(%run_scoped3A : memref<!tpu.dma_semaphore, #tpu.memory_space<semaphore_mem>>)
      %dma_wait3A_48 = arith.constant 0 : i32
      %dma_wait3A_49 = tpu.memref_slice %arg11[%mul3A_2, %dma_wait3A_48] : memref<16384x50xf32, #tpu.memory_space<hbm>> -> memref<512x50xf32, #tpu.memory_space<hbm>>
      %dma_wait3A_50 = arith.constant 0 : i32
      %dma_wait3A_51 = tpu.memref_slice %arg11[%mul3A_2, %dma_wait3A_50] : memref<16384x50xf32, #tpu.memory_space<hbm>> -> memref<512x50xf32, #tpu.memory_space<hbm>>
      tpu.wait_dma2 semaphore(%run_scoped3A : memref<!tpu.dma_semaphore, #tpu.memory_space<semaphore_mem>>) src(%arg15 : memref<512x50xf32, #tpu.memory_space<vmem>>) dst(%dma_wait3A_51 : memref<512x50xf32, #tpu.memory_space<hbm>>)
      tpu.yield
    }) : () -> ()
    "tpu.region"() ({
      %run_scoped3A = tpu.sem_alloc : memref<!tpu.dma_semaphore, #tpu.memory_space<semaphore_mem>>
      %dma_start3A = tpu.memref_slice %arg4[%mul3A_2] : memref<16384xi32, #tpu.memory_space<hbm>> -> memref<512xi32, #tpu.memory_space<hbm>>
      %dma_start3A_45 = tpu.memref_slice %arg4[%mul3A_2] : memref<16384xi32, #tpu.memory_space<hbm>> -> memref<512xi32, #tpu.memory_space<hbm>>
      tpu.enqueue_dma source(%dma_start3A_45 : memref<512xi32, #tpu.memory_space<hbm>>) target(%arg14 : memref<512xi32, #tpu.memory_space<vmem>>) target_semaphore(%run_scoped3A : memref<!tpu.dma_semaphore, #tpu.memory_space<semaphore_mem>>)
      %dma_wait3A_46 = tpu.memref_slice %arg4[%mul3A_2] : memref<16384xi32, #tpu.memory_space<hbm>> -> memref<512xi32, #tpu.memory_space<hbm>>
      %dma_wait3A_47 = tpu.memref_slice %arg4[%mul3A_2] : memref<16384xi32, #tpu.memory_space<hbm>> -> memref<512xi32, #tpu.memory_space<hbm>>
      tpu.wait_dma2 semaphore(%run_scoped3A : memref<!tpu.dma_semaphore, #tpu.memory_space<semaphore_mem>>) src(%dma_wait3A_47 : memref<512xi32, #tpu.memory_space<hbm>>) dst(%arg14 : memref<512xi32, #tpu.memory_space<vmem>>)
      tpu.yield
    }) : () -> ()
    %scan3A_23 = arith.constant 0 : i32
    %scan3A_24 = arith.constant 0 : i32
    %scan3A_25 = arith.constant 32 : i32
    %scan3A_26 = arith.addi %scan3A_24, %scan3A_25 : i32
    %scan3A_27 = arith.constant 1 : i32
    %scan3A_28 = scf.for %scan3A_45 = %scan3A_24 to %scan3A_26 step %scan3A_27 iter_args(%scan3A_46 = %scan3A_23) -> (i32)  : i32 {
      %mul3A_47 = arith.constant 16 : i32
      %mul3A_48 = arith.muli %scan3A_45, %mul3A_47 : i32
      %get3A = arith.index_cast %mul3A_48 : i32 to index
      %get3A_49 = tpu.vector_load %arg14[%get3A] {strides = array<i32>} : memref<512xi32, #tpu.memory_space<vmem>>, vector<16xi32>,
      %slice3A = vector.extract_strided_slice %get3A_49 {offsets = [0], sizes = [1], strides = [1]} : vector<16xi32> to vector<1xi32>
      %squeeze3A = vector.extract %slice3A[0] : i32 from vector<1xi32>
      %mul3A_50 = arith.constant 16 : i32
      %mul3A_51 = arith.muli %scan3A_45, %mul3A_50 : i32
      %add3A_52 = arith.constant 0 : i32
      %add3A_53 = arith.addi %mul3A_51, %add3A_52 : i32
      %dma_start3A = arith.constant 0 : i32
      %dma_start3A_54 = tpu.memref_slice %arg15[%add3A_53, %dma_start3A] : memref<512x50xf32, #tpu.memory_space<vmem>> -> memref<1x50xf32, #tpu.memory_space<vmem>>
      %dma_start3A_55 = arith.constant 0 : i32
      %dma_start3A_56 = tpu.memref_slice %arg8[%squeeze3A, %dma_start3A_55] : memref<1000x50xf32, #tpu.memory_space<hbm>> -> memref<1x50xf32, #tpu.memory_space<hbm>>
      %dma_start3A_57 = arith.constant 0 : i32
      %dma_start3A_58 = tpu.memref_slice %arg15[%add3A_53, %dma_start3A_57] : memref<512x50xf32, #tpu.memory_space<vmem>> -> memref<1x50xf32, #tpu.memory_space<vmem>>
      %dma_start3A_59 = arith.constant 0 : i32
      %dma_start3A_60 = tpu.memref_slice %arg8[%squeeze3A, %dma_start3A_59] : memref<1000x50xf32, #tpu.memory_space<hbm>> -> memref<1x50xf32, #tpu.memory_space<hbm>>
      tpu.enqueue_dma source(%dma_start3A_60 : memref<1x50xf32, #tpu.memory_space<hbm>>) target(%dma_start3A_58 : memref<1x50xf32, #tpu.memory_space<vmem>>) target_semaphore(%arg16 : memref<!tpu.dma_semaphore, #tpu.memory_space<semaphore_mem>>)
      %slice3A_61 = vector.extract_strided_slice %get3A_49 {offsets = [1], sizes = [1], strides = [1]} : vector<16xi32> to vector<1xi32>
      %squeeze3A_62 = vector.extract %slice3A_61[0] : i32 from vector<1xi32>
      %mul3A_63 = arith.constant 16 : i32
      %mul3A_64 = arith.muli %scan3A_45, %mul3A_63 : i32
      %add3A_65 = arith.constant 1 : i32
      %add3A_66 = arith.addi %mul3A_64, %add3A_65 : i32
      %dma_start3A_67 = arith.constant 0 : i32
      %dma_start3A_68 = tpu.memref_slice %arg15[%add3A_66, %dma_start3A_67] : memref<512x50xf32, #tpu.memory_space<vmem>> -> memref<1x50xf32, #tpu.memory_space<vmem>>
      %dma_start3A_69 = arith.constant 0 : i32
      %dma_start3A_70 = tpu.memref_slice %arg8[%squeeze3A_62, %dma_start3A_69] : memref<1000x50xf32, #tpu.memory_space<hbm>> -> memref<1x50xf32, #tpu.memory_space<hbm>>
      %dma_start3A_71 = arith.constant 0 : i32
      %dma_start3A_72 = tpu.memref_slice %arg15[%add3A_66, %dma_start3A_71] : memref<512x50xf32, #tpu.memory_space<vmem>> -> memref<1x50xf32, #tpu.memory_space<vmem>>
      %dma_start3A_73 = arith.constant 0 : i32
      %dma_start3A_74 = tpu.memref_slice %arg8[%squeeze3A_62, %dma_start3A_73] : memref<1000x50xf32, #tpu.memory_space<hbm>> -> memref<1x50xf32, #tpu.memory_space<hbm>>
      tpu.enqueue_dma source(%dma_start3A_74 : memref<1x50xf32, #tpu.memory_space<hbm>>) target(%dma_start3A_72 : memref<1x50xf32, #tpu.memory_space<vmem>>) target_semaphore(%arg16 : memref<!tpu.dma_semaphore, #tpu.memory_space<semaphore_mem>>)
      %slice3A_75 = vector.extract_strided_slice %get3A_49 {offsets = [2], sizes = [1], strides = [1]} : vector<16xi32> to vector<1xi32>
      %squeeze3A_76 = vector.extract %slice3A_75[0] : i32 from vector<1xi32>
      %mul3A_77 = arith.constant 16 : i32
      %mul3A_78 = arith.muli %scan3A_45, %mul3A_77 : i32
      %add3A_79 = arith.constant 2 : i32
      %add3A_80 = arith.addi %mul3A_78, %add3A_79 : i32
      %dma_start3A_81 = arith.constant 0 : i32
      %dma_start3A_82 = tpu.memref_slice %arg15[%add3A_80, %dma_start3A_81] : memref<512x50xf32, #tpu.memory_space<vmem>> -> memref<1x50xf32, #tpu.memory_space<vmem>>
      %dma_start3A_83 = arith.constant 0 : i32
      %dma_start3A_84 = tpu.memref_slice %arg8[%squeeze3A_76, %dma_start3A_83] : memref<1000x50xf32, #tpu.memory_space<hbm>> -> memref<1x50xf32, #tpu.memory_space<hbm>>
      %dma_start3A_85 = arith.constant 0 : i32
      %dma_start3A_86 = tpu.memref_slice %arg15[%add3A_80, %dma_start3A_85] : memref<512x50xf32, #tpu.memory_space<vmem>> -> memref<1x50xf32, #tpu.memory_space<vmem>>
      %dma_start3A_87 = arith.constant 0 : i32
      %dma_start3A_88 = tpu.memref_slice %arg8[%squeeze3A_76, %dma_start3A_87] : memref<1000x50xf32, #tpu.memory_space<hbm>> -> memref<1x50xf32, #tpu.memory_space<hbm>>
      tpu.enqueue_dma source(%dma_start3A_88 : memref<1x50xf32, #tpu.memory_space<hbm>>) target(%dma_start3A_86 : memref<1x50xf32, #tpu.memory_space<vmem>>) target_semaphore(%arg16 : memref<!tpu.dma_semaphore, #tpu.memory_space<semaphore_mem>>)
      %slice3A_89 = vector.extract_strided_slice %get3A_49 {offsets = [3], sizes = [1], strides = [1]} : vector<16xi32> to vector<1xi32>
      %squeeze3A_90 = vector.extract %slice3A_89[0] : i32 from vector<1xi32>
      %mul3A_91 = arith.constant 16 : i32
      %mul3A_92 = arith.muli %scan3A_45, %mul3A_91 : i32
      %add3A_93 = arith.constant 3 : i32
      %add3A_94 = arith.addi %mul3A_92, %add3A_93 : i32
      %dma_start3A_95 = arith.constant 0 : i32
      %dma_start3A_96 = tpu.memref_slice %arg15[%add3A_94, %dma_start3A_95] : memref<512x50xf32, #tpu.memory_space<vmem>> -> memref<1x50xf32, #tpu.memory_space<vmem>>
      %dma_start3A_97 = arith.constant 0 : i32
      %dma_start3A_98 = tpu.memref_slice %arg8[%squeeze3A_90, %dma_start3A_97] : memref<1000x50xf32, #tpu.memory_space<hbm>> -> memref<1x50xf32, #tpu.memory_space<hbm>>
      %dma_start3A_99 = arith.constant 0 : i32
      %dma_start3A_100 = tpu.memref_slice %arg15[%add3A_94, %dma_start3A_99] : memref<512x50xf32, #tpu.memory_space<vmem>> -> memref<1x50xf32, #tpu.memory_space<vmem>>
      %dma_start3A_101 = arith.constant 0 : i32
      %dma_start3A_102 = tpu.memref_slice %arg8[%squeeze3A_90, %dma_start3A_101] : memref<1000x50xf32, #tpu.memory_space<hbm>> -> memref<1x50xf32, #tpu.memory_space<hbm>>
      tpu.enqueue_dma source(%dma_start3A_102 : memref<1x50xf32, #tpu.memory_space<hbm>>) target(%dma_start3A_100 : memref<1x50xf32, #tpu.memory_space<vmem>>) target_semaphore(%arg16 : memref<!tpu.dma_semaphore, #tpu.memory_space<semaphore_mem>>)
      %slice3A_103 = vector.extract_strided_slice %get3A_49 {offsets = [4], sizes = [1], strides = [1]} : vector<16xi32> to vector<1xi32>
      %squeeze3A_104 = vector.extract %slice3A_103[0] : i32 from vector<1xi32>
      %mul3A_105 = arith.constant 16 : i32
      %mul3A_106 = arith.muli %scan3A_45, %mul3A_105 : i32
      %add3A_107 = arith.constant 4 : i32
      %add3A_108 = arith.addi %mul3A_106, %add3A_107 : i32
      %dma_start3A_109 = arith.constant 0 : i32
      %dma_start3A_110 = tpu.memref_slice %arg15[%add3A_108, %dma_start3A_109] : memref<512x50xf32, #tpu.memory_space<vmem>> -> memref<1x50xf32, #tpu.memory_space<vmem>>
      %dma_start3A_111 = arith.constant 0 : i32
      %dma_start3A_112 = tpu.memref_slice %arg8[%squeeze3A_104, %dma_start3A_111] : memref<1000x50xf32, #tpu.memory_space<hbm>> -> memref<1x50xf32, #tpu.memory_space<hbm>>
      %dma_start3A_113 = arith.constant 0 : i32
      %dma_start3A_114 = tpu.memref_slice %arg15[%add3A_108, %dma_start3A_113] : memref<512x50xf32, #tpu.memory_space<vmem>> -> memref<1x50xf32, #tpu.memory_space<vmem>>
      %dma_start3A_115 = arith.constant 0 : i32
      %dma_start3A_116 = tpu.memref_slice %arg8[%squeeze3A_104, %dma_start3A_115] : memref<1000x50xf32, #tpu.memory_space<hbm>> -> memref<1x50xf32, #tpu.memory_space<hbm>>
      tpu.enqueue_dma source(%dma_start3A_116 : memref<1x50xf32, #tpu.memory_space<hbm>>) target(%dma_start3A_114 : memref<1x50xf32, #tpu.memory_space<vmem>>) target_semaphore(%arg16 : memref<!tpu.dma_semaphore, #tpu.memory_space<semaphore_mem>>)
      %slice3A_117 = vector.extract_strided_slice %get3A_49 {offsets = [5], sizes = [1], strides = [1]} : vector<16xi32> to vector<1xi32>
      %squeeze3A_118 = vector.extract %slice3A_117[0] : i32 from vector<1xi32>
      %mul3A_119 = arith.constant 16 : i32
      %mul3A_120 = arith.muli %scan3A_45, %mul3A_119 : i32
      %add3A_121 = arith.constant 5 : i32
      %add3A_122 = arith.addi %mul3A_120, %add3A_121 : i32
      %dma_start3A_123 = arith.constant 0 : i32
      %dma_start3A_124 = tpu.memref_slice %arg15[%add3A_122, %dma_start3A_123] : memref<512x50xf32, #tpu.memory_space<vmem>> -> memref<1x50xf32, #tpu.memory_space<vmem>>
      %dma_start3A_125 = arith.constant 0 : i32
      %dma_start3A_126 = tpu.memref_slice %arg8[%squeeze3A_118, %dma_start3A_125] : memref<1000x50xf32, #tpu.memory_space<hbm>> -> memref<1x50xf32, #tpu.memory_space<hbm>>
      %dma_start3A_127 = arith.constant 0 : i32
      %dma_start3A_128 = tpu.memref_slice %arg15[%add3A_122, %dma_start3A_127] : memref<512x50xf32, #tpu.memory_space<vmem>> -> memref<1x50xf32, #tpu.memory_space<vmem>>
      %dma_start3A_129 = arith.constant 0 : i32
      %dma_start3A_130 = tpu.memref_slice %arg8[%squeeze3A_118, %dma_start3A_129] : memref<1000x50xf32, #tpu.memory_space<hbm>> -> memref<1x50xf32, #tpu.memory_space<hbm>>
      tpu.enqueue_dma source(%dma_start3A_130 : memref<1x50xf32, #tpu.memory_space<hbm>>) target(%dma_start3A_128 : memref<1x50xf32, #tpu.memory_space<vmem>>) target_semaphore(%arg16 : memref<!tpu.dma_semaphore, #tpu.memory_space<semaphore_mem>>)
      %slice3A_131 = vector.extract_strided_slice %get3A_49 {offsets = [6], sizes = [1], strides = [1]} : vector<16xi32> to vector<1xi32>
      %squeeze3A_132 = vector.extract %slice3A_131[0] : i32 from vector<1xi32>
      %mul3A_133 = arith.constant 16 : i32
      %mul3A_134 = arith.muli %scan3A_45, %mul3A_133 : i32
      %add3A_135 = arith.constant 6 : i32
      %add3A_136 = arith.addi %mul3A_134, %add3A_135 : i32
      %dma_start3A_137 = arith.constant 0 : i32
      %dma_start3A_138 = tpu.memref_slice %arg15[%add3A_136, %dma_start3A_137] : memref<512x50xf32, #tpu.memory_space<vmem>> -> memref<1x50xf32, #tpu.memory_space<vmem>>
      %dma_start3A_139 = arith.constant 0 : i32
      %dma_start3A_140 = tpu.memref_slice %arg8[%squeeze3A_132, %dma_start3A_139] : memref<1000x50xf32, #tpu.memory_space<hbm>> -> memref<1x50xf32, #tpu.memory_space<hbm>>
      %dma_start3A_141 = arith.constant 0 : i32
      %dma_start3A_142 = tpu.memref_slice %arg15[%add3A_136, %dma_start3A_141] : memref<512x50xf32, #tpu.memory_space<vmem>> -> memref<1x50xf32, #tpu.memory_space<vmem>>
      %dma_start3A_143 = arith.constant 0 : i32
      %dma_start3A_144 = tpu.memref_slice %arg8[%squeeze3A_132, %dma_start3A_143] : memref<1000x50xf32, #tpu.memory_space<hbm>> -> memref<1x50xf32, #tpu.memory_space<hbm>>
      tpu.enqueue_dma source(%dma_start3A_144 : memref<1x50xf32, #tpu.memory_space<hbm>>) target(%dma_start3A_142 : memref<1x50xf32, #tpu.memory_space<vmem>>) target_semaphore(%arg16 : memref<!tpu.dma_semaphore, #tpu.memory_space<semaphore_mem>>)
      %slice3A_145 = vector.extract_strided_slice %get3A_49 {offsets = [7], sizes = [1], strides = [1]} : vector<16xi32> to vector<1xi32>
      %squeeze3A_146 = vector.extract %slice3A_145[0] : i32 from vector<1xi32>
      %mul3A_147 = arith.constant 16 : i32
      %mul3A_148 = arith.muli %scan3A_45, %mul3A_147 : i32
      %add3A_149 = arith.constant 7 : i32
      %add3A_150 = arith.addi %mul3A_148, %add3A_149 : i32
      %dma_start3A_151 = arith.constant 0 : i32
      %dma_start3A_152 = tpu.memref_slice %arg15[%add3A_150, %dma_start3A_151] : memref<512x50xf32, #tpu.memory_space<vmem>> -> memref<1x50xf32, #tpu.memory_space<vmem>>
      %dma_start3A_153 = arith.constant 0 : i32
      %dma_start3A_154 = tpu.memref_slice %arg8[%squeeze3A_146, %dma_start3A_153] : memref<1000x50xf32, #tpu.memory_space<hbm>> -> memref<1x50xf32, #tpu.memory_space<hbm>>
      %dma_start3A_155 = arith.constant 0 : i32
      %dma_start3A_156 = tpu.memref_slice %arg15[%add3A_150, %dma_start3A_155] : memref<512x50xf32, #tpu.memory_space<vmem>> -> memref<1x50xf32, #tpu.memory_space<vmem>>
      %dma_start3A_157 = arith.constant 0 : i32
      %dma_start3A_158 = tpu.memref_slice %arg8[%squeeze3A_146, %dma_start3A_157] : memref<1000x50xf32, #tpu.memory_space<hbm>> -> memref<1x50xf32, #tpu.memory_space<hbm>>
      tpu.enqueue_dma source(%dma_start3A_158 : memref<1x50xf32, #tpu.memory_space<hbm>>) target(%dma_start3A_156 : memref<1x50xf32, #tpu.memory_space<vmem>>) target_semaphore(%arg16 : memref<!tpu.dma_semaphore, #tpu.memory_space<semaphore_mem>>)
      %slice3A_159 = vector.extract_strided_slice %get3A_49 {offsets = [8], sizes = [1], strides = [1]} : vector<16xi32> to vector<1xi32>
      %squeeze3A_160 = vector.extract %slice3A_159[0] : i32 from vector<1xi32>
      %mul3A_161 = arith.constant 16 : i32
      %mul3A_162 = arith.muli %scan3A_45, %mul3A_161 : i32
      %add3A_163 = arith.constant 8 : i32
      %add3A_164 = arith.addi %mul3A_162, %add3A_163 : i32
      %dma_start3A_165 = arith.constant 0 : i32
      %dma_start3A_166 = tpu.memref_slice %arg15[%add3A_164, %dma_start3A_165] : memref<512x50xf32, #tpu.memory_space<vmem>> -> memref<1x50xf32, #tpu.memory_space<vmem>>
      %dma_start3A_167 = arith.constant 0 : i32
      %dma_start3A_168 = tpu.memref_slice %arg8[%squeeze3A_160, %dma_start3A_167] : memref<1000x50xf32, #tpu.memory_space<hbm>> -> memref<1x50xf32, #tpu.memory_space<hbm>>
      %dma_start3A_169 = arith.constant 0 : i32
      %dma_start3A_170 = tpu.memref_slice %arg15[%add3A_164, %dma_start3A_169] : memref<512x50xf32, #tpu.memory_space<vmem>> -> memref<1x50xf32, #tpu.memory_space<vmem>>
      %dma_start3A_171 = arith.constant 0 : i32
      %dma_start3A_172 = tpu.memref_slice %arg8[%squeeze3A_160, %dma_start3A_171] : memref<1000x50xf32, #tpu.memory_space<hbm>> -> memref<1x50xf32, #tpu.memory_space<hbm>>
      tpu.enqueue_dma source(%dma_start3A_172 : memref<1x50xf32, #tpu.memory_space<hbm>>) target(%dma_start3A_170 : memref<1x50xf32, #tpu.memory_space<vmem>>) target_semaphore(%arg16 : memref<!tpu.dma_semaphore, #tpu.memory_space<semaphore_mem>>)
      %slice3A_173 = vector.extract_strided_slice %get3A_49 {offsets = [9], sizes = [1], strides = [1]} : vector<16xi32> to vector<1xi32>
      %squeeze3A_174 = vector.extract %slice3A_173[0] : i32 from vector<1xi32>
      %mul3A_175 = arith.constant 16 : i32
      %mul3A_176 = arith.muli %scan3A_45, %mul3A_175 : i32
      %add3A_177 = arith.constant 9 : i32
      %add3A_178 = arith.addi %mul3A_176, %add3A_177 : i32
      %dma_start3A_179 = arith.constant 0 : i32
      %dma_start3A_180 = tpu.memref_slice %arg15[%add3A_178, %dma_start3A_179] : memref<512x50xf32, #tpu.memory_space<vmem>> -> memref<1x50xf32, #tpu.memory_space<vmem>>
      %dma_start3A_181 = arith.constant 0 : i32
      %dma_start3A_182 = tpu.memref_slice %arg8[%squeeze3A_174, %dma_start3A_181] : memref<1000x50xf32, #tpu.memory_space<hbm>> -> memref<1x50xf32, #tpu.memory_space<hbm>>
      %dma_start3A_183 = arith.constant 0 : i32
      %dma_start3A_184 = tpu.memref_slice %arg15[%add3A_178, %dma_start3A_183] : memref<512x50xf32, #tpu.memory_space<vmem>> -> memref<1x50xf32, #tpu.memory_space<vmem>>
      %dma_start3A_185 = arith.constant 0 : i32
      %dma_start3A_186 = tpu.memref_slice %arg8[%squeeze3A_174, %dma_start3A_185] : memref<1000x50xf32, #tpu.memory_space<hbm>> -> memref<1x50xf32, #tpu.memory_space<hbm>>
      tpu.enqueue_dma source(%dma_start3A_186 : memref<1x50xf32, #tpu.memory_space<hbm>>) target(%dma_start3A_184 : memref<1x50xf32, #tpu.memory_space<vmem>>) target_semaphore(%arg16 : memref<!tpu.dma_semaphore, #tpu.memory_space<semaphore_mem>>)
      %slice3A_187 = vector.extract_strided_slice %get3A_49 {offsets = [10], sizes = [1], strides = [1]} : vector<16xi32> to vector<1xi32>
      %squeeze3A_188 = vector.extract %slice3A_187[0] : i32 from vector<1xi32>
      %mul3A_189 = arith.constant 16 : i32
      %mul3A_190 = arith.muli %scan3A_45, %mul3A_189 : i32
      %add3A_191 = arith.constant 10 : i32
      %add3A_192 = arith.addi %mul3A_190, %add3A_191 : i32
      %dma_start3A_193 = arith.constant 0 : i32
      %dma_start3A_194 = tpu.memref_slice %arg15[%add3A_192, %dma_start3A_193] : memref<512x50xf32, #tpu.memory_space<vmem>> -> memref<1x50xf32, #tpu.memory_space<vmem>>
      %dma_start3A_195 = arith.constant 0 : i32
      %dma_start3A_196 = tpu.memref_slice %arg8[%squeeze3A_188, %dma_start3A_195] : memref<1000x50xf32, #tpu.memory_space<hbm>> -> memref<1x50xf32, #tpu.memory_space<hbm>>
      %dma_start3A_197 = arith.constant 0 : i32
      %dma_start3A_198 = tpu.memref_slice %arg15[%add3A_192, %dma_start3A_197] : memref<512x50xf32, #tpu.memory_space<vmem>> -> memref<1x50xf32, #tpu.memory_space<vmem>>
      %dma_start3A_199 = arith.constant 0 : i32
      %dma_start3A_200 = tpu.memref_slice %arg8[%squeeze3A_188, %dma_start3A_199] : memref<1000x50xf32, #tpu.memory_space<hbm>> -> memref<1x50xf32, #tpu.memory_space<hbm>>
      tpu.enqueue_dma source(%dma_start3A_200 : memref<1x50xf32, #tpu.memory_space<hbm>>) target(%dma_start3A_198 : memref<1x50xf32, #tpu.memory_space<vmem>>) target_semaphore(%arg16 : memref<!tpu.dma_semaphore, #tpu.memory_space<semaphore_mem>>)
      %slice3A_201 = vector.extract_strided_slice %get3A_49 {offsets = [11], sizes = [1], strides = [1]} : vector<16xi32> to vector<1xi32>
      %squeeze3A_202 = vector.extract %slice3A_201[0] : i32 from vector<1xi32>
      %mul3A_203 = arith.constant 16 : i32
      %mul3A_204 = arith.muli %scan3A_45, %mul3A_203 : i32
      %add3A_205 = arith.constant 11 : i32
      %add3A_206 = arith.addi %mul3A_204, %add3A_205 : i32
      %dma_start3A_207 = arith.constant 0 : i32
      %dma_start3A_208 = tpu.memref_slice %arg15[%add3A_206, %dma_start3A_207] : memref<512x50xf32, #tpu.memory_space<vmem>> -> memref<1x50xf32, #tpu.memory_space<vmem>>
      %dma_start3A_209 = arith.constant 0 : i32
      %dma_start3A_210 = tpu.memref_slice %arg8[%squeeze3A_202, %dma_start3A_209] : memref<1000x50xf32, #tpu.memory_space<hbm>> -> memref<1x50xf32, #tpu.memory_space<hbm>>
      %dma_start3A_211 = arith.constant 0 : i32
      %dma_start3A_212 = tpu.memref_slice %arg15[%add3A_206, %dma_start3A_211] : memref<512x50xf32, #tpu.memory_space<vmem>> -> memref<1x50xf32, #tpu.memory_space<vmem>>
      %dma_start3A_213 = arith.constant 0 : i32
      %dma_start3A_214 = tpu.memref_slice %arg8[%squeeze3A_202, %dma_start3A_213] : memref<1000x50xf32, #tpu.memory_space<hbm>> -> memref<1x50xf32, #tpu.memory_space<hbm>>
      tpu.enqueue_dma source(%dma_start3A_214 : memref<1x50xf32, #tpu.memory_space<hbm>>) target(%dma_start3A_212 : memref<1x50xf32, #tpu.memory_space<vmem>>) target_semaphore(%arg16 : memref<!tpu.dma_semaphore, #tpu.memory_space<semaphore_mem>>)
      %slice3A_215 = vector.extract_strided_slice %get3A_49 {offsets = [12], sizes = [1], strides = [1]} : vector<16xi32> to vector<1xi32>
      %squeeze3A_216 = vector.extract %slice3A_215[0] : i32 from vector<1xi32>
      %mul3A_217 = arith.constant 16 : i32
      %mul3A_218 = arith.muli %scan3A_45, %mul3A_217 : i32
      %add3A_219 = arith.constant 12 : i32
      %add3A_220 = arith.addi %mul3A_218, %add3A_219 : i32
      %dma_start3A_221 = arith.constant 0 : i32
      %dma_start3A_222 = tpu.memref_slice %arg15[%add3A_220, %dma_start3A_221] : memref<512x50xf32, #tpu.memory_space<vmem>> -> memref<1x50xf32, #tpu.memory_space<vmem>>
      %dma_start3A_223 = arith.constant 0 : i32
      %dma_start3A_224 = tpu.memref_slice %arg8[%squeeze3A_216, %dma_start3A_223] : memref<1000x50xf32, #tpu.memory_space<hbm>> -> memref<1x50xf32, #tpu.memory_space<hbm>>
      %dma_start3A_225 = arith.constant 0 : i32
      %dma_start3A_226 = tpu.memref_slice %arg15[%add3A_220, %dma_start3A_225] : memref<512x50xf32, #tpu.memory_space<vmem>> -> memref<1x50xf32, #tpu.memory_space<vmem>>
      %dma_start3A_227 = arith.constant 0 : i32
      %dma_start3A_228 = tpu.memref_slice %arg8[%squeeze3A_216, %dma_start3A_227] : memref<1000x50xf32, #tpu.memory_space<hbm>> -> memref<1x50xf32, #tpu.memory_space<hbm>>
      tpu.enqueue_dma source(%dma_start3A_228 : memref<1x50xf32, #tpu.memory_space<hbm>>) target(%dma_start3A_226 : memref<1x50xf32, #tpu.memory_space<vmem>>) target_semaphore(%arg16 : memref<!tpu.dma_semaphore, #tpu.memory_space<semaphore_mem>>)
      %slice3A_229 = vector.extract_strided_slice %get3A_49 {offsets = [13], sizes = [1], strides = [1]} : vector<16xi32> to vector<1xi32>
      %squeeze3A_230 = vector.extract %slice3A_229[0] : i32 from vector<1xi32>
      %mul3A_231 = arith.constant 16 : i32
      %mul3A_232 = arith.muli %scan3A_45, %mul3A_231 : i32
      %add3A_233 = arith.constant 13 : i32
      %add3A_234 = arith.addi %mul3A_232, %add3A_233 : i32
      %dma_start3A_235 = arith.constant 0 : i32
      %dma_start3A_236 = tpu.memref_slice %arg15[%add3A_234, %dma_start3A_235] : memref<512x50xf32, #tpu.memory_space<vmem>> -> memref<1x50xf32, #tpu.memory_space<vmem>>
      %dma_start3A_237 = arith.constant 0 : i32
      %dma_start3A_238 = tpu.memref_slice %arg8[%squeeze3A_230, %dma_start3A_237] : memref<1000x50xf32, #tpu.memory_space<hbm>> -> memref<1x50xf32, #tpu.memory_space<hbm>>
      %dma_start3A_239 = arith.constant 0 : i32
      %dma_start3A_240 = tpu.memref_slice %arg15[%add3A_234, %dma_start3A_239] : memref<512x50xf32, #tpu.memory_space<vmem>> -> memref<1x50xf32, #tpu.memory_space<vmem>>
      %dma_start3A_241 = arith.constant 0 : i32
      %dma_start3A_242 = tpu.memref_slice %arg8[%squeeze3A_230, %dma_start3A_241] : memref<1000x50xf32, #tpu.memory_space<hbm>> -> memref<1x50xf32, #tpu.memory_space<hbm>>
      tpu.enqueue_dma source(%dma_start3A_242 : memref<1x50xf32, #tpu.memory_space<hbm>>) target(%dma_start3A_240 : memref<1x50xf32, #tpu.memory_space<vmem>>) target_semaphore(%arg16 : memref<!tpu.dma_semaphore, #tpu.memory_space<semaphore_mem>>)
      %slice3A_243 = vector.extract_strided_slice %get3A_49 {offsets = [14], sizes = [1], strides = [1]} : vector<16xi32> to vector<1xi32>
      %squeeze3A_244 = vector.extract %slice3A_243[0] : i32 from vector<1xi32>
      %mul3A_245 = arith.constant 16 : i32
      %mul3A_246 = arith.muli %scan3A_45, %mul3A_245 : i32
      %add3A_247 = arith.constant 14 : i32
      %add3A_248 = arith.addi %mul3A_246, %add3A_247 : i32
      %dma_start3A_249 = arith.constant 0 : i32
      %dma_start3A_250 = tpu.memref_slice %arg15[%add3A_248, %dma_start3A_249] : memref<512x50xf32, #tpu.memory_space<vmem>> -> memref<1x50xf32, #tpu.memory_space<vmem>>
      %dma_start3A_251 = arith.constant 0 : i32
      %dma_start3A_252 = tpu.memref_slice %arg8[%squeeze3A_244, %dma_start3A_251] : memref<1000x50xf32, #tpu.memory_space<hbm>> -> memref<1x50xf32, #tpu.memory_space<hbm>>
      %dma_start3A_253 = arith.constant 0 : i32
      %dma_start3A_254 = tpu.memref_slice %arg15[%add3A_248, %dma_start3A_253] : memref<512x50xf32, #tpu.memory_space<vmem>> -> memref<1x50xf32, #tpu.memory_space<vmem>>
      %dma_start3A_255 = arith.constant 0 : i32
      %dma_start3A_256 = tpu.memref_slice %arg8[%squeeze3A_244, %dma_start3A_255] : memref<1000x50xf32, #tpu.memory_space<hbm>> -> memref<1x50xf32, #tpu.memory_space<hbm>>
      tpu.enqueue_dma source(%dma_start3A_256 : memref<1x50xf32, #tpu.memory_space<hbm>>) target(%dma_start3A_254 : memref<1x50xf32, #tpu.memory_space<vmem>>) target_semaphore(%arg16 : memref<!tpu.dma_semaphore, #tpu.memory_space<semaphore_mem>>)
      %slice3A_257 = vector.extract_strided_slice %get3A_49 {offsets = [15], sizes = [1], strides = [1]} : vector<16xi32> to vector<1xi32>
      %squeeze3A_258 = vector.extract %slice3A_257[0] : i32 from vector<1xi32>
      %mul3A_259 = arith.constant 16 : i32
      %mul3A_260 = arith.muli %scan3A_45, %mul3A_259 : i32
      %add3A_261 = arith.constant 15 : i32
      %add3A_262 = arith.addi %mul3A_260, %add3A_261 : i32
      %dma_start3A_263 = arith.constant 0 : i32
      %dma_start3A_264 = tpu.memref_slice %arg15[%add3A_262, %dma_start3A_263] : memref<512x50xf32, #tpu.memory_space<vmem>> -> memref<1x50xf32, #tpu.memory_space<vmem>>
      %dma_start3A_265 = arith.constant 0 : i32
      %dma_start3A_266 = tpu.memref_slice %arg8[%squeeze3A_258, %dma_start3A_265] : memref<1000x50xf32, #tpu.memory_space<hbm>> -> memref<1x50xf32, #tpu.memory_space<hbm>>
      %dma_start3A_267 = arith.constant 0 : i32
      %dma_start3A_268 = tpu.memref_slice %arg15[%add3A_262, %dma_start3A_267] : memref<512x50xf32, #tpu.memory_space<vmem>> -> memref<1x50xf32, #tpu.memory_space<vmem>>
      %dma_start3A_269 = arith.constant 0 : i32
      %dma_start3A_270 = tpu.memref_slice %arg8[%squeeze3A_258, %dma_start3A_269] : memref<1000x50xf32, #tpu.memory_space<hbm>> -> memref<1x50xf32, #tpu.memory_space<hbm>>
      tpu.enqueue_dma source(%dma_start3A_270 : memref<1x50xf32, #tpu.memory_space<hbm>>) target(%dma_start3A_268 : memref<1x50xf32, #tpu.memory_space<vmem>>) target_semaphore(%arg16 : memref<!tpu.dma_semaphore, #tpu.memory_space<semaphore_mem>>)
      %scan3A_271 = arith.constant 0 : i32
      scf.yield %scan3A_271 : i32
    }
    %scan3A_29 = arith.constant 32 : i32
    %dma_wait3A_30 = arith.constant 0 : i32
    %dma_wait3A_31 = tpu.memref_slice %arg12[%mul3A_2, %dma_wait3A_30] : memref<16384x50xf32, #tpu.memory_space<hbm>> -> memref<512x50xf32, #tpu.memory_space<hbm>>
    %dma_wait3A_32 = arith.constant 0 : i32
    %dma_wait3A_33 = tpu.memref_slice %arg12[%mul3A_2, %dma_wait3A_32] : memref<16384x50xf32, #tpu.memory_space<hbm>> -> memref<512x50xf32, #tpu.memory_space<hbm>>
    tpu.wait_dma2 semaphore(%arg16 : memref<!tpu.dma_semaphore, #tpu.memory_space<semaphore_mem>>) src(%dma_wait3A_33 : memref<512x50xf32, #tpu.memory_space<hbm>>) dst(%arg15 : memref<512x50xf32, #tpu.memory_space<vmem>>)
    "tpu.region"() ({
      %run_scoped3A = tpu.sem_alloc : memref<!tpu.dma_semaphore, #tpu.memory_space<semaphore_mem>>
      %dma_start3A = arith.constant 0 : i32
      %dma_start3A_45 = tpu.memref_slice %arg12[%mul3A_2, %dma_start3A] : memref<16384x50xf32, #tpu.memory_space<hbm>> -> memref<512x50xf32, #tpu.memory_space<hbm>>
      %dma_start3A_46 = arith.constant 0 : i32
      %dma_start3A_47 = tpu.memref_slice %arg12[%mul3A_2, %dma_start3A_46] : memref<16384x50xf32, #tpu.memory_space<hbm>> -> memref<512x50xf32, #tpu.memory_space<hbm>>
      tpu.enqueue_dma source(%arg15 : memref<512x50xf32, #tpu.memory_space<vmem>>) target(%dma_start3A_47 : memref<512x50xf32, #tpu.memory_space<hbm>>) target_semaphore(%run_scoped3A : memref<!tpu.dma_semaphore, #tpu.memory_space<semaphore_mem>>)
      %dma_wait3A_48 = arith.constant 0 : i32
      %dma_wait3A_49 = tpu.memref_slice %arg12[%mul3A_2, %dma_wait3A_48] : memref<16384x50xf32, #tpu.memory_space<hbm>> -> memref<512x50xf32, #tpu.memory_space<hbm>>
      %dma_wait3A_50 = arith.constant 0 : i32
      %dma_wait3A_51 = tpu.memref_slice %arg12[%mul3A_2, %dma_wait3A_50] : memref<16384x50xf32, #tpu.memory_space<hbm>> -> memref<512x50xf32, #tpu.memory_space<hbm>>
      tpu.wait_dma2 semaphore(%run_scoped3A : memref<!tpu.dma_semaphore, #tpu.memory_space<semaphore_mem>>) src(%arg15 : memref<512x50xf32, #tpu.memory_space<vmem>>) dst(%dma_wait3A_51 : memref<512x50xf32, #tpu.memory_space<hbm>>)
      tpu.yield
    }) : () -> ()
    "tpu.region"() ({
      %run_scoped3A = tpu.sem_alloc : memref<!tpu.dma_semaphore, #tpu.memory_space<semaphore_mem>>
      %dma_start3A = tpu.memref_slice %arg5[%mul3A_2] : memref<16384xi32, #tpu.memory_space<hbm>> -> memref<512xi32, #tpu.memory_space<hbm>>
      %dma_start3A_45 = tpu.memref_slice %arg5[%mul3A_2] : memref<16384xi32, #tpu.memory_space<hbm>> -> memref<512xi32, #tpu.memory_space<hbm>>
      tpu.enqueue_dma source(%dma_start3A_45 : memref<512xi32, #tpu.memory_space<hbm>>) target(%arg14 : memref<512xi32, #tpu.memory_space<vmem>>) target_semaphore(%run_scoped3A : memref<!tpu.dma_semaphore, #tpu.memory_space<semaphore_mem>>)
      %dma_wait3A_46 = tpu.memref_slice %arg5[%mul3A_2] : memref<16384xi32, #tpu.memory_space<hbm>> -> memref<512xi32, #tpu.memory_space<hbm>>
      %dma_wait3A_47 = tpu.memref_slice %arg5[%mul3A_2] : memref<16384xi32, #tpu.memory_space<hbm>> -> memref<512xi32, #tpu.memory_space<hbm>>
      tpu.wait_dma2 semaphore(%run_scoped3A : memref<!tpu.dma_semaphore, #tpu.memory_space<semaphore_mem>>) src(%dma_wait3A_47 : memref<512xi32, #tpu.memory_space<hbm>>) dst(%arg14 : memref<512xi32, #tpu.memory_space<vmem>>)
      tpu.yield
    }) : () -> ()
    %scan3A_34 = arith.constant 0 : i32
    %scan3A_35 = arith.constant 0 : i32
    %scan3A_36 = arith.constant 32 : i32
    %scan3A_37 = arith.addi %scan3A_35, %scan3A_36 : i32
    %scan3A_38 = arith.constant 1 : i32
    %scan3A_39 = scf.for %scan3A_45 = %scan3A_35 to %scan3A_37 step %scan3A_38 iter_args(%scan3A_46 = %scan3A_34) -> (i32)  : i32 {
      %mul3A_47 = arith.constant 16 : i32
      %mul3A_48 = arith.muli %scan3A_45, %mul3A_47 : i32
      %get3A = arith.index_cast %mul3A_48 : i32 to index
      %get3A_49 = tpu.vector_load %arg14[%get3A] {strides = array<i32>} : memref<512xi32, #tpu.memory_space<vmem>>, vector<16xi32>,
      %slice3A = vector.extract_strided_slice %get3A_49 {offsets = [0], sizes = [1], strides = [1]} : vector<16xi32> to vector<1xi32>
      %squeeze3A = vector.extract %slice3A[0] : i32 from vector<1xi32>
      %mul3A_50 = arith.constant 16 : i32
      %mul3A_51 = arith.muli %scan3A_45, %mul3A_50 : i32
      %add3A_52 = arith.constant 0 : i32
      %add3A_53 = arith.addi %mul3A_51, %add3A_52 : i32
      %dma_start3A = arith.constant 0 : i32
      %dma_start3A_54 = tpu.memref_slice %arg15[%add3A_53, %dma_start3A] : memref<512x50xf32, #tpu.memory_space<vmem>> -> memref<1x50xf32, #tpu.memory_space<vmem>>
      %dma_start3A_55 = arith.constant 0 : i32
      %dma_start3A_56 = tpu.memref_slice %arg9[%squeeze3A, %dma_start3A_55] : memref<100000x50xf32, #tpu.memory_space<hbm>> -> memref<1x50xf32, #tpu.memory_space<hbm>>
      %dma_start3A_57 = arith.constant 0 : i32
      %dma_start3A_58 = tpu.memref_slice %arg15[%add3A_53, %dma_start3A_57] : memref<512x50xf32, #tpu.memory_space<vmem>> -> memref<1x50xf32, #tpu.memory_space<vmem>>
      %dma_start3A_59 = arith.constant 0 : i32
      %dma_start3A_60 = tpu.memref_slice %arg9[%squeeze3A, %dma_start3A_59] : memref<100000x50xf32, #tpu.memory_space<hbm>> -> memref<1x50xf32, #tpu.memory_space<hbm>>
      tpu.enqueue_dma source(%dma_start3A_60 : memref<1x50xf32, #tpu.memory_space<hbm>>) target(%dma_start3A_58 : memref<1x50xf32, #tpu.memory_space<vmem>>) target_semaphore(%arg16 : memref<!tpu.dma_semaphore, #tpu.memory_space<semaphore_mem>>)
      %slice3A_61 = vector.extract_strided_slice %get3A_49 {offsets = [1], sizes = [1], strides = [1]} : vector<16xi32> to vector<1xi32>
      %squeeze3A_62 = vector.extract %slice3A_61[0] : i32 from vector<1xi32>
      %mul3A_63 = arith.constant 16 : i32
      %mul3A_64 = arith.muli %scan3A_45, %mul3A_63 : i32
      %add3A_65 = arith.constant 1 : i32
      %add3A_66 = arith.addi %mul3A_64, %add3A_65 : i32
      %dma_start3A_67 = arith.constant 0 : i32
      %dma_start3A_68 = tpu.memref_slice %arg15[%add3A_66, %dma_start3A_67] : memref<512x50xf32, #tpu.memory_space<vmem>> -> memref<1x50xf32, #tpu.memory_space<vmem>>
      %dma_start3A_69 = arith.constant 0 : i32
      %dma_start3A_70 = tpu.memref_slice %arg9[%squeeze3A_62, %dma_start3A_69] : memref<100000x50xf32, #tpu.memory_space<hbm>> -> memref<1x50xf32, #tpu.memory_space<hbm>>
      %dma_start3A_71 = arith.constant 0 : i32
      %dma_start3A_72 = tpu.memref_slice %arg15[%add3A_66, %dma_start3A_71] : memref<512x50xf32, #tpu.memory_space<vmem>> -> memref<1x50xf32, #tpu.memory_space<vmem>>
      %dma_start3A_73 = arith.constant 0 : i32
      %dma_start3A_74 = tpu.memref_slice %arg9[%squeeze3A_62, %dma_start3A_73] : memref<100000x50xf32, #tpu.memory_space<hbm>> -> memref<1x50xf32, #tpu.memory_space<hbm>>
      tpu.enqueue_dma source(%dma_start3A_74 : memref<1x50xf32, #tpu.memory_space<hbm>>) target(%dma_start3A_72 : memref<1x50xf32, #tpu.memory_space<vmem>>) target_semaphore(%arg16 : memref<!tpu.dma_semaphore, #tpu.memory_space<semaphore_mem>>)
      %slice3A_75 = vector.extract_strided_slice %get3A_49 {offsets = [2], sizes = [1], strides = [1]} : vector<16xi32> to vector<1xi32>
      %squeeze3A_76 = vector.extract %slice3A_75[0] : i32 from vector<1xi32>
      %mul3A_77 = arith.constant 16 : i32
      %mul3A_78 = arith.muli %scan3A_45, %mul3A_77 : i32
      %add3A_79 = arith.constant 2 : i32
      %add3A_80 = arith.addi %mul3A_78, %add3A_79 : i32
      %dma_start3A_81 = arith.constant 0 : i32
      %dma_start3A_82 = tpu.memref_slice %arg15[%add3A_80, %dma_start3A_81] : memref<512x50xf32, #tpu.memory_space<vmem>> -> memref<1x50xf32, #tpu.memory_space<vmem>>
      %dma_start3A_83 = arith.constant 0 : i32
      %dma_start3A_84 = tpu.memref_slice %arg9[%squeeze3A_76, %dma_start3A_83] : memref<100000x50xf32, #tpu.memory_space<hbm>> -> memref<1x50xf32, #tpu.memory_space<hbm>>
      %dma_start3A_85 = arith.constant 0 : i32
      %dma_start3A_86 = tpu.memref_slice %arg15[%add3A_80, %dma_start3A_85] : memref<512x50xf32, #tpu.memory_space<vmem>> -> memref<1x50xf32, #tpu.memory_space<vmem>>
      %dma_start3A_87 = arith.constant 0 : i32
      %dma_start3A_88 = tpu.memref_slice %arg9[%squeeze3A_76, %dma_start3A_87] : memref<100000x50xf32, #tpu.memory_space<hbm>> -> memref<1x50xf32, #tpu.memory_space<hbm>>
      tpu.enqueue_dma source(%dma_start3A_88 : memref<1x50xf32, #tpu.memory_space<hbm>>) target(%dma_start3A_86 : memref<1x50xf32, #tpu.memory_space<vmem>>) target_semaphore(%arg16 : memref<!tpu.dma_semaphore, #tpu.memory_space<semaphore_mem>>)
      %slice3A_89 = vector.extract_strided_slice %get3A_49 {offsets = [3], sizes = [1], strides = [1]} : vector<16xi32> to vector<1xi32>
      %squeeze3A_90 = vector.extract %slice3A_89[0] : i32 from vector<1xi32>
      %mul3A_91 = arith.constant 16 : i32
      %mul3A_92 = arith.muli %scan3A_45, %mul3A_91 : i32
      %add3A_93 = arith.constant 3 : i32
      %add3A_94 = arith.addi %mul3A_92, %add3A_93 : i32
      %dma_start3A_95 = arith.constant 0 : i32
      %dma_start3A_96 = tpu.memref_slice %arg15[%add3A_94, %dma_start3A_95] : memref<512x50xf32, #tpu.memory_space<vmem>> -> memref<1x50xf32, #tpu.memory_space<vmem>>
      %dma_start3A_97 = arith.constant 0 : i32
      %dma_start3A_98 = tpu.memref_slice %arg9[%squeeze3A_90, %dma_start3A_97] : memref<100000x50xf32, #tpu.memory_space<hbm>> -> memref<1x50xf32, #tpu.memory_space<hbm>>
      %dma_start3A_99 = arith.constant 0 : i32
      %dma_start3A_100 = tpu.memref_slice %arg15[%add3A_94, %dma_start3A_99] : memref<512x50xf32, #tpu.memory_space<vmem>> -> memref<1x50xf32, #tpu.memory_space<vmem>>
      %dma_start3A_101 = arith.constant 0 : i32
      %dma_start3A_102 = tpu.memref_slice %arg9[%squeeze3A_90, %dma_start3A_101] : memref<100000x50xf32, #tpu.memory_space<hbm>> -> memref<1x50xf32, #tpu.memory_space<hbm>>
      tpu.enqueue_dma source(%dma_start3A_102 : memref<1x50xf32, #tpu.memory_space<hbm>>) target(%dma_start3A_100 : memref<1x50xf32, #tpu.memory_space<vmem>>) target_semaphore(%arg16 : memref<!tpu.dma_semaphore, #tpu.memory_space<semaphore_mem>>)
      %slice3A_103 = vector.extract_strided_slice %get3A_49 {offsets = [4], sizes = [1], strides = [1]} : vector<16xi32> to vector<1xi32>
      %squeeze3A_104 = vector.extract %slice3A_103[0] : i32 from vector<1xi32>
      %mul3A_105 = arith.constant 16 : i32
      %mul3A_106 = arith.muli %scan3A_45, %mul3A_105 : i32
      %add3A_107 = arith.constant 4 : i32
      %add3A_108 = arith.addi %mul3A_106, %add3A_107 : i32
      %dma_start3A_109 = arith.constant 0 : i32
      %dma_start3A_110 = tpu.memref_slice %arg15[%add3A_108, %dma_start3A_109] : memref<512x50xf32, #tpu.memory_space<vmem>> -> memref<1x50xf32, #tpu.memory_space<vmem>>
      %dma_start3A_111 = arith.constant 0 : i32
      %dma_start3A_112 = tpu.memref_slice %arg9[%squeeze3A_104, %dma_start3A_111] : memref<100000x50xf32, #tpu.memory_space<hbm>> -> memref<1x50xf32, #tpu.memory_space<hbm>>
      %dma_start3A_113 = arith.constant 0 : i32
      %dma_start3A_114 = tpu.memref_slice %arg15[%add3A_108, %dma_start3A_113] : memref<512x50xf32, #tpu.memory_space<vmem>> -> memref<1x50xf32, #tpu.memory_space<vmem>>
      %dma_start3A_115 = arith.constant 0 : i32
      %dma_start3A_116 = tpu.memref_slice %arg9[%squeeze3A_104, %dma_start3A_115] : memref<100000x50xf32, #tpu.memory_space<hbm>> -> memref<1x50xf32, #tpu.memory_space<hbm>>
      tpu.enqueue_dma source(%dma_start3A_116 : memref<1x50xf32, #tpu.memory_space<hbm>>) target(%dma_start3A_114 : memref<1x50xf32, #tpu.memory_space<vmem>>) target_semaphore(%arg16 : memref<!tpu.dma_semaphore, #tpu.memory_space<semaphore_mem>>)
      %slice3A_117 = vector.extract_strided_slice %get3A_49 {offsets = [5], sizes = [1], strides = [1]} : vector<16xi32> to vector<1xi32>
      %squeeze3A_118 = vector.extract %slice3A_117[0] : i32 from vector<1xi32>
      %mul3A_119 = arith.constant 16 : i32
      %mul3A_120 = arith.muli %scan3A_45, %mul3A_119 : i32
      %add3A_121 = arith.constant 5 : i32
      %add3A_122 = arith.addi %mul3A_120, %add3A_121 : i32
      %dma_start3A_123 = arith.constant 0 : i32
      %dma_start3A_124 = tpu.memref_slice %arg15[%add3A_122, %dma_start3A_123] : memref<512x50xf32, #tpu.memory_space<vmem>> -> memref<1x50xf32, #tpu.memory_space<vmem>>
      %dma_start3A_125 = arith.constant 0 : i32
      %dma_start3A_126 = tpu.memref_slice %arg9[%squeeze3A_118, %dma_start3A_125] : memref<100000x50xf32, #tpu.memory_space<hbm>> -> memref<1x50xf32, #tpu.memory_space<hbm>>
      %dma_start3A_127 = arith.constant 0 : i32
      %dma_start3A_128 = tpu.memref_slice %arg15[%add3A_122, %dma_start3A_127] : memref<512x50xf32, #tpu.memory_space<vmem>> -> memref<1x50xf32, #tpu.memory_space<vmem>>
      %dma_start3A_129 = arith.constant 0 : i32
      %dma_start3A_130 = tpu.memref_slice %arg9[%squeeze3A_118, %dma_start3A_129] : memref<100000x50xf32, #tpu.memory_space<hbm>> -> memref<1x50xf32, #tpu.memory_space<hbm>>
      tpu.enqueue_dma source(%dma_start3A_130 : memref<1x50xf32, #tpu.memory_space<hbm>>) target(%dma_start3A_128 : memref<1x50xf32, #tpu.memory_space<vmem>>) target_semaphore(%arg16 : memref<!tpu.dma_semaphore, #tpu.memory_space<semaphore_mem>>)
      %slice3A_131 = vector.extract_strided_slice %get3A_49 {offsets = [6], sizes = [1], strides = [1]} : vector<16xi32> to vector<1xi32>
      %squeeze3A_132 = vector.extract %slice3A_131[0] : i32 from vector<1xi32>
      %mul3A_133 = arith.constant 16 : i32
      %mul3A_134 = arith.muli %scan3A_45, %mul3A_133 : i32
      %add3A_135 = arith.constant 6 : i32
      %add3A_136 = arith.addi %mul3A_134, %add3A_135 : i32
      %dma_start3A_137 = arith.constant 0 : i32
      %dma_start3A_138 = tpu.memref_slice %arg15[%add3A_136, %dma_start3A_137] : memref<512x50xf32, #tpu.memory_space<vmem>> -> memref<1x50xf32, #tpu.memory_space<vmem>>
      %dma_start3A_139 = arith.constant 0 : i32
      %dma_start3A_140 = tpu.memref_slice %arg9[%squeeze3A_132, %dma_start3A_139] : memref<100000x50xf32, #tpu.memory_space<hbm>> -> memref<1x50xf32, #tpu.memory_space<hbm>>
      %dma_start3A_141 = arith.constant 0 : i32
      %dma_start3A_142 = tpu.memref_slice %arg15[%add3A_136, %dma_start3A_141] : memref<512x50xf32, #tpu.memory_space<vmem>> -> memref<1x50xf32, #tpu.memory_space<vmem>>
      %dma_start3A_143 = arith.constant 0 : i32
      %dma_start3A_144 = tpu.memref_slice %arg9[%squeeze3A_132, %dma_start3A_143] : memref<100000x50xf32, #tpu.memory_space<hbm>> -> memref<1x50xf32, #tpu.memory_space<hbm>>
      tpu.enqueue_dma source(%dma_start3A_144 : memref<1x50xf32, #tpu.memory_space<hbm>>) target(%dma_start3A_142 : memref<1x50xf32, #tpu.memory_space<vmem>>) target_semaphore(%arg16 : memref<!tpu.dma_semaphore, #tpu.memory_space<semaphore_mem>>)
      %slice3A_145 = vector.extract_strided_slice %get3A_49 {offsets = [7], sizes = [1], strides = [1]} : vector<16xi32> to vector<1xi32>
      %squeeze3A_146 = vector.extract %slice3A_145[0] : i32 from vector<1xi32>
      %mul3A_147 = arith.constant 16 : i32
      %mul3A_148 = arith.muli %scan3A_45, %mul3A_147 : i32
      %add3A_149 = arith.constant 7 : i32
      %add3A_150 = arith.addi %mul3A_148, %add3A_149 : i32
      %dma_start3A_151 = arith.constant 0 : i32
      %dma_start3A_152 = tpu.memref_slice %arg15[%add3A_150, %dma_start3A_151] : memref<512x50xf32, #tpu.memory_space<vmem>> -> memref<1x50xf32, #tpu.memory_space<vmem>>
      %dma_start3A_153 = arith.constant 0 : i32
      %dma_start3A_154 = tpu.memref_slice %arg9[%squeeze3A_146, %dma_start3A_153] : memref<100000x50xf32, #tpu.memory_space<hbm>> -> memref<1x50xf32, #tpu.memory_space<hbm>>
      %dma_start3A_155 = arith.constant 0 : i32
      %dma_start3A_156 = tpu.memref_slice %arg15[%add3A_150, %dma_start3A_155] : memref<512x50xf32, #tpu.memory_space<vmem>> -> memref<1x50xf32, #tpu.memory_space<vmem>>
      %dma_start3A_157 = arith.constant 0 : i32
      %dma_start3A_158 = tpu.memref_slice %arg9[%squeeze3A_146, %dma_start3A_157] : memref<100000x50xf32, #tpu.memory_space<hbm>> -> memref<1x50xf32, #tpu.memory_space<hbm>>
      tpu.enqueue_dma source(%dma_start3A_158 : memref<1x50xf32, #tpu.memory_space<hbm>>) target(%dma_start3A_156 : memref<1x50xf32, #tpu.memory_space<vmem>>) target_semaphore(%arg16 : memref<!tpu.dma_semaphore, #tpu.memory_space<semaphore_mem>>)
      %slice3A_159 = vector.extract_strided_slice %get3A_49 {offsets = [8], sizes = [1], strides = [1]} : vector<16xi32> to vector<1xi32>
      %squeeze3A_160 = vector.extract %slice3A_159[0] : i32 from vector<1xi32>
      %mul3A_161 = arith.constant 16 : i32
      %mul3A_162 = arith.muli %scan3A_45, %mul3A_161 : i32
      %add3A_163 = arith.constant 8 : i32
      %add3A_164 = arith.addi %mul3A_162, %add3A_163 : i32
      %dma_start3A_165 = arith.constant 0 : i32
      %dma_start3A_166 = tpu.memref_slice %arg15[%add3A_164, %dma_start3A_165] : memref<512x50xf32, #tpu.memory_space<vmem>> -> memref<1x50xf32, #tpu.memory_space<vmem>>
      %dma_start3A_167 = arith.constant 0 : i32
      %dma_start3A_168 = tpu.memref_slice %arg9[%squeeze3A_160, %dma_start3A_167] : memref<100000x50xf32, #tpu.memory_space<hbm>> -> memref<1x50xf32, #tpu.memory_space<hbm>>
      %dma_start3A_169 = arith.constant 0 : i32
      %dma_start3A_170 = tpu.memref_slice %arg15[%add3A_164, %dma_start3A_169] : memref<512x50xf32, #tpu.memory_space<vmem>> -> memref<1x50xf32, #tpu.memory_space<vmem>>
      %dma_start3A_171 = arith.constant 0 : i32
      %dma_start3A_172 = tpu.memref_slice %arg9[%squeeze3A_160, %dma_start3A_171] : memref<100000x50xf32, #tpu.memory_space<hbm>> -> memref<1x50xf32, #tpu.memory_space<hbm>>
      tpu.enqueue_dma source(%dma_start3A_172 : memref<1x50xf32, #tpu.memory_space<hbm>>) target(%dma_start3A_170 : memref<1x50xf32, #tpu.memory_space<vmem>>) target_semaphore(%arg16 : memref<!tpu.dma_semaphore, #tpu.memory_space<semaphore_mem>>)
      %slice3A_173 = vector.extract_strided_slice %get3A_49 {offsets = [9], sizes = [1], strides = [1]} : vector<16xi32> to vector<1xi32>
      %squeeze3A_174 = vector.extract %slice3A_173[0] : i32 from vector<1xi32>
      %mul3A_175 = arith.constant 16 : i32
      %mul3A_176 = arith.muli %scan3A_45, %mul3A_175 : i32
      %add3A_177 = arith.constant 9 : i32
      %add3A_178 = arith.addi %mul3A_176, %add3A_177 : i32
      %dma_start3A_179 = arith.constant 0 : i32
      %dma_start3A_180 = tpu.memref_slice %arg15[%add3A_178, %dma_start3A_179] : memref<512x50xf32, #tpu.memory_space<vmem>> -> memref<1x50xf32, #tpu.memory_space<vmem>>
      %dma_start3A_181 = arith.constant 0 : i32
      %dma_start3A_182 = tpu.memref_slice %arg9[%squeeze3A_174, %dma_start3A_181] : memref<100000x50xf32, #tpu.memory_space<hbm>> -> memref<1x50xf32, #tpu.memory_space<hbm>>
      %dma_start3A_183 = arith.constant 0 : i32
      %dma_start3A_184 = tpu.memref_slice %arg15[%add3A_178, %dma_start3A_183] : memref<512x50xf32, #tpu.memory_space<vmem>> -> memref<1x50xf32, #tpu.memory_space<vmem>>
      %dma_start3A_185 = arith.constant 0 : i32
      %dma_start3A_186 = tpu.memref_slice %arg9[%squeeze3A_174, %dma_start3A_185] : memref<100000x50xf32, #tpu.memory_space<hbm>> -> memref<1x50xf32, #tpu.memory_space<hbm>>
      tpu.enqueue_dma source(%dma_start3A_186 : memref<1x50xf32, #tpu.memory_space<hbm>>) target(%dma_start3A_184 : memref<1x50xf32, #tpu.memory_space<vmem>>) target_semaphore(%arg16 : memref<!tpu.dma_semaphore, #tpu.memory_space<semaphore_mem>>)
      %slice3A_187 = vector.extract_strided_slice %get3A_49 {offsets = [10], sizes = [1], strides = [1]} : vector<16xi32> to vector<1xi32>
      %squeeze3A_188 = vector.extract %slice3A_187[0] : i32 from vector<1xi32>
      %mul3A_189 = arith.constant 16 : i32
      %mul3A_190 = arith.muli %scan3A_45, %mul3A_189 : i32
      %add3A_191 = arith.constant 10 : i32
      %add3A_192 = arith.addi %mul3A_190, %add3A_191 : i32
      %dma_start3A_193 = arith.constant 0 : i32
      %dma_start3A_194 = tpu.memref_slice %arg15[%add3A_192, %dma_start3A_193] : memref<512x50xf32, #tpu.memory_space<vmem>> -> memref<1x50xf32, #tpu.memory_space<vmem>>
      %dma_start3A_195 = arith.constant 0 : i32
      %dma_start3A_196 = tpu.memref_slice %arg9[%squeeze3A_188, %dma_start3A_195] : memref<100000x50xf32, #tpu.memory_space<hbm>> -> memref<1x50xf32, #tpu.memory_space<hbm>>
      %dma_start3A_197 = arith.constant 0 : i32
      %dma_start3A_198 = tpu.memref_slice %arg15[%add3A_192, %dma_start3A_197] : memref<512x50xf32, #tpu.memory_space<vmem>> -> memref<1x50xf32, #tpu.memory_space<vmem>>
      %dma_start3A_199 = arith.constant 0 : i32
      %dma_start3A_200 = tpu.memref_slice %arg9[%squeeze3A_188, %dma_start3A_199] : memref<100000x50xf32, #tpu.memory_space<hbm>> -> memref<1x50xf32, #tpu.memory_space<hbm>>
      tpu.enqueue_dma source(%dma_start3A_200 : memref<1x50xf32, #tpu.memory_space<hbm>>) target(%dma_start3A_198 : memref<1x50xf32, #tpu.memory_space<vmem>>) target_semaphore(%arg16 : memref<!tpu.dma_semaphore, #tpu.memory_space<semaphore_mem>>)
      %slice3A_201 = vector.extract_strided_slice %get3A_49 {offsets = [11], sizes = [1], strides = [1]} : vector<16xi32> to vector<1xi32>
      %squeeze3A_202 = vector.extract %slice3A_201[0] : i32 from vector<1xi32>
      %mul3A_203 = arith.constant 16 : i32
      %mul3A_204 = arith.muli %scan3A_45, %mul3A_203 : i32
      %add3A_205 = arith.constant 11 : i32
      %add3A_206 = arith.addi %mul3A_204, %add3A_205 : i32
      %dma_start3A_207 = arith.constant 0 : i32
      %dma_start3A_208 = tpu.memref_slice %arg15[%add3A_206, %dma_start3A_207] : memref<512x50xf32, #tpu.memory_space<vmem>> -> memref<1x50xf32, #tpu.memory_space<vmem>>
      %dma_start3A_209 = arith.constant 0 : i32
      %dma_start3A_210 = tpu.memref_slice %arg9[%squeeze3A_202, %dma_start3A_209] : memref<100000x50xf32, #tpu.memory_space<hbm>> -> memref<1x50xf32, #tpu.memory_space<hbm>>
      %dma_start3A_211 = arith.constant 0 : i32
      %dma_start3A_212 = tpu.memref_slice %arg15[%add3A_206, %dma_start3A_211] : memref<512x50xf32, #tpu.memory_space<vmem>> -> memref<1x50xf32, #tpu.memory_space<vmem>>
      %dma_start3A_213 = arith.constant 0 : i32
      %dma_start3A_214 = tpu.memref_slice %arg9[%squeeze3A_202, %dma_start3A_213] : memref<100000x50xf32, #tpu.memory_space<hbm>> -> memref<1x50xf32, #tpu.memory_space<hbm>>
      tpu.enqueue_dma source(%dma_start3A_214 : memref<1x50xf32, #tpu.memory_space<hbm>>) target(%dma_start3A_212 : memref<1x50xf32, #tpu.memory_space<vmem>>) target_semaphore(%arg16 : memref<!tpu.dma_semaphore, #tpu.memory_space<semaphore_mem>>)
      %slice3A_215 = vector.extract_strided_slice %get3A_49 {offsets = [12], sizes = [1], strides = [1]} : vector<16xi32> to vector<1xi32>
      %squeeze3A_216 = vector.extract %slice3A_215[0] : i32 from vector<1xi32>
      %mul3A_217 = arith.constant 16 : i32
      %mul3A_218 = arith.muli %scan3A_45, %mul3A_217 : i32
      %add3A_219 = arith.constant 12 : i32
      %add3A_220 = arith.addi %mul3A_218, %add3A_219 : i32
      %dma_start3A_221 = arith.constant 0 : i32
      %dma_start3A_222 = tpu.memref_slice %arg15[%add3A_220, %dma_start3A_221] : memref<512x50xf32, #tpu.memory_space<vmem>> -> memref<1x50xf32, #tpu.memory_space<vmem>>
      %dma_start3A_223 = arith.constant 0 : i32
      %dma_start3A_224 = tpu.memref_slice %arg9[%squeeze3A_216, %dma_start3A_223] : memref<100000x50xf32, #tpu.memory_space<hbm>> -> memref<1x50xf32, #tpu.memory_space<hbm>>
      %dma_start3A_225 = arith.constant 0 : i32
      %dma_start3A_226 = tpu.memref_slice %arg15[%add3A_220, %dma_start3A_225] : memref<512x50xf32, #tpu.memory_space<vmem>> -> memref<1x50xf32, #tpu.memory_space<vmem>>
      %dma_start3A_227 = arith.constant 0 : i32
      %dma_start3A_228 = tpu.memref_slice %arg9[%squeeze3A_216, %dma_start3A_227] : memref<100000x50xf32, #tpu.memory_space<hbm>> -> memref<1x50xf32, #tpu.memory_space<hbm>>
      tpu.enqueue_dma source(%dma_start3A_228 : memref<1x50xf32, #tpu.memory_space<hbm>>) target(%dma_start3A_226 : memref<1x50xf32, #tpu.memory_space<vmem>>) target_semaphore(%arg16 : memref<!tpu.dma_semaphore, #tpu.memory_space<semaphore_mem>>)
      %slice3A_229 = vector.extract_strided_slice %get3A_49 {offsets = [13], sizes = [1], strides = [1]} : vector<16xi32> to vector<1xi32>
      %squeeze3A_230 = vector.extract %slice3A_229[0] : i32 from vector<1xi32>
      %mul3A_231 = arith.constant 16 : i32
      %mul3A_232 = arith.muli %scan3A_45, %mul3A_231 : i32
      %add3A_233 = arith.constant 13 : i32
      %add3A_234 = arith.addi %mul3A_232, %add3A_233 : i32
      %dma_start3A_235 = arith.constant 0 : i32
      %dma_start3A_236 = tpu.memref_slice %arg15[%add3A_234, %dma_start3A_235] : memref<512x50xf32, #tpu.memory_space<vmem>> -> memref<1x50xf32, #tpu.memory_space<vmem>>
      %dma_start3A_237 = arith.constant 0 : i32
      %dma_start3A_238 = tpu.memref_slice %arg9[%squeeze3A_230, %dma_start3A_237] : memref<100000x50xf32, #tpu.memory_space<hbm>> -> memref<1x50xf32, #tpu.memory_space<hbm>>
      %dma_start3A_239 = arith.constant 0 : i32
      %dma_start3A_240 = tpu.memref_slice %arg15[%add3A_234, %dma_start3A_239] : memref<512x50xf32, #tpu.memory_space<vmem>> -> memref<1x50xf32, #tpu.memory_space<vmem>>
      %dma_start3A_241 = arith.constant 0 : i32
      %dma_start3A_242 = tpu.memref_slice %arg9[%squeeze3A_230, %dma_start3A_241] : memref<100000x50xf32, #tpu.memory_space<hbm>> -> memref<1x50xf32, #tpu.memory_space<hbm>>
      tpu.enqueue_dma source(%dma_start3A_242 : memref<1x50xf32, #tpu.memory_space<hbm>>) target(%dma_start3A_240 : memref<1x50xf32, #tpu.memory_space<vmem>>) target_semaphore(%arg16 : memref<!tpu.dma_semaphore, #tpu.memory_space<semaphore_mem>>)
      %slice3A_243 = vector.extract_strided_slice %get3A_49 {offsets = [14], sizes = [1], strides = [1]} : vector<16xi32> to vector<1xi32>
      %squeeze3A_244 = vector.extract %slice3A_243[0] : i32 from vector<1xi32>
      %mul3A_245 = arith.constant 16 : i32
      %mul3A_246 = arith.muli %scan3A_45, %mul3A_245 : i32
      %add3A_247 = arith.constant 14 : i32
      %add3A_248 = arith.addi %mul3A_246, %add3A_247 : i32
      %dma_start3A_249 = arith.constant 0 : i32
      %dma_start3A_250 = tpu.memref_slice %arg15[%add3A_248, %dma_start3A_249] : memref<512x50xf32, #tpu.memory_space<vmem>> -> memref<1x50xf32, #tpu.memory_space<vmem>>
      %dma_start3A_251 = arith.constant 0 : i32
      %dma_start3A_252 = tpu.memref_slice %arg9[%squeeze3A_244, %dma_start3A_251] : memref<100000x50xf32, #tpu.memory_space<hbm>> -> memref<1x50xf32, #tpu.memory_space<hbm>>
      %dma_start3A_253 = arith.constant 0 : i32
      %dma_start3A_254 = tpu.memref_slice %arg15[%add3A_248, %dma_start3A_253] : memref<512x50xf32, #tpu.memory_space<vmem>> -> memref<1x50xf32, #tpu.memory_space<vmem>>
      %dma_start3A_255 = arith.constant 0 : i32
      %dma_start3A_256 = tpu.memref_slice %arg9[%squeeze3A_244, %dma_start3A_255] : memref<100000x50xf32, #tpu.memory_space<hbm>> -> memref<1x50xf32, #tpu.memory_space<hbm>>
      tpu.enqueue_dma source(%dma_start3A_256 : memref<1x50xf32, #tpu.memory_space<hbm>>) target(%dma_start3A_254 : memref<1x50xf32, #tpu.memory_space<vmem>>) target_semaphore(%arg16 : memref<!tpu.dma_semaphore, #tpu.memory_space<semaphore_mem>>)
      %slice3A_257 = vector.extract_strided_slice %get3A_49 {offsets = [15], sizes = [1], strides = [1]} : vector<16xi32> to vector<1xi32>
      %squeeze3A_258 = vector.extract %slice3A_257[0] : i32 from vector<1xi32>
      %mul3A_259 = arith.constant 16 : i32
      %mul3A_260 = arith.muli %scan3A_45, %mul3A_259 : i32
      %add3A_261 = arith.constant 15 : i32
      %add3A_262 = arith.addi %mul3A_260, %add3A_261 : i32
      %dma_start3A_263 = arith.constant 0 : i32
      %dma_start3A_264 = tpu.memref_slice %arg15[%add3A_262, %dma_start3A_263] : memref<512x50xf32, #tpu.memory_space<vmem>> -> memref<1x50xf32, #tpu.memory_space<vmem>>
      %dma_start3A_265 = arith.constant 0 : i32
      %dma_start3A_266 = tpu.memref_slice %arg9[%squeeze3A_258, %dma_start3A_265] : memref<100000x50xf32, #tpu.memory_space<hbm>> -> memref<1x50xf32, #tpu.memory_space<hbm>>
      %dma_start3A_267 = arith.constant 0 : i32
      %dma_start3A_268 = tpu.memref_slice %arg15[%add3A_262, %dma_start3A_267] : memref<512x50xf32, #tpu.memory_space<vmem>> -> memref<1x50xf32, #tpu.memory_space<vmem>>
      %dma_start3A_269 = arith.constant 0 : i32
      %dma_start3A_270 = tpu.memref_slice %arg9[%squeeze3A_258, %dma_start3A_269] : memref<100000x50xf32, #tpu.memory_space<hbm>> -> memref<1x50xf32, #tpu.memory_space<hbm>>
      tpu.enqueue_dma source(%dma_start3A_270 : memref<1x50xf32, #tpu.memory_space<hbm>>) target(%dma_start3A_268 : memref<1x50xf32, #tpu.memory_space<vmem>>) target_semaphore(%arg16 : memref<!tpu.dma_semaphore, #tpu.memory_space<semaphore_mem>>)
      %scan3A_271 = arith.constant 0 : i32
      scf.yield %scan3A_271 : i32
    }
    %scan3A_40 = arith.constant 32 : i32
    %dma_wait3A_41 = arith.constant 0 : i32
    %dma_wait3A_42 = tpu.memref_slice %arg13[%mul3A_2, %dma_wait3A_41] : memref<16384x50xf32, #tpu.memory_space<hbm>> -> memref<512x50xf32, #tpu.memory_space<hbm>>
    %dma_wait3A_43 = arith.constant 0 : i32
    %dma_wait3A_44 = tpu.memref_slice %arg13[%mul3A_2, %dma_wait3A_43] : memref<16384x50xf32, #tpu.memory_space<hbm>> -> memref<512x50xf32, #tpu.memory_space<hbm>>
    tpu.wait_dma2 semaphore(%arg16 : memref<!tpu.dma_semaphore, #tpu.memory_space<semaphore_mem>>) src(%dma_wait3A_44 : memref<512x50xf32, #tpu.memory_space<hbm>>) dst(%arg15 : memref<512x50xf32, #tpu.memory_space<vmem>>)
    "tpu.region"() ({
      %run_scoped3A = tpu.sem_alloc : memref<!tpu.dma_semaphore, #tpu.memory_space<semaphore_mem>>
      %dma_start3A = arith.constant 0 : i32
      %dma_start3A_45 = tpu.memref_slice %arg13[%mul3A_2, %dma_start3A] : memref<16384x50xf32, #tpu.memory_space<hbm>> -> memref<512x50xf32, #tpu.memory_space<hbm>>
      %dma_start3A_46 = arith.constant 0 : i32
      %dma_start3A_47 = tpu.memref_slice %arg13[%mul3A_2, %dma_start3A_46] : memref<16384x50xf32, #tpu.memory_space<hbm>> -> memref<512x50xf32, #tpu.memory_space<hbm>>
      tpu.enqueue_dma source(%arg15 : memref<512x50xf32, #tpu.memory_space<vmem>>) target(%dma_start3A_47 : memref<512x50xf32, #tpu.memory_space<hbm>>) target_semaphore(%run_scoped3A : memref<!tpu.dma_semaphore, #tpu.memory_space<semaphore_mem>>)
      %dma_wait3A_48 = arith.constant 0 : i32
      %dma_wait3A_49 = tpu.memref_slice %arg13[%mul3A_2, %dma_wait3A_48] : memref<16384x50xf32, #tpu.memory_space<hbm>> -> memref<512x50xf32, #tpu.memory_space<hbm>>
      %dma_wait3A_50 = arith.constant 0 : i32
      %dma_wait3A_51 = tpu.memref_slice %arg13[%mul3A_2, %dma_wait3A_50] : memref<16384x50xf32, #tpu.memory_space<hbm>> -> memref<512x50xf32, #tpu.memory_space<hbm>>
      tpu.wait_dma2 semaphore(%run_scoped3A : memref<!tpu.dma_semaphore, #tpu.memory_space<semaphore_mem>>) src(%arg15 : memref<512x50xf32, #tpu.memory_space<vmem>>) dst(%dma_wait3A_51 : memref<512x50xf32, #tpu.memory_space<hbm>>)
      tpu.yield
    }) : () -> ()
    return
  }
}

#map = affine_map<(d0, d1) -> (0)>
#map1 = affine_map<(d0, d1) -> (0, 0)>
module attributes {stable_mosaic.version = 14 : i64} {
  func.func @_sc_user_body(%arg0: i32, %arg1: i32, %arg2: memref<16384xi32, #tpu.memory_space<hbm>>, %arg3: memref<50x1000000xf32, #tpu.memory_space<hbm>>, %arg4: memref<1048576xf32, #tpu.memory_space<hbm>>, %arg5: memref<512xi32, #tpu.memory_space<vmem>>, %arg6: memref<32768xf32, #tpu.memory_space<vmem>>, %arg7: memref<50x128xf32, #tpu.memory_space<vmem>>, %arg8: memref<50x128xf32, #tpu.memory_space<vmem>>, %arg9: memref<50x128xf32, #tpu.memory_space<vmem>>, %arg10: memref<50x128xf32, #tpu.memory_space<vmem>>, %arg11: memref<50x128xf32, #tpu.memory_space<vmem>>, %arg12: memref<50x128xf32, #tpu.memory_space<vmem>>, %arg13: memref<50x128xf32, #tpu.memory_space<vmem>>, %arg14: memref<50x128xf32, #tpu.memory_space<vmem>>, %arg15: memref<!tpu.dma_semaphore, #tpu.memory_space<semaphore_mem>>, %arg16: memref<!tpu.dma_semaphore, #tpu.memory_space<semaphore_mem>>, %arg17: memref<!tpu.dma_semaphore, #tpu.memory_space<semaphore_mem>>, %arg18: memref<!tpu.dma_semaphore, #tpu.memory_space<semaphore_mem>>, %arg19: memref<!tpu.dma_semaphore, #tpu.memory_space<semaphore_mem>>, %arg20: memref<!tpu.dma_semaphore, #tpu.memory_space<semaphore_mem>>, %arg21: memref<!tpu.dma_semaphore, #tpu.memory_space<semaphore_mem>>, %arg22: memref<!tpu.dma_semaphore, #tpu.memory_space<semaphore_mem>>) attributes {dimension_semantics = [#tpu.dimension_semantics<core_parallel>, #tpu.dimension_semantics<subcore_parallel>], iteration_bounds = array<i64: 2, 16>, scalar_prefetch = 0 : i64, scratch_operands = 18 : i64, tpu.core_type = #tpu.core_type<sc_vector_subcore>, window_params = [{transform_indices = #map}, {transform_indices = #map1}, {transform_indices = #map}]} {
    %iota3A = tpu.iota {dimensions = array<i32: 0>} : vector<16xi32>
    %add3A = arith.constant 0 : i32
    %add3A_0 = vector.broadcast %add3A : i32 to vector<16xi32>
    %add3A_1 = arith.addi %iota3A, %add3A_0 : vector<16xi32>
    %iota3A_2 = tpu.iota {dimensions = array<i32: 0>} : vector<16xi32>
    %add3A_3 = arith.constant 16 : i32
    %add3A_4 = vector.broadcast %add3A_3 : i32 to vector<16xi32>
    %add3A_5 = arith.addi %iota3A_2, %add3A_4 : vector<16xi32>
    %iota3A_6 = tpu.iota {dimensions = array<i32: 0>} : vector<16xi32>
    %add3A_7 = arith.constant 32 : i32
    %add3A_8 = vector.broadcast %add3A_7 : i32 to vector<16xi32>
    %add3A_9 = arith.addi %iota3A_6, %add3A_8 : vector<16xi32>
    %iota3A_10 = tpu.iota {dimensions = array<i32: 0>} : vector<16xi32>
    %add3A_11 = arith.constant 48 : i32
    %add3A_12 = vector.broadcast %add3A_11 : i32 to vector<16xi32>
    %add3A_13 = arith.addi %iota3A_10, %add3A_12 : vector<16xi32>
    %lt3A = arith.constant 50 : i32
    %lt3A_14 = vector.broadcast %lt3A : i32 to vector<16xi32>
    %lt3A_15 = arith.cmpi slt, %add3A_13, %lt3A_14 : vector<16xi32>
    %jit3A = arith.constant 0 : i32
    %broadcast_in_dim3A = vector.broadcast %jit3A : i32 to vector<16xi32>
    %select_n3A = arith.select %lt3A_15, %add3A_13, %broadcast_in_dim3A : vector<16xi1>, vector<16xi32>
    %mul3A = arith.constant 2 : i32
    %mul3A_16 = arith.muli %arg1, %mul3A : i32
    %add3A_17 = arith.addi %mul3A_16, %arg0 : i32
    %mul3A_18 = arith.constant 512 : i32
    %mul3A_19 = arith.muli %add3A_17, %mul3A_18 : i32
    "tpu.region"() ({
      %run_scoped3A = tpu.sem_alloc : memref<!tpu.dma_semaphore, #tpu.memory_space<semaphore_mem>>
      %dma_start3A_1137 = tpu.memref_slice %arg2[%mul3A_19] : memref<16384xi32, #tpu.memory_space<hbm>> -> memref<512xi32, #tpu.memory_space<hbm>>
      %dma_start3A_1138 = tpu.memref_slice %arg2[%mul3A_19] : memref<16384xi32, #tpu.memory_space<hbm>> -> memref<512xi32, #tpu.memory_space<hbm>>
      tpu.enqueue_dma source(%dma_start3A_1138 : memref<512xi32, #tpu.memory_space<hbm>>) target(%arg5 : memref<512xi32, #tpu.memory_space<vmem>>) target_semaphore(%run_scoped3A : memref<!tpu.dma_semaphore, #tpu.memory_space<semaphore_mem>>)
      %dma_wait3A_1139 = tpu.memref_slice %arg2[%mul3A_19] : memref<16384xi32, #tpu.memory_space<hbm>> -> memref<512xi32, #tpu.memory_space<hbm>>
      %dma_wait3A_1140 = tpu.memref_slice %arg2[%mul3A_19] : memref<16384xi32, #tpu.memory_space<hbm>> -> memref<512xi32, #tpu.memory_space<hbm>>
      tpu.wait_dma2 semaphore(%run_scoped3A : memref<!tpu.dma_semaphore, #tpu.memory_space<semaphore_mem>>) src(%dma_wait3A_1140 : memref<512xi32, #tpu.memory_space<hbm>>) dst(%arg5 : memref<512xi32, #tpu.memory_space<vmem>>)
      tpu.yield
    }) : () -> ()
    %get3A = arith.constant 0 : index
    %get3A_20 = tpu.vector_load %arg5[%get3A] {strides = array<i32>} : memref<512xi32, #tpu.memory_space<vmem>>, vector<16xi32>,
    %slice3A = vector.extract_strided_slice %get3A_20 {offsets = [0], sizes = [1], strides = [1]} : vector<16xi32> to vector<1xi32>
    %squeeze3A = vector.extract %slice3A[0] : i32 from vector<1xi32>
    %jit3A_21 = arith.constant 128 : i32
    %div3A = arith.divsi %squeeze3A, %jit3A_21 : i32
    %sign3A = arith.constant 0 : i32
    %sign3A_22 = arith.cmpi sgt, %squeeze3A, %sign3A : i32
    %sign3A_23 = arith.extui %sign3A_22 : i1 to i32
    %sign3A_24 = arith.constant 0 : i32
    %sign3A_25 = arith.cmpi slt, %squeeze3A, %sign3A_24 : i32
    %sign3A_26 = arith.extui %sign3A_25 : i1 to i32
    %sign3A_27 = arith.subi %sign3A_23, %sign3A_26 : i32
    %sign3A_28 = arith.constant 0 : i32
    %sign3A_29 = arith.cmpi sgt, %jit3A_21, %sign3A_28 : i32
    %sign3A_30 = arith.extui %sign3A_29 : i1 to i32
    %sign3A_31 = arith.constant 0 : i32
    %sign3A_32 = arith.cmpi slt, %jit3A_21, %sign3A_31 : i32
    %sign3A_33 = arith.extui %sign3A_32 : i1 to i32
    %sign3A_34 = arith.subi %sign3A_30, %sign3A_33 : i32
    %ne3A = arith.cmpi ne, %sign3A_27, %sign3A_34 : i32
    %rem3A = arith.remsi %squeeze3A, %jit3A_21 : i32
    %ne3A_35 = arith.constant 0 : i32
    %ne3A_36 = arith.cmpi ne, %rem3A, %ne3A_35 : i32
    %and3A = arith.andi %ne3A, %ne3A_36 : i1
    %sub3A = arith.constant 1 : i32
    %sub3A_37 = arith.subi %div3A, %sub3A : i32
    %select_n3A_38 = arith.select %and3A, %sub3A_37, %div3A : i32
    %mul3A_39 = arith.constant 128 : i32
    %mul3A_40 = arith.muli %select_n3A_38, %mul3A_39 : i32
    %multiple_of3A = tpu.assume_multiple %mul3A_40, 128 : i32
    %dma_start3A = arith.constant 0 : i32
    %dma_start3A_41 = tpu.memref_slice %arg3[%dma_start3A, %multiple_of3A] : memref<50x1000000xf32, #tpu.memory_space<hbm>> -> memref<50x128xf32, #tpu.memory_space<hbm>>
    %dma_start3A_42 = arith.constant 0 : i32
    %dma_start3A_43 = tpu.memref_slice %arg3[%dma_start3A_42, %multiple_of3A] : memref<50x1000000xf32, #tpu.memory_space<hbm>> -> memref<50x128xf32, #tpu.memory_space<hbm>>
    tpu.enqueue_dma source(%dma_start3A_43 : memref<50x128xf32, #tpu.memory_space<hbm>>) target(%arg7 : memref<50x128xf32, #tpu.memory_space<vmem>>) target_semaphore(%arg15 : memref<!tpu.dma_semaphore, #tpu.memory_space<semaphore_mem>>)
    %slice3A_44 = vector.extract_strided_slice %get3A_20 {offsets = [1], sizes = [1], strides = [1]} : vector<16xi32> to vector<1xi32>
    %squeeze3A_45 = vector.extract %slice3A_44[0] : i32 from vector<1xi32>
    %jit3A_46 = arith.constant 128 : i32
    %div3A_47 = arith.divsi %squeeze3A_45, %jit3A_46 : i32
    %sign3A_48 = arith.constant 0 : i32
    %sign3A_49 = arith.cmpi sgt, %squeeze3A_45, %sign3A_48 : i32
    %sign3A_50 = arith.extui %sign3A_49 : i1 to i32
    %sign3A_51 = arith.constant 0 : i32
    %sign3A_52 = arith.cmpi slt, %squeeze3A_45, %sign3A_51 : i32
    %sign3A_53 = arith.extui %sign3A_52 : i1 to i32
    %sign3A_54 = arith.subi %sign3A_50, %sign3A_53 : i32
    %sign3A_55 = arith.constant 0 : i32
    %sign3A_56 = arith.cmpi sgt, %jit3A_46, %sign3A_55 : i32
    %sign3A_57 = arith.extui %sign3A_56 : i1 to i32
    %sign3A_58 = arith.constant 0 : i32
    %sign3A_59 = arith.cmpi slt, %jit3A_46, %sign3A_58 : i32
    %sign3A_60 = arith.extui %sign3A_59 : i1 to i32
    %sign3A_61 = arith.subi %sign3A_57, %sign3A_60 : i32
    %ne3A_62 = arith.cmpi ne, %sign3A_54, %sign3A_61 : i32
    %rem3A_63 = arith.remsi %squeeze3A_45, %jit3A_46 : i32
    %ne3A_64 = arith.constant 0 : i32
    %ne3A_65 = arith.cmpi ne, %rem3A_63, %ne3A_64 : i32
    %and3A_66 = arith.andi %ne3A_62, %ne3A_65 : i1
    %sub3A_67 = arith.constant 1 : i32
    %sub3A_68 = arith.subi %div3A_47, %sub3A_67 : i32
    %select_n3A_69 = arith.select %and3A_66, %sub3A_68, %div3A_47 : i32
    %mul3A_70 = arith.constant 128 : i32
    %mul3A_71 = arith.muli %select_n3A_69, %mul3A_70 : i32
    %multiple_of3A_72 = tpu.assume_multiple %mul3A_71, 128 : i32
    %dma_start3A_73 = arith.constant 0 : i32
    %dma_start3A_74 = tpu.memref_slice %arg3[%dma_start3A_73, %multiple_of3A_72] : memref<50x1000000xf32, #tpu.memory_space<hbm>> -> memref<50x128xf32, #tpu.memory_space<hbm>>
    %dma_start3A_75 = arith.constant 0 : i32
    %dma_start3A_76 = tpu.memref_slice %arg3[%dma_start3A_75, %multiple_of3A_72] : memref<50x1000000xf32, #tpu.memory_space<hbm>> -> memref<50x128xf32, #tpu.memory_space<hbm>>
    tpu.enqueue_dma source(%dma_start3A_76 : memref<50x128xf32, #tpu.memory_space<hbm>>) target(%arg8 : memref<50x128xf32, #tpu.memory_space<vmem>>) target_semaphore(%arg16 : memref<!tpu.dma_semaphore, #tpu.memory_space<semaphore_mem>>)
    %slice3A_77 = vector.extract_strided_slice %get3A_20 {offsets = [2], sizes = [1], strides = [1]} : vector<16xi32> to vector<1xi32>
    %squeeze3A_78 = vector.extract %slice3A_77[0] : i32 from vector<1xi32>
    %jit3A_79 = arith.constant 128 : i32
    %div3A_80 = arith.divsi %squeeze3A_78, %jit3A_79 : i32
    %sign3A_81 = arith.constant 0 : i32
    %sign3A_82 = arith.cmpi sgt, %squeeze3A_78, %sign3A_81 : i32
    %sign3A_83 = arith.extui %sign3A_82 : i1 to i32
    %sign3A_84 = arith.constant 0 : i32
    %sign3A_85 = arith.cmpi slt, %squeeze3A_78, %sign3A_84 : i32
    %sign3A_86 = arith.extui %sign3A_85 : i1 to i32
    %sign3A_87 = arith.subi %sign3A_83, %sign3A_86 : i32
    %sign3A_88 = arith.constant 0 : i32
    %sign3A_89 = arith.cmpi sgt, %jit3A_79, %sign3A_88 : i32
    %sign3A_90 = arith.extui %sign3A_89 : i1 to i32
    %sign3A_91 = arith.constant 0 : i32
    %sign3A_92 = arith.cmpi slt, %jit3A_79, %sign3A_91 : i32
    %sign3A_93 = arith.extui %sign3A_92 : i1 to i32
    %sign3A_94 = arith.subi %sign3A_90, %sign3A_93 : i32
    %ne3A_95 = arith.cmpi ne, %sign3A_87, %sign3A_94 : i32
    %rem3A_96 = arith.remsi %squeeze3A_78, %jit3A_79 : i32
    %ne3A_97 = arith.constant 0 : i32
    %ne3A_98 = arith.cmpi ne, %rem3A_96, %ne3A_97 : i32
    %and3A_99 = arith.andi %ne3A_95, %ne3A_98 : i1
    %sub3A_100 = arith.constant 1 : i32
    %sub3A_101 = arith.subi %div3A_80, %sub3A_100 : i32
    %select_n3A_102 = arith.select %and3A_99, %sub3A_101, %div3A_80 : i32
    %mul3A_103 = arith.constant 128 : i32
    %mul3A_104 = arith.muli %select_n3A_102, %mul3A_103 : i32
    %multiple_of3A_105 = tpu.assume_multiple %mul3A_104, 128 : i32
    %dma_start3A_106 = arith.constant 0 : i32
    %dma_start3A_107 = tpu.memref_slice %arg3[%dma_start3A_106, %multiple_of3A_105] : memref<50x1000000xf32, #tpu.memory_space<hbm>> -> memref<50x128xf32, #tpu.memory_space<hbm>>
    %dma_start3A_108 = arith.constant 0 : i32
    %dma_start3A_109 = tpu.memref_slice %arg3[%dma_start3A_108, %multiple_of3A_105] : memref<50x1000000xf32, #tpu.memory_space<hbm>> -> memref<50x128xf32, #tpu.memory_space<hbm>>
    tpu.enqueue_dma source(%dma_start3A_109 : memref<50x128xf32, #tpu.memory_space<hbm>>) target(%arg9 : memref<50x128xf32, #tpu.memory_space<vmem>>) target_semaphore(%arg17 : memref<!tpu.dma_semaphore, #tpu.memory_space<semaphore_mem>>)
    %slice3A_110 = vector.extract_strided_slice %get3A_20 {offsets = [3], sizes = [1], strides = [1]} : vector<16xi32> to vector<1xi32>
    %squeeze3A_111 = vector.extract %slice3A_110[0] : i32 from vector<1xi32>
    %jit3A_112 = arith.constant 128 : i32
    %div3A_113 = arith.divsi %squeeze3A_111, %jit3A_112 : i32
    %sign3A_114 = arith.constant 0 : i32
    %sign3A_115 = arith.cmpi sgt, %squeeze3A_111, %sign3A_114 : i32
    %sign3A_116 = arith.extui %sign3A_115 : i1 to i32
    %sign3A_117 = arith.constant 0 : i32
    %sign3A_118 = arith.cmpi slt, %squeeze3A_111, %sign3A_117 : i32
    %sign3A_119 = arith.extui %sign3A_118 : i1 to i32
    %sign3A_120 = arith.subi %sign3A_116, %sign3A_119 : i32
    %sign3A_121 = arith.constant 0 : i32
    %sign3A_122 = arith.cmpi sgt, %jit3A_112, %sign3A_121 : i32
    %sign3A_123 = arith.extui %sign3A_122 : i1 to i32
    %sign3A_124 = arith.constant 0 : i32
    %sign3A_125 = arith.cmpi slt, %jit3A_112, %sign3A_124 : i32
    %sign3A_126 = arith.extui %sign3A_125 : i1 to i32
    %sign3A_127 = arith.subi %sign3A_123, %sign3A_126 : i32
    %ne3A_128 = arith.cmpi ne, %sign3A_120, %sign3A_127 : i32
    %rem3A_129 = arith.remsi %squeeze3A_111, %jit3A_112 : i32
    %ne3A_130 = arith.constant 0 : i32
    %ne3A_131 = arith.cmpi ne, %rem3A_129, %ne3A_130 : i32
    %and3A_132 = arith.andi %ne3A_128, %ne3A_131 : i1
    %sub3A_133 = arith.constant 1 : i32
    %sub3A_134 = arith.subi %div3A_113, %sub3A_133 : i32
    %select_n3A_135 = arith.select %and3A_132, %sub3A_134, %div3A_113 : i32
    %mul3A_136 = arith.constant 128 : i32
    %mul3A_137 = arith.muli %select_n3A_135, %mul3A_136 : i32
    %multiple_of3A_138 = tpu.assume_multiple %mul3A_137, 128 : i32
    %dma_start3A_139 = arith.constant 0 : i32
    %dma_start3A_140 = tpu.memref_slice %arg3[%dma_start3A_139, %multiple_of3A_138] : memref<50x1000000xf32, #tpu.memory_space<hbm>> -> memref<50x128xf32, #tpu.memory_space<hbm>>
    %dma_start3A_141 = arith.constant 0 : i32
    %dma_start3A_142 = tpu.memref_slice %arg3[%dma_start3A_141, %multiple_of3A_138] : memref<50x1000000xf32, #tpu.memory_space<hbm>> -> memref<50x128xf32, #tpu.memory_space<hbm>>
    tpu.enqueue_dma source(%dma_start3A_142 : memref<50x128xf32, #tpu.memory_space<hbm>>) target(%arg10 : memref<50x128xf32, #tpu.memory_space<vmem>>) target_semaphore(%arg18 : memref<!tpu.dma_semaphore, #tpu.memory_space<semaphore_mem>>)
    %slice3A_143 = vector.extract_strided_slice %get3A_20 {offsets = [4], sizes = [1], strides = [1]} : vector<16xi32> to vector<1xi32>
    %squeeze3A_144 = vector.extract %slice3A_143[0] : i32 from vector<1xi32>
    %jit3A_145 = arith.constant 128 : i32
    %div3A_146 = arith.divsi %squeeze3A_144, %jit3A_145 : i32
    %sign3A_147 = arith.constant 0 : i32
    %sign3A_148 = arith.cmpi sgt, %squeeze3A_144, %sign3A_147 : i32
    %sign3A_149 = arith.extui %sign3A_148 : i1 to i32
    %sign3A_150 = arith.constant 0 : i32
    %sign3A_151 = arith.cmpi slt, %squeeze3A_144, %sign3A_150 : i32
    %sign3A_152 = arith.extui %sign3A_151 : i1 to i32
    %sign3A_153 = arith.subi %sign3A_149, %sign3A_152 : i32
    %sign3A_154 = arith.constant 0 : i32
    %sign3A_155 = arith.cmpi sgt, %jit3A_145, %sign3A_154 : i32
    %sign3A_156 = arith.extui %sign3A_155 : i1 to i32
    %sign3A_157 = arith.constant 0 : i32
    %sign3A_158 = arith.cmpi slt, %jit3A_145, %sign3A_157 : i32
    %sign3A_159 = arith.extui %sign3A_158 : i1 to i32
    %sign3A_160 = arith.subi %sign3A_156, %sign3A_159 : i32
    %ne3A_161 = arith.cmpi ne, %sign3A_153, %sign3A_160 : i32
    %rem3A_162 = arith.remsi %squeeze3A_144, %jit3A_145 : i32
    %ne3A_163 = arith.constant 0 : i32
    %ne3A_164 = arith.cmpi ne, %rem3A_162, %ne3A_163 : i32
    %and3A_165 = arith.andi %ne3A_161, %ne3A_164 : i1
    %sub3A_166 = arith.constant 1 : i32
    %sub3A_167 = arith.subi %div3A_146, %sub3A_166 : i32
    %select_n3A_168 = arith.select %and3A_165, %sub3A_167, %div3A_146 : i32
    %mul3A_169 = arith.constant 128 : i32
    %mul3A_170 = arith.muli %select_n3A_168, %mul3A_169 : i32
    %multiple_of3A_171 = tpu.assume_multiple %mul3A_170, 128 : i32
    %dma_start3A_172 = arith.constant 0 : i32
    %dma_start3A_173 = tpu.memref_slice %arg3[%dma_start3A_172, %multiple_of3A_171] : memref<50x1000000xf32, #tpu.memory_space<hbm>> -> memref<50x128xf32, #tpu.memory_space<hbm>>
    %dma_start3A_174 = arith.constant 0 : i32
    %dma_start3A_175 = tpu.memref_slice %arg3[%dma_start3A_174, %multiple_of3A_171] : memref<50x1000000xf32, #tpu.memory_space<hbm>> -> memref<50x128xf32, #tpu.memory_space<hbm>>
    tpu.enqueue_dma source(%dma_start3A_175 : memref<50x128xf32, #tpu.memory_space<hbm>>) target(%arg11 : memref<50x128xf32, #tpu.memory_space<vmem>>) target_semaphore(%arg19 : memref<!tpu.dma_semaphore, #tpu.memory_space<semaphore_mem>>)
    %slice3A_176 = vector.extract_strided_slice %get3A_20 {offsets = [5], sizes = [1], strides = [1]} : vector<16xi32> to vector<1xi32>
    %squeeze3A_177 = vector.extract %slice3A_176[0] : i32 from vector<1xi32>
    %jit3A_178 = arith.constant 128 : i32
    %div3A_179 = arith.divsi %squeeze3A_177, %jit3A_178 : i32
    %sign3A_180 = arith.constant 0 : i32
    %sign3A_181 = arith.cmpi sgt, %squeeze3A_177, %sign3A_180 : i32
    %sign3A_182 = arith.extui %sign3A_181 : i1 to i32
    %sign3A_183 = arith.constant 0 : i32
    %sign3A_184 = arith.cmpi slt, %squeeze3A_177, %sign3A_183 : i32
    %sign3A_185 = arith.extui %sign3A_184 : i1 to i32
    %sign3A_186 = arith.subi %sign3A_182, %sign3A_185 : i32
    %sign3A_187 = arith.constant 0 : i32
    %sign3A_188 = arith.cmpi sgt, %jit3A_178, %sign3A_187 : i32
    %sign3A_189 = arith.extui %sign3A_188 : i1 to i32
    %sign3A_190 = arith.constant 0 : i32
    %sign3A_191 = arith.cmpi slt, %jit3A_178, %sign3A_190 : i32
    %sign3A_192 = arith.extui %sign3A_191 : i1 to i32
    %sign3A_193 = arith.subi %sign3A_189, %sign3A_192 : i32
    %ne3A_194 = arith.cmpi ne, %sign3A_186, %sign3A_193 : i32
    %rem3A_195 = arith.remsi %squeeze3A_177, %jit3A_178 : i32
    %ne3A_196 = arith.constant 0 : i32
    %ne3A_197 = arith.cmpi ne, %rem3A_195, %ne3A_196 : i32
    %and3A_198 = arith.andi %ne3A_194, %ne3A_197 : i1
    %sub3A_199 = arith.constant 1 : i32
    %sub3A_200 = arith.subi %div3A_179, %sub3A_199 : i32
    %select_n3A_201 = arith.select %and3A_198, %sub3A_200, %div3A_179 : i32
    %mul3A_202 = arith.constant 128 : i32
    %mul3A_203 = arith.muli %select_n3A_201, %mul3A_202 : i32
    %multiple_of3A_204 = tpu.assume_multiple %mul3A_203, 128 : i32
    %dma_start3A_205 = arith.constant 0 : i32
    %dma_start3A_206 = tpu.memref_slice %arg3[%dma_start3A_205, %multiple_of3A_204] : memref<50x1000000xf32, #tpu.memory_space<hbm>> -> memref<50x128xf32, #tpu.memory_space<hbm>>
    %dma_start3A_207 = arith.constant 0 : i32
    %dma_start3A_208 = tpu.memref_slice %arg3[%dma_start3A_207, %multiple_of3A_204] : memref<50x1000000xf32, #tpu.memory_space<hbm>> -> memref<50x128xf32, #tpu.memory_space<hbm>>
    tpu.enqueue_dma source(%dma_start3A_208 : memref<50x128xf32, #tpu.memory_space<hbm>>) target(%arg12 : memref<50x128xf32, #tpu.memory_space<vmem>>) target_semaphore(%arg20 : memref<!tpu.dma_semaphore, #tpu.memory_space<semaphore_mem>>)
    %slice3A_209 = vector.extract_strided_slice %get3A_20 {offsets = [6], sizes = [1], strides = [1]} : vector<16xi32> to vector<1xi32>
    %squeeze3A_210 = vector.extract %slice3A_209[0] : i32 from vector<1xi32>
    %jit3A_211 = arith.constant 128 : i32
    %div3A_212 = arith.divsi %squeeze3A_210, %jit3A_211 : i32
    %sign3A_213 = arith.constant 0 : i32
    %sign3A_214 = arith.cmpi sgt, %squeeze3A_210, %sign3A_213 : i32
    %sign3A_215 = arith.extui %sign3A_214 : i1 to i32
    %sign3A_216 = arith.constant 0 : i32
    %sign3A_217 = arith.cmpi slt, %squeeze3A_210, %sign3A_216 : i32
    %sign3A_218 = arith.extui %sign3A_217 : i1 to i32
    %sign3A_219 = arith.subi %sign3A_215, %sign3A_218 : i32
    %sign3A_220 = arith.constant 0 : i32
    %sign3A_221 = arith.cmpi sgt, %jit3A_211, %sign3A_220 : i32
    %sign3A_222 = arith.extui %sign3A_221 : i1 to i32
    %sign3A_223 = arith.constant 0 : i32
    %sign3A_224 = arith.cmpi slt, %jit3A_211, %sign3A_223 : i32
    %sign3A_225 = arith.extui %sign3A_224 : i1 to i32
    %sign3A_226 = arith.subi %sign3A_222, %sign3A_225 : i32
    %ne3A_227 = arith.cmpi ne, %sign3A_219, %sign3A_226 : i32
    %rem3A_228 = arith.remsi %squeeze3A_210, %jit3A_211 : i32
    %ne3A_229 = arith.constant 0 : i32
    %ne3A_230 = arith.cmpi ne, %rem3A_228, %ne3A_229 : i32
    %and3A_231 = arith.andi %ne3A_227, %ne3A_230 : i1
    %sub3A_232 = arith.constant 1 : i32
    %sub3A_233 = arith.subi %div3A_212, %sub3A_232 : i32
    %select_n3A_234 = arith.select %and3A_231, %sub3A_233, %div3A_212 : i32
    %mul3A_235 = arith.constant 128 : i32
    %mul3A_236 = arith.muli %select_n3A_234, %mul3A_235 : i32
    %multiple_of3A_237 = tpu.assume_multiple %mul3A_236, 128 : i32
    %dma_start3A_238 = arith.constant 0 : i32
    %dma_start3A_239 = tpu.memref_slice %arg3[%dma_start3A_238, %multiple_of3A_237] : memref<50x1000000xf32, #tpu.memory_space<hbm>> -> memref<50x128xf32, #tpu.memory_space<hbm>>
    %dma_start3A_240 = arith.constant 0 : i32
    %dma_start3A_241 = tpu.memref_slice %arg3[%dma_start3A_240, %multiple_of3A_237] : memref<50x1000000xf32, #tpu.memory_space<hbm>> -> memref<50x128xf32, #tpu.memory_space<hbm>>
    tpu.enqueue_dma source(%dma_start3A_241 : memref<50x128xf32, #tpu.memory_space<hbm>>) target(%arg13 : memref<50x128xf32, #tpu.memory_space<vmem>>) target_semaphore(%arg21 : memref<!tpu.dma_semaphore, #tpu.memory_space<semaphore_mem>>)
    %slice3A_242 = vector.extract_strided_slice %get3A_20 {offsets = [7], sizes = [1], strides = [1]} : vector<16xi32> to vector<1xi32>
    %squeeze3A_243 = vector.extract %slice3A_242[0] : i32 from vector<1xi32>
    %jit3A_244 = arith.constant 128 : i32
    %div3A_245 = arith.divsi %squeeze3A_243, %jit3A_244 : i32
    %sign3A_246 = arith.constant 0 : i32
    %sign3A_247 = arith.cmpi sgt, %squeeze3A_243, %sign3A_246 : i32
    %sign3A_248 = arith.extui %sign3A_247 : i1 to i32
    %sign3A_249 = arith.constant 0 : i32
    %sign3A_250 = arith.cmpi slt, %squeeze3A_243, %sign3A_249 : i32
    %sign3A_251 = arith.extui %sign3A_250 : i1 to i32
    %sign3A_252 = arith.subi %sign3A_248, %sign3A_251 : i32
    %sign3A_253 = arith.constant 0 : i32
    %sign3A_254 = arith.cmpi sgt, %jit3A_244, %sign3A_253 : i32
    %sign3A_255 = arith.extui %sign3A_254 : i1 to i32
    %sign3A_256 = arith.constant 0 : i32
    %sign3A_257 = arith.cmpi slt, %jit3A_244, %sign3A_256 : i32
    %sign3A_258 = arith.extui %sign3A_257 : i1 to i32
    %sign3A_259 = arith.subi %sign3A_255, %sign3A_258 : i32
    %ne3A_260 = arith.cmpi ne, %sign3A_252, %sign3A_259 : i32
    %rem3A_261 = arith.remsi %squeeze3A_243, %jit3A_244 : i32
    %ne3A_262 = arith.constant 0 : i32
    %ne3A_263 = arith.cmpi ne, %rem3A_261, %ne3A_262 : i32
    %and3A_264 = arith.andi %ne3A_260, %ne3A_263 : i1
    %sub3A_265 = arith.constant 1 : i32
    %sub3A_266 = arith.subi %div3A_245, %sub3A_265 : i32
    %select_n3A_267 = arith.select %and3A_264, %sub3A_266, %div3A_245 : i32
    %mul3A_268 = arith.constant 128 : i32
    %mul3A_269 = arith.muli %select_n3A_267, %mul3A_268 : i32
    %multiple_of3A_270 = tpu.assume_multiple %mul3A_269, 128 : i32
    %dma_start3A_271 = arith.constant 0 : i32
    %dma_start3A_272 = tpu.memref_slice %arg3[%dma_start3A_271, %multiple_of3A_270] : memref<50x1000000xf32, #tpu.memory_space<hbm>> -> memref<50x128xf32, #tpu.memory_space<hbm>>
    %dma_start3A_273 = arith.constant 0 : i32
    %dma_start3A_274 = tpu.memref_slice %arg3[%dma_start3A_273, %multiple_of3A_270] : memref<50x1000000xf32, #tpu.memory_space<hbm>> -> memref<50x128xf32, #tpu.memory_space<hbm>>
    tpu.enqueue_dma source(%dma_start3A_274 : memref<50x128xf32, #tpu.memory_space<hbm>>) target(%arg14 : memref<50x128xf32, #tpu.memory_space<vmem>>) target_semaphore(%arg22 : memref<!tpu.dma_semaphore, #tpu.memory_space<semaphore_mem>>)
    %scan3A = arith.constant 0 : i32
    %scan3A_275 = arith.constant 0 : i32
    %scan3A_276 = arith.constant 31 : i32
    %scan3A_277 = arith.addi %scan3A_275, %scan3A_276 : i32
    %scan3A_278 = arith.constant 1 : i32
    %scan3A_279 = scf.for %scan3A_1137 = %scan3A_275 to %scan3A_277 step %scan3A_278 iter_args(%scan3A_1138 = %scan3A) -> (i32)  : i32 {
      %mul3A_1139 = arith.constant 16 : i32
      %mul3A_1140 = arith.muli %scan3A_1137, %mul3A_1139 : i32
      %get3A_1141 = arith.index_cast %mul3A_1140 : i32 to index
      %get3A_1142 = tpu.vector_load %arg5[%get3A_1141] {strides = array<i32>} : memref<512xi32, #tpu.memory_space<vmem>>, vector<16xi32>,
      %add3A_1143 = arith.constant 1 : i32
      %add3A_1144 = arith.addi %scan3A_1137, %add3A_1143 : i32
      %mul3A_1145 = arith.constant 16 : i32
      %mul3A_1146 = arith.muli %add3A_1144, %mul3A_1145 : i32
      %get3A_1147 = arith.index_cast %mul3A_1146 : i32 to index
      %get3A_1148 = tpu.vector_load %arg5[%get3A_1147] {strides = array<i32>} : memref<512xi32, #tpu.memory_space<vmem>>, vector<16xi32>,
      %mul3A_1149 = arith.constant 16 : i32
      %mul3A_1150 = arith.muli %scan3A_1137, %mul3A_1149 : i32
      %add3A_1151 = arith.constant 0 : i32
      %add3A_1152 = arith.addi %mul3A_1150, %add3A_1151 : i32
      %slice3A_1153 = vector.extract_strided_slice %get3A_1142 {offsets = [0], sizes = [1], strides = [1]} : vector<16xi32> to vector<1xi32>
      %squeeze3A_1154 = vector.extract %slice3A_1153[0] : i32 from vector<1xi32>
      %dma_wait3A_1155 = arith.constant 0 : i32
      %dma_wait3A_1156 = arith.constant 0 : i32
      %dma_wait3A_1157 = tpu.memref_slice %arg3[%dma_wait3A_1155, %dma_wait3A_1156] : memref<50x1000000xf32, #tpu.memory_space<hbm>> -> memref<50x128xf32, #tpu.memory_space<hbm>>
      %dma_wait3A_1158 = arith.constant 0 : i32
      %dma_wait3A_1159 = arith.constant 0 : i32
      %dma_wait3A_1160 = tpu.memref_slice %arg3[%dma_wait3A_1158, %dma_wait3A_1159] : memref<50x1000000xf32, #tpu.memory_space<hbm>> -> memref<50x128xf32, #tpu.memory_space<hbm>>
      tpu.wait_dma2 semaphore(%arg15 : memref<!tpu.dma_semaphore, #tpu.memory_space<semaphore_mem>>) src(%dma_wait3A_1160 : memref<50x128xf32, #tpu.memory_space<hbm>>) dst(%arg7 : memref<50x128xf32, #tpu.memory_space<vmem>>)
      %jit3A_1161 = arith.constant 128 : i32
      %eq3A_1162 = arith.constant 0 : i32
      %eq3A_1163 = arith.cmpi eq, %jit3A_1161, %eq3A_1162 : i32
      %jit3A_1164 = arith.constant 1 : i32
      %select_n3A_1165 = arith.select %eq3A_1163, %jit3A_1164, %jit3A_1161 : i32
      %rem3A_1166 = arith.remsi %squeeze3A_1154, %select_n3A_1165 : i32
      %ne3A_1167 = arith.constant 0 : i32
      %ne3A_1168 = arith.cmpi ne, %rem3A_1166, %ne3A_1167 : i32
      %lt3A_1169 = arith.constant 0 : i32
      %lt3A_1170 = arith.cmpi slt, %rem3A_1166, %lt3A_1169 : i32
      %lt3A_1171 = arith.constant 0 : i32
      %lt3A_1172 = arith.cmpi slt, %select_n3A_1165, %lt3A_1171 : i32
      %ne3A_1173 = arith.xori %lt3A_1170, %lt3A_1172 : i1
      %and3A_1174 = arith.andi %ne3A_1173, %ne3A_1168 : i1
      %add3A_1175 = arith.addi %rem3A_1166, %select_n3A_1165 : i32
      %select_n3A_1176 = arith.select %and3A_1174, %add3A_1175, %rem3A_1166 : i32
      %broadcast_in_dim3A_1177 = vector.broadcast %select_n3A_1176 : i32 to vector<16xi32>
      %gather3A_1178 = tpu.vector_load_idx %arg7[%add3A_1, %broadcast_in_dim3A_1177] : memref<50x128xf32, #tpu.memory_space<vmem>>[vector<16xi32>, vector<16xi32>], vector<16xf32>,
      %mul3A_1179 = arith.constant 64 : i32
      %mul3A_1180 = arith.muli %add3A_1152, %mul3A_1179 : i32
      %add3A_1181 = arith.constant 0 : i32
      %add3A_1182 = arith.addi %mul3A_1180, %add3A_1181 : i32
      %swap3A_1183 = arith.index_cast %add3A_1182 : i32 to index
      %swap3A_1184 = tpu.vector_load %arg6[%swap3A_1183] {strides = array<i32>} : memref<32768xf32, #tpu.memory_space<vmem>>, vector<16xf32>,
      tpu.vector_store %arg6[%swap3A_1183], %gather3A_1178 {strides = array<i32>} : memref<32768xf32, #tpu.memory_space<vmem>>, vector<16xf32>,
      %gather3A_1185 = tpu.vector_load_idx %arg7[%add3A_5, %broadcast_in_dim3A_1177] : memref<50x128xf32, #tpu.memory_space<vmem>>[vector<16xi32>, vector<16xi32>], vector<16xf32>,
      %mul3A_1186 = arith.constant 64 : i32
      %mul3A_1187 = arith.muli %add3A_1152, %mul3A_1186 : i32
      %add3A_1188 = arith.constant 16 : i32
      %add3A_1189 = arith.addi %mul3A_1187, %add3A_1188 : i32
      %swap3A_1190 = arith.index_cast %add3A_1189 : i32 to index
      %swap3A_1191 = tpu.vector_load %arg6[%swap3A_1190] {strides = array<i32>} : memref<32768xf32, #tpu.memory_space<vmem>>, vector<16xf32>,
      tpu.vector_store %arg6[%swap3A_1190], %gather3A_1185 {strides = array<i32>} : memref<32768xf32, #tpu.memory_space<vmem>>, vector<16xf32>,
      %gather3A_1192 = tpu.vector_load_idx %arg7[%add3A_9, %broadcast_in_dim3A_1177] : memref<50x128xf32, #tpu.memory_space<vmem>>[vector<16xi32>, vector<16xi32>], vector<16xf32>,
      %mul3A_1193 = arith.constant 64 : i32
      %mul3A_1194 = arith.muli %add3A_1152, %mul3A_1193 : i32
      %add3A_1195 = arith.constant 32 : i32
      %add3A_1196 = arith.addi %mul3A_1194, %add3A_1195 : i32
      %swap3A_1197 = arith.index_cast %add3A_1196 : i32 to index
      %swap3A_1198 = tpu.vector_load %arg6[%swap3A_1197] {strides = array<i32>} : memref<32768xf32, #tpu.memory_space<vmem>>, vector<16xf32>,
      tpu.vector_store %arg6[%swap3A_1197], %gather3A_1192 {strides = array<i32>} : memref<32768xf32, #tpu.memory_space<vmem>>, vector<16xf32>,
      %gather3A_1199 = tpu.vector_load_idx %arg7[%select_n3A, %broadcast_in_dim3A_1177] : memref<50x128xf32, #tpu.memory_space<vmem>>[vector<16xi32>, vector<16xi32>], vector<16xf32>,
      %mul3A_1200 = arith.constant 64 : i32
      %mul3A_1201 = arith.muli %add3A_1152, %mul3A_1200 : i32
      %add3A_1202 = arith.constant 48 : i32
      %add3A_1203 = arith.addi %mul3A_1201, %add3A_1202 : i32
      %swap3A_1204 = arith.index_cast %add3A_1203 : i32 to index
      %swap3A_1205 = tpu.vector_load %arg6[%swap3A_1204] {strides = array<i32>} : memref<32768xf32, #tpu.memory_space<vmem>>, vector<16xf32>,
      tpu.vector_store %arg6[%swap3A_1204], %gather3A_1199 {strides = array<i32>} : memref<32768xf32, #tpu.memory_space<vmem>>, vector<16xf32>,
      %slice3A_1206 = vector.extract_strided_slice %get3A_1142 {offsets = [8], sizes = [1], strides = [1]} : vector<16xi32> to vector<1xi32>
      %squeeze3A_1207 = vector.extract %slice3A_1206[0] : i32 from vector<1xi32>
      %jit3A_1208 = arith.constant 128 : i32
      %div3A_1209 = arith.divsi %squeeze3A_1207, %jit3A_1208 : i32
      %sign3A_1210 = arith.constant 0 : i32
      %sign3A_1211 = arith.cmpi sgt, %squeeze3A_1207, %sign3A_1210 : i32
      %sign3A_1212 = arith.extui %sign3A_1211 : i1 to i32
      %sign3A_1213 = arith.constant 0 : i32
      %sign3A_1214 = arith.cmpi slt, %squeeze3A_1207, %sign3A_1213 : i32
      %sign3A_1215 = arith.extui %sign3A_1214 : i1 to i32
      %sign3A_1216 = arith.subi %sign3A_1212, %sign3A_1215 : i32
      %sign3A_1217 = arith.constant 0 : i32
      %sign3A_1218 = arith.cmpi sgt, %jit3A_1208, %sign3A_1217 : i32
      %sign3A_1219 = arith.extui %sign3A_1218 : i1 to i32
      %sign3A_1220 = arith.constant 0 : i32
      %sign3A_1221 = arith.cmpi slt, %jit3A_1208, %sign3A_1220 : i32
      %sign3A_1222 = arith.extui %sign3A_1221 : i1 to i32
      %sign3A_1223 = arith.subi %sign3A_1219, %sign3A_1222 : i32
      %ne3A_1224 = arith.cmpi ne, %sign3A_1216, %sign3A_1223 : i32
      %rem3A_1225 = arith.remsi %squeeze3A_1207, %jit3A_1208 : i32
      %ne3A_1226 = arith.constant 0 : i32
      %ne3A_1227 = arith.cmpi ne, %rem3A_1225, %ne3A_1226 : i32
      %and3A_1228 = arith.andi %ne3A_1224, %ne3A_1227 : i1
      %sub3A_1229 = arith.constant 1 : i32
      %sub3A_1230 = arith.subi %div3A_1209, %sub3A_1229 : i32
      %select_n3A_1231 = arith.select %and3A_1228, %sub3A_1230, %div3A_1209 : i32
      %mul3A_1232 = arith.constant 128 : i32
      %mul3A_1233 = arith.muli %select_n3A_1231, %mul3A_1232 : i32
      %multiple_of3A_1234 = tpu.assume_multiple %mul3A_1233, 128 : i32
      %dma_start3A_1235 = arith.constant 0 : i32
      %dma_start3A_1236 = tpu.memref_slice %arg3[%dma_start3A_1235, %multiple_of3A_1234] : memref<50x1000000xf32, #tpu.memory_space<hbm>> -> memref<50x128xf32, #tpu.memory_space<hbm>>
      %dma_start3A_1237 = arith.constant 0 : i32
      %dma_start3A_1238 = tpu.memref_slice %arg3[%dma_start3A_1237, %multiple_of3A_1234] : memref<50x1000000xf32, #tpu.memory_space<hbm>> -> memref<50x128xf32, #tpu.memory_space<hbm>>
      tpu.enqueue_dma source(%dma_start3A_1238 : memref<50x128xf32, #tpu.memory_space<hbm>>) target(%arg7 : memref<50x128xf32, #tpu.memory_space<vmem>>) target_semaphore(%arg15 : memref<!tpu.dma_semaphore, #tpu.memory_space<semaphore_mem>>)
      %mul3A_1239 = arith.constant 16 : i32
      %mul3A_1240 = arith.muli %scan3A_1137, %mul3A_1239 : i32
      %add3A_1241 = arith.constant 1 : i32
      %add3A_1242 = arith.addi %mul3A_1240, %add3A_1241 : i32
      %slice3A_1243 = vector.extract_strided_slice %get3A_1142 {offsets = [1], sizes = [1], strides = [1]} : vector<16xi32> to vector<1xi32>
      %squeeze3A_1244 = vector.extract %slice3A_1243[0] : i32 from vector<1xi32>
      %dma_wait3A_1245 = arith.constant 0 : i32
      %dma_wait3A_1246 = arith.constant 0 : i32
      %dma_wait3A_1247 = tpu.memref_slice %arg3[%dma_wait3A_1245, %dma_wait3A_1246] : memref<50x1000000xf32, #tpu.memory_space<hbm>> -> memref<50x128xf32, #tpu.memory_space<hbm>>
      %dma_wait3A_1248 = arith.constant 0 : i32
      %dma_wait3A_1249 = arith.constant 0 : i32
      %dma_wait3A_1250 = tpu.memref_slice %arg3[%dma_wait3A_1248, %dma_wait3A_1249] : memref<50x1000000xf32, #tpu.memory_space<hbm>> -> memref<50x128xf32, #tpu.memory_space<hbm>>
      tpu.wait_dma2 semaphore(%arg16 : memref<!tpu.dma_semaphore, #tpu.memory_space<semaphore_mem>>) src(%dma_wait3A_1250 : memref<50x128xf32, #tpu.memory_space<hbm>>) dst(%arg8 : memref<50x128xf32, #tpu.memory_space<vmem>>)
      %jit3A_1251 = arith.constant 128 : i32
      %eq3A_1252 = arith.constant 0 : i32
      %eq3A_1253 = arith.cmpi eq, %jit3A_1251, %eq3A_1252 : i32
      %jit3A_1254 = arith.constant 1 : i32
      %select_n3A_1255 = arith.select %eq3A_1253, %jit3A_1254, %jit3A_1251 : i32
      %rem3A_1256 = arith.remsi %squeeze3A_1244, %select_n3A_1255 : i32
      %ne3A_1257 = arith.constant 0 : i32
      %ne3A_1258 = arith.cmpi ne, %rem3A_1256, %ne3A_1257 : i32
      %lt3A_1259 = arith.constant 0 : i32
      %lt3A_1260 = arith.cmpi slt, %rem3A_1256, %lt3A_1259 : i32
      %lt3A_1261 = arith.constant 0 : i32
      %lt3A_1262 = arith.cmpi slt, %select_n3A_1255, %lt3A_1261 : i32
      %ne3A_1263 = arith.xori %lt3A_1260, %lt3A_1262 : i1
      %and3A_1264 = arith.andi %ne3A_1263, %ne3A_1258 : i1
      %add3A_1265 = arith.addi %rem3A_1256, %select_n3A_1255 : i32
      %select_n3A_1266 = arith.select %and3A_1264, %add3A_1265, %rem3A_1256 : i32
      %broadcast_in_dim3A_1267 = vector.broadcast %select_n3A_1266 : i32 to vector<16xi32>
      %gather3A_1268 = tpu.vector_load_idx %arg8[%add3A_1, %broadcast_in_dim3A_1267] : memref<50x128xf32, #tpu.memory_space<vmem>>[vector<16xi32>, vector<16xi32>], vector<16xf32>,
      %mul3A_1269 = arith.constant 64 : i32
      %mul3A_1270 = arith.muli %add3A_1242, %mul3A_1269 : i32
      %add3A_1271 = arith.constant 0 : i32
      %add3A_1272 = arith.addi %mul3A_1270, %add3A_1271 : i32
      %swap3A_1273 = arith.index_cast %add3A_1272 : i32 to index
      %swap3A_1274 = tpu.vector_load %arg6[%swap3A_1273] {strides = array<i32>} : memref<32768xf32, #tpu.memory_space<vmem>>, vector<16xf32>,
      tpu.vector_store %arg6[%swap3A_1273], %gather3A_1268 {strides = array<i32>} : memref<32768xf32, #tpu.memory_space<vmem>>, vector<16xf32>,
      %gather3A_1275 = tpu.vector_load_idx %arg8[%add3A_5, %broadcast_in_dim3A_1267] : memref<50x128xf32, #tpu.memory_space<vmem>>[vector<16xi32>, vector<16xi32>], vector<16xf32>,
      %mul3A_1276 = arith.constant 64 : i32
      %mul3A_1277 = arith.muli %add3A_1242, %mul3A_1276 : i32
      %add3A_1278 = arith.constant 16 : i32
      %add3A_1279 = arith.addi %mul3A_1277, %add3A_1278 : i32
      %swap3A_1280 = arith.index_cast %add3A_1279 : i32 to index
      %swap3A_1281 = tpu.vector_load %arg6[%swap3A_1280] {strides = array<i32>} : memref<32768xf32, #tpu.memory_space<vmem>>, vector<16xf32>,
      tpu.vector_store %arg6[%swap3A_1280], %gather3A_1275 {strides = array<i32>} : memref<32768xf32, #tpu.memory_space<vmem>>, vector<16xf32>,
      %gather3A_1282 = tpu.vector_load_idx %arg8[%add3A_9, %broadcast_in_dim3A_1267] : memref<50x128xf32, #tpu.memory_space<vmem>>[vector<16xi32>, vector<16xi32>], vector<16xf32>,
      %mul3A_1283 = arith.constant 64 : i32
      %mul3A_1284 = arith.muli %add3A_1242, %mul3A_1283 : i32
      %add3A_1285 = arith.constant 32 : i32
      %add3A_1286 = arith.addi %mul3A_1284, %add3A_1285 : i32
      %swap3A_1287 = arith.index_cast %add3A_1286 : i32 to index
      %swap3A_1288 = tpu.vector_load %arg6[%swap3A_1287] {strides = array<i32>} : memref<32768xf32, #tpu.memory_space<vmem>>, vector<16xf32>,
      tpu.vector_store %arg6[%swap3A_1287], %gather3A_1282 {strides = array<i32>} : memref<32768xf32, #tpu.memory_space<vmem>>, vector<16xf32>,
      %gather3A_1289 = tpu.vector_load_idx %arg8[%select_n3A, %broadcast_in_dim3A_1267] : memref<50x128xf32, #tpu.memory_space<vmem>>[vector<16xi32>, vector<16xi32>], vector<16xf32>,
      %mul3A_1290 = arith.constant 64 : i32
      %mul3A_1291 = arith.muli %add3A_1242, %mul3A_1290 : i32
      %add3A_1292 = arith.constant 48 : i32
      %add3A_1293 = arith.addi %mul3A_1291, %add3A_1292 : i32
      %swap3A_1294 = arith.index_cast %add3A_1293 : i32 to index
      %swap3A_1295 = tpu.vector_load %arg6[%swap3A_1294] {strides = array<i32>} : memref<32768xf32, #tpu.memory_space<vmem>>, vector<16xf32>,
      tpu.vector_store %arg6[%swap3A_1294], %gather3A_1289 {strides = array<i32>} : memref<32768xf32, #tpu.memory_space<vmem>>, vector<16xf32>,
      %slice3A_1296 = vector.extract_strided_slice %get3A_1142 {offsets = [9], sizes = [1], strides = [1]} : vector<16xi32> to vector<1xi32>
      %squeeze3A_1297 = vector.extract %slice3A_1296[0] : i32 from vector<1xi32>
      %jit3A_1298 = arith.constant 128 : i32
      %div3A_1299 = arith.divsi %squeeze3A_1297, %jit3A_1298 : i32
      %sign3A_1300 = arith.constant 0 : i32
      %sign3A_1301 = arith.cmpi sgt, %squeeze3A_1297, %sign3A_1300 : i32
      %sign3A_1302 = arith.extui %sign3A_1301 : i1 to i32
      %sign3A_1303 = arith.constant 0 : i32
      %sign3A_1304 = arith.cmpi slt, %squeeze3A_1297, %sign3A_1303 : i32
      %sign3A_1305 = arith.extui %sign3A_1304 : i1 to i32
      %sign3A_1306 = arith.subi %sign3A_1302, %sign3A_1305 : i32
      %sign3A_1307 = arith.constant 0 : i32
      %sign3A_1308 = arith.cmpi sgt, %jit3A_1298, %sign3A_1307 : i32
      %sign3A_1309 = arith.extui %sign3A_1308 : i1 to i32
      %sign3A_1310 = arith.constant 0 : i32
      %sign3A_1311 = arith.cmpi slt, %jit3A_1298, %sign3A_1310 : i32
      %sign3A_1312 = arith.extui %sign3A_1311 : i1 to i32
      %sign3A_1313 = arith.subi %sign3A_1309, %sign3A_1312 : i32
      %ne3A_1314 = arith.cmpi ne, %sign3A_1306, %sign3A_1313 : i32
      %rem3A_1315 = arith.remsi %squeeze3A_1297, %jit3A_1298 : i32
      %ne3A_1316 = arith.constant 0 : i32
      %ne3A_1317 = arith.cmpi ne, %rem3A_1315, %ne3A_1316 : i32
      %and3A_1318 = arith.andi %ne3A_1314, %ne3A_1317 : i1
      %sub3A_1319 = arith.constant 1 : i32
      %sub3A_1320 = arith.subi %div3A_1299, %sub3A_1319 : i32
      %select_n3A_1321 = arith.select %and3A_1318, %sub3A_1320, %div3A_1299 : i32
      %mul3A_1322 = arith.constant 128 : i32
      %mul3A_1323 = arith.muli %select_n3A_1321, %mul3A_1322 : i32
      %multiple_of3A_1324 = tpu.assume_multiple %mul3A_1323, 128 : i32
      %dma_start3A_1325 = arith.constant 0 : i32
      %dma_start3A_1326 = tpu.memref_slice %arg3[%dma_start3A_1325, %multiple_of3A_1324] : memref<50x1000000xf32, #tpu.memory_space<hbm>> -> memref<50x128xf32, #tpu.memory_space<hbm>>
      %dma_start3A_1327 = arith.constant 0 : i32
      %dma_start3A_1328 = tpu.memref_slice %arg3[%dma_start3A_1327, %multiple_of3A_1324] : memref<50x1000000xf32, #tpu.memory_space<hbm>> -> memref<50x128xf32, #tpu.memory_space<hbm>>
      tpu.enqueue_dma source(%dma_start3A_1328 : memref<50x128xf32, #tpu.memory_space<hbm>>) target(%arg8 : memref<50x128xf32, #tpu.memory_space<vmem>>) target_semaphore(%arg16 : memref<!tpu.dma_semaphore, #tpu.memory_space<semaphore_mem>>)
      %mul3A_1329 = arith.constant 16 : i32
      %mul3A_1330 = arith.muli %scan3A_1137, %mul3A_1329 : i32
      %add3A_1331 = arith.constant 2 : i32
      %add3A_1332 = arith.addi %mul3A_1330, %add3A_1331 : i32
      %slice3A_1333 = vector.extract_strided_slice %get3A_1142 {offsets = [2], sizes = [1], strides = [1]} : vector<16xi32> to vector<1xi32>
      %squeeze3A_1334 = vector.extract %slice3A_1333[0] : i32 from vector<1xi32>
      %dma_wait3A_1335 = arith.constant 0 : i32
      %dma_wait3A_1336 = arith.constant 0 : i32
      %dma_wait3A_1337 = tpu.memref_slice %arg3[%dma_wait3A_1335, %dma_wait3A_1336] : memref<50x1000000xf32, #tpu.memory_space<hbm>> -> memref<50x128xf32, #tpu.memory_space<hbm>>
      %dma_wait3A_1338 = arith.constant 0 : i32
      %dma_wait3A_1339 = arith.constant 0 : i32
      %dma_wait3A_1340 = tpu.memref_slice %arg3[%dma_wait3A_1338, %dma_wait3A_1339] : memref<50x1000000xf32, #tpu.memory_space<hbm>> -> memref<50x128xf32, #tpu.memory_space<hbm>>
      tpu.wait_dma2 semaphore(%arg17 : memref<!tpu.dma_semaphore, #tpu.memory_space<semaphore_mem>>) src(%dma_wait3A_1340 : memref<50x128xf32, #tpu.memory_space<hbm>>) dst(%arg9 : memref<50x128xf32, #tpu.memory_space<vmem>>)
      %jit3A_1341 = arith.constant 128 : i32
      %eq3A_1342 = arith.constant 0 : i32
      %eq3A_1343 = arith.cmpi eq, %jit3A_1341, %eq3A_1342 : i32
      %jit3A_1344 = arith.constant 1 : i32
      %select_n3A_1345 = arith.select %eq3A_1343, %jit3A_1344, %jit3A_1341 : i32
      %rem3A_1346 = arith.remsi %squeeze3A_1334, %select_n3A_1345 : i32
      %ne3A_1347 = arith.constant 0 : i32
      %ne3A_1348 = arith.cmpi ne, %rem3A_1346, %ne3A_1347 : i32
      %lt3A_1349 = arith.constant 0 : i32
      %lt3A_1350 = arith.cmpi slt, %rem3A_1346, %lt3A_1349 : i32
      %lt3A_1351 = arith.constant 0 : i32
      %lt3A_1352 = arith.cmpi slt, %select_n3A_1345, %lt3A_1351 : i32
      %ne3A_1353 = arith.xori %lt3A_1350, %lt3A_1352 : i1
      %and3A_1354 = arith.andi %ne3A_1353, %ne3A_1348 : i1
      %add3A_1355 = arith.addi %rem3A_1346, %select_n3A_1345 : i32
      %select_n3A_1356 = arith.select %and3A_1354, %add3A_1355, %rem3A_1346 : i32
      %broadcast_in_dim3A_1357 = vector.broadcast %select_n3A_1356 : i32 to vector<16xi32>
      %gather3A_1358 = tpu.vector_load_idx %arg9[%add3A_1, %broadcast_in_dim3A_1357] : memref<50x128xf32, #tpu.memory_space<vmem>>[vector<16xi32>, vector<16xi32>], vector<16xf32>,
      %mul3A_1359 = arith.constant 64 : i32
      %mul3A_1360 = arith.muli %add3A_1332, %mul3A_1359 : i32
      %add3A_1361 = arith.constant 0 : i32
      %add3A_1362 = arith.addi %mul3A_1360, %add3A_1361 : i32
      %swap3A_1363 = arith.index_cast %add3A_1362 : i32 to index
      %swap3A_1364 = tpu.vector_load %arg6[%swap3A_1363] {strides = array<i32>} : memref<32768xf32, #tpu.memory_space<vmem>>, vector<16xf32>,
      tpu.vector_store %arg6[%swap3A_1363], %gather3A_1358 {strides = array<i32>} : memref<32768xf32, #tpu.memory_space<vmem>>, vector<16xf32>,
      %gather3A_1365 = tpu.vector_load_idx %arg9[%add3A_5, %broadcast_in_dim3A_1357] : memref<50x128xf32, #tpu.memory_space<vmem>>[vector<16xi32>, vector<16xi32>], vector<16xf32>,
      %mul3A_1366 = arith.constant 64 : i32
      %mul3A_1367 = arith.muli %add3A_1332, %mul3A_1366 : i32
      %add3A_1368 = arith.constant 16 : i32
      %add3A_1369 = arith.addi %mul3A_1367, %add3A_1368 : i32
      %swap3A_1370 = arith.index_cast %add3A_1369 : i32 to index
      %swap3A_1371 = tpu.vector_load %arg6[%swap3A_1370] {strides = array<i32>} : memref<32768xf32, #tpu.memory_space<vmem>>, vector<16xf32>,
      tpu.vector_store %arg6[%swap3A_1370], %gather3A_1365 {strides = array<i32>} : memref<32768xf32, #tpu.memory_space<vmem>>, vector<16xf32>,
      %gather3A_1372 = tpu.vector_load_idx %arg9[%add3A_9, %broadcast_in_dim3A_1357] : memref<50x128xf32, #tpu.memory_space<vmem>>[vector<16xi32>, vector<16xi32>], vector<16xf32>,
      %mul3A_1373 = arith.constant 64 : i32
      %mul3A_1374 = arith.muli %add3A_1332, %mul3A_1373 : i32
      %add3A_1375 = arith.constant 32 : i32
      %add3A_1376 = arith.addi %mul3A_1374, %add3A_1375 : i32
      %swap3A_1377 = arith.index_cast %add3A_1376 : i32 to index
      %swap3A_1378 = tpu.vector_load %arg6[%swap3A_1377] {strides = array<i32>} : memref<32768xf32, #tpu.memory_space<vmem>>, vector<16xf32>,
      tpu.vector_store %arg6[%swap3A_1377], %gather3A_1372 {strides = array<i32>} : memref<32768xf32, #tpu.memory_space<vmem>>, vector<16xf32>,
      %gather3A_1379 = tpu.vector_load_idx %arg9[%select_n3A, %broadcast_in_dim3A_1357] : memref<50x128xf32, #tpu.memory_space<vmem>>[vector<16xi32>, vector<16xi32>], vector<16xf32>,
      %mul3A_1380 = arith.constant 64 : i32
      %mul3A_1381 = arith.muli %add3A_1332, %mul3A_1380 : i32
      %add3A_1382 = arith.constant 48 : i32
      %add3A_1383 = arith.addi %mul3A_1381, %add3A_1382 : i32
      %swap3A_1384 = arith.index_cast %add3A_1383 : i32 to index
      %swap3A_1385 = tpu.vector_load %arg6[%swap3A_1384] {strides = array<i32>} : memref<32768xf32, #tpu.memory_space<vmem>>, vector<16xf32>,
      tpu.vector_store %arg6[%swap3A_1384], %gather3A_1379 {strides = array<i32>} : memref<32768xf32, #tpu.memory_space<vmem>>, vector<16xf32>,
      %slice3A_1386 = vector.extract_strided_slice %get3A_1142 {offsets = [10], sizes = [1], strides = [1]} : vector<16xi32> to vector<1xi32>
      %squeeze3A_1387 = vector.extract %slice3A_1386[0] : i32 from vector<1xi32>
      %jit3A_1388 = arith.constant 128 : i32
      %div3A_1389 = arith.divsi %squeeze3A_1387, %jit3A_1388 : i32
      %sign3A_1390 = arith.constant 0 : i32
      %sign3A_1391 = arith.cmpi sgt, %squeeze3A_1387, %sign3A_1390 : i32
      %sign3A_1392 = arith.extui %sign3A_1391 : i1 to i32
      %sign3A_1393 = arith.constant 0 : i32
      %sign3A_1394 = arith.cmpi slt, %squeeze3A_1387, %sign3A_1393 : i32
      %sign3A_1395 = arith.extui %sign3A_1394 : i1 to i32
      %sign3A_1396 = arith.subi %sign3A_1392, %sign3A_1395 : i32
      %sign3A_1397 = arith.constant 0 : i32
      %sign3A_1398 = arith.cmpi sgt, %jit3A_1388, %sign3A_1397 : i32
      %sign3A_1399 = arith.extui %sign3A_1398 : i1 to i32
      %sign3A_1400 = arith.constant 0 : i32
      %sign3A_1401 = arith.cmpi slt, %jit3A_1388, %sign3A_1400 : i32
      %sign3A_1402 = arith.extui %sign3A_1401 : i1 to i32
      %sign3A_1403 = arith.subi %sign3A_1399, %sign3A_1402 : i32
      %ne3A_1404 = arith.cmpi ne, %sign3A_1396, %sign3A_1403 : i32
      %rem3A_1405 = arith.remsi %squeeze3A_1387, %jit3A_1388 : i32
      %ne3A_1406 = arith.constant 0 : i32
      %ne3A_1407 = arith.cmpi ne, %rem3A_1405, %ne3A_1406 : i32
      %and3A_1408 = arith.andi %ne3A_1404, %ne3A_1407 : i1
      %sub3A_1409 = arith.constant 1 : i32
      %sub3A_1410 = arith.subi %div3A_1389, %sub3A_1409 : i32
      %select_n3A_1411 = arith.select %and3A_1408, %sub3A_1410, %div3A_1389 : i32
      %mul3A_1412 = arith.constant 128 : i32
      %mul3A_1413 = arith.muli %select_n3A_1411, %mul3A_1412 : i32
      %multiple_of3A_1414 = tpu.assume_multiple %mul3A_1413, 128 : i32
      %dma_start3A_1415 = arith.constant 0 : i32
      %dma_start3A_1416 = tpu.memref_slice %arg3[%dma_start3A_1415, %multiple_of3A_1414] : memref<50x1000000xf32, #tpu.memory_space<hbm>> -> memref<50x128xf32, #tpu.memory_space<hbm>>
      %dma_start3A_1417 = arith.constant 0 : i32
      %dma_start3A_1418 = tpu.memref_slice %arg3[%dma_start3A_1417, %multiple_of3A_1414] : memref<50x1000000xf32, #tpu.memory_space<hbm>> -> memref<50x128xf32, #tpu.memory_space<hbm>>
      tpu.enqueue_dma source(%dma_start3A_1418 : memref<50x128xf32, #tpu.memory_space<hbm>>) target(%arg9 : memref<50x128xf32, #tpu.memory_space<vmem>>) target_semaphore(%arg17 : memref<!tpu.dma_semaphore, #tpu.memory_space<semaphore_mem>>)
      %mul3A_1419 = arith.constant 16 : i32
      %mul3A_1420 = arith.muli %scan3A_1137, %mul3A_1419 : i32
      %add3A_1421 = arith.constant 3 : i32
      %add3A_1422 = arith.addi %mul3A_1420, %add3A_1421 : i32
      %slice3A_1423 = vector.extract_strided_slice %get3A_1142 {offsets = [3], sizes = [1], strides = [1]} : vector<16xi32> to vector<1xi32>
      %squeeze3A_1424 = vector.extract %slice3A_1423[0] : i32 from vector<1xi32>
      %dma_wait3A_1425 = arith.constant 0 : i32
      %dma_wait3A_1426 = arith.constant 0 : i32
      %dma_wait3A_1427 = tpu.memref_slice %arg3[%dma_wait3A_1425, %dma_wait3A_1426] : memref<50x1000000xf32, #tpu.memory_space<hbm>> -> memref<50x128xf32, #tpu.memory_space<hbm>>
      %dma_wait3A_1428 = arith.constant 0 : i32
      %dma_wait3A_1429 = arith.constant 0 : i32
      %dma_wait3A_1430 = tpu.memref_slice %arg3[%dma_wait3A_1428, %dma_wait3A_1429] : memref<50x1000000xf32, #tpu.memory_space<hbm>> -> memref<50x128xf32, #tpu.memory_space<hbm>>
      tpu.wait_dma2 semaphore(%arg18 : memref<!tpu.dma_semaphore, #tpu.memory_space<semaphore_mem>>) src(%dma_wait3A_1430 : memref<50x128xf32, #tpu.memory_space<hbm>>) dst(%arg10 : memref<50x128xf32, #tpu.memory_space<vmem>>)
      %jit3A_1431 = arith.constant 128 : i32
      %eq3A_1432 = arith.constant 0 : i32
      %eq3A_1433 = arith.cmpi eq, %jit3A_1431, %eq3A_1432 : i32
      %jit3A_1434 = arith.constant 1 : i32
      %select_n3A_1435 = arith.select %eq3A_1433, %jit3A_1434, %jit3A_1431 : i32
      %rem3A_1436 = arith.remsi %squeeze3A_1424, %select_n3A_1435 : i32
      %ne3A_1437 = arith.constant 0 : i32
      %ne3A_1438 = arith.cmpi ne, %rem3A_1436, %ne3A_1437 : i32
      %lt3A_1439 = arith.constant 0 : i32
      %lt3A_1440 = arith.cmpi slt, %rem3A_1436, %lt3A_1439 : i32
      %lt3A_1441 = arith.constant 0 : i32
      %lt3A_1442 = arith.cmpi slt, %select_n3A_1435, %lt3A_1441 : i32
      %ne3A_1443 = arith.xori %lt3A_1440, %lt3A_1442 : i1
      %and3A_1444 = arith.andi %ne3A_1443, %ne3A_1438 : i1
      %add3A_1445 = arith.addi %rem3A_1436, %select_n3A_1435 : i32
      %select_n3A_1446 = arith.select %and3A_1444, %add3A_1445, %rem3A_1436 : i32
      %broadcast_in_dim3A_1447 = vector.broadcast %select_n3A_1446 : i32 to vector<16xi32>
      %gather3A_1448 = tpu.vector_load_idx %arg10[%add3A_1, %broadcast_in_dim3A_1447] : memref<50x128xf32, #tpu.memory_space<vmem>>[vector<16xi32>, vector<16xi32>], vector<16xf32>,
      %mul3A_1449 = arith.constant 64 : i32
      %mul3A_1450 = arith.muli %add3A_1422, %mul3A_1449 : i32
      %add3A_1451 = arith.constant 0 : i32
      %add3A_1452 = arith.addi %mul3A_1450, %add3A_1451 : i32
      %swap3A_1453 = arith.index_cast %add3A_1452 : i32 to index
      %swap3A_1454 = tpu.vector_load %arg6[%swap3A_1453] {strides = array<i32>} : memref<32768xf32, #tpu.memory_space<vmem>>, vector<16xf32>,
      tpu.vector_store %arg6[%swap3A_1453], %gather3A_1448 {strides = array<i32>} : memref<32768xf32, #tpu.memory_space<vmem>>, vector<16xf32>,
      %gather3A_1455 = tpu.vector_load_idx %arg10[%add3A_5, %broadcast_in_dim3A_1447] : memref<50x128xf32, #tpu.memory_space<vmem>>[vector<16xi32>, vector<16xi32>], vector<16xf32>,
      %mul3A_1456 = arith.constant 64 : i32
      %mul3A_1457 = arith.muli %add3A_1422, %mul3A_1456 : i32
      %add3A_1458 = arith.constant 16 : i32
      %add3A_1459 = arith.addi %mul3A_1457, %add3A_1458 : i32
      %swap3A_1460 = arith.index_cast %add3A_1459 : i32 to index
      %swap3A_1461 = tpu.vector_load %arg6[%swap3A_1460] {strides = array<i32>} : memref<32768xf32, #tpu.memory_space<vmem>>, vector<16xf32>,
      tpu.vector_store %arg6[%swap3A_1460], %gather3A_1455 {strides = array<i32>} : memref<32768xf32, #tpu.memory_space<vmem>>, vector<16xf32>,
      %gather3A_1462 = tpu.vector_load_idx %arg10[%add3A_9, %broadcast_in_dim3A_1447] : memref<50x128xf32, #tpu.memory_space<vmem>>[vector<16xi32>, vector<16xi32>], vector<16xf32>,
      %mul3A_1463 = arith.constant 64 : i32
      %mul3A_1464 = arith.muli %add3A_1422, %mul3A_1463 : i32
      %add3A_1465 = arith.constant 32 : i32
      %add3A_1466 = arith.addi %mul3A_1464, %add3A_1465 : i32
      %swap3A_1467 = arith.index_cast %add3A_1466 : i32 to index
      %swap3A_1468 = tpu.vector_load %arg6[%swap3A_1467] {strides = array<i32>} : memref<32768xf32, #tpu.memory_space<vmem>>, vector<16xf32>,
      tpu.vector_store %arg6[%swap3A_1467], %gather3A_1462 {strides = array<i32>} : memref<32768xf32, #tpu.memory_space<vmem>>, vector<16xf32>,
      %gather3A_1469 = tpu.vector_load_idx %arg10[%select_n3A, %broadcast_in_dim3A_1447] : memref<50x128xf32, #tpu.memory_space<vmem>>[vector<16xi32>, vector<16xi32>], vector<16xf32>,
      %mul3A_1470 = arith.constant 64 : i32
      %mul3A_1471 = arith.muli %add3A_1422, %mul3A_1470 : i32
      %add3A_1472 = arith.constant 48 : i32
      %add3A_1473 = arith.addi %mul3A_1471, %add3A_1472 : i32
      %swap3A_1474 = arith.index_cast %add3A_1473 : i32 to index
      %swap3A_1475 = tpu.vector_load %arg6[%swap3A_1474] {strides = array<i32>} : memref<32768xf32, #tpu.memory_space<vmem>>, vector<16xf32>,
      tpu.vector_store %arg6[%swap3A_1474], %gather3A_1469 {strides = array<i32>} : memref<32768xf32, #tpu.memory_space<vmem>>, vector<16xf32>,
      %slice3A_1476 = vector.extract_strided_slice %get3A_1142 {offsets = [11], sizes = [1], strides = [1]} : vector<16xi32> to vector<1xi32>
      %squeeze3A_1477 = vector.extract %slice3A_1476[0] : i32 from vector<1xi32>
      %jit3A_1478 = arith.constant 128 : i32
      %div3A_1479 = arith.divsi %squeeze3A_1477, %jit3A_1478 : i32
      %sign3A_1480 = arith.constant 0 : i32
      %sign3A_1481 = arith.cmpi sgt, %squeeze3A_1477, %sign3A_1480 : i32
      %sign3A_1482 = arith.extui %sign3A_1481 : i1 to i32
      %sign3A_1483 = arith.constant 0 : i32
      %sign3A_1484 = arith.cmpi slt, %squeeze3A_1477, %sign3A_1483 : i32
      %sign3A_1485 = arith.extui %sign3A_1484 : i1 to i32
      %sign3A_1486 = arith.subi %sign3A_1482, %sign3A_1485 : i32
      %sign3A_1487 = arith.constant 0 : i32
      %sign3A_1488 = arith.cmpi sgt, %jit3A_1478, %sign3A_1487 : i32
      %sign3A_1489 = arith.extui %sign3A_1488 : i1 to i32
      %sign3A_1490 = arith.constant 0 : i32
      %sign3A_1491 = arith.cmpi slt, %jit3A_1478, %sign3A_1490 : i32
      %sign3A_1492 = arith.extui %sign3A_1491 : i1 to i32
      %sign3A_1493 = arith.subi %sign3A_1489, %sign3A_1492 : i32
      %ne3A_1494 = arith.cmpi ne, %sign3A_1486, %sign3A_1493 : i32
      %rem3A_1495 = arith.remsi %squeeze3A_1477, %jit3A_1478 : i32
      %ne3A_1496 = arith.constant 0 : i32
      %ne3A_1497 = arith.cmpi ne, %rem3A_1495, %ne3A_1496 : i32
      %and3A_1498 = arith.andi %ne3A_1494, %ne3A_1497 : i1
      %sub3A_1499 = arith.constant 1 : i32
      %sub3A_1500 = arith.subi %div3A_1479, %sub3A_1499 : i32
      %select_n3A_1501 = arith.select %and3A_1498, %sub3A_1500, %div3A_1479 : i32
      %mul3A_1502 = arith.constant 128 : i32
      %mul3A_1503 = arith.muli %select_n3A_1501, %mul3A_1502 : i32
      %multiple_of3A_1504 = tpu.assume_multiple %mul3A_1503, 128 : i32
      %dma_start3A_1505 = arith.constant 0 : i32
      %dma_start3A_1506 = tpu.memref_slice %arg3[%dma_start3A_1505, %multiple_of3A_1504] : memref<50x1000000xf32, #tpu.memory_space<hbm>> -> memref<50x128xf32, #tpu.memory_space<hbm>>
      %dma_start3A_1507 = arith.constant 0 : i32
      %dma_start3A_1508 = tpu.memref_slice %arg3[%dma_start3A_1507, %multiple_of3A_1504] : memref<50x1000000xf32, #tpu.memory_space<hbm>> -> memref<50x128xf32, #tpu.memory_space<hbm>>
      tpu.enqueue_dma source(%dma_start3A_1508 : memref<50x128xf32, #tpu.memory_space<hbm>>) target(%arg10 : memref<50x128xf32, #tpu.memory_space<vmem>>) target_semaphore(%arg18 : memref<!tpu.dma_semaphore, #tpu.memory_space<semaphore_mem>>)
      %mul3A_1509 = arith.constant 16 : i32
      %mul3A_1510 = arith.muli %scan3A_1137, %mul3A_1509 : i32
      %add3A_1511 = arith.constant 4 : i32
      %add3A_1512 = arith.addi %mul3A_1510, %add3A_1511 : i32
      %slice3A_1513 = vector.extract_strided_slice %get3A_1142 {offsets = [4], sizes = [1], strides = [1]} : vector<16xi32> to vector<1xi32>
      %squeeze3A_1514 = vector.extract %slice3A_1513[0] : i32 from vector<1xi32>
      %dma_wait3A_1515 = arith.constant 0 : i32
      %dma_wait3A_1516 = arith.constant 0 : i32
      %dma_wait3A_1517 = tpu.memref_slice %arg3[%dma_wait3A_1515, %dma_wait3A_1516] : memref<50x1000000xf32, #tpu.memory_space<hbm>> -> memref<50x128xf32, #tpu.memory_space<hbm>>
      %dma_wait3A_1518 = arith.constant 0 : i32
      %dma_wait3A_1519 = arith.constant 0 : i32
      %dma_wait3A_1520 = tpu.memref_slice %arg3[%dma_wait3A_1518, %dma_wait3A_1519] : memref<50x1000000xf32, #tpu.memory_space<hbm>> -> memref<50x128xf32, #tpu.memory_space<hbm>>
      tpu.wait_dma2 semaphore(%arg19 : memref<!tpu.dma_semaphore, #tpu.memory_space<semaphore_mem>>) src(%dma_wait3A_1520 : memref<50x128xf32, #tpu.memory_space<hbm>>) dst(%arg11 : memref<50x128xf32, #tpu.memory_space<vmem>>)
      %jit3A_1521 = arith.constant 128 : i32
      %eq3A_1522 = arith.constant 0 : i32
      %eq3A_1523 = arith.cmpi eq, %jit3A_1521, %eq3A_1522 : i32
      %jit3A_1524 = arith.constant 1 : i32
      %select_n3A_1525 = arith.select %eq3A_1523, %jit3A_1524, %jit3A_1521 : i32
      %rem3A_1526 = arith.remsi %squeeze3A_1514, %select_n3A_1525 : i32
      %ne3A_1527 = arith.constant 0 : i32
      %ne3A_1528 = arith.cmpi ne, %rem3A_1526, %ne3A_1527 : i32
      %lt3A_1529 = arith.constant 0 : i32
      %lt3A_1530 = arith.cmpi slt, %rem3A_1526, %lt3A_1529 : i32
      %lt3A_1531 = arith.constant 0 : i32
      %lt3A_1532 = arith.cmpi slt, %select_n3A_1525, %lt3A_1531 : i32
      %ne3A_1533 = arith.xori %lt3A_1530, %lt3A_1532 : i1
      %and3A_1534 = arith.andi %ne3A_1533, %ne3A_1528 : i1
      %add3A_1535 = arith.addi %rem3A_1526, %select_n3A_1525 : i32
      %select_n3A_1536 = arith.select %and3A_1534, %add3A_1535, %rem3A_1526 : i32
      %broadcast_in_dim3A_1537 = vector.broadcast %select_n3A_1536 : i32 to vector<16xi32>
      %gather3A_1538 = tpu.vector_load_idx %arg11[%add3A_1, %broadcast_in_dim3A_1537] : memref<50x128xf32, #tpu.memory_space<vmem>>[vector<16xi32>, vector<16xi32>], vector<16xf32>,
      %mul3A_1539 = arith.constant 64 : i32
      %mul3A_1540 = arith.muli %add3A_1512, %mul3A_1539 : i32
      %add3A_1541 = arith.constant 0 : i32
      %add3A_1542 = arith.addi %mul3A_1540, %add3A_1541 : i32
      %swap3A_1543 = arith.index_cast %add3A_1542 : i32 to index
      %swap3A_1544 = tpu.vector_load %arg6[%swap3A_1543] {strides = array<i32>} : memref<32768xf32, #tpu.memory_space<vmem>>, vector<16xf32>,
      tpu.vector_store %arg6[%swap3A_1543], %gather3A_1538 {strides = array<i32>} : memref<32768xf32, #tpu.memory_space<vmem>>, vector<16xf32>,
      %gather3A_1545 = tpu.vector_load_idx %arg11[%add3A_5, %broadcast_in_dim3A_1537] : memref<50x128xf32, #tpu.memory_space<vmem>>[vector<16xi32>, vector<16xi32>], vector<16xf32>,
      %mul3A_1546 = arith.constant 64 : i32
      %mul3A_1547 = arith.muli %add3A_1512, %mul3A_1546 : i32
      %add3A_1548 = arith.constant 16 : i32
      %add3A_1549 = arith.addi %mul3A_1547, %add3A_1548 : i32
      %swap3A_1550 = arith.index_cast %add3A_1549 : i32 to index
      %swap3A_1551 = tpu.vector_load %arg6[%swap3A_1550] {strides = array<i32>} : memref<32768xf32, #tpu.memory_space<vmem>>, vector<16xf32>,
      tpu.vector_store %arg6[%swap3A_1550], %gather3A_1545 {strides = array<i32>} : memref<32768xf32, #tpu.memory_space<vmem>>, vector<16xf32>,
      %gather3A_1552 = tpu.vector_load_idx %arg11[%add3A_9, %broadcast_in_dim3A_1537] : memref<50x128xf32, #tpu.memory_space<vmem>>[vector<16xi32>, vector<16xi32>], vector<16xf32>,
      %mul3A_1553 = arith.constant 64 : i32
      %mul3A_1554 = arith.muli %add3A_1512, %mul3A_1553 : i32
      %add3A_1555 = arith.constant 32 : i32
      %add3A_1556 = arith.addi %mul3A_1554, %add3A_1555 : i32
      %swap3A_1557 = arith.index_cast %add3A_1556 : i32 to index
      %swap3A_1558 = tpu.vector_load %arg6[%swap3A_1557] {strides = array<i32>} : memref<32768xf32, #tpu.memory_space<vmem>>, vector<16xf32>,
      tpu.vector_store %arg6[%swap3A_1557], %gather3A_1552 {strides = array<i32>} : memref<32768xf32, #tpu.memory_space<vmem>>, vector<16xf32>,
      %gather3A_1559 = tpu.vector_load_idx %arg11[%select_n3A, %broadcast_in_dim3A_1537] : memref<50x128xf32, #tpu.memory_space<vmem>>[vector<16xi32>, vector<16xi32>], vector<16xf32>,
      %mul3A_1560 = arith.constant 64 : i32
      %mul3A_1561 = arith.muli %add3A_1512, %mul3A_1560 : i32
      %add3A_1562 = arith.constant 48 : i32
      %add3A_1563 = arith.addi %mul3A_1561, %add3A_1562 : i32
      %swap3A_1564 = arith.index_cast %add3A_1563 : i32 to index
      %swap3A_1565 = tpu.vector_load %arg6[%swap3A_1564] {strides = array<i32>} : memref<32768xf32, #tpu.memory_space<vmem>>, vector<16xf32>,
      tpu.vector_store %arg6[%swap3A_1564], %gather3A_1559 {strides = array<i32>} : memref<32768xf32, #tpu.memory_space<vmem>>, vector<16xf32>,
      %slice3A_1566 = vector.extract_strided_slice %get3A_1142 {offsets = [12], sizes = [1], strides = [1]} : vector<16xi32> to vector<1xi32>
      %squeeze3A_1567 = vector.extract %slice3A_1566[0] : i32 from vector<1xi32>
      %jit3A_1568 = arith.constant 128 : i32
      %div3A_1569 = arith.divsi %squeeze3A_1567, %jit3A_1568 : i32
      %sign3A_1570 = arith.constant 0 : i32
      %sign3A_1571 = arith.cmpi sgt, %squeeze3A_1567, %sign3A_1570 : i32
      %sign3A_1572 = arith.extui %sign3A_1571 : i1 to i32
      %sign3A_1573 = arith.constant 0 : i32
      %sign3A_1574 = arith.cmpi slt, %squeeze3A_1567, %sign3A_1573 : i32
      %sign3A_1575 = arith.extui %sign3A_1574 : i1 to i32
      %sign3A_1576 = arith.subi %sign3A_1572, %sign3A_1575 : i32
      %sign3A_1577 = arith.constant 0 : i32
      %sign3A_1578 = arith.cmpi sgt, %jit3A_1568, %sign3A_1577 : i32
      %sign3A_1579 = arith.extui %sign3A_1578 : i1 to i32
      %sign3A_1580 = arith.constant 0 : i32
      %sign3A_1581 = arith.cmpi slt, %jit3A_1568, %sign3A_1580 : i32
      %sign3A_1582 = arith.extui %sign3A_1581 : i1 to i32
      %sign3A_1583 = arith.subi %sign3A_1579, %sign3A_1582 : i32
      %ne3A_1584 = arith.cmpi ne, %sign3A_1576, %sign3A_1583 : i32
      %rem3A_1585 = arith.remsi %squeeze3A_1567, %jit3A_1568 : i32
      %ne3A_1586 = arith.constant 0 : i32
      %ne3A_1587 = arith.cmpi ne, %rem3A_1585, %ne3A_1586 : i32
      %and3A_1588 = arith.andi %ne3A_1584, %ne3A_1587 : i1
      %sub3A_1589 = arith.constant 1 : i32
      %sub3A_1590 = arith.subi %div3A_1569, %sub3A_1589 : i32
      %select_n3A_1591 = arith.select %and3A_1588, %sub3A_1590, %div3A_1569 : i32
      %mul3A_1592 = arith.constant 128 : i32
      %mul3A_1593 = arith.muli %select_n3A_1591, %mul3A_1592 : i32
      %multiple_of3A_1594 = tpu.assume_multiple %mul3A_1593, 128 : i32
      %dma_start3A_1595 = arith.constant 0 : i32
      %dma_start3A_1596 = tpu.memref_slice %arg3[%dma_start3A_1595, %multiple_of3A_1594] : memref<50x1000000xf32, #tpu.memory_space<hbm>> -> memref<50x128xf32, #tpu.memory_space<hbm>>
      %dma_start3A_1597 = arith.constant 0 : i32
      %dma_start3A_1598 = tpu.memref_slice %arg3[%dma_start3A_1597, %multiple_of3A_1594] : memref<50x1000000xf32, #tpu.memory_space<hbm>> -> memref<50x128xf32, #tpu.memory_space<hbm>>
      tpu.enqueue_dma source(%dma_start3A_1598 : memref<50x128xf32, #tpu.memory_space<hbm>>) target(%arg11 : memref<50x128xf32, #tpu.memory_space<vmem>>) target_semaphore(%arg19 : memref<!tpu.dma_semaphore, #tpu.memory_space<semaphore_mem>>)
      %mul3A_1599 = arith.constant 16 : i32
      %mul3A_1600 = arith.muli %scan3A_1137, %mul3A_1599 : i32
      %add3A_1601 = arith.constant 5 : i32
      %add3A_1602 = arith.addi %mul3A_1600, %add3A_1601 : i32
      %slice3A_1603 = vector.extract_strided_slice %get3A_1142 {offsets = [5], sizes = [1], strides = [1]} : vector<16xi32> to vector<1xi32>
      %squeeze3A_1604 = vector.extract %slice3A_1603[0] : i32 from vector<1xi32>
      %dma_wait3A_1605 = arith.constant 0 : i32
      %dma_wait3A_1606 = arith.constant 0 : i32
      %dma_wait3A_1607 = tpu.memref_slice %arg3[%dma_wait3A_1605, %dma_wait3A_1606] : memref<50x1000000xf32, #tpu.memory_space<hbm>> -> memref<50x128xf32, #tpu.memory_space<hbm>>
      %dma_wait3A_1608 = arith.constant 0 : i32
      %dma_wait3A_1609 = arith.constant 0 : i32
      %dma_wait3A_1610 = tpu.memref_slice %arg3[%dma_wait3A_1608, %dma_wait3A_1609] : memref<50x1000000xf32, #tpu.memory_space<hbm>> -> memref<50x128xf32, #tpu.memory_space<hbm>>
      tpu.wait_dma2 semaphore(%arg20 : memref<!tpu.dma_semaphore, #tpu.memory_space<semaphore_mem>>) src(%dma_wait3A_1610 : memref<50x128xf32, #tpu.memory_space<hbm>>) dst(%arg12 : memref<50x128xf32, #tpu.memory_space<vmem>>)
      %jit3A_1611 = arith.constant 128 : i32
      %eq3A_1612 = arith.constant 0 : i32
      %eq3A_1613 = arith.cmpi eq, %jit3A_1611, %eq3A_1612 : i32
      %jit3A_1614 = arith.constant 1 : i32
      %select_n3A_1615 = arith.select %eq3A_1613, %jit3A_1614, %jit3A_1611 : i32
      %rem3A_1616 = arith.remsi %squeeze3A_1604, %select_n3A_1615 : i32
      %ne3A_1617 = arith.constant 0 : i32
      %ne3A_1618 = arith.cmpi ne, %rem3A_1616, %ne3A_1617 : i32
      %lt3A_1619 = arith.constant 0 : i32
      %lt3A_1620 = arith.cmpi slt, %rem3A_1616, %lt3A_1619 : i32
      %lt3A_1621 = arith.constant 0 : i32
      %lt3A_1622 = arith.cmpi slt, %select_n3A_1615, %lt3A_1621 : i32
      %ne3A_1623 = arith.xori %lt3A_1620, %lt3A_1622 : i1
      %and3A_1624 = arith.andi %ne3A_1623, %ne3A_1618 : i1
      %add3A_1625 = arith.addi %rem3A_1616, %select_n3A_1615 : i32
      %select_n3A_1626 = arith.select %and3A_1624, %add3A_1625, %rem3A_1616 : i32
      %broadcast_in_dim3A_1627 = vector.broadcast %select_n3A_1626 : i32 to vector<16xi32>
      %gather3A_1628 = tpu.vector_load_idx %arg12[%add3A_1, %broadcast_in_dim3A_1627] : memref<50x128xf32, #tpu.memory_space<vmem>>[vector<16xi32>, vector<16xi32>], vector<16xf32>,
      %mul3A_1629 = arith.constant 64 : i32
      %mul3A_1630 = arith.muli %add3A_1602, %mul3A_1629 : i32
      %add3A_1631 = arith.constant 0 : i32
      %add3A_1632 = arith.addi %mul3A_1630, %add3A_1631 : i32
      %swap3A_1633 = arith.index_cast %add3A_1632 : i32 to index
      %swap3A_1634 = tpu.vector_load %arg6[%swap3A_1633] {strides = array<i32>} : memref<32768xf32, #tpu.memory_space<vmem>>, vector<16xf32>,
      tpu.vector_store %arg6[%swap3A_1633], %gather3A_1628 {strides = array<i32>} : memref<32768xf32, #tpu.memory_space<vmem>>, vector<16xf32>,
      %gather3A_1635 = tpu.vector_load_idx %arg12[%add3A_5, %broadcast_in_dim3A_1627] : memref<50x128xf32, #tpu.memory_space<vmem>>[vector<16xi32>, vector<16xi32>], vector<16xf32>,
      %mul3A_1636 = arith.constant 64 : i32
      %mul3A_1637 = arith.muli %add3A_1602, %mul3A_1636 : i32
      %add3A_1638 = arith.constant 16 : i32
      %add3A_1639 = arith.addi %mul3A_1637, %add3A_1638 : i32
      %swap3A_1640 = arith.index_cast %add3A_1639 : i32 to index
      %swap3A_1641 = tpu.vector_load %arg6[%swap3A_1640] {strides = array<i32>} : memref<32768xf32, #tpu.memory_space<vmem>>, vector<16xf32>,
      tpu.vector_store %arg6[%swap3A_1640], %gather3A_1635 {strides = array<i32>} : memref<32768xf32, #tpu.memory_space<vmem>>, vector<16xf32>,
      %gather3A_1642 = tpu.vector_load_idx %arg12[%add3A_9, %broadcast_in_dim3A_1627] : memref<50x128xf32, #tpu.memory_space<vmem>>[vector<16xi32>, vector<16xi32>], vector<16xf32>,
      %mul3A_1643 = arith.constant 64 : i32
      %mul3A_1644 = arith.muli %add3A_1602, %mul3A_1643 : i32
      %add3A_1645 = arith.constant 32 : i32
      %add3A_1646 = arith.addi %mul3A_1644, %add3A_1645 : i32
      %swap3A_1647 = arith.index_cast %add3A_1646 : i32 to index
      %swap3A_1648 = tpu.vector_load %arg6[%swap3A_1647] {strides = array<i32>} : memref<32768xf32, #tpu.memory_space<vmem>>, vector<16xf32>,
      tpu.vector_store %arg6[%swap3A_1647], %gather3A_1642 {strides = array<i32>} : memref<32768xf32, #tpu.memory_space<vmem>>, vector<16xf32>,
      %gather3A_1649 = tpu.vector_load_idx %arg12[%select_n3A, %broadcast_in_dim3A_1627] : memref<50x128xf32, #tpu.memory_space<vmem>>[vector<16xi32>, vector<16xi32>], vector<16xf32>,
      %mul3A_1650 = arith.constant 64 : i32
      %mul3A_1651 = arith.muli %add3A_1602, %mul3A_1650 : i32
      %add3A_1652 = arith.constant 48 : i32
      %add3A_1653 = arith.addi %mul3A_1651, %add3A_1652 : i32
      %swap3A_1654 = arith.index_cast %add3A_1653 : i32 to index
      %swap3A_1655 = tpu.vector_load %arg6[%swap3A_1654] {strides = array<i32>} : memref<32768xf32, #tpu.memory_space<vmem>>, vector<16xf32>,
      tpu.vector_store %arg6[%swap3A_1654], %gather3A_1649 {strides = array<i32>} : memref<32768xf32, #tpu.memory_space<vmem>>, vector<16xf32>,
      %slice3A_1656 = vector.extract_strided_slice %get3A_1142 {offsets = [13], sizes = [1], strides = [1]} : vector<16xi32> to vector<1xi32>
      %squeeze3A_1657 = vector.extract %slice3A_1656[0] : i32 from vector<1xi32>
      %jit3A_1658 = arith.constant 128 : i32
      %div3A_1659 = arith.divsi %squeeze3A_1657, %jit3A_1658 : i32
      %sign3A_1660 = arith.constant 0 : i32
      %sign3A_1661 = arith.cmpi sgt, %squeeze3A_1657, %sign3A_1660 : i32
      %sign3A_1662 = arith.extui %sign3A_1661 : i1 to i32
      %sign3A_1663 = arith.constant 0 : i32
      %sign3A_1664 = arith.cmpi slt, %squeeze3A_1657, %sign3A_1663 : i32
      %sign3A_1665 = arith.extui %sign3A_1664 : i1 to i32
      %sign3A_1666 = arith.subi %sign3A_1662, %sign3A_1665 : i32
      %sign3A_1667 = arith.constant 0 : i32
      %sign3A_1668 = arith.cmpi sgt, %jit3A_1658, %sign3A_1667 : i32
      %sign3A_1669 = arith.extui %sign3A_1668 : i1 to i32
      %sign3A_1670 = arith.constant 0 : i32
      %sign3A_1671 = arith.cmpi slt, %jit3A_1658, %sign3A_1670 : i32
      %sign3A_1672 = arith.extui %sign3A_1671 : i1 to i32
      %sign3A_1673 = arith.subi %sign3A_1669, %sign3A_1672 : i32
      %ne3A_1674 = arith.cmpi ne, %sign3A_1666, %sign3A_1673 : i32
      %rem3A_1675 = arith.remsi %squeeze3A_1657, %jit3A_1658 : i32
      %ne3A_1676 = arith.constant 0 : i32
      %ne3A_1677 = arith.cmpi ne, %rem3A_1675, %ne3A_1676 : i32
      %and3A_1678 = arith.andi %ne3A_1674, %ne3A_1677 : i1
      %sub3A_1679 = arith.constant 1 : i32
      %sub3A_1680 = arith.subi %div3A_1659, %sub3A_1679 : i32
      %select_n3A_1681 = arith.select %and3A_1678, %sub3A_1680, %div3A_1659 : i32
      %mul3A_1682 = arith.constant 128 : i32
      %mul3A_1683 = arith.muli %select_n3A_1681, %mul3A_1682 : i32
      %multiple_of3A_1684 = tpu.assume_multiple %mul3A_1683, 128 : i32
      %dma_start3A_1685 = arith.constant 0 : i32
      %dma_start3A_1686 = tpu.memref_slice %arg3[%dma_start3A_1685, %multiple_of3A_1684] : memref<50x1000000xf32, #tpu.memory_space<hbm>> -> memref<50x128xf32, #tpu.memory_space<hbm>>
      %dma_start3A_1687 = arith.constant 0 : i32
      %dma_start3A_1688 = tpu.memref_slice %arg3[%dma_start3A_1687, %multiple_of3A_1684] : memref<50x1000000xf32, #tpu.memory_space<hbm>> -> memref<50x128xf32, #tpu.memory_space<hbm>>
      tpu.enqueue_dma source(%dma_start3A_1688 : memref<50x128xf32, #tpu.memory_space<hbm>>) target(%arg12 : memref<50x128xf32, #tpu.memory_space<vmem>>) target_semaphore(%arg20 : memref<!tpu.dma_semaphore, #tpu.memory_space<semaphore_mem>>)
      %mul3A_1689 = arith.constant 16 : i32
      %mul3A_1690 = arith.muli %scan3A_1137, %mul3A_1689 : i32
      %add3A_1691 = arith.constant 6 : i32
      %add3A_1692 = arith.addi %mul3A_1690, %add3A_1691 : i32
      %slice3A_1693 = vector.extract_strided_slice %get3A_1142 {offsets = [6], sizes = [1], strides = [1]} : vector<16xi32> to vector<1xi32>
      %squeeze3A_1694 = vector.extract %slice3A_1693[0] : i32 from vector<1xi32>
      %dma_wait3A_1695 = arith.constant 0 : i32
      %dma_wait3A_1696 = arith.constant 0 : i32
      %dma_wait3A_1697 = tpu.memref_slice %arg3[%dma_wait3A_1695, %dma_wait3A_1696] : memref<50x1000000xf32, #tpu.memory_space<hbm>> -> memref<50x128xf32, #tpu.memory_space<hbm>>
      %dma_wait3A_1698 = arith.constant 0 : i32
      %dma_wait3A_1699 = arith.constant 0 : i32
      %dma_wait3A_1700 = tpu.memref_slice %arg3[%dma_wait3A_1698, %dma_wait3A_1699] : memref<50x1000000xf32, #tpu.memory_space<hbm>> -> memref<50x128xf32, #tpu.memory_space<hbm>>
      tpu.wait_dma2 semaphore(%arg21 : memref<!tpu.dma_semaphore, #tpu.memory_space<semaphore_mem>>) src(%dma_wait3A_1700 : memref<50x128xf32, #tpu.memory_space<hbm>>) dst(%arg13 : memref<50x128xf32, #tpu.memory_space<vmem>>)
      %jit3A_1701 = arith.constant 128 : i32
      %eq3A_1702 = arith.constant 0 : i32
      %eq3A_1703 = arith.cmpi eq, %jit3A_1701, %eq3A_1702 : i32
      %jit3A_1704 = arith.constant 1 : i32
      %select_n3A_1705 = arith.select %eq3A_1703, %jit3A_1704, %jit3A_1701 : i32
      %rem3A_1706 = arith.remsi %squeeze3A_1694, %select_n3A_1705 : i32
      %ne3A_1707 = arith.constant 0 : i32
      %ne3A_1708 = arith.cmpi ne, %rem3A_1706, %ne3A_1707 : i32
      %lt3A_1709 = arith.constant 0 : i32
      %lt3A_1710 = arith.cmpi slt, %rem3A_1706, %lt3A_1709 : i32
      %lt3A_1711 = arith.constant 0 : i32
      %lt3A_1712 = arith.cmpi slt, %select_n3A_1705, %lt3A_1711 : i32
      %ne3A_1713 = arith.xori %lt3A_1710, %lt3A_1712 : i1
      %and3A_1714 = arith.andi %ne3A_1713, %ne3A_1708 : i1
      %add3A_1715 = arith.addi %rem3A_1706, %select_n3A_1705 : i32
      %select_n3A_1716 = arith.select %and3A_1714, %add3A_1715, %rem3A_1706 : i32
      %broadcast_in_dim3A_1717 = vector.broadcast %select_n3A_1716 : i32 to vector<16xi32>
      %gather3A_1718 = tpu.vector_load_idx %arg13[%add3A_1, %broadcast_in_dim3A_1717] : memref<50x128xf32, #tpu.memory_space<vmem>>[vector<16xi32>, vector<16xi32>], vector<16xf32>,
      %mul3A_1719 = arith.constant 64 : i32
      %mul3A_1720 = arith.muli %add3A_1692, %mul3A_1719 : i32
      %add3A_1721 = arith.constant 0 : i32
      %add3A_1722 = arith.addi %mul3A_1720, %add3A_1721 : i32
      %swap3A_1723 = arith.index_cast %add3A_1722 : i32 to index
      %swap3A_1724 = tpu.vector_load %arg6[%swap3A_1723] {strides = array<i32>} : memref<32768xf32, #tpu.memory_space<vmem>>, vector<16xf32>,
      tpu.vector_store %arg6[%swap3A_1723], %gather3A_1718 {strides = array<i32>} : memref<32768xf32, #tpu.memory_space<vmem>>, vector<16xf32>,
      %gather3A_1725 = tpu.vector_load_idx %arg13[%add3A_5, %broadcast_in_dim3A_1717] : memref<50x128xf32, #tpu.memory_space<vmem>>[vector<16xi32>, vector<16xi32>], vector<16xf32>,
      %mul3A_1726 = arith.constant 64 : i32
      %mul3A_1727 = arith.muli %add3A_1692, %mul3A_1726 : i32
      %add3A_1728 = arith.constant 16 : i32
      %add3A_1729 = arith.addi %mul3A_1727, %add3A_1728 : i32
      %swap3A_1730 = arith.index_cast %add3A_1729 : i32 to index
      %swap3A_1731 = tpu.vector_load %arg6[%swap3A_1730] {strides = array<i32>} : memref<32768xf32, #tpu.memory_space<vmem>>, vector<16xf32>,
      tpu.vector_store %arg6[%swap3A_1730], %gather3A_1725 {strides = array<i32>} : memref<32768xf32, #tpu.memory_space<vmem>>, vector<16xf32>,
      %gather3A_1732 = tpu.vector_load_idx %arg13[%add3A_9, %broadcast_in_dim3A_1717] : memref<50x128xf32, #tpu.memory_space<vmem>>[vector<16xi32>, vector<16xi32>], vector<16xf32>,
      %mul3A_1733 = arith.constant 64 : i32
      %mul3A_1734 = arith.muli %add3A_1692, %mul3A_1733 : i32
      %add3A_1735 = arith.constant 32 : i32
      %add3A_1736 = arith.addi %mul3A_1734, %add3A_1735 : i32
      %swap3A_1737 = arith.index_cast %add3A_1736 : i32 to index
      %swap3A_1738 = tpu.vector_load %arg6[%swap3A_1737] {strides = array<i32>} : memref<32768xf32, #tpu.memory_space<vmem>>, vector<16xf32>,
      tpu.vector_store %arg6[%swap3A_1737], %gather3A_1732 {strides = array<i32>} : memref<32768xf32, #tpu.memory_space<vmem>>, vector<16xf32>,
      %gather3A_1739 = tpu.vector_load_idx %arg13[%select_n3A, %broadcast_in_dim3A_1717] : memref<50x128xf32, #tpu.memory_space<vmem>>[vector<16xi32>, vector<16xi32>], vector<16xf32>,
      %mul3A_1740 = arith.constant 64 : i32
      %mul3A_1741 = arith.muli %add3A_1692, %mul3A_1740 : i32
      %add3A_1742 = arith.constant 48 : i32
      %add3A_1743 = arith.addi %mul3A_1741, %add3A_1742 : i32
      %swap3A_1744 = arith.index_cast %add3A_1743 : i32 to index
      %swap3A_1745 = tpu.vector_load %arg6[%swap3A_1744] {strides = array<i32>} : memref<32768xf32, #tpu.memory_space<vmem>>, vector<16xf32>,
      tpu.vector_store %arg6[%swap3A_1744], %gather3A_1739 {strides = array<i32>} : memref<32768xf32, #tpu.memory_space<vmem>>, vector<16xf32>,
      %slice3A_1746 = vector.extract_strided_slice %get3A_1142 {offsets = [14], sizes = [1], strides = [1]} : vector<16xi32> to vector<1xi32>
      %squeeze3A_1747 = vector.extract %slice3A_1746[0] : i32 from vector<1xi32>
      %jit3A_1748 = arith.constant 128 : i32
      %div3A_1749 = arith.divsi %squeeze3A_1747, %jit3A_1748 : i32
      %sign3A_1750 = arith.constant 0 : i32
      %sign3A_1751 = arith.cmpi sgt, %squeeze3A_1747, %sign3A_1750 : i32
      %sign3A_1752 = arith.extui %sign3A_1751 : i1 to i32
      %sign3A_1753 = arith.constant 0 : i32
      %sign3A_1754 = arith.cmpi slt, %squeeze3A_1747, %sign3A_1753 : i32
      %sign3A_1755 = arith.extui %sign3A_1754 : i1 to i32
      %sign3A_1756 = arith.subi %sign3A_1752, %sign3A_1755 : i32
      %sign3A_1757 = arith.constant 0 : i32
      %sign3A_1758 = arith.cmpi sgt, %jit3A_1748, %sign3A_1757 : i32
      %sign3A_1759 = arith.extui %sign3A_1758 : i1 to i32
      %sign3A_1760 = arith.constant 0 : i32
      %sign3A_1761 = arith.cmpi slt, %jit3A_1748, %sign3A_1760 : i32
      %sign3A_1762 = arith.extui %sign3A_1761 : i1 to i32
      %sign3A_1763 = arith.subi %sign3A_1759, %sign3A_1762 : i32
      %ne3A_1764 = arith.cmpi ne, %sign3A_1756, %sign3A_1763 : i32
      %rem3A_1765 = arith.remsi %squeeze3A_1747, %jit3A_1748 : i32
      %ne3A_1766 = arith.constant 0 : i32
      %ne3A_1767 = arith.cmpi ne, %rem3A_1765, %ne3A_1766 : i32
      %and3A_1768 = arith.andi %ne3A_1764, %ne3A_1767 : i1
      %sub3A_1769 = arith.constant 1 : i32
      %sub3A_1770 = arith.subi %div3A_1749, %sub3A_1769 : i32
      %select_n3A_1771 = arith.select %and3A_1768, %sub3A_1770, %div3A_1749 : i32
      %mul3A_1772 = arith.constant 128 : i32
      %mul3A_1773 = arith.muli %select_n3A_1771, %mul3A_1772 : i32
      %multiple_of3A_1774 = tpu.assume_multiple %mul3A_1773, 128 : i32
      %dma_start3A_1775 = arith.constant 0 : i32
      %dma_start3A_1776 = tpu.memref_slice %arg3[%dma_start3A_1775, %multiple_of3A_1774] : memref<50x1000000xf32, #tpu.memory_space<hbm>> -> memref<50x128xf32, #tpu.memory_space<hbm>>
      %dma_start3A_1777 = arith.constant 0 : i32
      %dma_start3A_1778 = tpu.memref_slice %arg3[%dma_start3A_1777, %multiple_of3A_1774] : memref<50x1000000xf32, #tpu.memory_space<hbm>> -> memref<50x128xf32, #tpu.memory_space<hbm>>
      tpu.enqueue_dma source(%dma_start3A_1778 : memref<50x128xf32, #tpu.memory_space<hbm>>) target(%arg13 : memref<50x128xf32, #tpu.memory_space<vmem>>) target_semaphore(%arg21 : memref<!tpu.dma_semaphore, #tpu.memory_space<semaphore_mem>>)
      %mul3A_1779 = arith.constant 16 : i32
      %mul3A_1780 = arith.muli %scan3A_1137, %mul3A_1779 : i32
      %add3A_1781 = arith.constant 7 : i32
      %add3A_1782 = arith.addi %mul3A_1780, %add3A_1781 : i32
      %slice3A_1783 = vector.extract_strided_slice %get3A_1142 {offsets = [7], sizes = [1], strides = [1]} : vector<16xi32> to vector<1xi32>
      %squeeze3A_1784 = vector.extract %slice3A_1783[0] : i32 from vector<1xi32>
      %dma_wait3A_1785 = arith.constant 0 : i32
      %dma_wait3A_1786 = arith.constant 0 : i32
      %dma_wait3A_1787 = tpu.memref_slice %arg3[%dma_wait3A_1785, %dma_wait3A_1786] : memref<50x1000000xf32, #tpu.memory_space<hbm>> -> memref<50x128xf32, #tpu.memory_space<hbm>>
      %dma_wait3A_1788 = arith.constant 0 : i32
      %dma_wait3A_1789 = arith.constant 0 : i32
      %dma_wait3A_1790 = tpu.memref_slice %arg3[%dma_wait3A_1788, %dma_wait3A_1789] : memref<50x1000000xf32, #tpu.memory_space<hbm>> -> memref<50x128xf32, #tpu.memory_space<hbm>>
      tpu.wait_dma2 semaphore(%arg22 : memref<!tpu.dma_semaphore, #tpu.memory_space<semaphore_mem>>) src(%dma_wait3A_1790 : memref<50x128xf32, #tpu.memory_space<hbm>>) dst(%arg14 : memref<50x128xf32, #tpu.memory_space<vmem>>)
      %jit3A_1791 = arith.constant 128 : i32
      %eq3A_1792 = arith.constant 0 : i32
      %eq3A_1793 = arith.cmpi eq, %jit3A_1791, %eq3A_1792 : i32
      %jit3A_1794 = arith.constant 1 : i32
      %select_n3A_1795 = arith.select %eq3A_1793, %jit3A_1794, %jit3A_1791 : i32
      %rem3A_1796 = arith.remsi %squeeze3A_1784, %select_n3A_1795 : i32
      %ne3A_1797 = arith.constant 0 : i32
      %ne3A_1798 = arith.cmpi ne, %rem3A_1796, %ne3A_1797 : i32
      %lt3A_1799 = arith.constant 0 : i32
      %lt3A_1800 = arith.cmpi slt, %rem3A_1796, %lt3A_1799 : i32
      %lt3A_1801 = arith.constant 0 : i32
      %lt3A_1802 = arith.cmpi slt, %select_n3A_1795, %lt3A_1801 : i32
      %ne3A_1803 = arith.xori %lt3A_1800, %lt3A_1802 : i1
      %and3A_1804 = arith.andi %ne3A_1803, %ne3A_1798 : i1
      %add3A_1805 = arith.addi %rem3A_1796, %select_n3A_1795 : i32
      %select_n3A_1806 = arith.select %and3A_1804, %add3A_1805, %rem3A_1796 : i32
      %broadcast_in_dim3A_1807 = vector.broadcast %select_n3A_1806 : i32 to vector<16xi32>
      %gather3A_1808 = tpu.vector_load_idx %arg14[%add3A_1, %broadcast_in_dim3A_1807] : memref<50x128xf32, #tpu.memory_space<vmem>>[vector<16xi32>, vector<16xi32>], vector<16xf32>,
      %mul3A_1809 = arith.constant 64 : i32
      %mul3A_1810 = arith.muli %add3A_1782, %mul3A_1809 : i32
      %add3A_1811 = arith.constant 0 : i32
      %add3A_1812 = arith.addi %mul3A_1810, %add3A_1811 : i32
      %swap3A_1813 = arith.index_cast %add3A_1812 : i32 to index
      %swap3A_1814 = tpu.vector_load %arg6[%swap3A_1813] {strides = array<i32>} : memref<32768xf32, #tpu.memory_space<vmem>>, vector<16xf32>,
      tpu.vector_store %arg6[%swap3A_1813], %gather3A_1808 {strides = array<i32>} : memref<32768xf32, #tpu.memory_space<vmem>>, vector<16xf32>,
      %gather3A_1815 = tpu.vector_load_idx %arg14[%add3A_5, %broadcast_in_dim3A_1807] : memref<50x128xf32, #tpu.memory_space<vmem>>[vector<16xi32>, vector<16xi32>], vector<16xf32>,
      %mul3A_1816 = arith.constant 64 : i32
      %mul3A_1817 = arith.muli %add3A_1782, %mul3A_1816 : i32
      %add3A_1818 = arith.constant 16 : i32
      %add3A_1819 = arith.addi %mul3A_1817, %add3A_1818 : i32
      %swap3A_1820 = arith.index_cast %add3A_1819 : i32 to index
      %swap3A_1821 = tpu.vector_load %arg6[%swap3A_1820] {strides = array<i32>} : memref<32768xf32, #tpu.memory_space<vmem>>, vector<16xf32>,
      tpu.vector_store %arg6[%swap3A_1820], %gather3A_1815 {strides = array<i32>} : memref<32768xf32, #tpu.memory_space<vmem>>, vector<16xf32>,
      %gather3A_1822 = tpu.vector_load_idx %arg14[%add3A_9, %broadcast_in_dim3A_1807] : memref<50x128xf32, #tpu.memory_space<vmem>>[vector<16xi32>, vector<16xi32>], vector<16xf32>,
      %mul3A_1823 = arith.constant 64 : i32
      %mul3A_1824 = arith.muli %add3A_1782, %mul3A_1823 : i32
      %add3A_1825 = arith.constant 32 : i32
      %add3A_1826 = arith.addi %mul3A_1824, %add3A_1825 : i32
      %swap3A_1827 = arith.index_cast %add3A_1826 : i32 to index
      %swap3A_1828 = tpu.vector_load %arg6[%swap3A_1827] {strides = array<i32>} : memref<32768xf32, #tpu.memory_space<vmem>>, vector<16xf32>,
      tpu.vector_store %arg6[%swap3A_1827], %gather3A_1822 {strides = array<i32>} : memref<32768xf32, #tpu.memory_space<vmem>>, vector<16xf32>,
      %gather3A_1829 = tpu.vector_load_idx %arg14[%select_n3A, %broadcast_in_dim3A_1807] : memref<50x128xf32, #tpu.memory_space<vmem>>[vector<16xi32>, vector<16xi32>], vector<16xf32>,
      %mul3A_1830 = arith.constant 64 : i32
      %mul3A_1831 = arith.muli %add3A_1782, %mul3A_1830 : i32
      %add3A_1832 = arith.constant 48 : i32
      %add3A_1833 = arith.addi %mul3A_1831, %add3A_1832 : i32
      %swap3A_1834 = arith.index_cast %add3A_1833 : i32 to index
      %swap3A_1835 = tpu.vector_load %arg6[%swap3A_1834] {strides = array<i32>} : memref<32768xf32, #tpu.memory_space<vmem>>, vector<16xf32>,
      tpu.vector_store %arg6[%swap3A_1834], %gather3A_1829 {strides = array<i32>} : memref<32768xf32, #tpu.memory_space<vmem>>, vector<16xf32>,
      %slice3A_1836 = vector.extract_strided_slice %get3A_1142 {offsets = [15], sizes = [1], strides = [1]} : vector<16xi32> to vector<1xi32>
      %squeeze3A_1837 = vector.extract %slice3A_1836[0] : i32 from vector<1xi32>
      %jit3A_1838 = arith.constant 128 : i32
      %div3A_1839 = arith.divsi %squeeze3A_1837, %jit3A_1838 : i32
      %sign3A_1840 = arith.constant 0 : i32
      %sign3A_1841 = arith.cmpi sgt, %squeeze3A_1837, %sign3A_1840 : i32
      %sign3A_1842 = arith.extui %sign3A_1841 : i1 to i32
      %sign3A_1843 = arith.constant 0 : i32
      %sign3A_1844 = arith.cmpi slt, %squeeze3A_1837, %sign3A_1843 : i32
      %sign3A_1845 = arith.extui %sign3A_1844 : i1 to i32
      %sign3A_1846 = arith.subi %sign3A_1842, %sign3A_1845 : i32
      %sign3A_1847 = arith.constant 0 : i32
      %sign3A_1848 = arith.cmpi sgt, %jit3A_1838, %sign3A_1847 : i32
      %sign3A_1849 = arith.extui %sign3A_1848 : i1 to i32
      %sign3A_1850 = arith.constant 0 : i32
      %sign3A_1851 = arith.cmpi slt, %jit3A_1838, %sign3A_1850 : i32
      %sign3A_1852 = arith.extui %sign3A_1851 : i1 to i32
      %sign3A_1853 = arith.subi %sign3A_1849, %sign3A_1852 : i32
      %ne3A_1854 = arith.cmpi ne, %sign3A_1846, %sign3A_1853 : i32
      %rem3A_1855 = arith.remsi %squeeze3A_1837, %jit3A_1838 : i32
      %ne3A_1856 = arith.constant 0 : i32
      %ne3A_1857 = arith.cmpi ne, %rem3A_1855, %ne3A_1856 : i32
      %and3A_1858 = arith.andi %ne3A_1854, %ne3A_1857 : i1
      %sub3A_1859 = arith.constant 1 : i32
      %sub3A_1860 = arith.subi %div3A_1839, %sub3A_1859 : i32
      %select_n3A_1861 = arith.select %and3A_1858, %sub3A_1860, %div3A_1839 : i32
      %mul3A_1862 = arith.constant 128 : i32
      %mul3A_1863 = arith.muli %select_n3A_1861, %mul3A_1862 : i32
      %multiple_of3A_1864 = tpu.assume_multiple %mul3A_1863, 128 : i32
      %dma_start3A_1865 = arith.constant 0 : i32
      %dma_start3A_1866 = tpu.memref_slice %arg3[%dma_start3A_1865, %multiple_of3A_1864] : memref<50x1000000xf32, #tpu.memory_space<hbm>> -> memref<50x128xf32, #tpu.memory_space<hbm>>
      %dma_start3A_1867 = arith.constant 0 : i32
      %dma_start3A_1868 = tpu.memref_slice %arg3[%dma_start3A_1867, %multiple_of3A_1864] : memref<50x1000000xf32, #tpu.memory_space<hbm>> -> memref<50x128xf32, #tpu.memory_space<hbm>>
      tpu.enqueue_dma source(%dma_start3A_1868 : memref<50x128xf32, #tpu.memory_space<hbm>>) target(%arg14 : memref<50x128xf32, #tpu.memory_space<vmem>>) target_semaphore(%arg22 : memref<!tpu.dma_semaphore, #tpu.memory_space<semaphore_mem>>)
      %mul3A_1869 = arith.constant 16 : i32
      %mul3A_1870 = arith.muli %scan3A_1137, %mul3A_1869 : i32
      %add3A_1871 = arith.constant 8 : i32
      %add3A_1872 = arith.addi %mul3A_1870, %add3A_1871 : i32
      %slice3A_1873 = vector.extract_strided_slice %get3A_1142 {offsets = [8], sizes = [1], strides = [1]} : vector<16xi32> to vector<1xi32>
      %squeeze3A_1874 = vector.extract %slice3A_1873[0] : i32 from vector<1xi32>
      %dma_wait3A_1875 = arith.constant 0 : i32
      %dma_wait3A_1876 = arith.constant 0 : i32
      %dma_wait3A_1877 = tpu.memref_slice %arg3[%dma_wait3A_1875, %dma_wait3A_1876] : memref<50x1000000xf32, #tpu.memory_space<hbm>> -> memref<50x128xf32, #tpu.memory_space<hbm>>
      %dma_wait3A_1878 = arith.constant 0 : i32
      %dma_wait3A_1879 = arith.constant 0 : i32
      %dma_wait3A_1880 = tpu.memref_slice %arg3[%dma_wait3A_1878, %dma_wait3A_1879] : memref<50x1000000xf32, #tpu.memory_space<hbm>> -> memref<50x128xf32, #tpu.memory_space<hbm>>
      tpu.wait_dma2 semaphore(%arg15 : memref<!tpu.dma_semaphore, #tpu.memory_space<semaphore_mem>>) src(%dma_wait3A_1880 : memref<50x128xf32, #tpu.memory_space<hbm>>) dst(%arg7 : memref<50x128xf32, #tpu.memory_space<vmem>>)
      %jit3A_1881 = arith.constant 128 : i32
      %eq3A_1882 = arith.constant 0 : i32
      %eq3A_1883 = arith.cmpi eq, %jit3A_1881, %eq3A_1882 : i32
      %jit3A_1884 = arith.constant 1 : i32
      %select_n3A_1885 = arith.select %eq3A_1883, %jit3A_1884, %jit3A_1881 : i32
      %rem3A_1886 = arith.remsi %squeeze3A_1874, %select_n3A_1885 : i32
      %ne3A_1887 = arith.constant 0 : i32
      %ne3A_1888 = arith.cmpi ne, %rem3A_1886, %ne3A_1887 : i32
      %lt3A_1889 = arith.constant 0 : i32
      %lt3A_1890 = arith.cmpi slt, %rem3A_1886, %lt3A_1889 : i32
      %lt3A_1891 = arith.constant 0 : i32
      %lt3A_1892 = arith.cmpi slt, %select_n3A_1885, %lt3A_1891 : i32
      %ne3A_1893 = arith.xori %lt3A_1890, %lt3A_1892 : i1
      %and3A_1894 = arith.andi %ne3A_1893, %ne3A_1888 : i1
      %add3A_1895 = arith.addi %rem3A_1886, %select_n3A_1885 : i32
      %select_n3A_1896 = arith.select %and3A_1894, %add3A_1895, %rem3A_1886 : i32
      %broadcast_in_dim3A_1897 = vector.broadcast %select_n3A_1896 : i32 to vector<16xi32>
      %gather3A_1898 = tpu.vector_load_idx %arg7[%add3A_1, %broadcast_in_dim3A_1897] : memref<50x128xf32, #tpu.memory_space<vmem>>[vector<16xi32>, vector<16xi32>], vector<16xf32>,
      %mul3A_1899 = arith.constant 64 : i32
      %mul3A_1900 = arith.muli %add3A_1872, %mul3A_1899 : i32
      %add3A_1901 = arith.constant 0 : i32
      %add3A_1902 = arith.addi %mul3A_1900, %add3A_1901 : i32
      %swap3A_1903 = arith.index_cast %add3A_1902 : i32 to index
      %swap3A_1904 = tpu.vector_load %arg6[%swap3A_1903] {strides = array<i32>} : memref<32768xf32, #tpu.memory_space<vmem>>, vector<16xf32>,
      tpu.vector_store %arg6[%swap3A_1903], %gather3A_1898 {strides = array<i32>} : memref<32768xf32, #tpu.memory_space<vmem>>, vector<16xf32>,
      %gather3A_1905 = tpu.vector_load_idx %arg7[%add3A_5, %broadcast_in_dim3A_1897] : memref<50x128xf32, #tpu.memory_space<vmem>>[vector<16xi32>, vector<16xi32>], vector<16xf32>,
      %mul3A_1906 = arith.constant 64 : i32
      %mul3A_1907 = arith.muli %add3A_1872, %mul3A_1906 : i32
      %add3A_1908 = arith.constant 16 : i32
      %add3A_1909 = arith.addi %mul3A_1907, %add3A_1908 : i32
      %swap3A_1910 = arith.index_cast %add3A_1909 : i32 to index
      %swap3A_1911 = tpu.vector_load %arg6[%swap3A_1910] {strides = array<i32>} : memref<32768xf32, #tpu.memory_space<vmem>>, vector<16xf32>,
      tpu.vector_store %arg6[%swap3A_1910], %gather3A_1905 {strides = array<i32>} : memref<32768xf32, #tpu.memory_space<vmem>>, vector<16xf32>,
      %gather3A_1912 = tpu.vector_load_idx %arg7[%add3A_9, %broadcast_in_dim3A_1897] : memref<50x128xf32, #tpu.memory_space<vmem>>[vector<16xi32>, vector<16xi32>], vector<16xf32>,
      %mul3A_1913 = arith.constant 64 : i32
      %mul3A_1914 = arith.muli %add3A_1872, %mul3A_1913 : i32
      %add3A_1915 = arith.constant 32 : i32
      %add3A_1916 = arith.addi %mul3A_1914, %add3A_1915 : i32
      %swap3A_1917 = arith.index_cast %add3A_1916 : i32 to index
      %swap3A_1918 = tpu.vector_load %arg6[%swap3A_1917] {strides = array<i32>} : memref<32768xf32, #tpu.memory_space<vmem>>, vector<16xf32>,
      tpu.vector_store %arg6[%swap3A_1917], %gather3A_1912 {strides = array<i32>} : memref<32768xf32, #tpu.memory_space<vmem>>, vector<16xf32>,
      %gather3A_1919 = tpu.vector_load_idx %arg7[%select_n3A, %broadcast_in_dim3A_1897] : memref<50x128xf32, #tpu.memory_space<vmem>>[vector<16xi32>, vector<16xi32>], vector<16xf32>,
      %mul3A_1920 = arith.constant 64 : i32
      %mul3A_1921 = arith.muli %add3A_1872, %mul3A_1920 : i32
      %add3A_1922 = arith.constant 48 : i32
      %add3A_1923 = arith.addi %mul3A_1921, %add3A_1922 : i32
      %swap3A_1924 = arith.index_cast %add3A_1923 : i32 to index
      %swap3A_1925 = tpu.vector_load %arg6[%swap3A_1924] {strides = array<i32>} : memref<32768xf32, #tpu.memory_space<vmem>>, vector<16xf32>,
      tpu.vector_store %arg6[%swap3A_1924], %gather3A_1919 {strides = array<i32>} : memref<32768xf32, #tpu.memory_space<vmem>>, vector<16xf32>,
      %slice3A_1926 = vector.extract_strided_slice %get3A_1148 {offsets = [0], sizes = [1], strides = [1]} : vector<16xi32> to vector<1xi32>
      %squeeze3A_1927 = vector.extract %slice3A_1926[0] : i32 from vector<1xi32>
      %jit3A_1928 = arith.constant 128 : i32
      %div3A_1929 = arith.divsi %squeeze3A_1927, %jit3A_1928 : i32
      %sign3A_1930 = arith.constant 0 : i32
      %sign3A_1931 = arith.cmpi sgt, %squeeze3A_1927, %sign3A_1930 : i32
      %sign3A_1932 = arith.extui %sign3A_1931 : i1 to i32
      %sign3A_1933 = arith.constant 0 : i32
      %sign3A_1934 = arith.cmpi slt, %squeeze3A_1927, %sign3A_1933 : i32
      %sign3A_1935 = arith.extui %sign3A_1934 : i1 to i32
      %sign3A_1936 = arith.subi %sign3A_1932, %sign3A_1935 : i32
      %sign3A_1937 = arith.constant 0 : i32
      %sign3A_1938 = arith.cmpi sgt, %jit3A_1928, %sign3A_1937 : i32
      %sign3A_1939 = arith.extui %sign3A_1938 : i1 to i32
      %sign3A_1940 = arith.constant 0 : i32
      %sign3A_1941 = arith.cmpi slt, %jit3A_1928, %sign3A_1940 : i32
      %sign3A_1942 = arith.extui %sign3A_1941 : i1 to i32
      %sign3A_1943 = arith.subi %sign3A_1939, %sign3A_1942 : i32
      %ne3A_1944 = arith.cmpi ne, %sign3A_1936, %sign3A_1943 : i32
      %rem3A_1945 = arith.remsi %squeeze3A_1927, %jit3A_1928 : i32
      %ne3A_1946 = arith.constant 0 : i32
      %ne3A_1947 = arith.cmpi ne, %rem3A_1945, %ne3A_1946 : i32
      %and3A_1948 = arith.andi %ne3A_1944, %ne3A_1947 : i1
      %sub3A_1949 = arith.constant 1 : i32
      %sub3A_1950 = arith.subi %div3A_1929, %sub3A_1949 : i32
      %select_n3A_1951 = arith.select %and3A_1948, %sub3A_1950, %div3A_1929 : i32
      %mul3A_1952 = arith.constant 128 : i32
      %mul3A_1953 = arith.muli %select_n3A_1951, %mul3A_1952 : i32
      %multiple_of3A_1954 = tpu.assume_multiple %mul3A_1953, 128 : i32
      %dma_start3A_1955 = arith.constant 0 : i32
      %dma_start3A_1956 = tpu.memref_slice %arg3[%dma_start3A_1955, %multiple_of3A_1954] : memref<50x1000000xf32, #tpu.memory_space<hbm>> -> memref<50x128xf32, #tpu.memory_space<hbm>>
      %dma_start3A_1957 = arith.constant 0 : i32
      %dma_start3A_1958 = tpu.memref_slice %arg3[%dma_start3A_1957, %multiple_of3A_1954] : memref<50x1000000xf32, #tpu.memory_space<hbm>> -> memref<50x128xf32, #tpu.memory_space<hbm>>
      tpu.enqueue_dma source(%dma_start3A_1958 : memref<50x128xf32, #tpu.memory_space<hbm>>) target(%arg7 : memref<50x128xf32, #tpu.memory_space<vmem>>) target_semaphore(%arg15 : memref<!tpu.dma_semaphore, #tpu.memory_space<semaphore_mem>>)
      %mul3A_1959 = arith.constant 16 : i32
      %mul3A_1960 = arith.muli %scan3A_1137, %mul3A_1959 : i32
      %add3A_1961 = arith.constant 9 : i32
      %add3A_1962 = arith.addi %mul3A_1960, %add3A_1961 : i32
      %slice3A_1963 = vector.extract_strided_slice %get3A_1142 {offsets = [9], sizes = [1], strides = [1]} : vector<16xi32> to vector<1xi32>
      %squeeze3A_1964 = vector.extract %slice3A_1963[0] : i32 from vector<1xi32>
      %dma_wait3A_1965 = arith.constant 0 : i32
      %dma_wait3A_1966 = arith.constant 0 : i32
      %dma_wait3A_1967 = tpu.memref_slice %arg3[%dma_wait3A_1965, %dma_wait3A_1966] : memref<50x1000000xf32, #tpu.memory_space<hbm>> -> memref<50x128xf32, #tpu.memory_space<hbm>>
      %dma_wait3A_1968 = arith.constant 0 : i32
      %dma_wait3A_1969 = arith.constant 0 : i32
      %dma_wait3A_1970 = tpu.memref_slice %arg3[%dma_wait3A_1968, %dma_wait3A_1969] : memref<50x1000000xf32, #tpu.memory_space<hbm>> -> memref<50x128xf32, #tpu.memory_space<hbm>>
      tpu.wait_dma2 semaphore(%arg16 : memref<!tpu.dma_semaphore, #tpu.memory_space<semaphore_mem>>) src(%dma_wait3A_1970 : memref<50x128xf32, #tpu.memory_space<hbm>>) dst(%arg8 : memref<50x128xf32, #tpu.memory_space<vmem>>)
      %jit3A_1971 = arith.constant 128 : i32
      %eq3A_1972 = arith.constant 0 : i32
      %eq3A_1973 = arith.cmpi eq, %jit3A_1971, %eq3A_1972 : i32
      %jit3A_1974 = arith.constant 1 : i32
      %select_n3A_1975 = arith.select %eq3A_1973, %jit3A_1974, %jit3A_1971 : i32
      %rem3A_1976 = arith.remsi %squeeze3A_1964, %select_n3A_1975 : i32
      %ne3A_1977 = arith.constant 0 : i32
      %ne3A_1978 = arith.cmpi ne, %rem3A_1976, %ne3A_1977 : i32
      %lt3A_1979 = arith.constant 0 : i32
      %lt3A_1980 = arith.cmpi slt, %rem3A_1976, %lt3A_1979 : i32
      %lt3A_1981 = arith.constant 0 : i32
      %lt3A_1982 = arith.cmpi slt, %select_n3A_1975, %lt3A_1981 : i32
      %ne3A_1983 = arith.xori %lt3A_1980, %lt3A_1982 : i1
      %and3A_1984 = arith.andi %ne3A_1983, %ne3A_1978 : i1
      %add3A_1985 = arith.addi %rem3A_1976, %select_n3A_1975 : i32
      %select_n3A_1986 = arith.select %and3A_1984, %add3A_1985, %rem3A_1976 : i32
      %broadcast_in_dim3A_1987 = vector.broadcast %select_n3A_1986 : i32 to vector<16xi32>
      %gather3A_1988 = tpu.vector_load_idx %arg8[%add3A_1, %broadcast_in_dim3A_1987] : memref<50x128xf32, #tpu.memory_space<vmem>>[vector<16xi32>, vector<16xi32>], vector<16xf32>,
      %mul3A_1989 = arith.constant 64 : i32
      %mul3A_1990 = arith.muli %add3A_1962, %mul3A_1989 : i32
      %add3A_1991 = arith.constant 0 : i32
      %add3A_1992 = arith.addi %mul3A_1990, %add3A_1991 : i32
      %swap3A_1993 = arith.index_cast %add3A_1992 : i32 to index
      %swap3A_1994 = tpu.vector_load %arg6[%swap3A_1993] {strides = array<i32>} : memref<32768xf32, #tpu.memory_space<vmem>>, vector<16xf32>,
      tpu.vector_store %arg6[%swap3A_1993], %gather3A_1988 {strides = array<i32>} : memref<32768xf32, #tpu.memory_space<vmem>>, vector<16xf32>,
      %gather3A_1995 = tpu.vector_load_idx %arg8[%add3A_5, %broadcast_in_dim3A_1987] : memref<50x128xf32, #tpu.memory_space<vmem>>[vector<16xi32>, vector<16xi32>], vector<16xf32>,
      %mul3A_1996 = arith.constant 64 : i32
      %mul3A_1997 = arith.muli %add3A_1962, %mul3A_1996 : i32
      %add3A_1998 = arith.constant 16 : i32
      %add3A_1999 = arith.addi %mul3A_1997, %add3A_1998 : i32
      %swap3A_2000 = arith.index_cast %add3A_1999 : i32 to index
      %swap3A_2001 = tpu.vector_load %arg6[%swap3A_2000] {strides = array<i32>} : memref<32768xf32, #tpu.memory_space<vmem>>, vector<16xf32>,
      tpu.vector_store %arg6[%swap3A_2000], %gather3A_1995 {strides = array<i32>} : memref<32768xf32, #tpu.memory_space<vmem>>, vector<16xf32>,
      %gather3A_2002 = tpu.vector_load_idx %arg8[%add3A_9, %broadcast_in_dim3A_1987] : memref<50x128xf32, #tpu.memory_space<vmem>>[vector<16xi32>, vector<16xi32>], vector<16xf32>,
      %mul3A_2003 = arith.constant 64 : i32
      %mul3A_2004 = arith.muli %add3A_1962, %mul3A_2003 : i32
      %add3A_2005 = arith.constant 32 : i32
      %add3A_2006 = arith.addi %mul3A_2004, %add3A_2005 : i32
      %swap3A_2007 = arith.index_cast %add3A_2006 : i32 to index
      %swap3A_2008 = tpu.vector_load %arg6[%swap3A_2007] {strides = array<i32>} : memref<32768xf32, #tpu.memory_space<vmem>>, vector<16xf32>,
      tpu.vector_store %arg6[%swap3A_2007], %gather3A_2002 {strides = array<i32>} : memref<32768xf32, #tpu.memory_space<vmem>>, vector<16xf32>,
      %gather3A_2009 = tpu.vector_load_idx %arg8[%select_n3A, %broadcast_in_dim3A_1987] : memref<50x128xf32, #tpu.memory_space<vmem>>[vector<16xi32>, vector<16xi32>], vector<16xf32>,
      %mul3A_2010 = arith.constant 64 : i32
      %mul3A_2011 = arith.muli %add3A_1962, %mul3A_2010 : i32
      %add3A_2012 = arith.constant 48 : i32
      %add3A_2013 = arith.addi %mul3A_2011, %add3A_2012 : i32
      %swap3A_2014 = arith.index_cast %add3A_2013 : i32 to index
      %swap3A_2015 = tpu.vector_load %arg6[%swap3A_2014] {strides = array<i32>} : memref<32768xf32, #tpu.memory_space<vmem>>, vector<16xf32>,
      tpu.vector_store %arg6[%swap3A_2014], %gather3A_2009 {strides = array<i32>} : memref<32768xf32, #tpu.memory_space<vmem>>, vector<16xf32>,
      %slice3A_2016 = vector.extract_strided_slice %get3A_1148 {offsets = [1], sizes = [1], strides = [1]} : vector<16xi32> to vector<1xi32>
      %squeeze3A_2017 = vector.extract %slice3A_2016[0] : i32 from vector<1xi32>
      %jit3A_2018 = arith.constant 128 : i32
      %div3A_2019 = arith.divsi %squeeze3A_2017, %jit3A_2018 : i32
      %sign3A_2020 = arith.constant 0 : i32
      %sign3A_2021 = arith.cmpi sgt, %squeeze3A_2017, %sign3A_2020 : i32
      %sign3A_2022 = arith.extui %sign3A_2021 : i1 to i32
      %sign3A_2023 = arith.constant 0 : i32
      %sign3A_2024 = arith.cmpi slt, %squeeze3A_2017, %sign3A_2023 : i32
      %sign3A_2025 = arith.extui %sign3A_2024 : i1 to i32
      %sign3A_2026 = arith.subi %sign3A_2022, %sign3A_2025 : i32
      %sign3A_2027 = arith.constant 0 : i32
      %sign3A_2028 = arith.cmpi sgt, %jit3A_2018, %sign3A_2027 : i32
      %sign3A_2029 = arith.extui %sign3A_2028 : i1 to i32
      %sign3A_2030 = arith.constant 0 : i32
      %sign3A_2031 = arith.cmpi slt, %jit3A_2018, %sign3A_2030 : i32
      %sign3A_2032 = arith.extui %sign3A_2031 : i1 to i32
      %sign3A_2033 = arith.subi %sign3A_2029, %sign3A_2032 : i32
      %ne3A_2034 = arith.cmpi ne, %sign3A_2026, %sign3A_2033 : i32
      %rem3A_2035 = arith.remsi %squeeze3A_2017, %jit3A_2018 : i32
      %ne3A_2036 = arith.constant 0 : i32
      %ne3A_2037 = arith.cmpi ne, %rem3A_2035, %ne3A_2036 : i32
      %and3A_2038 = arith.andi %ne3A_2034, %ne3A_2037 : i1
      %sub3A_2039 = arith.constant 1 : i32
      %sub3A_2040 = arith.subi %div3A_2019, %sub3A_2039 : i32
      %select_n3A_2041 = arith.select %and3A_2038, %sub3A_2040, %div3A_2019 : i32
      %mul3A_2042 = arith.constant 128 : i32
      %mul3A_2043 = arith.muli %select_n3A_2041, %mul3A_2042 : i32
      %multiple_of3A_2044 = tpu.assume_multiple %mul3A_2043, 128 : i32
      %dma_start3A_2045 = arith.constant 0 : i32
      %dma_start3A_2046 = tpu.memref_slice %arg3[%dma_start3A_2045, %multiple_of3A_2044] : memref<50x1000000xf32, #tpu.memory_space<hbm>> -> memref<50x128xf32, #tpu.memory_space<hbm>>
      %dma_start3A_2047 = arith.constant 0 : i32
      %dma_start3A_2048 = tpu.memref_slice %arg3[%dma_start3A_2047, %multiple_of3A_2044] : memref<50x1000000xf32, #tpu.memory_space<hbm>> -> memref<50x128xf32, #tpu.memory_space<hbm>>
      tpu.enqueue_dma source(%dma_start3A_2048 : memref<50x128xf32, #tpu.memory_space<hbm>>) target(%arg8 : memref<50x128xf32, #tpu.memory_space<vmem>>) target_semaphore(%arg16 : memref<!tpu.dma_semaphore, #tpu.memory_space<semaphore_mem>>)
      %mul3A_2049 = arith.constant 16 : i32
      %mul3A_2050 = arith.muli %scan3A_1137, %mul3A_2049 : i32
      %add3A_2051 = arith.constant 10 : i32
      %add3A_2052 = arith.addi %mul3A_2050, %add3A_2051 : i32
      %slice3A_2053 = vector.extract_strided_slice %get3A_1142 {offsets = [10], sizes = [1], strides = [1]} : vector<16xi32> to vector<1xi32>
      %squeeze3A_2054 = vector.extract %slice3A_2053[0] : i32 from vector<1xi32>
      %dma_wait3A_2055 = arith.constant 0 : i32
      %dma_wait3A_2056 = arith.constant 0 : i32
      %dma_wait3A_2057 = tpu.memref_slice %arg3[%dma_wait3A_2055, %dma_wait3A_2056] : memref<50x1000000xf32, #tpu.memory_space<hbm>> -> memref<50x128xf32, #tpu.memory_space<hbm>>
      %dma_wait3A_2058 = arith.constant 0 : i32
      %dma_wait3A_2059 = arith.constant 0 : i32
      %dma_wait3A_2060 = tpu.memref_slice %arg3[%dma_wait3A_2058, %dma_wait3A_2059] : memref<50x1000000xf32, #tpu.memory_space<hbm>> -> memref<50x128xf32, #tpu.memory_space<hbm>>
      tpu.wait_dma2 semaphore(%arg17 : memref<!tpu.dma_semaphore, #tpu.memory_space<semaphore_mem>>) src(%dma_wait3A_2060 : memref<50x128xf32, #tpu.memory_space<hbm>>) dst(%arg9 : memref<50x128xf32, #tpu.memory_space<vmem>>)
      %jit3A_2061 = arith.constant 128 : i32
      %eq3A_2062 = arith.constant 0 : i32
      %eq3A_2063 = arith.cmpi eq, %jit3A_2061, %eq3A_2062 : i32
      %jit3A_2064 = arith.constant 1 : i32
      %select_n3A_2065 = arith.select %eq3A_2063, %jit3A_2064, %jit3A_2061 : i32
      %rem3A_2066 = arith.remsi %squeeze3A_2054, %select_n3A_2065 : i32
      %ne3A_2067 = arith.constant 0 : i32
      %ne3A_2068 = arith.cmpi ne, %rem3A_2066, %ne3A_2067 : i32
      %lt3A_2069 = arith.constant 0 : i32
      %lt3A_2070 = arith.cmpi slt, %rem3A_2066, %lt3A_2069 : i32
      %lt3A_2071 = arith.constant 0 : i32
      %lt3A_2072 = arith.cmpi slt, %select_n3A_2065, %lt3A_2071 : i32
      %ne3A_2073 = arith.xori %lt3A_2070, %lt3A_2072 : i1
      %and3A_2074 = arith.andi %ne3A_2073, %ne3A_2068 : i1
      %add3A_2075 = arith.addi %rem3A_2066, %select_n3A_2065 : i32
      %select_n3A_2076 = arith.select %and3A_2074, %add3A_2075, %rem3A_2066 : i32
      %broadcast_in_dim3A_2077 = vector.broadcast %select_n3A_2076 : i32 to vector<16xi32>
      %gather3A_2078 = tpu.vector_load_idx %arg9[%add3A_1, %broadcast_in_dim3A_2077] : memref<50x128xf32, #tpu.memory_space<vmem>>[vector<16xi32>, vector<16xi32>], vector<16xf32>,
      %mul3A_2079 = arith.constant 64 : i32
      %mul3A_2080 = arith.muli %add3A_2052, %mul3A_2079 : i32
      %add3A_2081 = arith.constant 0 : i32
      %add3A_2082 = arith.addi %mul3A_2080, %add3A_2081 : i32
      %swap3A_2083 = arith.index_cast %add3A_2082 : i32 to index
      %swap3A_2084 = tpu.vector_load %arg6[%swap3A_2083] {strides = array<i32>} : memref<32768xf32, #tpu.memory_space<vmem>>, vector<16xf32>,
      tpu.vector_store %arg6[%swap3A_2083], %gather3A_2078 {strides = array<i32>} : memref<32768xf32, #tpu.memory_space<vmem>>, vector<16xf32>,
      %gather3A_2085 = tpu.vector_load_idx %arg9[%add3A_5, %broadcast_in_dim3A_2077] : memref<50x128xf32, #tpu.memory_space<vmem>>[vector<16xi32>, vector<16xi32>], vector<16xf32>,
      %mul3A_2086 = arith.constant 64 : i32
      %mul3A_2087 = arith.muli %add3A_2052, %mul3A_2086 : i32
      %add3A_2088 = arith.constant 16 : i32
      %add3A_2089 = arith.addi %mul3A_2087, %add3A_2088 : i32
      %swap3A_2090 = arith.index_cast %add3A_2089 : i32 to index
      %swap3A_2091 = tpu.vector_load %arg6[%swap3A_2090] {strides = array<i32>} : memref<32768xf32, #tpu.memory_space<vmem>>, vector<16xf32>,
      tpu.vector_store %arg6[%swap3A_2090], %gather3A_2085 {strides = array<i32>} : memref<32768xf32, #tpu.memory_space<vmem>>, vector<16xf32>,
      %gather3A_2092 = tpu.vector_load_idx %arg9[%add3A_9, %broadcast_in_dim3A_2077] : memref<50x128xf32, #tpu.memory_space<vmem>>[vector<16xi32>, vector<16xi32>], vector<16xf32>,
      %mul3A_2093 = arith.constant 64 : i32
      %mul3A_2094 = arith.muli %add3A_2052, %mul3A_2093 : i32
      %add3A_2095 = arith.constant 32 : i32
      %add3A_2096 = arith.addi %mul3A_2094, %add3A_2095 : i32
      %swap3A_2097 = arith.index_cast %add3A_2096 : i32 to index
      %swap3A_2098 = tpu.vector_load %arg6[%swap3A_2097] {strides = array<i32>} : memref<32768xf32, #tpu.memory_space<vmem>>, vector<16xf32>,
      tpu.vector_store %arg6[%swap3A_2097], %gather3A_2092 {strides = array<i32>} : memref<32768xf32, #tpu.memory_space<vmem>>, vector<16xf32>,
      %gather3A_2099 = tpu.vector_load_idx %arg9[%select_n3A, %broadcast_in_dim3A_2077] : memref<50x128xf32, #tpu.memory_space<vmem>>[vector<16xi32>, vector<16xi32>], vector<16xf32>,
      %mul3A_2100 = arith.constant 64 : i32
      %mul3A_2101 = arith.muli %add3A_2052, %mul3A_2100 : i32
      %add3A_2102 = arith.constant 48 : i32
      %add3A_2103 = arith.addi %mul3A_2101, %add3A_2102 : i32
      %swap3A_2104 = arith.index_cast %add3A_2103 : i32 to index
      %swap3A_2105 = tpu.vector_load %arg6[%swap3A_2104] {strides = array<i32>} : memref<32768xf32, #tpu.memory_space<vmem>>, vector<16xf32>,
      tpu.vector_store %arg6[%swap3A_2104], %gather3A_2099 {strides = array<i32>} : memref<32768xf32, #tpu.memory_space<vmem>>, vector<16xf32>,
      %slice3A_2106 = vector.extract_strided_slice %get3A_1148 {offsets = [2], sizes = [1], strides = [1]} : vector<16xi32> to vector<1xi32>
      %squeeze3A_2107 = vector.extract %slice3A_2106[0] : i32 from vector<1xi32>
      %jit3A_2108 = arith.constant 128 : i32
      %div3A_2109 = arith.divsi %squeeze3A_2107, %jit3A_2108 : i32
      %sign3A_2110 = arith.constant 0 : i32
      %sign3A_2111 = arith.cmpi sgt, %squeeze3A_2107, %sign3A_2110 : i32
      %sign3A_2112 = arith.extui %sign3A_2111 : i1 to i32
      %sign3A_2113 = arith.constant 0 : i32
      %sign3A_2114 = arith.cmpi slt, %squeeze3A_2107, %sign3A_2113 : i32
      %sign3A_2115 = arith.extui %sign3A_2114 : i1 to i32
      %sign3A_2116 = arith.subi %sign3A_2112, %sign3A_2115 : i32
      %sign3A_2117 = arith.constant 0 : i32
      %sign3A_2118 = arith.cmpi sgt, %jit3A_2108, %sign3A_2117 : i32
      %sign3A_2119 = arith.extui %sign3A_2118 : i1 to i32
      %sign3A_2120 = arith.constant 0 : i32
      %sign3A_2121 = arith.cmpi slt, %jit3A_2108, %sign3A_2120 : i32
      %sign3A_2122 = arith.extui %sign3A_2121 : i1 to i32
      %sign3A_2123 = arith.subi %sign3A_2119, %sign3A_2122 : i32
      %ne3A_2124 = arith.cmpi ne, %sign3A_2116, %sign3A_2123 : i32
      %rem3A_2125 = arith.remsi %squeeze3A_2107, %jit3A_2108 : i32
      %ne3A_2126 = arith.constant 0 : i32
      %ne3A_2127 = arith.cmpi ne, %rem3A_2125, %ne3A_2126 : i32
      %and3A_2128 = arith.andi %ne3A_2124, %ne3A_2127 : i1
      %sub3A_2129 = arith.constant 1 : i32
      %sub3A_2130 = arith.subi %div3A_2109, %sub3A_2129 : i32
      %select_n3A_2131 = arith.select %and3A_2128, %sub3A_2130, %div3A_2109 : i32
      %mul3A_2132 = arith.constant 128 : i32
      %mul3A_2133 = arith.muli %select_n3A_2131, %mul3A_2132 : i32
      %multiple_of3A_2134 = tpu.assume_multiple %mul3A_2133, 128 : i32
      %dma_start3A_2135 = arith.constant 0 : i32
      %dma_start3A_2136 = tpu.memref_slice %arg3[%dma_start3A_2135, %multiple_of3A_2134] : memref<50x1000000xf32, #tpu.memory_space<hbm>> -> memref<50x128xf32, #tpu.memory_space<hbm>>
      %dma_start3A_2137 = arith.constant 0 : i32
      %dma_start3A_2138 = tpu.memref_slice %arg3[%dma_start3A_2137, %multiple_of3A_2134] : memref<50x1000000xf32, #tpu.memory_space<hbm>> -> memref<50x128xf32, #tpu.memory_space<hbm>>
      tpu.enqueue_dma source(%dma_start3A_2138 : memref<50x128xf32, #tpu.memory_space<hbm>>) target(%arg9 : memref<50x128xf32, #tpu.memory_space<vmem>>) target_semaphore(%arg17 : memref<!tpu.dma_semaphore, #tpu.memory_space<semaphore_mem>>)
      %mul3A_2139 = arith.constant 16 : i32
      %mul3A_2140 = arith.muli %scan3A_1137, %mul3A_2139 : i32
      %add3A_2141 = arith.constant 11 : i32
      %add3A_2142 = arith.addi %mul3A_2140, %add3A_2141 : i32
      %slice3A_2143 = vector.extract_strided_slice %get3A_1142 {offsets = [11], sizes = [1], strides = [1]} : vector<16xi32> to vector<1xi32>
      %squeeze3A_2144 = vector.extract %slice3A_2143[0] : i32 from vector<1xi32>
      %dma_wait3A_2145 = arith.constant 0 : i32
      %dma_wait3A_2146 = arith.constant 0 : i32
      %dma_wait3A_2147 = tpu.memref_slice %arg3[%dma_wait3A_2145, %dma_wait3A_2146] : memref<50x1000000xf32, #tpu.memory_space<hbm>> -> memref<50x128xf32, #tpu.memory_space<hbm>>
      %dma_wait3A_2148 = arith.constant 0 : i32
      %dma_wait3A_2149 = arith.constant 0 : i32
      %dma_wait3A_2150 = tpu.memref_slice %arg3[%dma_wait3A_2148, %dma_wait3A_2149] : memref<50x1000000xf32, #tpu.memory_space<hbm>> -> memref<50x128xf32, #tpu.memory_space<hbm>>
      tpu.wait_dma2 semaphore(%arg18 : memref<!tpu.dma_semaphore, #tpu.memory_space<semaphore_mem>>) src(%dma_wait3A_2150 : memref<50x128xf32, #tpu.memory_space<hbm>>) dst(%arg10 : memref<50x128xf32, #tpu.memory_space<vmem>>)
      %jit3A_2151 = arith.constant 128 : i32
      %eq3A_2152 = arith.constant 0 : i32
      %eq3A_2153 = arith.cmpi eq, %jit3A_2151, %eq3A_2152 : i32
      %jit3A_2154 = arith.constant 1 : i32
      %select_n3A_2155 = arith.select %eq3A_2153, %jit3A_2154, %jit3A_2151 : i32
      %rem3A_2156 = arith.remsi %squeeze3A_2144, %select_n3A_2155 : i32
      %ne3A_2157 = arith.constant 0 : i32
      %ne3A_2158 = arith.cmpi ne, %rem3A_2156, %ne3A_2157 : i32
      %lt3A_2159 = arith.constant 0 : i32
      %lt3A_2160 = arith.cmpi slt, %rem3A_2156, %lt3A_2159 : i32
      %lt3A_2161 = arith.constant 0 : i32
      %lt3A_2162 = arith.cmpi slt, %select_n3A_2155, %lt3A_2161 : i32
      %ne3A_2163 = arith.xori %lt3A_2160, %lt3A_2162 : i1
      %and3A_2164 = arith.andi %ne3A_2163, %ne3A_2158 : i1
      %add3A_2165 = arith.addi %rem3A_2156, %select_n3A_2155 : i32
      %select_n3A_2166 = arith.select %and3A_2164, %add3A_2165, %rem3A_2156 : i32
      %broadcast_in_dim3A_2167 = vector.broadcast %select_n3A_2166 : i32 to vector<16xi32>
      %gather3A_2168 = tpu.vector_load_idx %arg10[%add3A_1, %broadcast_in_dim3A_2167] : memref<50x128xf32, #tpu.memory_space<vmem>>[vector<16xi32>, vector<16xi32>], vector<16xf32>,
      %mul3A_2169 = arith.constant 64 : i32
      %mul3A_2170 = arith.muli %add3A_2142, %mul3A_2169 : i32
      %add3A_2171 = arith.constant 0 : i32
      %add3A_2172 = arith.addi %mul3A_2170, %add3A_2171 : i32
      %swap3A_2173 = arith.index_cast %add3A_2172 : i32 to index
      %swap3A_2174 = tpu.vector_load %arg6[%swap3A_2173] {strides = array<i32>} : memref<32768xf32, #tpu.memory_space<vmem>>, vector<16xf32>,
      tpu.vector_store %arg6[%swap3A_2173], %gather3A_2168 {strides = array<i32>} : memref<32768xf32, #tpu.memory_space<vmem>>, vector<16xf32>,
      %gather3A_2175 = tpu.vector_load_idx %arg10[%add3A_5, %broadcast_in_dim3A_2167] : memref<50x128xf32, #tpu.memory_space<vmem>>[vector<16xi32>, vector<16xi32>], vector<16xf32>,
      %mul3A_2176 = arith.constant 64 : i32
      %mul3A_2177 = arith.muli %add3A_2142, %mul3A_2176 : i32
      %add3A_2178 = arith.constant 16 : i32
      %add3A_2179 = arith.addi %mul3A_2177, %add3A_2178 : i32
      %swap3A_2180 = arith.index_cast %add3A_2179 : i32 to index
      %swap3A_2181 = tpu.vector_load %arg6[%swap3A_2180] {strides = array<i32>} : memref<32768xf32, #tpu.memory_space<vmem>>, vector<16xf32>,
      tpu.vector_store %arg6[%swap3A_2180], %gather3A_2175 {strides = array<i32>} : memref<32768xf32, #tpu.memory_space<vmem>>, vector<16xf32>,
      %gather3A_2182 = tpu.vector_load_idx %arg10[%add3A_9, %broadcast_in_dim3A_2167] : memref<50x128xf32, #tpu.memory_space<vmem>>[vector<16xi32>, vector<16xi32>], vector<16xf32>,
      %mul3A_2183 = arith.constant 64 : i32
      %mul3A_2184 = arith.muli %add3A_2142, %mul3A_2183 : i32
      %add3A_2185 = arith.constant 32 : i32
      %add3A_2186 = arith.addi %mul3A_2184, %add3A_2185 : i32
      %swap3A_2187 = arith.index_cast %add3A_2186 : i32 to index
      %swap3A_2188 = tpu.vector_load %arg6[%swap3A_2187] {strides = array<i32>} : memref<32768xf32, #tpu.memory_space<vmem>>, vector<16xf32>,
      tpu.vector_store %arg6[%swap3A_2187], %gather3A_2182 {strides = array<i32>} : memref<32768xf32, #tpu.memory_space<vmem>>, vector<16xf32>,
      %gather3A_2189 = tpu.vector_load_idx %arg10[%select_n3A, %broadcast_in_dim3A_2167] : memref<50x128xf32, #tpu.memory_space<vmem>>[vector<16xi32>, vector<16xi32>], vector<16xf32>,
      %mul3A_2190 = arith.constant 64 : i32
      %mul3A_2191 = arith.muli %add3A_2142, %mul3A_2190 : i32
      %add3A_2192 = arith.constant 48 : i32
      %add3A_2193 = arith.addi %mul3A_2191, %add3A_2192 : i32
      %swap3A_2194 = arith.index_cast %add3A_2193 : i32 to index
      %swap3A_2195 = tpu.vector_load %arg6[%swap3A_2194] {strides = array<i32>} : memref<32768xf32, #tpu.memory_space<vmem>>, vector<16xf32>,
      tpu.vector_store %arg6[%swap3A_2194], %gather3A_2189 {strides = array<i32>} : memref<32768xf32, #tpu.memory_space<vmem>>, vector<16xf32>,
      %slice3A_2196 = vector.extract_strided_slice %get3A_1148 {offsets = [3], sizes = [1], strides = [1]} : vector<16xi32> to vector<1xi32>
      %squeeze3A_2197 = vector.extract %slice3A_2196[0] : i32 from vector<1xi32>
      %jit3A_2198 = arith.constant 128 : i32
      %div3A_2199 = arith.divsi %squeeze3A_2197, %jit3A_2198 : i32
      %sign3A_2200 = arith.constant 0 : i32
      %sign3A_2201 = arith.cmpi sgt, %squeeze3A_2197, %sign3A_2200 : i32
      %sign3A_2202 = arith.extui %sign3A_2201 : i1 to i32
      %sign3A_2203 = arith.constant 0 : i32
      %sign3A_2204 = arith.cmpi slt, %squeeze3A_2197, %sign3A_2203 : i32
      %sign3A_2205 = arith.extui %sign3A_2204 : i1 to i32
      %sign3A_2206 = arith.subi %sign3A_2202, %sign3A_2205 : i32
      %sign3A_2207 = arith.constant 0 : i32
      %sign3A_2208 = arith.cmpi sgt, %jit3A_2198, %sign3A_2207 : i32
      %sign3A_2209 = arith.extui %sign3A_2208 : i1 to i32
      %sign3A_2210 = arith.constant 0 : i32
      %sign3A_2211 = arith.cmpi slt, %jit3A_2198, %sign3A_2210 : i32
      %sign3A_2212 = arith.extui %sign3A_2211 : i1 to i32
      %sign3A_2213 = arith.subi %sign3A_2209, %sign3A_2212 : i32
      %ne3A_2214 = arith.cmpi ne, %sign3A_2206, %sign3A_2213 : i32
      %rem3A_2215 = arith.remsi %squeeze3A_2197, %jit3A_2198 : i32
      %ne3A_2216 = arith.constant 0 : i32
      %ne3A_2217 = arith.cmpi ne, %rem3A_2215, %ne3A_2216 : i32
      %and3A_2218 = arith.andi %ne3A_2214, %ne3A_2217 : i1
      %sub3A_2219 = arith.constant 1 : i32
      %sub3A_2220 = arith.subi %div3A_2199, %sub3A_2219 : i32
      %select_n3A_2221 = arith.select %and3A_2218, %sub3A_2220, %div3A_2199 : i32
      %mul3A_2222 = arith.constant 128 : i32
      %mul3A_2223 = arith.muli %select_n3A_2221, %mul3A_2222 : i32
      %multiple_of3A_2224 = tpu.assume_multiple %mul3A_2223, 128 : i32
      %dma_start3A_2225 = arith.constant 0 : i32
      %dma_start3A_2226 = tpu.memref_slice %arg3[%dma_start3A_2225, %multiple_of3A_2224] : memref<50x1000000xf32, #tpu.memory_space<hbm>> -> memref<50x128xf32, #tpu.memory_space<hbm>>
      %dma_start3A_2227 = arith.constant 0 : i32
      %dma_start3A_2228 = tpu.memref_slice %arg3[%dma_start3A_2227, %multiple_of3A_2224] : memref<50x1000000xf32, #tpu.memory_space<hbm>> -> memref<50x128xf32, #tpu.memory_space<hbm>>
      tpu.enqueue_dma source(%dma_start3A_2228 : memref<50x128xf32, #tpu.memory_space<hbm>>) target(%arg10 : memref<50x128xf32, #tpu.memory_space<vmem>>) target_semaphore(%arg18 : memref<!tpu.dma_semaphore, #tpu.memory_space<semaphore_mem>>)
      %mul3A_2229 = arith.constant 16 : i32
      %mul3A_2230 = arith.muli %scan3A_1137, %mul3A_2229 : i32
      %add3A_2231 = arith.constant 12 : i32
      %add3A_2232 = arith.addi %mul3A_2230, %add3A_2231 : i32
      %slice3A_2233 = vector.extract_strided_slice %get3A_1142 {offsets = [12], sizes = [1], strides = [1]} : vector<16xi32> to vector<1xi32>
      %squeeze3A_2234 = vector.extract %slice3A_2233[0] : i32 from vector<1xi32>
      %dma_wait3A_2235 = arith.constant 0 : i32
      %dma_wait3A_2236 = arith.constant 0 : i32
      %dma_wait3A_2237 = tpu.memref_slice %arg3[%dma_wait3A_2235, %dma_wait3A_2236] : memref<50x1000000xf32, #tpu.memory_space<hbm>> -> memref<50x128xf32, #tpu.memory_space<hbm>>
      %dma_wait3A_2238 = arith.constant 0 : i32
      %dma_wait3A_2239 = arith.constant 0 : i32
      %dma_wait3A_2240 = tpu.memref_slice %arg3[%dma_wait3A_2238, %dma_wait3A_2239] : memref<50x1000000xf32, #tpu.memory_space<hbm>> -> memref<50x128xf32, #tpu.memory_space<hbm>>
      tpu.wait_dma2 semaphore(%arg19 : memref<!tpu.dma_semaphore, #tpu.memory_space<semaphore_mem>>) src(%dma_wait3A_2240 : memref<50x128xf32, #tpu.memory_space<hbm>>) dst(%arg11 : memref<50x128xf32, #tpu.memory_space<vmem>>)
      %jit3A_2241 = arith.constant 128 : i32
      %eq3A_2242 = arith.constant 0 : i32
      %eq3A_2243 = arith.cmpi eq, %jit3A_2241, %eq3A_2242 : i32
      %jit3A_2244 = arith.constant 1 : i32
      %select_n3A_2245 = arith.select %eq3A_2243, %jit3A_2244, %jit3A_2241 : i32
      %rem3A_2246 = arith.remsi %squeeze3A_2234, %select_n3A_2245 : i32
      %ne3A_2247 = arith.constant 0 : i32
      %ne3A_2248 = arith.cmpi ne, %rem3A_2246, %ne3A_2247 : i32
      %lt3A_2249 = arith.constant 0 : i32
      %lt3A_2250 = arith.cmpi slt, %rem3A_2246, %lt3A_2249 : i32
      %lt3A_2251 = arith.constant 0 : i32
      %lt3A_2252 = arith.cmpi slt, %select_n3A_2245, %lt3A_2251 : i32
      %ne3A_2253 = arith.xori %lt3A_2250, %lt3A_2252 : i1
      %and3A_2254 = arith.andi %ne3A_2253, %ne3A_2248 : i1
      %add3A_2255 = arith.addi %rem3A_2246, %select_n3A_2245 : i32
      %select_n3A_2256 = arith.select %and3A_2254, %add3A_2255, %rem3A_2246 : i32
      %broadcast_in_dim3A_2257 = vector.broadcast %select_n3A_2256 : i32 to vector<16xi32>
      %gather3A_2258 = tpu.vector_load_idx %arg11[%add3A_1, %broadcast_in_dim3A_2257] : memref<50x128xf32, #tpu.memory_space<vmem>>[vector<16xi32>, vector<16xi32>], vector<16xf32>,
      %mul3A_2259 = arith.constant 64 : i32
      %mul3A_2260 = arith.muli %add3A_2232, %mul3A_2259 : i32
      %add3A_2261 = arith.constant 0 : i32
      %add3A_2262 = arith.addi %mul3A_2260, %add3A_2261 : i32
      %swap3A_2263 = arith.index_cast %add3A_2262 : i32 to index
      %swap3A_2264 = tpu.vector_load %arg6[%swap3A_2263] {strides = array<i32>} : memref<32768xf32, #tpu.memory_space<vmem>>, vector<16xf32>,
      tpu.vector_store %arg6[%swap3A_2263], %gather3A_2258 {strides = array<i32>} : memref<32768xf32, #tpu.memory_space<vmem>>, vector<16xf32>,
      %gather3A_2265 = tpu.vector_load_idx %arg11[%add3A_5, %broadcast_in_dim3A_2257] : memref<50x128xf32, #tpu.memory_space<vmem>>[vector<16xi32>, vector<16xi32>], vector<16xf32>,
      %mul3A_2266 = arith.constant 64 : i32
      %mul3A_2267 = arith.muli %add3A_2232, %mul3A_2266 : i32
      %add3A_2268 = arith.constant 16 : i32
      %add3A_2269 = arith.addi %mul3A_2267, %add3A_2268 : i32
      %swap3A_2270 = arith.index_cast %add3A_2269 : i32 to index
      %swap3A_2271 = tpu.vector_load %arg6[%swap3A_2270] {strides = array<i32>} : memref<32768xf32, #tpu.memory_space<vmem>>, vector<16xf32>,
      tpu.vector_store %arg6[%swap3A_2270], %gather3A_2265 {strides = array<i32>} : memref<32768xf32, #tpu.memory_space<vmem>>, vector<16xf32>,
      %gather3A_2272 = tpu.vector_load_idx %arg11[%add3A_9, %broadcast_in_dim3A_2257] : memref<50x128xf32, #tpu.memory_space<vmem>>[vector<16xi32>, vector<16xi32>], vector<16xf32>,
      %mul3A_2273 = arith.constant 64 : i32
      %mul3A_2274 = arith.muli %add3A_2232, %mul3A_2273 : i32
      %add3A_2275 = arith.constant 32 : i32
      %add3A_2276 = arith.addi %mul3A_2274, %add3A_2275 : i32
      %swap3A_2277 = arith.index_cast %add3A_2276 : i32 to index
      %swap3A_2278 = tpu.vector_load %arg6[%swap3A_2277] {strides = array<i32>} : memref<32768xf32, #tpu.memory_space<vmem>>, vector<16xf32>,
      tpu.vector_store %arg6[%swap3A_2277], %gather3A_2272 {strides = array<i32>} : memref<32768xf32, #tpu.memory_space<vmem>>, vector<16xf32>,
      %gather3A_2279 = tpu.vector_load_idx %arg11[%select_n3A, %broadcast_in_dim3A_2257] : memref<50x128xf32, #tpu.memory_space<vmem>>[vector<16xi32>, vector<16xi32>], vector<16xf32>,
      %mul3A_2280 = arith.constant 64 : i32
      %mul3A_2281 = arith.muli %add3A_2232, %mul3A_2280 : i32
      %add3A_2282 = arith.constant 48 : i32
      %add3A_2283 = arith.addi %mul3A_2281, %add3A_2282 : i32
      %swap3A_2284 = arith.index_cast %add3A_2283 : i32 to index
      %swap3A_2285 = tpu.vector_load %arg6[%swap3A_2284] {strides = array<i32>} : memref<32768xf32, #tpu.memory_space<vmem>>, vector<16xf32>,
      tpu.vector_store %arg6[%swap3A_2284], %gather3A_2279 {strides = array<i32>} : memref<32768xf32, #tpu.memory_space<vmem>>, vector<16xf32>,
      %slice3A_2286 = vector.extract_strided_slice %get3A_1148 {offsets = [4], sizes = [1], strides = [1]} : vector<16xi32> to vector<1xi32>
      %squeeze3A_2287 = vector.extract %slice3A_2286[0] : i32 from vector<1xi32>
      %jit3A_2288 = arith.constant 128 : i32
      %div3A_2289 = arith.divsi %squeeze3A_2287, %jit3A_2288 : i32
      %sign3A_2290 = arith.constant 0 : i32
      %sign3A_2291 = arith.cmpi sgt, %squeeze3A_2287, %sign3A_2290 : i32
      %sign3A_2292 = arith.extui %sign3A_2291 : i1 to i32
      %sign3A_2293 = arith.constant 0 : i32
      %sign3A_2294 = arith.cmpi slt, %squeeze3A_2287, %sign3A_2293 : i32
      %sign3A_2295 = arith.extui %sign3A_2294 : i1 to i32
      %sign3A_2296 = arith.subi %sign3A_2292, %sign3A_2295 : i32
      %sign3A_2297 = arith.constant 0 : i32
      %sign3A_2298 = arith.cmpi sgt, %jit3A_2288, %sign3A_2297 : i32
      %sign3A_2299 = arith.extui %sign3A_2298 : i1 to i32
      %sign3A_2300 = arith.constant 0 : i32
      %sign3A_2301 = arith.cmpi slt, %jit3A_2288, %sign3A_2300 : i32
      %sign3A_2302 = arith.extui %sign3A_2301 : i1 to i32
      %sign3A_2303 = arith.subi %sign3A_2299, %sign3A_2302 : i32
      %ne3A_2304 = arith.cmpi ne, %sign3A_2296, %sign3A_2303 : i32
      %rem3A_2305 = arith.remsi %squeeze3A_2287, %jit3A_2288 : i32
      %ne3A_2306 = arith.constant 0 : i32
      %ne3A_2307 = arith.cmpi ne, %rem3A_2305, %ne3A_2306 : i32
      %and3A_2308 = arith.andi %ne3A_2304, %ne3A_2307 : i1
      %sub3A_2309 = arith.constant 1 : i32
      %sub3A_2310 = arith.subi %div3A_2289, %sub3A_2309 : i32
      %select_n3A_2311 = arith.select %and3A_2308, %sub3A_2310, %div3A_2289 : i32
      %mul3A_2312 = arith.constant 128 : i32
      %mul3A_2313 = arith.muli %select_n3A_2311, %mul3A_2312 : i32
      %multiple_of3A_2314 = tpu.assume_multiple %mul3A_2313, 128 : i32
      %dma_start3A_2315 = arith.constant 0 : i32
      %dma_start3A_2316 = tpu.memref_slice %arg3[%dma_start3A_2315, %multiple_of3A_2314] : memref<50x1000000xf32, #tpu.memory_space<hbm>> -> memref<50x128xf32, #tpu.memory_space<hbm>>
      %dma_start3A_2317 = arith.constant 0 : i32
      %dma_start3A_2318 = tpu.memref_slice %arg3[%dma_start3A_2317, %multiple_of3A_2314] : memref<50x1000000xf32, #tpu.memory_space<hbm>> -> memref<50x128xf32, #tpu.memory_space<hbm>>
      tpu.enqueue_dma source(%dma_start3A_2318 : memref<50x128xf32, #tpu.memory_space<hbm>>) target(%arg11 : memref<50x128xf32, #tpu.memory_space<vmem>>) target_semaphore(%arg19 : memref<!tpu.dma_semaphore, #tpu.memory_space<semaphore_mem>>)
      %mul3A_2319 = arith.constant 16 : i32
      %mul3A_2320 = arith.muli %scan3A_1137, %mul3A_2319 : i32
      %add3A_2321 = arith.constant 13 : i32
      %add3A_2322 = arith.addi %mul3A_2320, %add3A_2321 : i32
      %slice3A_2323 = vector.extract_strided_slice %get3A_1142 {offsets = [13], sizes = [1], strides = [1]} : vector<16xi32> to vector<1xi32>
      %squeeze3A_2324 = vector.extract %slice3A_2323[0] : i32 from vector<1xi32>
      %dma_wait3A_2325 = arith.constant 0 : i32
      %dma_wait3A_2326 = arith.constant 0 : i32
      %dma_wait3A_2327 = tpu.memref_slice %arg3[%dma_wait3A_2325, %dma_wait3A_2326] : memref<50x1000000xf32, #tpu.memory_space<hbm>> -> memref<50x128xf32, #tpu.memory_space<hbm>>
      %dma_wait3A_2328 = arith.constant 0 : i32
      %dma_wait3A_2329 = arith.constant 0 : i32
      %dma_wait3A_2330 = tpu.memref_slice %arg3[%dma_wait3A_2328, %dma_wait3A_2329] : memref<50x1000000xf32, #tpu.memory_space<hbm>> -> memref<50x128xf32, #tpu.memory_space<hbm>>
      tpu.wait_dma2 semaphore(%arg20 : memref<!tpu.dma_semaphore, #tpu.memory_space<semaphore_mem>>) src(%dma_wait3A_2330 : memref<50x128xf32, #tpu.memory_space<hbm>>) dst(%arg12 : memref<50x128xf32, #tpu.memory_space<vmem>>)
      %jit3A_2331 = arith.constant 128 : i32
      %eq3A_2332 = arith.constant 0 : i32
      %eq3A_2333 = arith.cmpi eq, %jit3A_2331, %eq3A_2332 : i32
      %jit3A_2334 = arith.constant 1 : i32
      %select_n3A_2335 = arith.select %eq3A_2333, %jit3A_2334, %jit3A_2331 : i32
      %rem3A_2336 = arith.remsi %squeeze3A_2324, %select_n3A_2335 : i32
      %ne3A_2337 = arith.constant 0 : i32
      %ne3A_2338 = arith.cmpi ne, %rem3A_2336, %ne3A_2337 : i32
      %lt3A_2339 = arith.constant 0 : i32
      %lt3A_2340 = arith.cmpi slt, %rem3A_2336, %lt3A_2339 : i32
      %lt3A_2341 = arith.constant 0 : i32
      %lt3A_2342 = arith.cmpi slt, %select_n3A_2335, %lt3A_2341 : i32
      %ne3A_2343 = arith.xori %lt3A_2340, %lt3A_2342 : i1
      %and3A_2344 = arith.andi %ne3A_2343, %ne3A_2338 : i1
      %add3A_2345 = arith.addi %rem3A_2336, %select_n3A_2335 : i32
      %select_n3A_2346 = arith.select %and3A_2344, %add3A_2345, %rem3A_2336 : i32
      %broadcast_in_dim3A_2347 = vector.broadcast %select_n3A_2346 : i32 to vector<16xi32>
      %gather3A_2348 = tpu.vector_load_idx %arg12[%add3A_1, %broadcast_in_dim3A_2347] : memref<50x128xf32, #tpu.memory_space<vmem>>[vector<16xi32>, vector<16xi32>], vector<16xf32>,
      %mul3A_2349 = arith.constant 64 : i32
      %mul3A_2350 = arith.muli %add3A_2322, %mul3A_2349 : i32
      %add3A_2351 = arith.constant 0 : i32
      %add3A_2352 = arith.addi %mul3A_2350, %add3A_2351 : i32
      %swap3A_2353 = arith.index_cast %add3A_2352 : i32 to index
      %swap3A_2354 = tpu.vector_load %arg6[%swap3A_2353] {strides = array<i32>} : memref<32768xf32, #tpu.memory_space<vmem>>, vector<16xf32>,
      tpu.vector_store %arg6[%swap3A_2353], %gather3A_2348 {strides = array<i32>} : memref<32768xf32, #tpu.memory_space<vmem>>, vector<16xf32>,
      %gather3A_2355 = tpu.vector_load_idx %arg12[%add3A_5, %broadcast_in_dim3A_2347] : memref<50x128xf32, #tpu.memory_space<vmem>>[vector<16xi32>, vector<16xi32>], vector<16xf32>,
      %mul3A_2356 = arith.constant 64 : i32
      %mul3A_2357 = arith.muli %add3A_2322, %mul3A_2356 : i32
      %add3A_2358 = arith.constant 16 : i32
      %add3A_2359 = arith.addi %mul3A_2357, %add3A_2358 : i32
      %swap3A_2360 = arith.index_cast %add3A_2359 : i32 to index
      %swap3A_2361 = tpu.vector_load %arg6[%swap3A_2360] {strides = array<i32>} : memref<32768xf32, #tpu.memory_space<vmem>>, vector<16xf32>,
      tpu.vector_store %arg6[%swap3A_2360], %gather3A_2355 {strides = array<i32>} : memref<32768xf32, #tpu.memory_space<vmem>>, vector<16xf32>,
      %gather3A_2362 = tpu.vector_load_idx %arg12[%add3A_9, %broadcast_in_dim3A_2347] : memref<50x128xf32, #tpu.memory_space<vmem>>[vector<16xi32>, vector<16xi32>], vector<16xf32>,
      %mul3A_2363 = arith.constant 64 : i32
      %mul3A_2364 = arith.muli %add3A_2322, %mul3A_2363 : i32
      %add3A_2365 = arith.constant 32 : i32
      %add3A_2366 = arith.addi %mul3A_2364, %add3A_2365 : i32
      %swap3A_2367 = arith.index_cast %add3A_2366 : i32 to index
      %swap3A_2368 = tpu.vector_load %arg6[%swap3A_2367] {strides = array<i32>} : memref<32768xf32, #tpu.memory_space<vmem>>, vector<16xf32>,
      tpu.vector_store %arg6[%swap3A_2367], %gather3A_2362 {strides = array<i32>} : memref<32768xf32, #tpu.memory_space<vmem>>, vector<16xf32>,
      %gather3A_2369 = tpu.vector_load_idx %arg12[%select_n3A, %broadcast_in_dim3A_2347] : memref<50x128xf32, #tpu.memory_space<vmem>>[vector<16xi32>, vector<16xi32>], vector<16xf32>,
      %mul3A_2370 = arith.constant 64 : i32
      %mul3A_2371 = arith.muli %add3A_2322, %mul3A_2370 : i32
      %add3A_2372 = arith.constant 48 : i32
      %add3A_2373 = arith.addi %mul3A_2371, %add3A_2372 : i32
      %swap3A_2374 = arith.index_cast %add3A_2373 : i32 to index
      %swap3A_2375 = tpu.vector_load %arg6[%swap3A_2374] {strides = array<i32>} : memref<32768xf32, #tpu.memory_space<vmem>>, vector<16xf32>,
      tpu.vector_store %arg6[%swap3A_2374], %gather3A_2369 {strides = array<i32>} : memref<32768xf32, #tpu.memory_space<vmem>>, vector<16xf32>,
      %slice3A_2376 = vector.extract_strided_slice %get3A_1148 {offsets = [5], sizes = [1], strides = [1]} : vector<16xi32> to vector<1xi32>
      %squeeze3A_2377 = vector.extract %slice3A_2376[0] : i32 from vector<1xi32>
      %jit3A_2378 = arith.constant 128 : i32
      %div3A_2379 = arith.divsi %squeeze3A_2377, %jit3A_2378 : i32
      %sign3A_2380 = arith.constant 0 : i32
      %sign3A_2381 = arith.cmpi sgt, %squeeze3A_2377, %sign3A_2380 : i32
      %sign3A_2382 = arith.extui %sign3A_2381 : i1 to i32
      %sign3A_2383 = arith.constant 0 : i32
      %sign3A_2384 = arith.cmpi slt, %squeeze3A_2377, %sign3A_2383 : i32
      %sign3A_2385 = arith.extui %sign3A_2384 : i1 to i32
      %sign3A_2386 = arith.subi %sign3A_2382, %sign3A_2385 : i32
      %sign3A_2387 = arith.constant 0 : i32
      %sign3A_2388 = arith.cmpi sgt, %jit3A_2378, %sign3A_2387 : i32
      %sign3A_2389 = arith.extui %sign3A_2388 : i1 to i32
      %sign3A_2390 = arith.constant 0 : i32
      %sign3A_2391 = arith.cmpi slt, %jit3A_2378, %sign3A_2390 : i32
      %sign3A_2392 = arith.extui %sign3A_2391 : i1 to i32
      %sign3A_2393 = arith.subi %sign3A_2389, %sign3A_2392 : i32
      %ne3A_2394 = arith.cmpi ne, %sign3A_2386, %sign3A_2393 : i32
      %rem3A_2395 = arith.remsi %squeeze3A_2377, %jit3A_2378 : i32
      %ne3A_2396 = arith.constant 0 : i32
      %ne3A_2397 = arith.cmpi ne, %rem3A_2395, %ne3A_2396 : i32
      %and3A_2398 = arith.andi %ne3A_2394, %ne3A_2397 : i1
      %sub3A_2399 = arith.constant 1 : i32
      %sub3A_2400 = arith.subi %div3A_2379, %sub3A_2399 : i32
      %select_n3A_2401 = arith.select %and3A_2398, %sub3A_2400, %div3A_2379 : i32
      %mul3A_2402 = arith.constant 128 : i32
      %mul3A_2403 = arith.muli %select_n3A_2401, %mul3A_2402 : i32
      %multiple_of3A_2404 = tpu.assume_multiple %mul3A_2403, 128 : i32
      %dma_start3A_2405 = arith.constant 0 : i32
      %dma_start3A_2406 = tpu.memref_slice %arg3[%dma_start3A_2405, %multiple_of3A_2404] : memref<50x1000000xf32, #tpu.memory_space<hbm>> -> memref<50x128xf32, #tpu.memory_space<hbm>>
      %dma_start3A_2407 = arith.constant 0 : i32
      %dma_start3A_2408 = tpu.memref_slice %arg3[%dma_start3A_2407, %multiple_of3A_2404] : memref<50x1000000xf32, #tpu.memory_space<hbm>> -> memref<50x128xf32, #tpu.memory_space<hbm>>
      tpu.enqueue_dma source(%dma_start3A_2408 : memref<50x128xf32, #tpu.memory_space<hbm>>) target(%arg12 : memref<50x128xf32, #tpu.memory_space<vmem>>) target_semaphore(%arg20 : memref<!tpu.dma_semaphore, #tpu.memory_space<semaphore_mem>>)
      %mul3A_2409 = arith.constant 16 : i32
      %mul3A_2410 = arith.muli %scan3A_1137, %mul3A_2409 : i32
      %add3A_2411 = arith.constant 14 : i32
      %add3A_2412 = arith.addi %mul3A_2410, %add3A_2411 : i32
      %slice3A_2413 = vector.extract_strided_slice %get3A_1142 {offsets = [14], sizes = [1], strides = [1]} : vector<16xi32> to vector<1xi32>
      %squeeze3A_2414 = vector.extract %slice3A_2413[0] : i32 from vector<1xi32>
      %dma_wait3A_2415 = arith.constant 0 : i32
      %dma_wait3A_2416 = arith.constant 0 : i32
      %dma_wait3A_2417 = tpu.memref_slice %arg3[%dma_wait3A_2415, %dma_wait3A_2416] : memref<50x1000000xf32, #tpu.memory_space<hbm>> -> memref<50x128xf32, #tpu.memory_space<hbm>>
      %dma_wait3A_2418 = arith.constant 0 : i32
      %dma_wait3A_2419 = arith.constant 0 : i32
      %dma_wait3A_2420 = tpu.memref_slice %arg3[%dma_wait3A_2418, %dma_wait3A_2419] : memref<50x1000000xf32, #tpu.memory_space<hbm>> -> memref<50x128xf32, #tpu.memory_space<hbm>>
      tpu.wait_dma2 semaphore(%arg21 : memref<!tpu.dma_semaphore, #tpu.memory_space<semaphore_mem>>) src(%dma_wait3A_2420 : memref<50x128xf32, #tpu.memory_space<hbm>>) dst(%arg13 : memref<50x128xf32, #tpu.memory_space<vmem>>)
      %jit3A_2421 = arith.constant 128 : i32
      %eq3A_2422 = arith.constant 0 : i32
      %eq3A_2423 = arith.cmpi eq, %jit3A_2421, %eq3A_2422 : i32
      %jit3A_2424 = arith.constant 1 : i32
      %select_n3A_2425 = arith.select %eq3A_2423, %jit3A_2424, %jit3A_2421 : i32
      %rem3A_2426 = arith.remsi %squeeze3A_2414, %select_n3A_2425 : i32
      %ne3A_2427 = arith.constant 0 : i32
      %ne3A_2428 = arith.cmpi ne, %rem3A_2426, %ne3A_2427 : i32
      %lt3A_2429 = arith.constant 0 : i32
      %lt3A_2430 = arith.cmpi slt, %rem3A_2426, %lt3A_2429 : i32
      %lt3A_2431 = arith.constant 0 : i32
      %lt3A_2432 = arith.cmpi slt, %select_n3A_2425, %lt3A_2431 : i32
      %ne3A_2433 = arith.xori %lt3A_2430, %lt3A_2432 : i1
      %and3A_2434 = arith.andi %ne3A_2433, %ne3A_2428 : i1
      %add3A_2435 = arith.addi %rem3A_2426, %select_n3A_2425 : i32
      %select_n3A_2436 = arith.select %and3A_2434, %add3A_2435, %rem3A_2426 : i32
      %broadcast_in_dim3A_2437 = vector.broadcast %select_n3A_2436 : i32 to vector<16xi32>
      %gather3A_2438 = tpu.vector_load_idx %arg13[%add3A_1, %broadcast_in_dim3A_2437] : memref<50x128xf32, #tpu.memory_space<vmem>>[vector<16xi32>, vector<16xi32>], vector<16xf32>,
      %mul3A_2439 = arith.constant 64 : i32
      %mul3A_2440 = arith.muli %add3A_2412, %mul3A_2439 : i32
      %add3A_2441 = arith.constant 0 : i32
      %add3A_2442 = arith.addi %mul3A_2440, %add3A_2441 : i32
      %swap3A_2443 = arith.index_cast %add3A_2442 : i32 to index
      %swap3A_2444 = tpu.vector_load %arg6[%swap3A_2443] {strides = array<i32>} : memref<32768xf32, #tpu.memory_space<vmem>>, vector<16xf32>,
      tpu.vector_store %arg6[%swap3A_2443], %gather3A_2438 {strides = array<i32>} : memref<32768xf32, #tpu.memory_space<vmem>>, vector<16xf32>,
      %gather3A_2445 = tpu.vector_load_idx %arg13[%add3A_5, %broadcast_in_dim3A_2437] : memref<50x128xf32, #tpu.memory_space<vmem>>[vector<16xi32>, vector<16xi32>], vector<16xf32>,
      %mul3A_2446 = arith.constant 64 : i32
      %mul3A_2447 = arith.muli %add3A_2412, %mul3A_2446 : i32
      %add3A_2448 = arith.constant 16 : i32
      %add3A_2449 = arith.addi %mul3A_2447, %add3A_2448 : i32
      %swap3A_2450 = arith.index_cast %add3A_2449 : i32 to index
      %swap3A_2451 = tpu.vector_load %arg6[%swap3A_2450] {strides = array<i32>} : memref<32768xf32, #tpu.memory_space<vmem>>, vector<16xf32>,
      tpu.vector_store %arg6[%swap3A_2450], %gather3A_2445 {strides = array<i32>} : memref<32768xf32, #tpu.memory_space<vmem>>, vector<16xf32>,
      %gather3A_2452 = tpu.vector_load_idx %arg13[%add3A_9, %broadcast_in_dim3A_2437] : memref<50x128xf32, #tpu.memory_space<vmem>>[vector<16xi32>, vector<16xi32>], vector<16xf32>,
      %mul3A_2453 = arith.constant 64 : i32
      %mul3A_2454 = arith.muli %add3A_2412, %mul3A_2453 : i32
      %add3A_2455 = arith.constant 32 : i32
      %add3A_2456 = arith.addi %mul3A_2454, %add3A_2455 : i32
      %swap3A_2457 = arith.index_cast %add3A_2456 : i32 to index
      %swap3A_2458 = tpu.vector_load %arg6[%swap3A_2457] {strides = array<i32>} : memref<32768xf32, #tpu.memory_space<vmem>>, vector<16xf32>,
      tpu.vector_store %arg6[%swap3A_2457], %gather3A_2452 {strides = array<i32>} : memref<32768xf32, #tpu.memory_space<vmem>>, vector<16xf32>,
      %gather3A_2459 = tpu.vector_load_idx %arg13[%select_n3A, %broadcast_in_dim3A_2437] : memref<50x128xf32, #tpu.memory_space<vmem>>[vector<16xi32>, vector<16xi32>], vector<16xf32>,
      %mul3A_2460 = arith.constant 64 : i32
      %mul3A_2461 = arith.muli %add3A_2412, %mul3A_2460 : i32
      %add3A_2462 = arith.constant 48 : i32
      %add3A_2463 = arith.addi %mul3A_2461, %add3A_2462 : i32
      %swap3A_2464 = arith.index_cast %add3A_2463 : i32 to index
      %swap3A_2465 = tpu.vector_load %arg6[%swap3A_2464] {strides = array<i32>} : memref<32768xf32, #tpu.memory_space<vmem>>, vector<16xf32>,
      tpu.vector_store %arg6[%swap3A_2464], %gather3A_2459 {strides = array<i32>} : memref<32768xf32, #tpu.memory_space<vmem>>, vector<16xf32>,
      %slice3A_2466 = vector.extract_strided_slice %get3A_1148 {offsets = [6], sizes = [1], strides = [1]} : vector<16xi32> to vector<1xi32>
      %squeeze3A_2467 = vector.extract %slice3A_2466[0] : i32 from vector<1xi32>
      %jit3A_2468 = arith.constant 128 : i32
      %div3A_2469 = arith.divsi %squeeze3A_2467, %jit3A_2468 : i32
      %sign3A_2470 = arith.constant 0 : i32
      %sign3A_2471 = arith.cmpi sgt, %squeeze3A_2467, %sign3A_2470 : i32
      %sign3A_2472 = arith.extui %sign3A_2471 : i1 to i32
      %sign3A_2473 = arith.constant 0 : i32
      %sign3A_2474 = arith.cmpi slt, %squeeze3A_2467, %sign3A_2473 : i32
      %sign3A_2475 = arith.extui %sign3A_2474 : i1 to i32
      %sign3A_2476 = arith.subi %sign3A_2472, %sign3A_2475 : i32
      %sign3A_2477 = arith.constant 0 : i32
      %sign3A_2478 = arith.cmpi sgt, %jit3A_2468, %sign3A_2477 : i32
      %sign3A_2479 = arith.extui %sign3A_2478 : i1 to i32
      %sign3A_2480 = arith.constant 0 : i32
      %sign3A_2481 = arith.cmpi slt, %jit3A_2468, %sign3A_2480 : i32
      %sign3A_2482 = arith.extui %sign3A_2481 : i1 to i32
      %sign3A_2483 = arith.subi %sign3A_2479, %sign3A_2482 : i32
      %ne3A_2484 = arith.cmpi ne, %sign3A_2476, %sign3A_2483 : i32
      %rem3A_2485 = arith.remsi %squeeze3A_2467, %jit3A_2468 : i32
      %ne3A_2486 = arith.constant 0 : i32
      %ne3A_2487 = arith.cmpi ne, %rem3A_2485, %ne3A_2486 : i32
      %and3A_2488 = arith.andi %ne3A_2484, %ne3A_2487 : i1
      %sub3A_2489 = arith.constant 1 : i32
      %sub3A_2490 = arith.subi %div3A_2469, %sub3A_2489 : i32
      %select_n3A_2491 = arith.select %and3A_2488, %sub3A_2490, %div3A_2469 : i32
      %mul3A_2492 = arith.constant 128 : i32
      %mul3A_2493 = arith.muli %select_n3A_2491, %mul3A_2492 : i32
      %multiple_of3A_2494 = tpu.assume_multiple %mul3A_2493, 128 : i32
      %dma_start3A_2495 = arith.constant 0 : i32
      %dma_start3A_2496 = tpu.memref_slice %arg3[%dma_start3A_2495, %multiple_of3A_2494] : memref<50x1000000xf32, #tpu.memory_space<hbm>> -> memref<50x128xf32, #tpu.memory_space<hbm>>
      %dma_start3A_2497 = arith.constant 0 : i32
      %dma_start3A_2498 = tpu.memref_slice %arg3[%dma_start3A_2497, %multiple_of3A_2494] : memref<50x1000000xf32, #tpu.memory_space<hbm>> -> memref<50x128xf32, #tpu.memory_space<hbm>>
      tpu.enqueue_dma source(%dma_start3A_2498 : memref<50x128xf32, #tpu.memory_space<hbm>>) target(%arg13 : memref<50x128xf32, #tpu.memory_space<vmem>>) target_semaphore(%arg21 : memref<!tpu.dma_semaphore, #tpu.memory_space<semaphore_mem>>)
      %mul3A_2499 = arith.constant 16 : i32
      %mul3A_2500 = arith.muli %scan3A_1137, %mul3A_2499 : i32
      %add3A_2501 = arith.constant 15 : i32
      %add3A_2502 = arith.addi %mul3A_2500, %add3A_2501 : i32
      %slice3A_2503 = vector.extract_strided_slice %get3A_1142 {offsets = [15], sizes = [1], strides = [1]} : vector<16xi32> to vector<1xi32>
      %squeeze3A_2504 = vector.extract %slice3A_2503[0] : i32 from vector<1xi32>
      %dma_wait3A_2505 = arith.constant 0 : i32
      %dma_wait3A_2506 = arith.constant 0 : i32
      %dma_wait3A_2507 = tpu.memref_slice %arg3[%dma_wait3A_2505, %dma_wait3A_2506] : memref<50x1000000xf32, #tpu.memory_space<hbm>> -> memref<50x128xf32, #tpu.memory_space<hbm>>
      %dma_wait3A_2508 = arith.constant 0 : i32
      %dma_wait3A_2509 = arith.constant 0 : i32
      %dma_wait3A_2510 = tpu.memref_slice %arg3[%dma_wait3A_2508, %dma_wait3A_2509] : memref<50x1000000xf32, #tpu.memory_space<hbm>> -> memref<50x128xf32, #tpu.memory_space<hbm>>
      tpu.wait_dma2 semaphore(%arg22 : memref<!tpu.dma_semaphore, #tpu.memory_space<semaphore_mem>>) src(%dma_wait3A_2510 : memref<50x128xf32, #tpu.memory_space<hbm>>) dst(%arg14 : memref<50x128xf32, #tpu.memory_space<vmem>>)
      %jit3A_2511 = arith.constant 128 : i32
      %eq3A_2512 = arith.constant 0 : i32
      %eq3A_2513 = arith.cmpi eq, %jit3A_2511, %eq3A_2512 : i32
      %jit3A_2514 = arith.constant 1 : i32
      %select_n3A_2515 = arith.select %eq3A_2513, %jit3A_2514, %jit3A_2511 : i32
      %rem3A_2516 = arith.remsi %squeeze3A_2504, %select_n3A_2515 : i32
      %ne3A_2517 = arith.constant 0 : i32
      %ne3A_2518 = arith.cmpi ne, %rem3A_2516, %ne3A_2517 : i32
      %lt3A_2519 = arith.constant 0 : i32
      %lt3A_2520 = arith.cmpi slt, %rem3A_2516, %lt3A_2519 : i32
      %lt3A_2521 = arith.constant 0 : i32
      %lt3A_2522 = arith.cmpi slt, %select_n3A_2515, %lt3A_2521 : i32
      %ne3A_2523 = arith.xori %lt3A_2520, %lt3A_2522 : i1
      %and3A_2524 = arith.andi %ne3A_2523, %ne3A_2518 : i1
      %add3A_2525 = arith.addi %rem3A_2516, %select_n3A_2515 : i32
      %select_n3A_2526 = arith.select %and3A_2524, %add3A_2525, %rem3A_2516 : i32
      %broadcast_in_dim3A_2527 = vector.broadcast %select_n3A_2526 : i32 to vector<16xi32>
      %gather3A_2528 = tpu.vector_load_idx %arg14[%add3A_1, %broadcast_in_dim3A_2527] : memref<50x128xf32, #tpu.memory_space<vmem>>[vector<16xi32>, vector<16xi32>], vector<16xf32>,
      %mul3A_2529 = arith.constant 64 : i32
      %mul3A_2530 = arith.muli %add3A_2502, %mul3A_2529 : i32
      %add3A_2531 = arith.constant 0 : i32
      %add3A_2532 = arith.addi %mul3A_2530, %add3A_2531 : i32
      %swap3A_2533 = arith.index_cast %add3A_2532 : i32 to index
      %swap3A_2534 = tpu.vector_load %arg6[%swap3A_2533] {strides = array<i32>} : memref<32768xf32, #tpu.memory_space<vmem>>, vector<16xf32>,
      tpu.vector_store %arg6[%swap3A_2533], %gather3A_2528 {strides = array<i32>} : memref<32768xf32, #tpu.memory_space<vmem>>, vector<16xf32>,
      %gather3A_2535 = tpu.vector_load_idx %arg14[%add3A_5, %broadcast_in_dim3A_2527] : memref<50x128xf32, #tpu.memory_space<vmem>>[vector<16xi32>, vector<16xi32>], vector<16xf32>,
      %mul3A_2536 = arith.constant 64 : i32
      %mul3A_2537 = arith.muli %add3A_2502, %mul3A_2536 : i32
      %add3A_2538 = arith.constant 16 : i32
      %add3A_2539 = arith.addi %mul3A_2537, %add3A_2538 : i32
      %swap3A_2540 = arith.index_cast %add3A_2539 : i32 to index
      %swap3A_2541 = tpu.vector_load %arg6[%swap3A_2540] {strides = array<i32>} : memref<32768xf32, #tpu.memory_space<vmem>>, vector<16xf32>,
      tpu.vector_store %arg6[%swap3A_2540], %gather3A_2535 {strides = array<i32>} : memref<32768xf32, #tpu.memory_space<vmem>>, vector<16xf32>,
      %gather3A_2542 = tpu.vector_load_idx %arg14[%add3A_9, %broadcast_in_dim3A_2527] : memref<50x128xf32, #tpu.memory_space<vmem>>[vector<16xi32>, vector<16xi32>], vector<16xf32>,
      %mul3A_2543 = arith.constant 64 : i32
      %mul3A_2544 = arith.muli %add3A_2502, %mul3A_2543 : i32
      %add3A_2545 = arith.constant 32 : i32
      %add3A_2546 = arith.addi %mul3A_2544, %add3A_2545 : i32
      %swap3A_2547 = arith.index_cast %add3A_2546 : i32 to index
      %swap3A_2548 = tpu.vector_load %arg6[%swap3A_2547] {strides = array<i32>} : memref<32768xf32, #tpu.memory_space<vmem>>, vector<16xf32>,
      tpu.vector_store %arg6[%swap3A_2547], %gather3A_2542 {strides = array<i32>} : memref<32768xf32, #tpu.memory_space<vmem>>, vector<16xf32>,
      %gather3A_2549 = tpu.vector_load_idx %arg14[%select_n3A, %broadcast_in_dim3A_2527] : memref<50x128xf32, #tpu.memory_space<vmem>>[vector<16xi32>, vector<16xi32>], vector<16xf32>,
      %mul3A_2550 = arith.constant 64 : i32
      %mul3A_2551 = arith.muli %add3A_2502, %mul3A_2550 : i32
      %add3A_2552 = arith.constant 48 : i32
      %add3A_2553 = arith.addi %mul3A_2551, %add3A_2552 : i32
      %swap3A_2554 = arith.index_cast %add3A_2553 : i32 to index
      %swap3A_2555 = tpu.vector_load %arg6[%swap3A_2554] {strides = array<i32>} : memref<32768xf32, #tpu.memory_space<vmem>>, vector<16xf32>,
      tpu.vector_store %arg6[%swap3A_2554], %gather3A_2549 {strides = array<i32>} : memref<32768xf32, #tpu.memory_space<vmem>>, vector<16xf32>,
      %slice3A_2556 = vector.extract_strided_slice %get3A_1148 {offsets = [7], sizes = [1], strides = [1]} : vector<16xi32> to vector<1xi32>
      %squeeze3A_2557 = vector.extract %slice3A_2556[0] : i32 from vector<1xi32>
      %jit3A_2558 = arith.constant 128 : i32
      %div3A_2559 = arith.divsi %squeeze3A_2557, %jit3A_2558 : i32
      %sign3A_2560 = arith.constant 0 : i32
      %sign3A_2561 = arith.cmpi sgt, %squeeze3A_2557, %sign3A_2560 : i32
      %sign3A_2562 = arith.extui %sign3A_2561 : i1 to i32
      %sign3A_2563 = arith.constant 0 : i32
      %sign3A_2564 = arith.cmpi slt, %squeeze3A_2557, %sign3A_2563 : i32
      %sign3A_2565 = arith.extui %sign3A_2564 : i1 to i32
      %sign3A_2566 = arith.subi %sign3A_2562, %sign3A_2565 : i32
      %sign3A_2567 = arith.constant 0 : i32
      %sign3A_2568 = arith.cmpi sgt, %jit3A_2558, %sign3A_2567 : i32
      %sign3A_2569 = arith.extui %sign3A_2568 : i1 to i32
      %sign3A_2570 = arith.constant 0 : i32
      %sign3A_2571 = arith.cmpi slt, %jit3A_2558, %sign3A_2570 : i32
      %sign3A_2572 = arith.extui %sign3A_2571 : i1 to i32
      %sign3A_2573 = arith.subi %sign3A_2569, %sign3A_2572 : i32
      %ne3A_2574 = arith.cmpi ne, %sign3A_2566, %sign3A_2573 : i32
      %rem3A_2575 = arith.remsi %squeeze3A_2557, %jit3A_2558 : i32
      %ne3A_2576 = arith.constant 0 : i32
      %ne3A_2577 = arith.cmpi ne, %rem3A_2575, %ne3A_2576 : i32
      %and3A_2578 = arith.andi %ne3A_2574, %ne3A_2577 : i1
      %sub3A_2579 = arith.constant 1 : i32
      %sub3A_2580 = arith.subi %div3A_2559, %sub3A_2579 : i32
      %select_n3A_2581 = arith.select %and3A_2578, %sub3A_2580, %div3A_2559 : i32
      %mul3A_2582 = arith.constant 128 : i32
      %mul3A_2583 = arith.muli %select_n3A_2581, %mul3A_2582 : i32
      %multiple_of3A_2584 = tpu.assume_multiple %mul3A_2583, 128 : i32
      %dma_start3A_2585 = arith.constant 0 : i32
      %dma_start3A_2586 = tpu.memref_slice %arg3[%dma_start3A_2585, %multiple_of3A_2584] : memref<50x1000000xf32, #tpu.memory_space<hbm>> -> memref<50x128xf32, #tpu.memory_space<hbm>>
      %dma_start3A_2587 = arith.constant 0 : i32
      %dma_start3A_2588 = tpu.memref_slice %arg3[%dma_start3A_2587, %multiple_of3A_2584] : memref<50x1000000xf32, #tpu.memory_space<hbm>> -> memref<50x128xf32, #tpu.memory_space<hbm>>
      tpu.enqueue_dma source(%dma_start3A_2588 : memref<50x128xf32, #tpu.memory_space<hbm>>) target(%arg14 : memref<50x128xf32, #tpu.memory_space<vmem>>) target_semaphore(%arg22 : memref<!tpu.dma_semaphore, #tpu.memory_space<semaphore_mem>>)
      %scan3A_2589 = arith.constant 0 : i32
      scf.yield %scan3A_2589 : i32
    }
    %scan3A_280 = arith.constant 31 : i32
    %get3A_281 = arith.constant 496 : index
    %get3A_282 = tpu.vector_load %arg5[%get3A_281] {strides = array<i32>} : memref<512xi32, #tpu.memory_space<vmem>>, vector<16xi32>,
    %slice3A_283 = vector.extract_strided_slice %get3A_282 {offsets = [0], sizes = [1], strides = [1]} : vector<16xi32> to vector<1xi32>
    %squeeze3A_284 = vector.extract %slice3A_283[0] : i32 from vector<1xi32>
    %dma_wait3A = arith.constant 0 : i32
    %dma_wait3A_285 = arith.constant 0 : i32
    %dma_wait3A_286 = tpu.memref_slice %arg3[%dma_wait3A, %dma_wait3A_285] : memref<50x1000000xf32, #tpu.memory_space<hbm>> -> memref<50x128xf32, #tpu.memory_space<hbm>>
    %dma_wait3A_287 = arith.constant 0 : i32
    %dma_wait3A_288 = arith.constant 0 : i32
    %dma_wait3A_289 = tpu.memref_slice %arg3[%dma_wait3A_287, %dma_wait3A_288] : memref<50x1000000xf32, #tpu.memory_space<hbm>> -> memref<50x128xf32, #tpu.memory_space<hbm>>
    tpu.wait_dma2 semaphore(%arg15 : memref<!tpu.dma_semaphore, #tpu.memory_space<semaphore_mem>>) src(%dma_wait3A_289 : memref<50x128xf32, #tpu.memory_space<hbm>>) dst(%arg7 : memref<50x128xf32, #tpu.memory_space<vmem>>)
    %jit3A_290 = arith.constant 128 : i32
    %eq3A = arith.constant 0 : i32
    %eq3A_291 = arith.cmpi eq, %jit3A_290, %eq3A : i32
    %jit3A_292 = arith.constant 1 : i32
    %select_n3A_293 = arith.select %eq3A_291, %jit3A_292, %jit3A_290 : i32
    %rem3A_294 = arith.remsi %squeeze3A_284, %select_n3A_293 : i32
    %ne3A_295 = arith.constant 0 : i32
    %ne3A_296 = arith.cmpi ne, %rem3A_294, %ne3A_295 : i32
    %lt3A_297 = arith.constant 0 : i32
    %lt3A_298 = arith.cmpi slt, %rem3A_294, %lt3A_297 : i32
    %lt3A_299 = arith.constant 0 : i32
    %lt3A_300 = arith.cmpi slt, %select_n3A_293, %lt3A_299 : i32
    %ne3A_301 = arith.xori %lt3A_298, %lt3A_300 : i1
    %and3A_302 = arith.andi %ne3A_301, %ne3A_296 : i1
    %add3A_303 = arith.addi %rem3A_294, %select_n3A_293 : i32
    %select_n3A_304 = arith.select %and3A_302, %add3A_303, %rem3A_294 : i32
    %broadcast_in_dim3A_305 = vector.broadcast %select_n3A_304 : i32 to vector<16xi32>
    %gather3A = tpu.vector_load_idx %arg7[%add3A_1, %broadcast_in_dim3A_305] : memref<50x128xf32, #tpu.memory_space<vmem>>[vector<16xi32>, vector<16xi32>], vector<16xf32>,
    %swap3A = arith.constant 31744 : index
    %swap3A_306 = tpu.vector_load %arg6[%swap3A] {strides = array<i32>} : memref<32768xf32, #tpu.memory_space<vmem>>, vector<16xf32>,
    tpu.vector_store %arg6[%swap3A], %gather3A {strides = array<i32>} : memref<32768xf32, #tpu.memory_space<vmem>>, vector<16xf32>,
    %gather3A_307 = tpu.vector_load_idx %arg7[%add3A_5, %broadcast_in_dim3A_305] : memref<50x128xf32, #tpu.memory_space<vmem>>[vector<16xi32>, vector<16xi32>], vector<16xf32>,
    %swap3A_308 = arith.constant 31760 : index
    %swap3A_309 = tpu.vector_load %arg6[%swap3A_308] {strides = array<i32>} : memref<32768xf32, #tpu.memory_space<vmem>>, vector<16xf32>,
    tpu.vector_store %arg6[%swap3A_308], %gather3A_307 {strides = array<i32>} : memref<32768xf32, #tpu.memory_space<vmem>>, vector<16xf32>,
    %gather3A_310 = tpu.vector_load_idx %arg7[%add3A_9, %broadcast_in_dim3A_305] : memref<50x128xf32, #tpu.memory_space<vmem>>[vector<16xi32>, vector<16xi32>], vector<16xf32>,
    %swap3A_311 = arith.constant 31776 : index
    %swap3A_312 = tpu.vector_load %arg6[%swap3A_311] {strides = array<i32>} : memref<32768xf32, #tpu.memory_space<vmem>>, vector<16xf32>,
    tpu.vector_store %arg6[%swap3A_311], %gather3A_310 {strides = array<i32>} : memref<32768xf32, #tpu.memory_space<vmem>>, vector<16xf32>,
    %gather3A_313 = tpu.vector_load_idx %arg7[%select_n3A, %broadcast_in_dim3A_305] : memref<50x128xf32, #tpu.memory_space<vmem>>[vector<16xi32>, vector<16xi32>], vector<16xf32>,
    %swap3A_314 = arith.constant 31792 : index
    %swap3A_315 = tpu.vector_load %arg6[%swap3A_314] {strides = array<i32>} : memref<32768xf32, #tpu.memory_space<vmem>>, vector<16xf32>,
    tpu.vector_store %arg6[%swap3A_314], %gather3A_313 {strides = array<i32>} : memref<32768xf32, #tpu.memory_space<vmem>>, vector<16xf32>,
    %slice3A_316 = vector.extract_strided_slice %get3A_282 {offsets = [8], sizes = [1], strides = [1]} : vector<16xi32> to vector<1xi32>
    %squeeze3A_317 = vector.extract %slice3A_316[0] : i32 from vector<1xi32>
    %jit3A_318 = arith.constant 128 : i32
    %div3A_319 = arith.divsi %squeeze3A_317, %jit3A_318 : i32
    %sign3A_320 = arith.constant 0 : i32
    %sign3A_321 = arith.cmpi sgt, %squeeze3A_317, %sign3A_320 : i32
    %sign3A_322 = arith.extui %sign3A_321 : i1 to i32
    %sign3A_323 = arith.constant 0 : i32
    %sign3A_324 = arith.cmpi slt, %squeeze3A_317, %sign3A_323 : i32
    %sign3A_325 = arith.extui %sign3A_324 : i1 to i32
    %sign3A_326 = arith.subi %sign3A_322, %sign3A_325 : i32
    %sign3A_327 = arith.constant 0 : i32
    %sign3A_328 = arith.cmpi sgt, %jit3A_318, %sign3A_327 : i32
    %sign3A_329 = arith.extui %sign3A_328 : i1 to i32
    %sign3A_330 = arith.constant 0 : i32
    %sign3A_331 = arith.cmpi slt, %jit3A_318, %sign3A_330 : i32
    %sign3A_332 = arith.extui %sign3A_331 : i1 to i32
    %sign3A_333 = arith.subi %sign3A_329, %sign3A_332 : i32
    %ne3A_334 = arith.cmpi ne, %sign3A_326, %sign3A_333 : i32
    %rem3A_335 = arith.remsi %squeeze3A_317, %jit3A_318 : i32
    %ne3A_336 = arith.constant 0 : i32
    %ne3A_337 = arith.cmpi ne, %rem3A_335, %ne3A_336 : i32
    %and3A_338 = arith.andi %ne3A_334, %ne3A_337 : i1
    %sub3A_339 = arith.constant 1 : i32
    %sub3A_340 = arith.subi %div3A_319, %sub3A_339 : i32
    %select_n3A_341 = arith.select %and3A_338, %sub3A_340, %div3A_319 : i32
    %mul3A_342 = arith.constant 128 : i32
    %mul3A_343 = arith.muli %select_n3A_341, %mul3A_342 : i32
    %multiple_of3A_344 = tpu.assume_multiple %mul3A_343, 128 : i32
    %dma_start3A_345 = arith.constant 0 : i32
    %dma_start3A_346 = tpu.memref_slice %arg3[%dma_start3A_345, %multiple_of3A_344] : memref<50x1000000xf32, #tpu.memory_space<hbm>> -> memref<50x128xf32, #tpu.memory_space<hbm>>
    %dma_start3A_347 = arith.constant 0 : i32
    %dma_start3A_348 = tpu.memref_slice %arg3[%dma_start3A_347, %multiple_of3A_344] : memref<50x1000000xf32, #tpu.memory_space<hbm>> -> memref<50x128xf32, #tpu.memory_space<hbm>>
    tpu.enqueue_dma source(%dma_start3A_348 : memref<50x128xf32, #tpu.memory_space<hbm>>) target(%arg7 : memref<50x128xf32, #tpu.memory_space<vmem>>) target_semaphore(%arg15 : memref<!tpu.dma_semaphore, #tpu.memory_space<semaphore_mem>>)
    %slice3A_349 = vector.extract_strided_slice %get3A_282 {offsets = [1], sizes = [1], strides = [1]} : vector<16xi32> to vector<1xi32>
    %squeeze3A_350 = vector.extract %slice3A_349[0] : i32 from vector<1xi32>
    %dma_wait3A_351 = arith.constant 0 : i32
    %dma_wait3A_352 = arith.constant 0 : i32
    %dma_wait3A_353 = tpu.memref_slice %arg3[%dma_wait3A_351, %dma_wait3A_352] : memref<50x1000000xf32, #tpu.memory_space<hbm>> -> memref<50x128xf32, #tpu.memory_space<hbm>>
    %dma_wait3A_354 = arith.constant 0 : i32
    %dma_wait3A_355 = arith.constant 0 : i32
    %dma_wait3A_356 = tpu.memref_slice %arg3[%dma_wait3A_354, %dma_wait3A_355] : memref<50x1000000xf32, #tpu.memory_space<hbm>> -> memref<50x128xf32, #tpu.memory_space<hbm>>
    tpu.wait_dma2 semaphore(%arg16 : memref<!tpu.dma_semaphore, #tpu.memory_space<semaphore_mem>>) src(%dma_wait3A_356 : memref<50x128xf32, #tpu.memory_space<hbm>>) dst(%arg8 : memref<50x128xf32, #tpu.memory_space<vmem>>)
    %jit3A_357 = arith.constant 128 : i32
    %eq3A_358 = arith.constant 0 : i32
    %eq3A_359 = arith.cmpi eq, %jit3A_357, %eq3A_358 : i32
    %jit3A_360 = arith.constant 1 : i32
    %select_n3A_361 = arith.select %eq3A_359, %jit3A_360, %jit3A_357 : i32
    %rem3A_362 = arith.remsi %squeeze3A_350, %select_n3A_361 : i32
    %ne3A_363 = arith.constant 0 : i32
    %ne3A_364 = arith.cmpi ne, %rem3A_362, %ne3A_363 : i32
    %lt3A_365 = arith.constant 0 : i32
    %lt3A_366 = arith.cmpi slt, %rem3A_362, %lt3A_365 : i32
    %lt3A_367 = arith.constant 0 : i32
    %lt3A_368 = arith.cmpi slt, %select_n3A_361, %lt3A_367 : i32
    %ne3A_369 = arith.xori %lt3A_366, %lt3A_368 : i1
    %and3A_370 = arith.andi %ne3A_369, %ne3A_364 : i1
    %add3A_371 = arith.addi %rem3A_362, %select_n3A_361 : i32
    %select_n3A_372 = arith.select %and3A_370, %add3A_371, %rem3A_362 : i32
    %broadcast_in_dim3A_373 = vector.broadcast %select_n3A_372 : i32 to vector<16xi32>
    %gather3A_374 = tpu.vector_load_idx %arg8[%add3A_1, %broadcast_in_dim3A_373] : memref<50x128xf32, #tpu.memory_space<vmem>>[vector<16xi32>, vector<16xi32>], vector<16xf32>,
    %swap3A_375 = arith.constant 31808 : index
    %swap3A_376 = tpu.vector_load %arg6[%swap3A_375] {strides = array<i32>} : memref<32768xf32, #tpu.memory_space<vmem>>, vector<16xf32>,
    tpu.vector_store %arg6[%swap3A_375], %gather3A_374 {strides = array<i32>} : memref<32768xf32, #tpu.memory_space<vmem>>, vector<16xf32>,
    %gather3A_377 = tpu.vector_load_idx %arg8[%add3A_5, %broadcast_in_dim3A_373] : memref<50x128xf32, #tpu.memory_space<vmem>>[vector<16xi32>, vector<16xi32>], vector<16xf32>,
    %swap3A_378 = arith.constant 31824 : index
    %swap3A_379 = tpu.vector_load %arg6[%swap3A_378] {strides = array<i32>} : memref<32768xf32, #tpu.memory_space<vmem>>, vector<16xf32>,
    tpu.vector_store %arg6[%swap3A_378], %gather3A_377 {strides = array<i32>} : memref<32768xf32, #tpu.memory_space<vmem>>, vector<16xf32>,
    %gather3A_380 = tpu.vector_load_idx %arg8[%add3A_9, %broadcast_in_dim3A_373] : memref<50x128xf32, #tpu.memory_space<vmem>>[vector<16xi32>, vector<16xi32>], vector<16xf32>,
    %swap3A_381 = arith.constant 31840 : index
    %swap3A_382 = tpu.vector_load %arg6[%swap3A_381] {strides = array<i32>} : memref<32768xf32, #tpu.memory_space<vmem>>, vector<16xf32>,
    tpu.vector_store %arg6[%swap3A_381], %gather3A_380 {strides = array<i32>} : memref<32768xf32, #tpu.memory_space<vmem>>, vector<16xf32>,
    %gather3A_383 = tpu.vector_load_idx %arg8[%select_n3A, %broadcast_in_dim3A_373] : memref<50x128xf32, #tpu.memory_space<vmem>>[vector<16xi32>, vector<16xi32>], vector<16xf32>,
    %swap3A_384 = arith.constant 31856 : index
    %swap3A_385 = tpu.vector_load %arg6[%swap3A_384] {strides = array<i32>} : memref<32768xf32, #tpu.memory_space<vmem>>, vector<16xf32>,
    tpu.vector_store %arg6[%swap3A_384], %gather3A_383 {strides = array<i32>} : memref<32768xf32, #tpu.memory_space<vmem>>, vector<16xf32>,
    %slice3A_386 = vector.extract_strided_slice %get3A_282 {offsets = [9], sizes = [1], strides = [1]} : vector<16xi32> to vector<1xi32>
    %squeeze3A_387 = vector.extract %slice3A_386[0] : i32 from vector<1xi32>
    %jit3A_388 = arith.constant 128 : i32
    %div3A_389 = arith.divsi %squeeze3A_387, %jit3A_388 : i32
    %sign3A_390 = arith.constant 0 : i32
    %sign3A_391 = arith.cmpi sgt, %squeeze3A_387, %sign3A_390 : i32
    %sign3A_392 = arith.extui %sign3A_391 : i1 to i32
    %sign3A_393 = arith.constant 0 : i32
    %sign3A_394 = arith.cmpi slt, %squeeze3A_387, %sign3A_393 : i32
    %sign3A_395 = arith.extui %sign3A_394 : i1 to i32
    %sign3A_396 = arith.subi %sign3A_392, %sign3A_395 : i32
    %sign3A_397 = arith.constant 0 : i32
    %sign3A_398 = arith.cmpi sgt, %jit3A_388, %sign3A_397 : i32
    %sign3A_399 = arith.extui %sign3A_398 : i1 to i32
    %sign3A_400 = arith.constant 0 : i32
    %sign3A_401 = arith.cmpi slt, %jit3A_388, %sign3A_400 : i32
    %sign3A_402 = arith.extui %sign3A_401 : i1 to i32
    %sign3A_403 = arith.subi %sign3A_399, %sign3A_402 : i32
    %ne3A_404 = arith.cmpi ne, %sign3A_396, %sign3A_403 : i32
    %rem3A_405 = arith.remsi %squeeze3A_387, %jit3A_388 : i32
    %ne3A_406 = arith.constant 0 : i32
    %ne3A_407 = arith.cmpi ne, %rem3A_405, %ne3A_406 : i32
    %and3A_408 = arith.andi %ne3A_404, %ne3A_407 : i1
    %sub3A_409 = arith.constant 1 : i32
    %sub3A_410 = arith.subi %div3A_389, %sub3A_409 : i32
    %select_n3A_411 = arith.select %and3A_408, %sub3A_410, %div3A_389 : i32
    %mul3A_412 = arith.constant 128 : i32
    %mul3A_413 = arith.muli %select_n3A_411, %mul3A_412 : i32
    %multiple_of3A_414 = tpu.assume_multiple %mul3A_413, 128 : i32
    %dma_start3A_415 = arith.constant 0 : i32
    %dma_start3A_416 = tpu.memref_slice %arg3[%dma_start3A_415, %multiple_of3A_414] : memref<50x1000000xf32, #tpu.memory_space<hbm>> -> memref<50x128xf32, #tpu.memory_space<hbm>>
    %dma_start3A_417 = arith.constant 0 : i32
    %dma_start3A_418 = tpu.memref_slice %arg3[%dma_start3A_417, %multiple_of3A_414] : memref<50x1000000xf32, #tpu.memory_space<hbm>> -> memref<50x128xf32, #tpu.memory_space<hbm>>
    tpu.enqueue_dma source(%dma_start3A_418 : memref<50x128xf32, #tpu.memory_space<hbm>>) target(%arg8 : memref<50x128xf32, #tpu.memory_space<vmem>>) target_semaphore(%arg16 : memref<!tpu.dma_semaphore, #tpu.memory_space<semaphore_mem>>)
    %slice3A_419 = vector.extract_strided_slice %get3A_282 {offsets = [2], sizes = [1], strides = [1]} : vector<16xi32> to vector<1xi32>
    %squeeze3A_420 = vector.extract %slice3A_419[0] : i32 from vector<1xi32>
    %dma_wait3A_421 = arith.constant 0 : i32
    %dma_wait3A_422 = arith.constant 0 : i32
    %dma_wait3A_423 = tpu.memref_slice %arg3[%dma_wait3A_421, %dma_wait3A_422] : memref<50x1000000xf32, #tpu.memory_space<hbm>> -> memref<50x128xf32, #tpu.memory_space<hbm>>
    %dma_wait3A_424 = arith.constant 0 : i32
    %dma_wait3A_425 = arith.constant 0 : i32
    %dma_wait3A_426 = tpu.memref_slice %arg3[%dma_wait3A_424, %dma_wait3A_425] : memref<50x1000000xf32, #tpu.memory_space<hbm>> -> memref<50x128xf32, #tpu.memory_space<hbm>>
    tpu.wait_dma2 semaphore(%arg17 : memref<!tpu.dma_semaphore, #tpu.memory_space<semaphore_mem>>) src(%dma_wait3A_426 : memref<50x128xf32, #tpu.memory_space<hbm>>) dst(%arg9 : memref<50x128xf32, #tpu.memory_space<vmem>>)
    %jit3A_427 = arith.constant 128 : i32
    %eq3A_428 = arith.constant 0 : i32
    %eq3A_429 = arith.cmpi eq, %jit3A_427, %eq3A_428 : i32
    %jit3A_430 = arith.constant 1 : i32
    %select_n3A_431 = arith.select %eq3A_429, %jit3A_430, %jit3A_427 : i32
    %rem3A_432 = arith.remsi %squeeze3A_420, %select_n3A_431 : i32
    %ne3A_433 = arith.constant 0 : i32
    %ne3A_434 = arith.cmpi ne, %rem3A_432, %ne3A_433 : i32
    %lt3A_435 = arith.constant 0 : i32
    %lt3A_436 = arith.cmpi slt, %rem3A_432, %lt3A_435 : i32
    %lt3A_437 = arith.constant 0 : i32
    %lt3A_438 = arith.cmpi slt, %select_n3A_431, %lt3A_437 : i32
    %ne3A_439 = arith.xori %lt3A_436, %lt3A_438 : i1
    %and3A_440 = arith.andi %ne3A_439, %ne3A_434 : i1
    %add3A_441 = arith.addi %rem3A_432, %select_n3A_431 : i32
    %select_n3A_442 = arith.select %and3A_440, %add3A_441, %rem3A_432 : i32
    %broadcast_in_dim3A_443 = vector.broadcast %select_n3A_442 : i32 to vector<16xi32>
    %gather3A_444 = tpu.vector_load_idx %arg9[%add3A_1, %broadcast_in_dim3A_443] : memref<50x128xf32, #tpu.memory_space<vmem>>[vector<16xi32>, vector<16xi32>], vector<16xf32>,
    %swap3A_445 = arith.constant 31872 : index
    %swap3A_446 = tpu.vector_load %arg6[%swap3A_445] {strides = array<i32>} : memref<32768xf32, #tpu.memory_space<vmem>>, vector<16xf32>,
    tpu.vector_store %arg6[%swap3A_445], %gather3A_444 {strides = array<i32>} : memref<32768xf32, #tpu.memory_space<vmem>>, vector<16xf32>,
    %gather3A_447 = tpu.vector_load_idx %arg9[%add3A_5, %broadcast_in_dim3A_443] : memref<50x128xf32, #tpu.memory_space<vmem>>[vector<16xi32>, vector<16xi32>], vector<16xf32>,
    %swap3A_448 = arith.constant 31888 : index
    %swap3A_449 = tpu.vector_load %arg6[%swap3A_448] {strides = array<i32>} : memref<32768xf32, #tpu.memory_space<vmem>>, vector<16xf32>,
    tpu.vector_store %arg6[%swap3A_448], %gather3A_447 {strides = array<i32>} : memref<32768xf32, #tpu.memory_space<vmem>>, vector<16xf32>,
    %gather3A_450 = tpu.vector_load_idx %arg9[%add3A_9, %broadcast_in_dim3A_443] : memref<50x128xf32, #tpu.memory_space<vmem>>[vector<16xi32>, vector<16xi32>], vector<16xf32>,
    %swap3A_451 = arith.constant 31904 : index
    %swap3A_452 = tpu.vector_load %arg6[%swap3A_451] {strides = array<i32>} : memref<32768xf32, #tpu.memory_space<vmem>>, vector<16xf32>,
    tpu.vector_store %arg6[%swap3A_451], %gather3A_450 {strides = array<i32>} : memref<32768xf32, #tpu.memory_space<vmem>>, vector<16xf32>,
    %gather3A_453 = tpu.vector_load_idx %arg9[%select_n3A, %broadcast_in_dim3A_443] : memref<50x128xf32, #tpu.memory_space<vmem>>[vector<16xi32>, vector<16xi32>], vector<16xf32>,
    %swap3A_454 = arith.constant 31920 : index
    %swap3A_455 = tpu.vector_load %arg6[%swap3A_454] {strides = array<i32>} : memref<32768xf32, #tpu.memory_space<vmem>>, vector<16xf32>,
    tpu.vector_store %arg6[%swap3A_454], %gather3A_453 {strides = array<i32>} : memref<32768xf32, #tpu.memory_space<vmem>>, vector<16xf32>,
    %slice3A_456 = vector.extract_strided_slice %get3A_282 {offsets = [10], sizes = [1], strides = [1]} : vector<16xi32> to vector<1xi32>
    %squeeze3A_457 = vector.extract %slice3A_456[0] : i32 from vector<1xi32>
    %jit3A_458 = arith.constant 128 : i32
    %div3A_459 = arith.divsi %squeeze3A_457, %jit3A_458 : i32
    %sign3A_460 = arith.constant 0 : i32
    %sign3A_461 = arith.cmpi sgt, %squeeze3A_457, %sign3A_460 : i32
    %sign3A_462 = arith.extui %sign3A_461 : i1 to i32
    %sign3A_463 = arith.constant 0 : i32
    %sign3A_464 = arith.cmpi slt, %squeeze3A_457, %sign3A_463 : i32
    %sign3A_465 = arith.extui %sign3A_464 : i1 to i32
    %sign3A_466 = arith.subi %sign3A_462, %sign3A_465 : i32
    %sign3A_467 = arith.constant 0 : i32
    %sign3A_468 = arith.cmpi sgt, %jit3A_458, %sign3A_467 : i32
    %sign3A_469 = arith.extui %sign3A_468 : i1 to i32
    %sign3A_470 = arith.constant 0 : i32
    %sign3A_471 = arith.cmpi slt, %jit3A_458, %sign3A_470 : i32
    %sign3A_472 = arith.extui %sign3A_471 : i1 to i32
    %sign3A_473 = arith.subi %sign3A_469, %sign3A_472 : i32
    %ne3A_474 = arith.cmpi ne, %sign3A_466, %sign3A_473 : i32
    %rem3A_475 = arith.remsi %squeeze3A_457, %jit3A_458 : i32
    %ne3A_476 = arith.constant 0 : i32
    %ne3A_477 = arith.cmpi ne, %rem3A_475, %ne3A_476 : i32
    %and3A_478 = arith.andi %ne3A_474, %ne3A_477 : i1
    %sub3A_479 = arith.constant 1 : i32
    %sub3A_480 = arith.subi %div3A_459, %sub3A_479 : i32
    %select_n3A_481 = arith.select %and3A_478, %sub3A_480, %div3A_459 : i32
    %mul3A_482 = arith.constant 128 : i32
    %mul3A_483 = arith.muli %select_n3A_481, %mul3A_482 : i32
    %multiple_of3A_484 = tpu.assume_multiple %mul3A_483, 128 : i32
    %dma_start3A_485 = arith.constant 0 : i32
    %dma_start3A_486 = tpu.memref_slice %arg3[%dma_start3A_485, %multiple_of3A_484] : memref<50x1000000xf32, #tpu.memory_space<hbm>> -> memref<50x128xf32, #tpu.memory_space<hbm>>
    %dma_start3A_487 = arith.constant 0 : i32
    %dma_start3A_488 = tpu.memref_slice %arg3[%dma_start3A_487, %multiple_of3A_484] : memref<50x1000000xf32, #tpu.memory_space<hbm>> -> memref<50x128xf32, #tpu.memory_space<hbm>>
    tpu.enqueue_dma source(%dma_start3A_488 : memref<50x128xf32, #tpu.memory_space<hbm>>) target(%arg9 : memref<50x128xf32, #tpu.memory_space<vmem>>) target_semaphore(%arg17 : memref<!tpu.dma_semaphore, #tpu.memory_space<semaphore_mem>>)
    %slice3A_489 = vector.extract_strided_slice %get3A_282 {offsets = [3], sizes = [1], strides = [1]} : vector<16xi32> to vector<1xi32>
    %squeeze3A_490 = vector.extract %slice3A_489[0] : i32 from vector<1xi32>
    %dma_wait3A_491 = arith.constant 0 : i32
    %dma_wait3A_492 = arith.constant 0 : i32
    %dma_wait3A_493 = tpu.memref_slice %arg3[%dma_wait3A_491, %dma_wait3A_492] : memref<50x1000000xf32, #tpu.memory_space<hbm>> -> memref<50x128xf32, #tpu.memory_space<hbm>>
    %dma_wait3A_494 = arith.constant 0 : i32
    %dma_wait3A_495 = arith.constant 0 : i32
    %dma_wait3A_496 = tpu.memref_slice %arg3[%dma_wait3A_494, %dma_wait3A_495] : memref<50x1000000xf32, #tpu.memory_space<hbm>> -> memref<50x128xf32, #tpu.memory_space<hbm>>
    tpu.wait_dma2 semaphore(%arg18 : memref<!tpu.dma_semaphore, #tpu.memory_space<semaphore_mem>>) src(%dma_wait3A_496 : memref<50x128xf32, #tpu.memory_space<hbm>>) dst(%arg10 : memref<50x128xf32, #tpu.memory_space<vmem>>)
    %jit3A_497 = arith.constant 128 : i32
    %eq3A_498 = arith.constant 0 : i32
    %eq3A_499 = arith.cmpi eq, %jit3A_497, %eq3A_498 : i32
    %jit3A_500 = arith.constant 1 : i32
    %select_n3A_501 = arith.select %eq3A_499, %jit3A_500, %jit3A_497 : i32
    %rem3A_502 = arith.remsi %squeeze3A_490, %select_n3A_501 : i32
    %ne3A_503 = arith.constant 0 : i32
    %ne3A_504 = arith.cmpi ne, %rem3A_502, %ne3A_503 : i32
    %lt3A_505 = arith.constant 0 : i32
    %lt3A_506 = arith.cmpi slt, %rem3A_502, %lt3A_505 : i32
    %lt3A_507 = arith.constant 0 : i32
    %lt3A_508 = arith.cmpi slt, %select_n3A_501, %lt3A_507 : i32
    %ne3A_509 = arith.xori %lt3A_506, %lt3A_508 : i1
    %and3A_510 = arith.andi %ne3A_509, %ne3A_504 : i1
    %add3A_511 = arith.addi %rem3A_502, %select_n3A_501 : i32
    %select_n3A_512 = arith.select %and3A_510, %add3A_511, %rem3A_502 : i32
    %broadcast_in_dim3A_513 = vector.broadcast %select_n3A_512 : i32 to vector<16xi32>
    %gather3A_514 = tpu.vector_load_idx %arg10[%add3A_1, %broadcast_in_dim3A_513] : memref<50x128xf32, #tpu.memory_space<vmem>>[vector<16xi32>, vector<16xi32>], vector<16xf32>,
    %swap3A_515 = arith.constant 31936 : index
    %swap3A_516 = tpu.vector_load %arg6[%swap3A_515] {strides = array<i32>} : memref<32768xf32, #tpu.memory_space<vmem>>, vector<16xf32>,
    tpu.vector_store %arg6[%swap3A_515], %gather3A_514 {strides = array<i32>} : memref<32768xf32, #tpu.memory_space<vmem>>, vector<16xf32>,
    %gather3A_517 = tpu.vector_load_idx %arg10[%add3A_5, %broadcast_in_dim3A_513] : memref<50x128xf32, #tpu.memory_space<vmem>>[vector<16xi32>, vector<16xi32>], vector<16xf32>,
    %swap3A_518 = arith.constant 31952 : index
    %swap3A_519 = tpu.vector_load %arg6[%swap3A_518] {strides = array<i32>} : memref<32768xf32, #tpu.memory_space<vmem>>, vector<16xf32>,
    tpu.vector_store %arg6[%swap3A_518], %gather3A_517 {strides = array<i32>} : memref<32768xf32, #tpu.memory_space<vmem>>, vector<16xf32>,
    %gather3A_520 = tpu.vector_load_idx %arg10[%add3A_9, %broadcast_in_dim3A_513] : memref<50x128xf32, #tpu.memory_space<vmem>>[vector<16xi32>, vector<16xi32>], vector<16xf32>,
    %swap3A_521 = arith.constant 31968 : index
    %swap3A_522 = tpu.vector_load %arg6[%swap3A_521] {strides = array<i32>} : memref<32768xf32, #tpu.memory_space<vmem>>, vector<16xf32>,
    tpu.vector_store %arg6[%swap3A_521], %gather3A_520 {strides = array<i32>} : memref<32768xf32, #tpu.memory_space<vmem>>, vector<16xf32>,
    %gather3A_523 = tpu.vector_load_idx %arg10[%select_n3A, %broadcast_in_dim3A_513] : memref<50x128xf32, #tpu.memory_space<vmem>>[vector<16xi32>, vector<16xi32>], vector<16xf32>,
    %swap3A_524 = arith.constant 31984 : index
    %swap3A_525 = tpu.vector_load %arg6[%swap3A_524] {strides = array<i32>} : memref<32768xf32, #tpu.memory_space<vmem>>, vector<16xf32>,
    tpu.vector_store %arg6[%swap3A_524], %gather3A_523 {strides = array<i32>} : memref<32768xf32, #tpu.memory_space<vmem>>, vector<16xf32>,
    %slice3A_526 = vector.extract_strided_slice %get3A_282 {offsets = [11], sizes = [1], strides = [1]} : vector<16xi32> to vector<1xi32>
    %squeeze3A_527 = vector.extract %slice3A_526[0] : i32 from vector<1xi32>
    %jit3A_528 = arith.constant 128 : i32
    %div3A_529 = arith.divsi %squeeze3A_527, %jit3A_528 : i32
    %sign3A_530 = arith.constant 0 : i32
    %sign3A_531 = arith.cmpi sgt, %squeeze3A_527, %sign3A_530 : i32
    %sign3A_532 = arith.extui %sign3A_531 : i1 to i32
    %sign3A_533 = arith.constant 0 : i32
    %sign3A_534 = arith.cmpi slt, %squeeze3A_527, %sign3A_533 : i32
    %sign3A_535 = arith.extui %sign3A_534 : i1 to i32
    %sign3A_536 = arith.subi %sign3A_532, %sign3A_535 : i32
    %sign3A_537 = arith.constant 0 : i32
    %sign3A_538 = arith.cmpi sgt, %jit3A_528, %sign3A_537 : i32
    %sign3A_539 = arith.extui %sign3A_538 : i1 to i32
    %sign3A_540 = arith.constant 0 : i32
    %sign3A_541 = arith.cmpi slt, %jit3A_528, %sign3A_540 : i32
    %sign3A_542 = arith.extui %sign3A_541 : i1 to i32
    %sign3A_543 = arith.subi %sign3A_539, %sign3A_542 : i32
    %ne3A_544 = arith.cmpi ne, %sign3A_536, %sign3A_543 : i32
    %rem3A_545 = arith.remsi %squeeze3A_527, %jit3A_528 : i32
    %ne3A_546 = arith.constant 0 : i32
    %ne3A_547 = arith.cmpi ne, %rem3A_545, %ne3A_546 : i32
    %and3A_548 = arith.andi %ne3A_544, %ne3A_547 : i1
    %sub3A_549 = arith.constant 1 : i32
    %sub3A_550 = arith.subi %div3A_529, %sub3A_549 : i32
    %select_n3A_551 = arith.select %and3A_548, %sub3A_550, %div3A_529 : i32
    %mul3A_552 = arith.constant 128 : i32
    %mul3A_553 = arith.muli %select_n3A_551, %mul3A_552 : i32
    %multiple_of3A_554 = tpu.assume_multiple %mul3A_553, 128 : i32
    %dma_start3A_555 = arith.constant 0 : i32
    %dma_start3A_556 = tpu.memref_slice %arg3[%dma_start3A_555, %multiple_of3A_554] : memref<50x1000000xf32, #tpu.memory_space<hbm>> -> memref<50x128xf32, #tpu.memory_space<hbm>>
    %dma_start3A_557 = arith.constant 0 : i32
    %dma_start3A_558 = tpu.memref_slice %arg3[%dma_start3A_557, %multiple_of3A_554] : memref<50x1000000xf32, #tpu.memory_space<hbm>> -> memref<50x128xf32, #tpu.memory_space<hbm>>
    tpu.enqueue_dma source(%dma_start3A_558 : memref<50x128xf32, #tpu.memory_space<hbm>>) target(%arg10 : memref<50x128xf32, #tpu.memory_space<vmem>>) target_semaphore(%arg18 : memref<!tpu.dma_semaphore, #tpu.memory_space<semaphore_mem>>)
    %slice3A_559 = vector.extract_strided_slice %get3A_282 {offsets = [4], sizes = [1], strides = [1]} : vector<16xi32> to vector<1xi32>
    %squeeze3A_560 = vector.extract %slice3A_559[0] : i32 from vector<1xi32>
    %dma_wait3A_561 = arith.constant 0 : i32
    %dma_wait3A_562 = arith.constant 0 : i32
    %dma_wait3A_563 = tpu.memref_slice %arg3[%dma_wait3A_561, %dma_wait3A_562] : memref<50x1000000xf32, #tpu.memory_space<hbm>> -> memref<50x128xf32, #tpu.memory_space<hbm>>
    %dma_wait3A_564 = arith.constant 0 : i32
    %dma_wait3A_565 = arith.constant 0 : i32
    %dma_wait3A_566 = tpu.memref_slice %arg3[%dma_wait3A_564, %dma_wait3A_565] : memref<50x1000000xf32, #tpu.memory_space<hbm>> -> memref<50x128xf32, #tpu.memory_space<hbm>>
    tpu.wait_dma2 semaphore(%arg19 : memref<!tpu.dma_semaphore, #tpu.memory_space<semaphore_mem>>) src(%dma_wait3A_566 : memref<50x128xf32, #tpu.memory_space<hbm>>) dst(%arg11 : memref<50x128xf32, #tpu.memory_space<vmem>>)
    %jit3A_567 = arith.constant 128 : i32
    %eq3A_568 = arith.constant 0 : i32
    %eq3A_569 = arith.cmpi eq, %jit3A_567, %eq3A_568 : i32
    %jit3A_570 = arith.constant 1 : i32
    %select_n3A_571 = arith.select %eq3A_569, %jit3A_570, %jit3A_567 : i32
    %rem3A_572 = arith.remsi %squeeze3A_560, %select_n3A_571 : i32
    %ne3A_573 = arith.constant 0 : i32
    %ne3A_574 = arith.cmpi ne, %rem3A_572, %ne3A_573 : i32
    %lt3A_575 = arith.constant 0 : i32
    %lt3A_576 = arith.cmpi slt, %rem3A_572, %lt3A_575 : i32
    %lt3A_577 = arith.constant 0 : i32
    %lt3A_578 = arith.cmpi slt, %select_n3A_571, %lt3A_577 : i32
    %ne3A_579 = arith.xori %lt3A_576, %lt3A_578 : i1
    %and3A_580 = arith.andi %ne3A_579, %ne3A_574 : i1
    %add3A_581 = arith.addi %rem3A_572, %select_n3A_571 : i32
    %select_n3A_582 = arith.select %and3A_580, %add3A_581, %rem3A_572 : i32
    %broadcast_in_dim3A_583 = vector.broadcast %select_n3A_582 : i32 to vector<16xi32>
    %gather3A_584 = tpu.vector_load_idx %arg11[%add3A_1, %broadcast_in_dim3A_583] : memref<50x128xf32, #tpu.memory_space<vmem>>[vector<16xi32>, vector<16xi32>], vector<16xf32>,
    %swap3A_585 = arith.constant 32000 : index
    %swap3A_586 = tpu.vector_load %arg6[%swap3A_585] {strides = array<i32>} : memref<32768xf32, #tpu.memory_space<vmem>>, vector<16xf32>,
    tpu.vector_store %arg6[%swap3A_585], %gather3A_584 {strides = array<i32>} : memref<32768xf32, #tpu.memory_space<vmem>>, vector<16xf32>,
    %gather3A_587 = tpu.vector_load_idx %arg11[%add3A_5, %broadcast_in_dim3A_583] : memref<50x128xf32, #tpu.memory_space<vmem>>[vector<16xi32>, vector<16xi32>], vector<16xf32>,
    %swap3A_588 = arith.constant 32016 : index
    %swap3A_589 = tpu.vector_load %arg6[%swap3A_588] {strides = array<i32>} : memref<32768xf32, #tpu.memory_space<vmem>>, vector<16xf32>,
    tpu.vector_store %arg6[%swap3A_588], %gather3A_587 {strides = array<i32>} : memref<32768xf32, #tpu.memory_space<vmem>>, vector<16xf32>,
    %gather3A_590 = tpu.vector_load_idx %arg11[%add3A_9, %broadcast_in_dim3A_583] : memref<50x128xf32, #tpu.memory_space<vmem>>[vector<16xi32>, vector<16xi32>], vector<16xf32>,
    %swap3A_591 = arith.constant 32032 : index
    %swap3A_592 = tpu.vector_load %arg6[%swap3A_591] {strides = array<i32>} : memref<32768xf32, #tpu.memory_space<vmem>>, vector<16xf32>,
    tpu.vector_store %arg6[%swap3A_591], %gather3A_590 {strides = array<i32>} : memref<32768xf32, #tpu.memory_space<vmem>>, vector<16xf32>,
    %gather3A_593 = tpu.vector_load_idx %arg11[%select_n3A, %broadcast_in_dim3A_583] : memref<50x128xf32, #tpu.memory_space<vmem>>[vector<16xi32>, vector<16xi32>], vector<16xf32>,
    %swap3A_594 = arith.constant 32048 : index
    %swap3A_595 = tpu.vector_load %arg6[%swap3A_594] {strides = array<i32>} : memref<32768xf32, #tpu.memory_space<vmem>>, vector<16xf32>,
    tpu.vector_store %arg6[%swap3A_594], %gather3A_593 {strides = array<i32>} : memref<32768xf32, #tpu.memory_space<vmem>>, vector<16xf32>,
    %slice3A_596 = vector.extract_strided_slice %get3A_282 {offsets = [12], sizes = [1], strides = [1]} : vector<16xi32> to vector<1xi32>
    %squeeze3A_597 = vector.extract %slice3A_596[0] : i32 from vector<1xi32>
    %jit3A_598 = arith.constant 128 : i32
    %div3A_599 = arith.divsi %squeeze3A_597, %jit3A_598 : i32
    %sign3A_600 = arith.constant 0 : i32
    %sign3A_601 = arith.cmpi sgt, %squeeze3A_597, %sign3A_600 : i32
    %sign3A_602 = arith.extui %sign3A_601 : i1 to i32
    %sign3A_603 = arith.constant 0 : i32
    %sign3A_604 = arith.cmpi slt, %squeeze3A_597, %sign3A_603 : i32
    %sign3A_605 = arith.extui %sign3A_604 : i1 to i32
    %sign3A_606 = arith.subi %sign3A_602, %sign3A_605 : i32
    %sign3A_607 = arith.constant 0 : i32
    %sign3A_608 = arith.cmpi sgt, %jit3A_598, %sign3A_607 : i32
    %sign3A_609 = arith.extui %sign3A_608 : i1 to i32
    %sign3A_610 = arith.constant 0 : i32
    %sign3A_611 = arith.cmpi slt, %jit3A_598, %sign3A_610 : i32
    %sign3A_612 = arith.extui %sign3A_611 : i1 to i32
    %sign3A_613 = arith.subi %sign3A_609, %sign3A_612 : i32
    %ne3A_614 = arith.cmpi ne, %sign3A_606, %sign3A_613 : i32
    %rem3A_615 = arith.remsi %squeeze3A_597, %jit3A_598 : i32
    %ne3A_616 = arith.constant 0 : i32
    %ne3A_617 = arith.cmpi ne, %rem3A_615, %ne3A_616 : i32
    %and3A_618 = arith.andi %ne3A_614, %ne3A_617 : i1
    %sub3A_619 = arith.constant 1 : i32
    %sub3A_620 = arith.subi %div3A_599, %sub3A_619 : i32
    %select_n3A_621 = arith.select %and3A_618, %sub3A_620, %div3A_599 : i32
    %mul3A_622 = arith.constant 128 : i32
    %mul3A_623 = arith.muli %select_n3A_621, %mul3A_622 : i32
    %multiple_of3A_624 = tpu.assume_multiple %mul3A_623, 128 : i32
    %dma_start3A_625 = arith.constant 0 : i32
    %dma_start3A_626 = tpu.memref_slice %arg3[%dma_start3A_625, %multiple_of3A_624] : memref<50x1000000xf32, #tpu.memory_space<hbm>> -> memref<50x128xf32, #tpu.memory_space<hbm>>
    %dma_start3A_627 = arith.constant 0 : i32
    %dma_start3A_628 = tpu.memref_slice %arg3[%dma_start3A_627, %multiple_of3A_624] : memref<50x1000000xf32, #tpu.memory_space<hbm>> -> memref<50x128xf32, #tpu.memory_space<hbm>>
    tpu.enqueue_dma source(%dma_start3A_628 : memref<50x128xf32, #tpu.memory_space<hbm>>) target(%arg11 : memref<50x128xf32, #tpu.memory_space<vmem>>) target_semaphore(%arg19 : memref<!tpu.dma_semaphore, #tpu.memory_space<semaphore_mem>>)
    %slice3A_629 = vector.extract_strided_slice %get3A_282 {offsets = [5], sizes = [1], strides = [1]} : vector<16xi32> to vector<1xi32>
    %squeeze3A_630 = vector.extract %slice3A_629[0] : i32 from vector<1xi32>
    %dma_wait3A_631 = arith.constant 0 : i32
    %dma_wait3A_632 = arith.constant 0 : i32
    %dma_wait3A_633 = tpu.memref_slice %arg3[%dma_wait3A_631, %dma_wait3A_632] : memref<50x1000000xf32, #tpu.memory_space<hbm>> -> memref<50x128xf32, #tpu.memory_space<hbm>>
    %dma_wait3A_634 = arith.constant 0 : i32
    %dma_wait3A_635 = arith.constant 0 : i32
    %dma_wait3A_636 = tpu.memref_slice %arg3[%dma_wait3A_634, %dma_wait3A_635] : memref<50x1000000xf32, #tpu.memory_space<hbm>> -> memref<50x128xf32, #tpu.memory_space<hbm>>
    tpu.wait_dma2 semaphore(%arg20 : memref<!tpu.dma_semaphore, #tpu.memory_space<semaphore_mem>>) src(%dma_wait3A_636 : memref<50x128xf32, #tpu.memory_space<hbm>>) dst(%arg12 : memref<50x128xf32, #tpu.memory_space<vmem>>)
    %jit3A_637 = arith.constant 128 : i32
    %eq3A_638 = arith.constant 0 : i32
    %eq3A_639 = arith.cmpi eq, %jit3A_637, %eq3A_638 : i32
    %jit3A_640 = arith.constant 1 : i32
    %select_n3A_641 = arith.select %eq3A_639, %jit3A_640, %jit3A_637 : i32
    %rem3A_642 = arith.remsi %squeeze3A_630, %select_n3A_641 : i32
    %ne3A_643 = arith.constant 0 : i32
    %ne3A_644 = arith.cmpi ne, %rem3A_642, %ne3A_643 : i32
    %lt3A_645 = arith.constant 0 : i32
    %lt3A_646 = arith.cmpi slt, %rem3A_642, %lt3A_645 : i32
    %lt3A_647 = arith.constant 0 : i32
    %lt3A_648 = arith.cmpi slt, %select_n3A_641, %lt3A_647 : i32
    %ne3A_649 = arith.xori %lt3A_646, %lt3A_648 : i1
    %and3A_650 = arith.andi %ne3A_649, %ne3A_644 : i1
    %add3A_651 = arith.addi %rem3A_642, %select_n3A_641 : i32
    %select_n3A_652 = arith.select %and3A_650, %add3A_651, %rem3A_642 : i32
    %broadcast_in_dim3A_653 = vector.broadcast %select_n3A_652 : i32 to vector<16xi32>
    %gather3A_654 = tpu.vector_load_idx %arg12[%add3A_1, %broadcast_in_dim3A_653] : memref<50x128xf32, #tpu.memory_space<vmem>>[vector<16xi32>, vector<16xi32>], vector<16xf32>,
    %swap3A_655 = arith.constant 32064 : index
    %swap3A_656 = tpu.vector_load %arg6[%swap3A_655] {strides = array<i32>} : memref<32768xf32, #tpu.memory_space<vmem>>, vector<16xf32>,
    tpu.vector_store %arg6[%swap3A_655], %gather3A_654 {strides = array<i32>} : memref<32768xf32, #tpu.memory_space<vmem>>, vector<16xf32>,
    %gather3A_657 = tpu.vector_load_idx %arg12[%add3A_5, %broadcast_in_dim3A_653] : memref<50x128xf32, #tpu.memory_space<vmem>>[vector<16xi32>, vector<16xi32>], vector<16xf32>,
    %swap3A_658 = arith.constant 32080 : index
    %swap3A_659 = tpu.vector_load %arg6[%swap3A_658] {strides = array<i32>} : memref<32768xf32, #tpu.memory_space<vmem>>, vector<16xf32>,
    tpu.vector_store %arg6[%swap3A_658], %gather3A_657 {strides = array<i32>} : memref<32768xf32, #tpu.memory_space<vmem>>, vector<16xf32>,
    %gather3A_660 = tpu.vector_load_idx %arg12[%add3A_9, %broadcast_in_dim3A_653] : memref<50x128xf32, #tpu.memory_space<vmem>>[vector<16xi32>, vector<16xi32>], vector<16xf32>,
    %swap3A_661 = arith.constant 32096 : index
    %swap3A_662 = tpu.vector_load %arg6[%swap3A_661] {strides = array<i32>} : memref<32768xf32, #tpu.memory_space<vmem>>, vector<16xf32>,
    tpu.vector_store %arg6[%swap3A_661], %gather3A_660 {strides = array<i32>} : memref<32768xf32, #tpu.memory_space<vmem>>, vector<16xf32>,
    %gather3A_663 = tpu.vector_load_idx %arg12[%select_n3A, %broadcast_in_dim3A_653] : memref<50x128xf32, #tpu.memory_space<vmem>>[vector<16xi32>, vector<16xi32>], vector<16xf32>,
    %swap3A_664 = arith.constant 32112 : index
    %swap3A_665 = tpu.vector_load %arg6[%swap3A_664] {strides = array<i32>} : memref<32768xf32, #tpu.memory_space<vmem>>, vector<16xf32>,
    tpu.vector_store %arg6[%swap3A_664], %gather3A_663 {strides = array<i32>} : memref<32768xf32, #tpu.memory_space<vmem>>, vector<16xf32>,
    %slice3A_666 = vector.extract_strided_slice %get3A_282 {offsets = [13], sizes = [1], strides = [1]} : vector<16xi32> to vector<1xi32>
    %squeeze3A_667 = vector.extract %slice3A_666[0] : i32 from vector<1xi32>
    %jit3A_668 = arith.constant 128 : i32
    %div3A_669 = arith.divsi %squeeze3A_667, %jit3A_668 : i32
    %sign3A_670 = arith.constant 0 : i32
    %sign3A_671 = arith.cmpi sgt, %squeeze3A_667, %sign3A_670 : i32
    %sign3A_672 = arith.extui %sign3A_671 : i1 to i32
    %sign3A_673 = arith.constant 0 : i32
    %sign3A_674 = arith.cmpi slt, %squeeze3A_667, %sign3A_673 : i32
    %sign3A_675 = arith.extui %sign3A_674 : i1 to i32
    %sign3A_676 = arith.subi %sign3A_672, %sign3A_675 : i32
    %sign3A_677 = arith.constant 0 : i32
    %sign3A_678 = arith.cmpi sgt, %jit3A_668, %sign3A_677 : i32
    %sign3A_679 = arith.extui %sign3A_678 : i1 to i32
    %sign3A_680 = arith.constant 0 : i32
    %sign3A_681 = arith.cmpi slt, %jit3A_668, %sign3A_680 : i32
    %sign3A_682 = arith.extui %sign3A_681 : i1 to i32
    %sign3A_683 = arith.subi %sign3A_679, %sign3A_682 : i32
    %ne3A_684 = arith.cmpi ne, %sign3A_676, %sign3A_683 : i32
    %rem3A_685 = arith.remsi %squeeze3A_667, %jit3A_668 : i32
    %ne3A_686 = arith.constant 0 : i32
    %ne3A_687 = arith.cmpi ne, %rem3A_685, %ne3A_686 : i32
    %and3A_688 = arith.andi %ne3A_684, %ne3A_687 : i1
    %sub3A_689 = arith.constant 1 : i32
    %sub3A_690 = arith.subi %div3A_669, %sub3A_689 : i32
    %select_n3A_691 = arith.select %and3A_688, %sub3A_690, %div3A_669 : i32
    %mul3A_692 = arith.constant 128 : i32
    %mul3A_693 = arith.muli %select_n3A_691, %mul3A_692 : i32
    %multiple_of3A_694 = tpu.assume_multiple %mul3A_693, 128 : i32
    %dma_start3A_695 = arith.constant 0 : i32
    %dma_start3A_696 = tpu.memref_slice %arg3[%dma_start3A_695, %multiple_of3A_694] : memref<50x1000000xf32, #tpu.memory_space<hbm>> -> memref<50x128xf32, #tpu.memory_space<hbm>>
    %dma_start3A_697 = arith.constant 0 : i32
    %dma_start3A_698 = tpu.memref_slice %arg3[%dma_start3A_697, %multiple_of3A_694] : memref<50x1000000xf32, #tpu.memory_space<hbm>> -> memref<50x128xf32, #tpu.memory_space<hbm>>
    tpu.enqueue_dma source(%dma_start3A_698 : memref<50x128xf32, #tpu.memory_space<hbm>>) target(%arg12 : memref<50x128xf32, #tpu.memory_space<vmem>>) target_semaphore(%arg20 : memref<!tpu.dma_semaphore, #tpu.memory_space<semaphore_mem>>)
    %slice3A_699 = vector.extract_strided_slice %get3A_282 {offsets = [6], sizes = [1], strides = [1]} : vector<16xi32> to vector<1xi32>
    %squeeze3A_700 = vector.extract %slice3A_699[0] : i32 from vector<1xi32>
    %dma_wait3A_701 = arith.constant 0 : i32
    %dma_wait3A_702 = arith.constant 0 : i32
    %dma_wait3A_703 = tpu.memref_slice %arg3[%dma_wait3A_701, %dma_wait3A_702] : memref<50x1000000xf32, #tpu.memory_space<hbm>> -> memref<50x128xf32, #tpu.memory_space<hbm>>
    %dma_wait3A_704 = arith.constant 0 : i32
    %dma_wait3A_705 = arith.constant 0 : i32
    %dma_wait3A_706 = tpu.memref_slice %arg3[%dma_wait3A_704, %dma_wait3A_705] : memref<50x1000000xf32, #tpu.memory_space<hbm>> -> memref<50x128xf32, #tpu.memory_space<hbm>>
    tpu.wait_dma2 semaphore(%arg21 : memref<!tpu.dma_semaphore, #tpu.memory_space<semaphore_mem>>) src(%dma_wait3A_706 : memref<50x128xf32, #tpu.memory_space<hbm>>) dst(%arg13 : memref<50x128xf32, #tpu.memory_space<vmem>>)
    %jit3A_707 = arith.constant 128 : i32
    %eq3A_708 = arith.constant 0 : i32
    %eq3A_709 = arith.cmpi eq, %jit3A_707, %eq3A_708 : i32
    %jit3A_710 = arith.constant 1 : i32
    %select_n3A_711 = arith.select %eq3A_709, %jit3A_710, %jit3A_707 : i32
    %rem3A_712 = arith.remsi %squeeze3A_700, %select_n3A_711 : i32
    %ne3A_713 = arith.constant 0 : i32
    %ne3A_714 = arith.cmpi ne, %rem3A_712, %ne3A_713 : i32
    %lt3A_715 = arith.constant 0 : i32
    %lt3A_716 = arith.cmpi slt, %rem3A_712, %lt3A_715 : i32
    %lt3A_717 = arith.constant 0 : i32
    %lt3A_718 = arith.cmpi slt, %select_n3A_711, %lt3A_717 : i32
    %ne3A_719 = arith.xori %lt3A_716, %lt3A_718 : i1
    %and3A_720 = arith.andi %ne3A_719, %ne3A_714 : i1
    %add3A_721 = arith.addi %rem3A_712, %select_n3A_711 : i32
    %select_n3A_722 = arith.select %and3A_720, %add3A_721, %rem3A_712 : i32
    %broadcast_in_dim3A_723 = vector.broadcast %select_n3A_722 : i32 to vector<16xi32>
    %gather3A_724 = tpu.vector_load_idx %arg13[%add3A_1, %broadcast_in_dim3A_723] : memref<50x128xf32, #tpu.memory_space<vmem>>[vector<16xi32>, vector<16xi32>], vector<16xf32>,
    %swap3A_725 = arith.constant 32128 : index
    %swap3A_726 = tpu.vector_load %arg6[%swap3A_725] {strides = array<i32>} : memref<32768xf32, #tpu.memory_space<vmem>>, vector<16xf32>,
    tpu.vector_store %arg6[%swap3A_725], %gather3A_724 {strides = array<i32>} : memref<32768xf32, #tpu.memory_space<vmem>>, vector<16xf32>,
    %gather3A_727 = tpu.vector_load_idx %arg13[%add3A_5, %broadcast_in_dim3A_723] : memref<50x128xf32, #tpu.memory_space<vmem>>[vector<16xi32>, vector<16xi32>], vector<16xf32>,
    %swap3A_728 = arith.constant 32144 : index
    %swap3A_729 = tpu.vector_load %arg6[%swap3A_728] {strides = array<i32>} : memref<32768xf32, #tpu.memory_space<vmem>>, vector<16xf32>,
    tpu.vector_store %arg6[%swap3A_728], %gather3A_727 {strides = array<i32>} : memref<32768xf32, #tpu.memory_space<vmem>>, vector<16xf32>,
    %gather3A_730 = tpu.vector_load_idx %arg13[%add3A_9, %broadcast_in_dim3A_723] : memref<50x128xf32, #tpu.memory_space<vmem>>[vector<16xi32>, vector<16xi32>], vector<16xf32>,
    %swap3A_731 = arith.constant 32160 : index
    %swap3A_732 = tpu.vector_load %arg6[%swap3A_731] {strides = array<i32>} : memref<32768xf32, #tpu.memory_space<vmem>>, vector<16xf32>,
    tpu.vector_store %arg6[%swap3A_731], %gather3A_730 {strides = array<i32>} : memref<32768xf32, #tpu.memory_space<vmem>>, vector<16xf32>,
    %gather3A_733 = tpu.vector_load_idx %arg13[%select_n3A, %broadcast_in_dim3A_723] : memref<50x128xf32, #tpu.memory_space<vmem>>[vector<16xi32>, vector<16xi32>], vector<16xf32>,
    %swap3A_734 = arith.constant 32176 : index
    %swap3A_735 = tpu.vector_load %arg6[%swap3A_734] {strides = array<i32>} : memref<32768xf32, #tpu.memory_space<vmem>>, vector<16xf32>,
    tpu.vector_store %arg6[%swap3A_734], %gather3A_733 {strides = array<i32>} : memref<32768xf32, #tpu.memory_space<vmem>>, vector<16xf32>,
    %slice3A_736 = vector.extract_strided_slice %get3A_282 {offsets = [14], sizes = [1], strides = [1]} : vector<16xi32> to vector<1xi32>
    %squeeze3A_737 = vector.extract %slice3A_736[0] : i32 from vector<1xi32>
    %jit3A_738 = arith.constant 128 : i32
    %div3A_739 = arith.divsi %squeeze3A_737, %jit3A_738 : i32
    %sign3A_740 = arith.constant 0 : i32
    %sign3A_741 = arith.cmpi sgt, %squeeze3A_737, %sign3A_740 : i32
    %sign3A_742 = arith.extui %sign3A_741 : i1 to i32
    %sign3A_743 = arith.constant 0 : i32
    %sign3A_744 = arith.cmpi slt, %squeeze3A_737, %sign3A_743 : i32
    %sign3A_745 = arith.extui %sign3A_744 : i1 to i32
    %sign3A_746 = arith.subi %sign3A_742, %sign3A_745 : i32
    %sign3A_747 = arith.constant 0 : i32
    %sign3A_748 = arith.cmpi sgt, %jit3A_738, %sign3A_747 : i32
    %sign3A_749 = arith.extui %sign3A_748 : i1 to i32
    %sign3A_750 = arith.constant 0 : i32
    %sign3A_751 = arith.cmpi slt, %jit3A_738, %sign3A_750 : i32
    %sign3A_752 = arith.extui %sign3A_751 : i1 to i32
    %sign3A_753 = arith.subi %sign3A_749, %sign3A_752 : i32
    %ne3A_754 = arith.cmpi ne, %sign3A_746, %sign3A_753 : i32
    %rem3A_755 = arith.remsi %squeeze3A_737, %jit3A_738 : i32
    %ne3A_756 = arith.constant 0 : i32
    %ne3A_757 = arith.cmpi ne, %rem3A_755, %ne3A_756 : i32
    %and3A_758 = arith.andi %ne3A_754, %ne3A_757 : i1
    %sub3A_759 = arith.constant 1 : i32
    %sub3A_760 = arith.subi %div3A_739, %sub3A_759 : i32
    %select_n3A_761 = arith.select %and3A_758, %sub3A_760, %div3A_739 : i32
    %mul3A_762 = arith.constant 128 : i32
    %mul3A_763 = arith.muli %select_n3A_761, %mul3A_762 : i32
    %multiple_of3A_764 = tpu.assume_multiple %mul3A_763, 128 : i32
    %dma_start3A_765 = arith.constant 0 : i32
    %dma_start3A_766 = tpu.memref_slice %arg3[%dma_start3A_765, %multiple_of3A_764] : memref<50x1000000xf32, #tpu.memory_space<hbm>> -> memref<50x128xf32, #tpu.memory_space<hbm>>
    %dma_start3A_767 = arith.constant 0 : i32
    %dma_start3A_768 = tpu.memref_slice %arg3[%dma_start3A_767, %multiple_of3A_764] : memref<50x1000000xf32, #tpu.memory_space<hbm>> -> memref<50x128xf32, #tpu.memory_space<hbm>>
    tpu.enqueue_dma source(%dma_start3A_768 : memref<50x128xf32, #tpu.memory_space<hbm>>) target(%arg13 : memref<50x128xf32, #tpu.memory_space<vmem>>) target_semaphore(%arg21 : memref<!tpu.dma_semaphore, #tpu.memory_space<semaphore_mem>>)
    %slice3A_769 = vector.extract_strided_slice %get3A_282 {offsets = [7], sizes = [1], strides = [1]} : vector<16xi32> to vector<1xi32>
    %squeeze3A_770 = vector.extract %slice3A_769[0] : i32 from vector<1xi32>
    %dma_wait3A_771 = arith.constant 0 : i32
    %dma_wait3A_772 = arith.constant 0 : i32
    %dma_wait3A_773 = tpu.memref_slice %arg3[%dma_wait3A_771, %dma_wait3A_772] : memref<50x1000000xf32, #tpu.memory_space<hbm>> -> memref<50x128xf32, #tpu.memory_space<hbm>>
    %dma_wait3A_774 = arith.constant 0 : i32
    %dma_wait3A_775 = arith.constant 0 : i32
    %dma_wait3A_776 = tpu.memref_slice %arg3[%dma_wait3A_774, %dma_wait3A_775] : memref<50x1000000xf32, #tpu.memory_space<hbm>> -> memref<50x128xf32, #tpu.memory_space<hbm>>
    tpu.wait_dma2 semaphore(%arg22 : memref<!tpu.dma_semaphore, #tpu.memory_space<semaphore_mem>>) src(%dma_wait3A_776 : memref<50x128xf32, #tpu.memory_space<hbm>>) dst(%arg14 : memref<50x128xf32, #tpu.memory_space<vmem>>)
    %jit3A_777 = arith.constant 128 : i32
    %eq3A_778 = arith.constant 0 : i32
    %eq3A_779 = arith.cmpi eq, %jit3A_777, %eq3A_778 : i32
    %jit3A_780 = arith.constant 1 : i32
    %select_n3A_781 = arith.select %eq3A_779, %jit3A_780, %jit3A_777 : i32
    %rem3A_782 = arith.remsi %squeeze3A_770, %select_n3A_781 : i32
    %ne3A_783 = arith.constant 0 : i32
    %ne3A_784 = arith.cmpi ne, %rem3A_782, %ne3A_783 : i32
    %lt3A_785 = arith.constant 0 : i32
    %lt3A_786 = arith.cmpi slt, %rem3A_782, %lt3A_785 : i32
    %lt3A_787 = arith.constant 0 : i32
    %lt3A_788 = arith.cmpi slt, %select_n3A_781, %lt3A_787 : i32
    %ne3A_789 = arith.xori %lt3A_786, %lt3A_788 : i1
    %and3A_790 = arith.andi %ne3A_789, %ne3A_784 : i1
    %add3A_791 = arith.addi %rem3A_782, %select_n3A_781 : i32
    %select_n3A_792 = arith.select %and3A_790, %add3A_791, %rem3A_782 : i32
    %broadcast_in_dim3A_793 = vector.broadcast %select_n3A_792 : i32 to vector<16xi32>
    %gather3A_794 = tpu.vector_load_idx %arg14[%add3A_1, %broadcast_in_dim3A_793] : memref<50x128xf32, #tpu.memory_space<vmem>>[vector<16xi32>, vector<16xi32>], vector<16xf32>,
    %swap3A_795 = arith.constant 32192 : index
    %swap3A_796 = tpu.vector_load %arg6[%swap3A_795] {strides = array<i32>} : memref<32768xf32, #tpu.memory_space<vmem>>, vector<16xf32>,
    tpu.vector_store %arg6[%swap3A_795], %gather3A_794 {strides = array<i32>} : memref<32768xf32, #tpu.memory_space<vmem>>, vector<16xf32>,
    %gather3A_797 = tpu.vector_load_idx %arg14[%add3A_5, %broadcast_in_dim3A_793] : memref<50x128xf32, #tpu.memory_space<vmem>>[vector<16xi32>, vector<16xi32>], vector<16xf32>,
    %swap3A_798 = arith.constant 32208 : index
    %swap3A_799 = tpu.vector_load %arg6[%swap3A_798] {strides = array<i32>} : memref<32768xf32, #tpu.memory_space<vmem>>, vector<16xf32>,
    tpu.vector_store %arg6[%swap3A_798], %gather3A_797 {strides = array<i32>} : memref<32768xf32, #tpu.memory_space<vmem>>, vector<16xf32>,
    %gather3A_800 = tpu.vector_load_idx %arg14[%add3A_9, %broadcast_in_dim3A_793] : memref<50x128xf32, #tpu.memory_space<vmem>>[vector<16xi32>, vector<16xi32>], vector<16xf32>,
    %swap3A_801 = arith.constant 32224 : index
    %swap3A_802 = tpu.vector_load %arg6[%swap3A_801] {strides = array<i32>} : memref<32768xf32, #tpu.memory_space<vmem>>, vector<16xf32>,
    tpu.vector_store %arg6[%swap3A_801], %gather3A_800 {strides = array<i32>} : memref<32768xf32, #tpu.memory_space<vmem>>, vector<16xf32>,
    %gather3A_803 = tpu.vector_load_idx %arg14[%select_n3A, %broadcast_in_dim3A_793] : memref<50x128xf32, #tpu.memory_space<vmem>>[vector<16xi32>, vector<16xi32>], vector<16xf32>,
    %swap3A_804 = arith.constant 32240 : index
    %swap3A_805 = tpu.vector_load %arg6[%swap3A_804] {strides = array<i32>} : memref<32768xf32, #tpu.memory_space<vmem>>, vector<16xf32>,
    tpu.vector_store %arg6[%swap3A_804], %gather3A_803 {strides = array<i32>} : memref<32768xf32, #tpu.memory_space<vmem>>, vector<16xf32>,
    %slice3A_806 = vector.extract_strided_slice %get3A_282 {offsets = [15], sizes = [1], strides = [1]} : vector<16xi32> to vector<1xi32>
    %squeeze3A_807 = vector.extract %slice3A_806[0] : i32 from vector<1xi32>
    %jit3A_808 = arith.constant 128 : i32
    %div3A_809 = arith.divsi %squeeze3A_807, %jit3A_808 : i32
    %sign3A_810 = arith.constant 0 : i32
    %sign3A_811 = arith.cmpi sgt, %squeeze3A_807, %sign3A_810 : i32
    %sign3A_812 = arith.extui %sign3A_811 : i1 to i32
    %sign3A_813 = arith.constant 0 : i32
    %sign3A_814 = arith.cmpi slt, %squeeze3A_807, %sign3A_813 : i32
    %sign3A_815 = arith.extui %sign3A_814 : i1 to i32
    %sign3A_816 = arith.subi %sign3A_812, %sign3A_815 : i32
    %sign3A_817 = arith.constant 0 : i32
    %sign3A_818 = arith.cmpi sgt, %jit3A_808, %sign3A_817 : i32
    %sign3A_819 = arith.extui %sign3A_818 : i1 to i32
    %sign3A_820 = arith.constant 0 : i32
    %sign3A_821 = arith.cmpi slt, %jit3A_808, %sign3A_820 : i32
    %sign3A_822 = arith.extui %sign3A_821 : i1 to i32
    %sign3A_823 = arith.subi %sign3A_819, %sign3A_822 : i32
    %ne3A_824 = arith.cmpi ne, %sign3A_816, %sign3A_823 : i32
    %rem3A_825 = arith.remsi %squeeze3A_807, %jit3A_808 : i32
    %ne3A_826 = arith.constant 0 : i32
    %ne3A_827 = arith.cmpi ne, %rem3A_825, %ne3A_826 : i32
    %and3A_828 = arith.andi %ne3A_824, %ne3A_827 : i1
    %sub3A_829 = arith.constant 1 : i32
    %sub3A_830 = arith.subi %div3A_809, %sub3A_829 : i32
    %select_n3A_831 = arith.select %and3A_828, %sub3A_830, %div3A_809 : i32
    %mul3A_832 = arith.constant 128 : i32
    %mul3A_833 = arith.muli %select_n3A_831, %mul3A_832 : i32
    %multiple_of3A_834 = tpu.assume_multiple %mul3A_833, 128 : i32
    %dma_start3A_835 = arith.constant 0 : i32
    %dma_start3A_836 = tpu.memref_slice %arg3[%dma_start3A_835, %multiple_of3A_834] : memref<50x1000000xf32, #tpu.memory_space<hbm>> -> memref<50x128xf32, #tpu.memory_space<hbm>>
    %dma_start3A_837 = arith.constant 0 : i32
    %dma_start3A_838 = tpu.memref_slice %arg3[%dma_start3A_837, %multiple_of3A_834] : memref<50x1000000xf32, #tpu.memory_space<hbm>> -> memref<50x128xf32, #tpu.memory_space<hbm>>
    tpu.enqueue_dma source(%dma_start3A_838 : memref<50x128xf32, #tpu.memory_space<hbm>>) target(%arg14 : memref<50x128xf32, #tpu.memory_space<vmem>>) target_semaphore(%arg22 : memref<!tpu.dma_semaphore, #tpu.memory_space<semaphore_mem>>)
    %slice3A_839 = vector.extract_strided_slice %get3A_282 {offsets = [8], sizes = [1], strides = [1]} : vector<16xi32> to vector<1xi32>
    %squeeze3A_840 = vector.extract %slice3A_839[0] : i32 from vector<1xi32>
    %dma_wait3A_841 = arith.constant 0 : i32
    %dma_wait3A_842 = arith.constant 0 : i32
    %dma_wait3A_843 = tpu.memref_slice %arg3[%dma_wait3A_841, %dma_wait3A_842] : memref<50x1000000xf32, #tpu.memory_space<hbm>> -> memref<50x128xf32, #tpu.memory_space<hbm>>
    %dma_wait3A_844 = arith.constant 0 : i32
    %dma_wait3A_845 = arith.constant 0 : i32
    %dma_wait3A_846 = tpu.memref_slice %arg3[%dma_wait3A_844, %dma_wait3A_845] : memref<50x1000000xf32, #tpu.memory_space<hbm>> -> memref<50x128xf32, #tpu.memory_space<hbm>>
    tpu.wait_dma2 semaphore(%arg15 : memref<!tpu.dma_semaphore, #tpu.memory_space<semaphore_mem>>) src(%dma_wait3A_846 : memref<50x128xf32, #tpu.memory_space<hbm>>) dst(%arg7 : memref<50x128xf32, #tpu.memory_space<vmem>>)
    %jit3A_847 = arith.constant 128 : i32
    %eq3A_848 = arith.constant 0 : i32
    %eq3A_849 = arith.cmpi eq, %jit3A_847, %eq3A_848 : i32
    %jit3A_850 = arith.constant 1 : i32
    %select_n3A_851 = arith.select %eq3A_849, %jit3A_850, %jit3A_847 : i32
    %rem3A_852 = arith.remsi %squeeze3A_840, %select_n3A_851 : i32
    %ne3A_853 = arith.constant 0 : i32
    %ne3A_854 = arith.cmpi ne, %rem3A_852, %ne3A_853 : i32
    %lt3A_855 = arith.constant 0 : i32
    %lt3A_856 = arith.cmpi slt, %rem3A_852, %lt3A_855 : i32
    %lt3A_857 = arith.constant 0 : i32
    %lt3A_858 = arith.cmpi slt, %select_n3A_851, %lt3A_857 : i32
    %ne3A_859 = arith.xori %lt3A_856, %lt3A_858 : i1
    %and3A_860 = arith.andi %ne3A_859, %ne3A_854 : i1
    %add3A_861 = arith.addi %rem3A_852, %select_n3A_851 : i32
    %select_n3A_862 = arith.select %and3A_860, %add3A_861, %rem3A_852 : i32
    %broadcast_in_dim3A_863 = vector.broadcast %select_n3A_862 : i32 to vector<16xi32>
    %gather3A_864 = tpu.vector_load_idx %arg7[%add3A_1, %broadcast_in_dim3A_863] : memref<50x128xf32, #tpu.memory_space<vmem>>[vector<16xi32>, vector<16xi32>], vector<16xf32>,
    %swap3A_865 = arith.constant 32256 : index
    %swap3A_866 = tpu.vector_load %arg6[%swap3A_865] {strides = array<i32>} : memref<32768xf32, #tpu.memory_space<vmem>>, vector<16xf32>,
    tpu.vector_store %arg6[%swap3A_865], %gather3A_864 {strides = array<i32>} : memref<32768xf32, #tpu.memory_space<vmem>>, vector<16xf32>,
    %gather3A_867 = tpu.vector_load_idx %arg7[%add3A_5, %broadcast_in_dim3A_863] : memref<50x128xf32, #tpu.memory_space<vmem>>[vector<16xi32>, vector<16xi32>], vector<16xf32>,
    %swap3A_868 = arith.constant 32272 : index
    %swap3A_869 = tpu.vector_load %arg6[%swap3A_868] {strides = array<i32>} : memref<32768xf32, #tpu.memory_space<vmem>>, vector<16xf32>,
    tpu.vector_store %arg6[%swap3A_868], %gather3A_867 {strides = array<i32>} : memref<32768xf32, #tpu.memory_space<vmem>>, vector<16xf32>,
    %gather3A_870 = tpu.vector_load_idx %arg7[%add3A_9, %broadcast_in_dim3A_863] : memref<50x128xf32, #tpu.memory_space<vmem>>[vector<16xi32>, vector<16xi32>], vector<16xf32>,
    %swap3A_871 = arith.constant 32288 : index
    %swap3A_872 = tpu.vector_load %arg6[%swap3A_871] {strides = array<i32>} : memref<32768xf32, #tpu.memory_space<vmem>>, vector<16xf32>,
    tpu.vector_store %arg6[%swap3A_871], %gather3A_870 {strides = array<i32>} : memref<32768xf32, #tpu.memory_space<vmem>>, vector<16xf32>,
    %gather3A_873 = tpu.vector_load_idx %arg7[%select_n3A, %broadcast_in_dim3A_863] : memref<50x128xf32, #tpu.memory_space<vmem>>[vector<16xi32>, vector<16xi32>], vector<16xf32>,
    %swap3A_874 = arith.constant 32304 : index
    %swap3A_875 = tpu.vector_load %arg6[%swap3A_874] {strides = array<i32>} : memref<32768xf32, #tpu.memory_space<vmem>>, vector<16xf32>,
    tpu.vector_store %arg6[%swap3A_874], %gather3A_873 {strides = array<i32>} : memref<32768xf32, #tpu.memory_space<vmem>>, vector<16xf32>,
    %slice3A_876 = vector.extract_strided_slice %get3A_282 {offsets = [9], sizes = [1], strides = [1]} : vector<16xi32> to vector<1xi32>
    %squeeze3A_877 = vector.extract %slice3A_876[0] : i32 from vector<1xi32>
    %dma_wait3A_878 = arith.constant 0 : i32
    %dma_wait3A_879 = arith.constant 0 : i32
    %dma_wait3A_880 = tpu.memref_slice %arg3[%dma_wait3A_878, %dma_wait3A_879] : memref<50x1000000xf32, #tpu.memory_space<hbm>> -> memref<50x128xf32, #tpu.memory_space<hbm>>
    %dma_wait3A_881 = arith.constant 0 : i32
    %dma_wait3A_882 = arith.constant 0 : i32
    %dma_wait3A_883 = tpu.memref_slice %arg3[%dma_wait3A_881, %dma_wait3A_882] : memref<50x1000000xf32, #tpu.memory_space<hbm>> -> memref<50x128xf32, #tpu.memory_space<hbm>>
    tpu.wait_dma2 semaphore(%arg16 : memref<!tpu.dma_semaphore, #tpu.memory_space<semaphore_mem>>) src(%dma_wait3A_883 : memref<50x128xf32, #tpu.memory_space<hbm>>) dst(%arg8 : memref<50x128xf32, #tpu.memory_space<vmem>>)
    %jit3A_884 = arith.constant 128 : i32
    %eq3A_885 = arith.constant 0 : i32
    %eq3A_886 = arith.cmpi eq, %jit3A_884, %eq3A_885 : i32
    %jit3A_887 = arith.constant 1 : i32
    %select_n3A_888 = arith.select %eq3A_886, %jit3A_887, %jit3A_884 : i32
    %rem3A_889 = arith.remsi %squeeze3A_877, %select_n3A_888 : i32
    %ne3A_890 = arith.constant 0 : i32
    %ne3A_891 = arith.cmpi ne, %rem3A_889, %ne3A_890 : i32
    %lt3A_892 = arith.constant 0 : i32
    %lt3A_893 = arith.cmpi slt, %rem3A_889, %lt3A_892 : i32
    %lt3A_894 = arith.constant 0 : i32
    %lt3A_895 = arith.cmpi slt, %select_n3A_888, %lt3A_894 : i32
    %ne3A_896 = arith.xori %lt3A_893, %lt3A_895 : i1
    %and3A_897 = arith.andi %ne3A_896, %ne3A_891 : i1
    %add3A_898 = arith.addi %rem3A_889, %select_n3A_888 : i32
    %select_n3A_899 = arith.select %and3A_897, %add3A_898, %rem3A_889 : i32
    %broadcast_in_dim3A_900 = vector.broadcast %select_n3A_899 : i32 to vector<16xi32>
    %gather3A_901 = tpu.vector_load_idx %arg8[%add3A_1, %broadcast_in_dim3A_900] : memref<50x128xf32, #tpu.memory_space<vmem>>[vector<16xi32>, vector<16xi32>], vector<16xf32>,
    %swap3A_902 = arith.constant 32320 : index
    %swap3A_903 = tpu.vector_load %arg6[%swap3A_902] {strides = array<i32>} : memref<32768xf32, #tpu.memory_space<vmem>>, vector<16xf32>,
    tpu.vector_store %arg6[%swap3A_902], %gather3A_901 {strides = array<i32>} : memref<32768xf32, #tpu.memory_space<vmem>>, vector<16xf32>,
    %gather3A_904 = tpu.vector_load_idx %arg8[%add3A_5, %broadcast_in_dim3A_900] : memref<50x128xf32, #tpu.memory_space<vmem>>[vector<16xi32>, vector<16xi32>], vector<16xf32>,
    %swap3A_905 = arith.constant 32336 : index
    %swap3A_906 = tpu.vector_load %arg6[%swap3A_905] {strides = array<i32>} : memref<32768xf32, #tpu.memory_space<vmem>>, vector<16xf32>,
    tpu.vector_store %arg6[%swap3A_905], %gather3A_904 {strides = array<i32>} : memref<32768xf32, #tpu.memory_space<vmem>>, vector<16xf32>,
    %gather3A_907 = tpu.vector_load_idx %arg8[%add3A_9, %broadcast_in_dim3A_900] : memref<50x128xf32, #tpu.memory_space<vmem>>[vector<16xi32>, vector<16xi32>], vector<16xf32>,
    %swap3A_908 = arith.constant 32352 : index
    %swap3A_909 = tpu.vector_load %arg6[%swap3A_908] {strides = array<i32>} : memref<32768xf32, #tpu.memory_space<vmem>>, vector<16xf32>,
    tpu.vector_store %arg6[%swap3A_908], %gather3A_907 {strides = array<i32>} : memref<32768xf32, #tpu.memory_space<vmem>>, vector<16xf32>,
    %gather3A_910 = tpu.vector_load_idx %arg8[%select_n3A, %broadcast_in_dim3A_900] : memref<50x128xf32, #tpu.memory_space<vmem>>[vector<16xi32>, vector<16xi32>], vector<16xf32>,
    %swap3A_911 = arith.constant 32368 : index
    %swap3A_912 = tpu.vector_load %arg6[%swap3A_911] {strides = array<i32>} : memref<32768xf32, #tpu.memory_space<vmem>>, vector<16xf32>,
    tpu.vector_store %arg6[%swap3A_911], %gather3A_910 {strides = array<i32>} : memref<32768xf32, #tpu.memory_space<vmem>>, vector<16xf32>,
    %slice3A_913 = vector.extract_strided_slice %get3A_282 {offsets = [10], sizes = [1], strides = [1]} : vector<16xi32> to vector<1xi32>
    %squeeze3A_914 = vector.extract %slice3A_913[0] : i32 from vector<1xi32>
    %dma_wait3A_915 = arith.constant 0 : i32
    %dma_wait3A_916 = arith.constant 0 : i32
    %dma_wait3A_917 = tpu.memref_slice %arg3[%dma_wait3A_915, %dma_wait3A_916] : memref<50x1000000xf32, #tpu.memory_space<hbm>> -> memref<50x128xf32, #tpu.memory_space<hbm>>
    %dma_wait3A_918 = arith.constant 0 : i32
    %dma_wait3A_919 = arith.constant 0 : i32
    %dma_wait3A_920 = tpu.memref_slice %arg3[%dma_wait3A_918, %dma_wait3A_919] : memref<50x1000000xf32, #tpu.memory_space<hbm>> -> memref<50x128xf32, #tpu.memory_space<hbm>>
    tpu.wait_dma2 semaphore(%arg17 : memref<!tpu.dma_semaphore, #tpu.memory_space<semaphore_mem>>) src(%dma_wait3A_920 : memref<50x128xf32, #tpu.memory_space<hbm>>) dst(%arg9 : memref<50x128xf32, #tpu.memory_space<vmem>>)
    %jit3A_921 = arith.constant 128 : i32
    %eq3A_922 = arith.constant 0 : i32
    %eq3A_923 = arith.cmpi eq, %jit3A_921, %eq3A_922 : i32
    %jit3A_924 = arith.constant 1 : i32
    %select_n3A_925 = arith.select %eq3A_923, %jit3A_924, %jit3A_921 : i32
    %rem3A_926 = arith.remsi %squeeze3A_914, %select_n3A_925 : i32
    %ne3A_927 = arith.constant 0 : i32
    %ne3A_928 = arith.cmpi ne, %rem3A_926, %ne3A_927 : i32
    %lt3A_929 = arith.constant 0 : i32
    %lt3A_930 = arith.cmpi slt, %rem3A_926, %lt3A_929 : i32
    %lt3A_931 = arith.constant 0 : i32
    %lt3A_932 = arith.cmpi slt, %select_n3A_925, %lt3A_931 : i32
    %ne3A_933 = arith.xori %lt3A_930, %lt3A_932 : i1
    %and3A_934 = arith.andi %ne3A_933, %ne3A_928 : i1
    %add3A_935 = arith.addi %rem3A_926, %select_n3A_925 : i32
    %select_n3A_936 = arith.select %and3A_934, %add3A_935, %rem3A_926 : i32
    %broadcast_in_dim3A_937 = vector.broadcast %select_n3A_936 : i32 to vector<16xi32>
    %gather3A_938 = tpu.vector_load_idx %arg9[%add3A_1, %broadcast_in_dim3A_937] : memref<50x128xf32, #tpu.memory_space<vmem>>[vector<16xi32>, vector<16xi32>], vector<16xf32>,
    %swap3A_939 = arith.constant 32384 : index
    %swap3A_940 = tpu.vector_load %arg6[%swap3A_939] {strides = array<i32>} : memref<32768xf32, #tpu.memory_space<vmem>>, vector<16xf32>,
    tpu.vector_store %arg6[%swap3A_939], %gather3A_938 {strides = array<i32>} : memref<32768xf32, #tpu.memory_space<vmem>>, vector<16xf32>,
    %gather3A_941 = tpu.vector_load_idx %arg9[%add3A_5, %broadcast_in_dim3A_937] : memref<50x128xf32, #tpu.memory_space<vmem>>[vector<16xi32>, vector<16xi32>], vector<16xf32>,
    %swap3A_942 = arith.constant 32400 : index
    %swap3A_943 = tpu.vector_load %arg6[%swap3A_942] {strides = array<i32>} : memref<32768xf32, #tpu.memory_space<vmem>>, vector<16xf32>,
    tpu.vector_store %arg6[%swap3A_942], %gather3A_941 {strides = array<i32>} : memref<32768xf32, #tpu.memory_space<vmem>>, vector<16xf32>,
    %gather3A_944 = tpu.vector_load_idx %arg9[%add3A_9, %broadcast_in_dim3A_937] : memref<50x128xf32, #tpu.memory_space<vmem>>[vector<16xi32>, vector<16xi32>], vector<16xf32>,
    %swap3A_945 = arith.constant 32416 : index
    %swap3A_946 = tpu.vector_load %arg6[%swap3A_945] {strides = array<i32>} : memref<32768xf32, #tpu.memory_space<vmem>>, vector<16xf32>,
    tpu.vector_store %arg6[%swap3A_945], %gather3A_944 {strides = array<i32>} : memref<32768xf32, #tpu.memory_space<vmem>>, vector<16xf32>,
    %gather3A_947 = tpu.vector_load_idx %arg9[%select_n3A, %broadcast_in_dim3A_937] : memref<50x128xf32, #tpu.memory_space<vmem>>[vector<16xi32>, vector<16xi32>], vector<16xf32>,
    %swap3A_948 = arith.constant 32432 : index
    %swap3A_949 = tpu.vector_load %arg6[%swap3A_948] {strides = array<i32>} : memref<32768xf32, #tpu.memory_space<vmem>>, vector<16xf32>,
    tpu.vector_store %arg6[%swap3A_948], %gather3A_947 {strides = array<i32>} : memref<32768xf32, #tpu.memory_space<vmem>>, vector<16xf32>,
    %slice3A_950 = vector.extract_strided_slice %get3A_282 {offsets = [11], sizes = [1], strides = [1]} : vector<16xi32> to vector<1xi32>
    %squeeze3A_951 = vector.extract %slice3A_950[0] : i32 from vector<1xi32>
    %dma_wait3A_952 = arith.constant 0 : i32
    %dma_wait3A_953 = arith.constant 0 : i32
    %dma_wait3A_954 = tpu.memref_slice %arg3[%dma_wait3A_952, %dma_wait3A_953] : memref<50x1000000xf32, #tpu.memory_space<hbm>> -> memref<50x128xf32, #tpu.memory_space<hbm>>
    %dma_wait3A_955 = arith.constant 0 : i32
    %dma_wait3A_956 = arith.constant 0 : i32
    %dma_wait3A_957 = tpu.memref_slice %arg3[%dma_wait3A_955, %dma_wait3A_956] : memref<50x1000000xf32, #tpu.memory_space<hbm>> -> memref<50x128xf32, #tpu.memory_space<hbm>>
    tpu.wait_dma2 semaphore(%arg18 : memref<!tpu.dma_semaphore, #tpu.memory_space<semaphore_mem>>) src(%dma_wait3A_957 : memref<50x128xf32, #tpu.memory_space<hbm>>) dst(%arg10 : memref<50x128xf32, #tpu.memory_space<vmem>>)
    %jit3A_958 = arith.constant 128 : i32
    %eq3A_959 = arith.constant 0 : i32
    %eq3A_960 = arith.cmpi eq, %jit3A_958, %eq3A_959 : i32
    %jit3A_961 = arith.constant 1 : i32
    %select_n3A_962 = arith.select %eq3A_960, %jit3A_961, %jit3A_958 : i32
    %rem3A_963 = arith.remsi %squeeze3A_951, %select_n3A_962 : i32
    %ne3A_964 = arith.constant 0 : i32
    %ne3A_965 = arith.cmpi ne, %rem3A_963, %ne3A_964 : i32
    %lt3A_966 = arith.constant 0 : i32
    %lt3A_967 = arith.cmpi slt, %rem3A_963, %lt3A_966 : i32
    %lt3A_968 = arith.constant 0 : i32
    %lt3A_969 = arith.cmpi slt, %select_n3A_962, %lt3A_968 : i32
    %ne3A_970 = arith.xori %lt3A_967, %lt3A_969 : i1
    %and3A_971 = arith.andi %ne3A_970, %ne3A_965 : i1
    %add3A_972 = arith.addi %rem3A_963, %select_n3A_962 : i32
    %select_n3A_973 = arith.select %and3A_971, %add3A_972, %rem3A_963 : i32
    %broadcast_in_dim3A_974 = vector.broadcast %select_n3A_973 : i32 to vector<16xi32>
    %gather3A_975 = tpu.vector_load_idx %arg10[%add3A_1, %broadcast_in_dim3A_974] : memref<50x128xf32, #tpu.memory_space<vmem>>[vector<16xi32>, vector<16xi32>], vector<16xf32>,
    %swap3A_976 = arith.constant 32448 : index
    %swap3A_977 = tpu.vector_load %arg6[%swap3A_976] {strides = array<i32>} : memref<32768xf32, #tpu.memory_space<vmem>>, vector<16xf32>,
    tpu.vector_store %arg6[%swap3A_976], %gather3A_975 {strides = array<i32>} : memref<32768xf32, #tpu.memory_space<vmem>>, vector<16xf32>,
    %gather3A_978 = tpu.vector_load_idx %arg10[%add3A_5, %broadcast_in_dim3A_974] : memref<50x128xf32, #tpu.memory_space<vmem>>[vector<16xi32>, vector<16xi32>], vector<16xf32>,
    %swap3A_979 = arith.constant 32464 : index
    %swap3A_980 = tpu.vector_load %arg6[%swap3A_979] {strides = array<i32>} : memref<32768xf32, #tpu.memory_space<vmem>>, vector<16xf32>,
    tpu.vector_store %arg6[%swap3A_979], %gather3A_978 {strides = array<i32>} : memref<32768xf32, #tpu.memory_space<vmem>>, vector<16xf32>,
    %gather3A_981 = tpu.vector_load_idx %arg10[%add3A_9, %broadcast_in_dim3A_974] : memref<50x128xf32, #tpu.memory_space<vmem>>[vector<16xi32>, vector<16xi32>], vector<16xf32>,
    %swap3A_982 = arith.constant 32480 : index
    %swap3A_983 = tpu.vector_load %arg6[%swap3A_982] {strides = array<i32>} : memref<32768xf32, #tpu.memory_space<vmem>>, vector<16xf32>,
    tpu.vector_store %arg6[%swap3A_982], %gather3A_981 {strides = array<i32>} : memref<32768xf32, #tpu.memory_space<vmem>>, vector<16xf32>,
    %gather3A_984 = tpu.vector_load_idx %arg10[%select_n3A, %broadcast_in_dim3A_974] : memref<50x128xf32, #tpu.memory_space<vmem>>[vector<16xi32>, vector<16xi32>], vector<16xf32>,
    %swap3A_985 = arith.constant 32496 : index
    %swap3A_986 = tpu.vector_load %arg6[%swap3A_985] {strides = array<i32>} : memref<32768xf32, #tpu.memory_space<vmem>>, vector<16xf32>,
    tpu.vector_store %arg6[%swap3A_985], %gather3A_984 {strides = array<i32>} : memref<32768xf32, #tpu.memory_space<vmem>>, vector<16xf32>,
    %slice3A_987 = vector.extract_strided_slice %get3A_282 {offsets = [12], sizes = [1], strides = [1]} : vector<16xi32> to vector<1xi32>
    %squeeze3A_988 = vector.extract %slice3A_987[0] : i32 from vector<1xi32>
    %dma_wait3A_989 = arith.constant 0 : i32
    %dma_wait3A_990 = arith.constant 0 : i32
    %dma_wait3A_991 = tpu.memref_slice %arg3[%dma_wait3A_989, %dma_wait3A_990] : memref<50x1000000xf32, #tpu.memory_space<hbm>> -> memref<50x128xf32, #tpu.memory_space<hbm>>
    %dma_wait3A_992 = arith.constant 0 : i32
    %dma_wait3A_993 = arith.constant 0 : i32
    %dma_wait3A_994 = tpu.memref_slice %arg3[%dma_wait3A_992, %dma_wait3A_993] : memref<50x1000000xf32, #tpu.memory_space<hbm>> -> memref<50x128xf32, #tpu.memory_space<hbm>>
    tpu.wait_dma2 semaphore(%arg19 : memref<!tpu.dma_semaphore, #tpu.memory_space<semaphore_mem>>) src(%dma_wait3A_994 : memref<50x128xf32, #tpu.memory_space<hbm>>) dst(%arg11 : memref<50x128xf32, #tpu.memory_space<vmem>>)
    %jit3A_995 = arith.constant 128 : i32
    %eq3A_996 = arith.constant 0 : i32
    %eq3A_997 = arith.cmpi eq, %jit3A_995, %eq3A_996 : i32
    %jit3A_998 = arith.constant 1 : i32
    %select_n3A_999 = arith.select %eq3A_997, %jit3A_998, %jit3A_995 : i32
    %rem3A_1000 = arith.remsi %squeeze3A_988, %select_n3A_999 : i32
    %ne3A_1001 = arith.constant 0 : i32
    %ne3A_1002 = arith.cmpi ne, %rem3A_1000, %ne3A_1001 : i32
    %lt3A_1003 = arith.constant 0 : i32
    %lt3A_1004 = arith.cmpi slt, %rem3A_1000, %lt3A_1003 : i32
    %lt3A_1005 = arith.constant 0 : i32
    %lt3A_1006 = arith.cmpi slt, %select_n3A_999, %lt3A_1005 : i32
    %ne3A_1007 = arith.xori %lt3A_1004, %lt3A_1006 : i1
    %and3A_1008 = arith.andi %ne3A_1007, %ne3A_1002 : i1
    %add3A_1009 = arith.addi %rem3A_1000, %select_n3A_999 : i32
    %select_n3A_1010 = arith.select %and3A_1008, %add3A_1009, %rem3A_1000 : i32
    %broadcast_in_dim3A_1011 = vector.broadcast %select_n3A_1010 : i32 to vector<16xi32>
    %gather3A_1012 = tpu.vector_load_idx %arg11[%add3A_1, %broadcast_in_dim3A_1011] : memref<50x128xf32, #tpu.memory_space<vmem>>[vector<16xi32>, vector<16xi32>], vector<16xf32>,
    %swap3A_1013 = arith.constant 32512 : index
    %swap3A_1014 = tpu.vector_load %arg6[%swap3A_1013] {strides = array<i32>} : memref<32768xf32, #tpu.memory_space<vmem>>, vector<16xf32>,
    tpu.vector_store %arg6[%swap3A_1013], %gather3A_1012 {strides = array<i32>} : memref<32768xf32, #tpu.memory_space<vmem>>, vector<16xf32>,
    %gather3A_1015 = tpu.vector_load_idx %arg11[%add3A_5, %broadcast_in_dim3A_1011] : memref<50x128xf32, #tpu.memory_space<vmem>>[vector<16xi32>, vector<16xi32>], vector<16xf32>,
    %swap3A_1016 = arith.constant 32528 : index
    %swap3A_1017 = tpu.vector_load %arg6[%swap3A_1016] {strides = array<i32>} : memref<32768xf32, #tpu.memory_space<vmem>>, vector<16xf32>,
    tpu.vector_store %arg6[%swap3A_1016], %gather3A_1015 {strides = array<i32>} : memref<32768xf32, #tpu.memory_space<vmem>>, vector<16xf32>,
    %gather3A_1018 = tpu.vector_load_idx %arg11[%add3A_9, %broadcast_in_dim3A_1011] : memref<50x128xf32, #tpu.memory_space<vmem>>[vector<16xi32>, vector<16xi32>], vector<16xf32>,
    %swap3A_1019 = arith.constant 32544 : index
    %swap3A_1020 = tpu.vector_load %arg6[%swap3A_1019] {strides = array<i32>} : memref<32768xf32, #tpu.memory_space<vmem>>, vector<16xf32>,
    tpu.vector_store %arg6[%swap3A_1019], %gather3A_1018 {strides = array<i32>} : memref<32768xf32, #tpu.memory_space<vmem>>, vector<16xf32>,
    %gather3A_1021 = tpu.vector_load_idx %arg11[%select_n3A, %broadcast_in_dim3A_1011] : memref<50x128xf32, #tpu.memory_space<vmem>>[vector<16xi32>, vector<16xi32>], vector<16xf32>,
    %swap3A_1022 = arith.constant 32560 : index
    %swap3A_1023 = tpu.vector_load %arg6[%swap3A_1022] {strides = array<i32>} : memref<32768xf32, #tpu.memory_space<vmem>>, vector<16xf32>,
    tpu.vector_store %arg6[%swap3A_1022], %gather3A_1021 {strides = array<i32>} : memref<32768xf32, #tpu.memory_space<vmem>>, vector<16xf32>,
    %slice3A_1024 = vector.extract_strided_slice %get3A_282 {offsets = [13], sizes = [1], strides = [1]} : vector<16xi32> to vector<1xi32>
    %squeeze3A_1025 = vector.extract %slice3A_1024[0] : i32 from vector<1xi32>
    %dma_wait3A_1026 = arith.constant 0 : i32
    %dma_wait3A_1027 = arith.constant 0 : i32
    %dma_wait3A_1028 = tpu.memref_slice %arg3[%dma_wait3A_1026, %dma_wait3A_1027] : memref<50x1000000xf32, #tpu.memory_space<hbm>> -> memref<50x128xf32, #tpu.memory_space<hbm>>
    %dma_wait3A_1029 = arith.constant 0 : i32
    %dma_wait3A_1030 = arith.constant 0 : i32
    %dma_wait3A_1031 = tpu.memref_slice %arg3[%dma_wait3A_1029, %dma_wait3A_1030] : memref<50x1000000xf32, #tpu.memory_space<hbm>> -> memref<50x128xf32, #tpu.memory_space<hbm>>
    tpu.wait_dma2 semaphore(%arg20 : memref<!tpu.dma_semaphore, #tpu.memory_space<semaphore_mem>>) src(%dma_wait3A_1031 : memref<50x128xf32, #tpu.memory_space<hbm>>) dst(%arg12 : memref<50x128xf32, #tpu.memory_space<vmem>>)
    %jit3A_1032 = arith.constant 128 : i32
    %eq3A_1033 = arith.constant 0 : i32
    %eq3A_1034 = arith.cmpi eq, %jit3A_1032, %eq3A_1033 : i32
    %jit3A_1035 = arith.constant 1 : i32
    %select_n3A_1036 = arith.select %eq3A_1034, %jit3A_1035, %jit3A_1032 : i32
    %rem3A_1037 = arith.remsi %squeeze3A_1025, %select_n3A_1036 : i32
    %ne3A_1038 = arith.constant 0 : i32
    %ne3A_1039 = arith.cmpi ne, %rem3A_1037, %ne3A_1038 : i32
    %lt3A_1040 = arith.constant 0 : i32
    %lt3A_1041 = arith.cmpi slt, %rem3A_1037, %lt3A_1040 : i32
    %lt3A_1042 = arith.constant 0 : i32
    %lt3A_1043 = arith.cmpi slt, %select_n3A_1036, %lt3A_1042 : i32
    %ne3A_1044 = arith.xori %lt3A_1041, %lt3A_1043 : i1
    %and3A_1045 = arith.andi %ne3A_1044, %ne3A_1039 : i1
    %add3A_1046 = arith.addi %rem3A_1037, %select_n3A_1036 : i32
    %select_n3A_1047 = arith.select %and3A_1045, %add3A_1046, %rem3A_1037 : i32
    %broadcast_in_dim3A_1048 = vector.broadcast %select_n3A_1047 : i32 to vector<16xi32>
    %gather3A_1049 = tpu.vector_load_idx %arg12[%add3A_1, %broadcast_in_dim3A_1048] : memref<50x128xf32, #tpu.memory_space<vmem>>[vector<16xi32>, vector<16xi32>], vector<16xf32>,
    %swap3A_1050 = arith.constant 32576 : index
    %swap3A_1051 = tpu.vector_load %arg6[%swap3A_1050] {strides = array<i32>} : memref<32768xf32, #tpu.memory_space<vmem>>, vector<16xf32>,
    tpu.vector_store %arg6[%swap3A_1050], %gather3A_1049 {strides = array<i32>} : memref<32768xf32, #tpu.memory_space<vmem>>, vector<16xf32>,
    %gather3A_1052 = tpu.vector_load_idx %arg12[%add3A_5, %broadcast_in_dim3A_1048] : memref<50x128xf32, #tpu.memory_space<vmem>>[vector<16xi32>, vector<16xi32>], vector<16xf32>,
    %swap3A_1053 = arith.constant 32592 : index
    %swap3A_1054 = tpu.vector_load %arg6[%swap3A_1053] {strides = array<i32>} : memref<32768xf32, #tpu.memory_space<vmem>>, vector<16xf32>,
    tpu.vector_store %arg6[%swap3A_1053], %gather3A_1052 {strides = array<i32>} : memref<32768xf32, #tpu.memory_space<vmem>>, vector<16xf32>,
    %gather3A_1055 = tpu.vector_load_idx %arg12[%add3A_9, %broadcast_in_dim3A_1048] : memref<50x128xf32, #tpu.memory_space<vmem>>[vector<16xi32>, vector<16xi32>], vector<16xf32>,
    %swap3A_1056 = arith.constant 32608 : index
    %swap3A_1057 = tpu.vector_load %arg6[%swap3A_1056] {strides = array<i32>} : memref<32768xf32, #tpu.memory_space<vmem>>, vector<16xf32>,
    tpu.vector_store %arg6[%swap3A_1056], %gather3A_1055 {strides = array<i32>} : memref<32768xf32, #tpu.memory_space<vmem>>, vector<16xf32>,
    %gather3A_1058 = tpu.vector_load_idx %arg12[%select_n3A, %broadcast_in_dim3A_1048] : memref<50x128xf32, #tpu.memory_space<vmem>>[vector<16xi32>, vector<16xi32>], vector<16xf32>,
    %swap3A_1059 = arith.constant 32624 : index
    %swap3A_1060 = tpu.vector_load %arg6[%swap3A_1059] {strides = array<i32>} : memref<32768xf32, #tpu.memory_space<vmem>>, vector<16xf32>,
    tpu.vector_store %arg6[%swap3A_1059], %gather3A_1058 {strides = array<i32>} : memref<32768xf32, #tpu.memory_space<vmem>>, vector<16xf32>,
    %slice3A_1061 = vector.extract_strided_slice %get3A_282 {offsets = [14], sizes = [1], strides = [1]} : vector<16xi32> to vector<1xi32>
    %squeeze3A_1062 = vector.extract %slice3A_1061[0] : i32 from vector<1xi32>
    %dma_wait3A_1063 = arith.constant 0 : i32
    %dma_wait3A_1064 = arith.constant 0 : i32
    %dma_wait3A_1065 = tpu.memref_slice %arg3[%dma_wait3A_1063, %dma_wait3A_1064] : memref<50x1000000xf32, #tpu.memory_space<hbm>> -> memref<50x128xf32, #tpu.memory_space<hbm>>
    %dma_wait3A_1066 = arith.constant 0 : i32
    %dma_wait3A_1067 = arith.constant 0 : i32
    %dma_wait3A_1068 = tpu.memref_slice %arg3[%dma_wait3A_1066, %dma_wait3A_1067] : memref<50x1000000xf32, #tpu.memory_space<hbm>> -> memref<50x128xf32, #tpu.memory_space<hbm>>
    tpu.wait_dma2 semaphore(%arg21 : memref<!tpu.dma_semaphore, #tpu.memory_space<semaphore_mem>>) src(%dma_wait3A_1068 : memref<50x128xf32, #tpu.memory_space<hbm>>) dst(%arg13 : memref<50x128xf32, #tpu.memory_space<vmem>>)
    %jit3A_1069 = arith.constant 128 : i32
    %eq3A_1070 = arith.constant 0 : i32
    %eq3A_1071 = arith.cmpi eq, %jit3A_1069, %eq3A_1070 : i32
    %jit3A_1072 = arith.constant 1 : i32
    %select_n3A_1073 = arith.select %eq3A_1071, %jit3A_1072, %jit3A_1069 : i32
    %rem3A_1074 = arith.remsi %squeeze3A_1062, %select_n3A_1073 : i32
    %ne3A_1075 = arith.constant 0 : i32
    %ne3A_1076 = arith.cmpi ne, %rem3A_1074, %ne3A_1075 : i32
    %lt3A_1077 = arith.constant 0 : i32
    %lt3A_1078 = arith.cmpi slt, %rem3A_1074, %lt3A_1077 : i32
    %lt3A_1079 = arith.constant 0 : i32
    %lt3A_1080 = arith.cmpi slt, %select_n3A_1073, %lt3A_1079 : i32
    %ne3A_1081 = arith.xori %lt3A_1078, %lt3A_1080 : i1
    %and3A_1082 = arith.andi %ne3A_1081, %ne3A_1076 : i1
    %add3A_1083 = arith.addi %rem3A_1074, %select_n3A_1073 : i32
    %select_n3A_1084 = arith.select %and3A_1082, %add3A_1083, %rem3A_1074 : i32
    %broadcast_in_dim3A_1085 = vector.broadcast %select_n3A_1084 : i32 to vector<16xi32>
    %gather3A_1086 = tpu.vector_load_idx %arg13[%add3A_1, %broadcast_in_dim3A_1085] : memref<50x128xf32, #tpu.memory_space<vmem>>[vector<16xi32>, vector<16xi32>], vector<16xf32>,
    %swap3A_1087 = arith.constant 32640 : index
    %swap3A_1088 = tpu.vector_load %arg6[%swap3A_1087] {strides = array<i32>} : memref<32768xf32, #tpu.memory_space<vmem>>, vector<16xf32>,
    tpu.vector_store %arg6[%swap3A_1087], %gather3A_1086 {strides = array<i32>} : memref<32768xf32, #tpu.memory_space<vmem>>, vector<16xf32>,
    %gather3A_1089 = tpu.vector_load_idx %arg13[%add3A_5, %broadcast_in_dim3A_1085] : memref<50x128xf32, #tpu.memory_space<vmem>>[vector<16xi32>, vector<16xi32>], vector<16xf32>,
    %swap3A_1090 = arith.constant 32656 : index
    %swap3A_1091 = tpu.vector_load %arg6[%swap3A_1090] {strides = array<i32>} : memref<32768xf32, #tpu.memory_space<vmem>>, vector<16xf32>,
    tpu.vector_store %arg6[%swap3A_1090], %gather3A_1089 {strides = array<i32>} : memref<32768xf32, #tpu.memory_space<vmem>>, vector<16xf32>,
    %gather3A_1092 = tpu.vector_load_idx %arg13[%add3A_9, %broadcast_in_dim3A_1085] : memref<50x128xf32, #tpu.memory_space<vmem>>[vector<16xi32>, vector<16xi32>], vector<16xf32>,
    %swap3A_1093 = arith.constant 32672 : index
    %swap3A_1094 = tpu.vector_load %arg6[%swap3A_1093] {strides = array<i32>} : memref<32768xf32, #tpu.memory_space<vmem>>, vector<16xf32>,
    tpu.vector_store %arg6[%swap3A_1093], %gather3A_1092 {strides = array<i32>} : memref<32768xf32, #tpu.memory_space<vmem>>, vector<16xf32>,
    %gather3A_1095 = tpu.vector_load_idx %arg13[%select_n3A, %broadcast_in_dim3A_1085] : memref<50x128xf32, #tpu.memory_space<vmem>>[vector<16xi32>, vector<16xi32>], vector<16xf32>,
    %swap3A_1096 = arith.constant 32688 : index
    %swap3A_1097 = tpu.vector_load %arg6[%swap3A_1096] {strides = array<i32>} : memref<32768xf32, #tpu.memory_space<vmem>>, vector<16xf32>,
    tpu.vector_store %arg6[%swap3A_1096], %gather3A_1095 {strides = array<i32>} : memref<32768xf32, #tpu.memory_space<vmem>>, vector<16xf32>,
    %slice3A_1098 = vector.extract_strided_slice %get3A_282 {offsets = [15], sizes = [1], strides = [1]} : vector<16xi32> to vector<1xi32>
    %squeeze3A_1099 = vector.extract %slice3A_1098[0] : i32 from vector<1xi32>
    %dma_wait3A_1100 = arith.constant 0 : i32
    %dma_wait3A_1101 = arith.constant 0 : i32
    %dma_wait3A_1102 = tpu.memref_slice %arg3[%dma_wait3A_1100, %dma_wait3A_1101] : memref<50x1000000xf32, #tpu.memory_space<hbm>> -> memref<50x128xf32, #tpu.memory_space<hbm>>
    %dma_wait3A_1103 = arith.constant 0 : i32
    %dma_wait3A_1104 = arith.constant 0 : i32
    %dma_wait3A_1105 = tpu.memref_slice %arg3[%dma_wait3A_1103, %dma_wait3A_1104] : memref<50x1000000xf32, #tpu.memory_space<hbm>> -> memref<50x128xf32, #tpu.memory_space<hbm>>
    tpu.wait_dma2 semaphore(%arg22 : memref<!tpu.dma_semaphore, #tpu.memory_space<semaphore_mem>>) src(%dma_wait3A_1105 : memref<50x128xf32, #tpu.memory_space<hbm>>) dst(%arg14 : memref<50x128xf32, #tpu.memory_space<vmem>>)
    %jit3A_1106 = arith.constant 128 : i32
    %eq3A_1107 = arith.constant 0 : i32
    %eq3A_1108 = arith.cmpi eq, %jit3A_1106, %eq3A_1107 : i32
    %jit3A_1109 = arith.constant 1 : i32
    %select_n3A_1110 = arith.select %eq3A_1108, %jit3A_1109, %jit3A_1106 : i32
    %rem3A_1111 = arith.remsi %squeeze3A_1099, %select_n3A_1110 : i32
    %ne3A_1112 = arith.constant 0 : i32
    %ne3A_1113 = arith.cmpi ne, %rem3A_1111, %ne3A_1112 : i32
    %lt3A_1114 = arith.constant 0 : i32
    %lt3A_1115 = arith.cmpi slt, %rem3A_1111, %lt3A_1114 : i32
    %lt3A_1116 = arith.constant 0 : i32
    %lt3A_1117 = arith.cmpi slt, %select_n3A_1110, %lt3A_1116 : i32
    %ne3A_1118 = arith.xori %lt3A_1115, %lt3A_1117 : i1
    %and3A_1119 = arith.andi %ne3A_1118, %ne3A_1113 : i1
    %add3A_1120 = arith.addi %rem3A_1111, %select_n3A_1110 : i32
    %select_n3A_1121 = arith.select %and3A_1119, %add3A_1120, %rem3A_1111 : i32
    %broadcast_in_dim3A_1122 = vector.broadcast %select_n3A_1121 : i32 to vector<16xi32>
    %gather3A_1123 = tpu.vector_load_idx %arg14[%add3A_1, %broadcast_in_dim3A_1122] : memref<50x128xf32, #tpu.memory_space<vmem>>[vector<16xi32>, vector<16xi32>], vector<16xf32>,
    %swap3A_1124 = arith.constant 32704 : index
    %swap3A_1125 = tpu.vector_load %arg6[%swap3A_1124] {strides = array<i32>} : memref<32768xf32, #tpu.memory_space<vmem>>, vector<16xf32>,
    tpu.vector_store %arg6[%swap3A_1124], %gather3A_1123 {strides = array<i32>} : memref<32768xf32, #tpu.memory_space<vmem>>, vector<16xf32>,
    %gather3A_1126 = tpu.vector_load_idx %arg14[%add3A_5, %broadcast_in_dim3A_1122] : memref<50x128xf32, #tpu.memory_space<vmem>>[vector<16xi32>, vector<16xi32>], vector<16xf32>,
    %swap3A_1127 = arith.constant 32720 : index
    %swap3A_1128 = tpu.vector_load %arg6[%swap3A_1127] {strides = array<i32>} : memref<32768xf32, #tpu.memory_space<vmem>>, vector<16xf32>,
    tpu.vector_store %arg6[%swap3A_1127], %gather3A_1126 {strides = array<i32>} : memref<32768xf32, #tpu.memory_space<vmem>>, vector<16xf32>,
    %gather3A_1129 = tpu.vector_load_idx %arg14[%add3A_9, %broadcast_in_dim3A_1122] : memref<50x128xf32, #tpu.memory_space<vmem>>[vector<16xi32>, vector<16xi32>], vector<16xf32>,
    %swap3A_1130 = arith.constant 32736 : index
    %swap3A_1131 = tpu.vector_load %arg6[%swap3A_1130] {strides = array<i32>} : memref<32768xf32, #tpu.memory_space<vmem>>, vector<16xf32>,
    tpu.vector_store %arg6[%swap3A_1130], %gather3A_1129 {strides = array<i32>} : memref<32768xf32, #tpu.memory_space<vmem>>, vector<16xf32>,
    %gather3A_1132 = tpu.vector_load_idx %arg14[%select_n3A, %broadcast_in_dim3A_1122] : memref<50x128xf32, #tpu.memory_space<vmem>>[vector<16xi32>, vector<16xi32>], vector<16xf32>,
    %swap3A_1133 = arith.constant 32752 : index
    %swap3A_1134 = tpu.vector_load %arg6[%swap3A_1133] {strides = array<i32>} : memref<32768xf32, #tpu.memory_space<vmem>>, vector<16xf32>,
    tpu.vector_store %arg6[%swap3A_1133], %gather3A_1132 {strides = array<i32>} : memref<32768xf32, #tpu.memory_space<vmem>>, vector<16xf32>,
    %mul3A_1135 = arith.constant 64 : i32
    %mul3A_1136 = arith.muli %mul3A_19, %mul3A_1135 : i32
    "tpu.region"() ({
      %run_scoped3A = tpu.sem_alloc : memref<!tpu.dma_semaphore, #tpu.memory_space<semaphore_mem>>
      %dma_start3A_1137 = tpu.memref_slice %arg4[%mul3A_1136] : memref<1048576xf32, #tpu.memory_space<hbm>> -> memref<32768xf32, #tpu.memory_space<hbm>>
      %dma_start3A_1138 = tpu.memref_slice %arg4[%mul3A_1136] : memref<1048576xf32, #tpu.memory_space<hbm>> -> memref<32768xf32, #tpu.memory_space<hbm>>
      tpu.enqueue_dma source(%arg6 : memref<32768xf32, #tpu.memory_space<vmem>>) target(%dma_start3A_1138 : memref<32768xf32, #tpu.memory_space<hbm>>) target_semaphore(%run_scoped3A : memref<!tpu.dma_semaphore, #tpu.memory_space<semaphore_mem>>)
      %dma_wait3A_1139 = tpu.memref_slice %arg4[%mul3A_1136] : memref<1048576xf32, #tpu.memory_space<hbm>> -> memref<32768xf32, #tpu.memory_space<hbm>>
      %dma_wait3A_1140 = tpu.memref_slice %arg4[%mul3A_1136] : memref<1048576xf32, #tpu.memory_space<hbm>> -> memref<32768xf32, #tpu.memory_space<hbm>>
      tpu.wait_dma2 semaphore(%run_scoped3A : memref<!tpu.dma_semaphore, #tpu.memory_space<semaphore_mem>>) src(%arg6 : memref<32768xf32, #tpu.memory_space<vmem>>) dst(%dma_wait3A_1140 : memref<32768xf32, #tpu.memory_space<hbm>>)
      tpu.yield
    }) : () -> ()
    return
  }
}

module attributes {stable_mosaic.version = 14 : i64} {
  func.func @_tc_body(%arg0: i32, %arg1: memref<2048x64xf32, #tpu.memory_space<vmem>>, %arg2: memref<2048x50xf32, #tpu.memory_space<vmem>>, %arg3: memref<2048x50xf32, #tpu.memory_space<vmem>>, %arg4: memref<2048x50xf32, #tpu.memory_space<vmem>>, %arg5: memref<2048x50xf32, #tpu.memory_space<vmem>>, %arg6: memref<200x50xf32, #tpu.memory_space<vmem>>, %arg7: memref<1x50xf32, #tpu.memory_space<vmem>>, %arg8: memref<2048x1xf32, #tpu.memory_space<vmem>>) attributes {dimension_semantics = [#tpu.dimension_semantics<arbitrary>], iteration_bounds = array<i64: 8>, scalar_prefetch = 0 : i64, scratch_operands = 0 : i64, tpu.core_type = #tpu.core_type<tc>, window_params = [{transform_indices = @transform_0, window_bounds = array<i64: 2048, 64>}, {transform_indices = @transform_1, window_bounds = array<i64: 2048, 50>}, {transform_indices = @transform_2, window_bounds = array<i64: 2048, 50>}, {transform_indices = @transform_3, window_bounds = array<i64: 2048, 50>}, {transform_indices = @transform_4, window_bounds = array<i64: 2048, 50>}, {pipeline_mode = #tpu.pipeline_mode<synchronous>, transform_indices = @transform_5, window_bounds = array<i64: 200, 50>}, {pipeline_mode = #tpu.pipeline_mode<synchronous>, transform_indices = @transform_6, window_bounds = array<i64: 1, 50>}, {transform_indices = @transform_7, window_bounds = array<i64: 2048, 1>}]} {
    %get3A = arith.constant 0 : index
    %get3A_0 = arith.constant 0 : index
    %get3A_1 = vector.load %arg6[%get3A, %get3A_0] : memref<200x50xf32, #tpu.memory_space<vmem>>, vector<200x50xf32>
    %get3A_2 = arith.constant 0 : index
    %get3A_3 = arith.constant 0 : index
    %get3A_4 = vector.load %arg1[%get3A_2, %get3A_3] : memref<2048x64xf32, #tpu.memory_space<vmem>>, vector<2048x64xf32>
    %slice3A = vector.extract_strided_slice %get3A_4 {offsets = [0, 0], sizes = [2048, 50], strides = [1, 1]} : vector<2048x64xf32> to vector<2048x50xf32>
    %get3A_5 = arith.constant 0 : index
    %get3A_6 = arith.constant 0 : index
    %get3A_7 = vector.load %arg2[%get3A_5, %get3A_6] : memref<2048x50xf32, #tpu.memory_space<vmem>>, vector<2048x50xf32>
    %slice3A_8 = vector.extract_strided_slice %get3A_1 {offsets = [0, 0], sizes = [50, 50], strides = [1, 1]} : vector<200x50xf32> to vector<50x50xf32>
    %dot_general3A = arith.constant dense<0.000000e+00> : vector<2048x50xf32>
    %dot_general3A_9 = tpu.matmul %get3A_7, %slice3A_8, %dot_general3A {dimension_numbers = #tpu.dot_dimension_numbers<[1], [0], [0], [1], [0, 0, 1, 1], [], []>, transpose_lhs_hint = false} : vector<2048x50xf32>, vector<50x50xf32>, vector<2048x50xf32> -> vector<2048x50xf32>
    %get3A_10 = arith.constant 0 : index
    %get3A_11 = arith.constant 0 : index
    %get3A_12 = vector.load %arg3[%get3A_10, %get3A_11] : memref<2048x50xf32, #tpu.memory_space<vmem>>, vector<2048x50xf32>
    %slice3A_13 = vector.extract_strided_slice %get3A_1 {offsets = [50, 0], sizes = [50, 50], strides = [1, 1]} : vector<200x50xf32> to vector<50x50xf32>
    %dot_general3A_14 = arith.constant dense<0.000000e+00> : vector<2048x50xf32>
    %dot_general3A_15 = tpu.matmul %get3A_12, %slice3A_13, %dot_general3A_14 {dimension_numbers = #tpu.dot_dimension_numbers<[1], [0], [0], [1], [0, 0, 1, 1], [], []>, transpose_lhs_hint = false} : vector<2048x50xf32>, vector<50x50xf32>, vector<2048x50xf32> -> vector<2048x50xf32>
    %add3A = arith.addf %dot_general3A_9, %dot_general3A_15 : vector<2048x50xf32>
    %get3A_16 = arith.constant 0 : index
    %get3A_17 = arith.constant 0 : index
    %get3A_18 = vector.load %arg4[%get3A_16, %get3A_17] : memref<2048x50xf32, #tpu.memory_space<vmem>>, vector<2048x50xf32>
    %slice3A_19 = vector.extract_strided_slice %get3A_1 {offsets = [100, 0], sizes = [50, 50], strides = [1, 1]} : vector<200x50xf32> to vector<50x50xf32>
    %dot_general3A_20 = arith.constant dense<0.000000e+00> : vector<2048x50xf32>
    %dot_general3A_21 = tpu.matmul %get3A_18, %slice3A_19, %dot_general3A_20 {dimension_numbers = #tpu.dot_dimension_numbers<[1], [0], [0], [1], [0, 0, 1, 1], [], []>, transpose_lhs_hint = false} : vector<2048x50xf32>, vector<50x50xf32>, vector<2048x50xf32> -> vector<2048x50xf32>
    %add3A_22 = arith.addf %add3A, %dot_general3A_21 : vector<2048x50xf32>
    %get3A_23 = arith.constant 0 : index
    %get3A_24 = arith.constant 0 : index
    %get3A_25 = vector.load %arg5[%get3A_23, %get3A_24] : memref<2048x50xf32, #tpu.memory_space<vmem>>, vector<2048x50xf32>
    %slice3A_26 = vector.extract_strided_slice %get3A_1 {offsets = [150, 0], sizes = [50, 50], strides = [1, 1]} : vector<200x50xf32> to vector<50x50xf32>
    %dot_general3A_27 = arith.constant dense<0.000000e+00> : vector<2048x50xf32>
    %dot_general3A_28 = tpu.matmul %get3A_25, %slice3A_26, %dot_general3A_27 {dimension_numbers = #tpu.dot_dimension_numbers<[1], [0], [0], [1], [0, 0, 1, 1], [], []>, transpose_lhs_hint = false} : vector<2048x50xf32>, vector<50x50xf32>, vector<2048x50xf32> -> vector<2048x50xf32>
    %add3A_29 = arith.addf %add3A_22, %dot_general3A_28 : vector<2048x50xf32>
    %get3A_30 = arith.constant 0 : index
    %get3A_31 = arith.constant 0 : index
    %get3A_32 = vector.load %arg7[%get3A_30, %get3A_31] : memref<1x50xf32, #tpu.memory_space<vmem>>, vector<1x50xf32>
    %add3A_33 = vector.broadcast %get3A_32 : vector<1x50xf32> to vector<2048x50xf32>
    %add3A_34 = arith.addf %add3A_29, %add3A_33 : vector<2048x50xf32>
    %neg3A = arith.constant 0.000000e+00 : f32
    %neg3A_35 = vector.broadcast %neg3A : f32 to vector<2048x50xf32>
    %neg3A_36 = arith.subf %neg3A_35, %add3A_34 : vector<2048x50xf32>
    %exp3A = math.exp %neg3A_36 : vector<2048x50xf32>
    %add3A_37 = arith.constant 1.000000e+00 : f32
    %add3A_38 = vector.broadcast %add3A_37 : f32 to vector<2048x50xf32>
    %add3A_39 = arith.addf %add3A_38, %exp3A : vector<2048x50xf32>
    %div3A = arith.constant 1.000000e+00 : f32
    %div3A_40 = vector.broadcast %div3A : f32 to vector<2048x50xf32>
    %div3A_41 = arith.divf %div3A_40, %add3A_39 : vector<2048x50xf32>
    %mul3A = arith.mulf %slice3A, %div3A_41 : vector<2048x50xf32>
    %reduce_sum3A = arith.constant dense<0.000000e+00> : vector<2048xf32>
    %reduce_sum3A_42 = vector.multi_reduction <add>, %mul3A, %reduce_sum3A [1] : vector<2048x50xf32> to vector<2048xf32>
    %broadcast_in_dim3A = vector.shape_cast %reduce_sum3A_42 : vector<2048xf32> to vector<2048x1xf32>
    %neg3A_43 = arith.constant 0.000000e+00 : f32
    %neg3A_44 = vector.broadcast %neg3A_43 : f32 to vector<2048x1xf32>
    %neg3A_45 = arith.subf %neg3A_44, %broadcast_in_dim3A : vector<2048x1xf32>
    %exp3A_46 = math.exp %neg3A_45 : vector<2048x1xf32>
    %add3A_47 = arith.constant 1.000000e+00 : f32
    %add3A_48 = vector.broadcast %add3A_47 : f32 to vector<2048x1xf32>
    %add3A_49 = arith.addf %add3A_48, %exp3A_46 : vector<2048x1xf32>
    %div3A_50 = arith.constant 1.000000e+00 : f32
    %div3A_51 = vector.broadcast %div3A_50 : f32 to vector<2048x1xf32>
    %div3A_52 = arith.divf %div3A_51, %add3A_49 : vector<2048x1xf32>
    %swap3A = arith.constant 0 : index
    %swap3A_53 = arith.constant 0 : index
    %swap3A_54 = vector.load %arg8[%swap3A, %swap3A_53] : memref<2048x1xf32, #tpu.memory_space<vmem>>, vector<2048x1xf32>
    tpu.vector_store %arg8[%swap3A, %swap3A_53], %div3A_52 {strides = array<i32>} : memref<2048x1xf32, #tpu.memory_space<vmem>>, vector<2048x1xf32>,
    return
  }
  func.func @transform_0(%arg0: i32) -> (i32, i32) {
    %c0_i32 = arith.constant 0 : i32
    %c0_i32_0 = arith.constant 0 : i32
    return %arg0, %c0_i32 : i32, i32
  }
  func.func @transform_1(%arg0: i32) -> (i32, i32) {
    %c0_i32 = arith.constant 0 : i32
    %c0_i32_0 = arith.constant 0 : i32
    return %arg0, %c0_i32 : i32, i32
  }
  func.func @transform_2(%arg0: i32) -> (i32, i32) {
    %c0_i32 = arith.constant 0 : i32
    %c0_i32_0 = arith.constant 0 : i32
    return %arg0, %c0_i32 : i32, i32
  }
  func.func @transform_3(%arg0: i32) -> (i32, i32) {
    %c0_i32 = arith.constant 0 : i32
    %c0_i32_0 = arith.constant 0 : i32
    return %arg0, %c0_i32 : i32, i32
  }
  func.func @transform_4(%arg0: i32) -> (i32, i32) {
    %c0_i32 = arith.constant 0 : i32
    %c0_i32_0 = arith.constant 0 : i32
    return %arg0, %c0_i32 : i32, i32
  }
  func.func @transform_5(%arg0: i32) -> (i32, i32) {
    %c0_i32 = arith.constant 0 : i32
    %c0_i32_0 = arith.constant 0 : i32
    %c0_i32_1 = arith.constant 0 : i32
    return %c0_i32, %c0_i32_0 : i32, i32
  }
  func.func @transform_6(%arg0: i32) -> (i32, i32) {
    %c0_i32 = arith.constant 0 : i32
    %c0_i32_0 = arith.constant 0 : i32
    %c0_i32_1 = arith.constant 0 : i32
    return %c0_i32, %c0_i32_0 : i32, i32
  }
  func.func @transform_7(%arg0: i32) -> (i32, i32) {
    %c0_i32 = arith.constant 0 : i32
    %c0_i32_0 = arith.constant 0 : i32
    return %arg0, %c0_i32 : i32, i32
  }
}

</mosaic_0001>

<sc_bundles>
// kernel: kernel.5.cloned.1.call-start
scs
__scs_entry_jumppad:
0x0: {  	(pc) =	sbr.rel $0x88, $3  }
0x1: {  	(tag) =	ssettag $0x0;
	lr =	simm.s32 $0x1  }
0x2: {  	[smem:$0x3F95] =	sst lr;
	_ =	strace $0xD0000000  }
0x3: {  	_ = 	snop  }
0x4: {  	_ = 	snop  }
0x5: {  	_ = 	snop  }
0x6: {  	_ = 	snop  }
0x7: {  	_ = 	snop  }
__scs_overlays_trampoline_lowered:
0x8: {  	[smem:$0x3FA4] =	sst s0  }
0x9: {  	[smem:$0x3FA5] =	sst s1  }
0xa: {  	[smem:$0x3FA6] =	sst s2  }
0xb: {  	[smem:$0x3FA7] =	sst s3  }
0xc: {  	[smem:$0x3FA8] =	sst s4  }
0xd: {  	[smem:$0x3FA9] =	sst s5  }
0xe: {  	[smem:$0x3FAA] =	sst s6  }
0xf: {  	[smem:$0x3FAB] =	sst s7  }
0x10: {  	[smem:$0x3FAC] =	sst s8  }
0x11: {  	[smem:$0x3FAD] =	sst s9;
	s0 =	simm.s32 @!p0 $0x0  }
0x12: {  	s1 =	sld [smem:$0x3F93];
	s0 =	simm.s32 @p0 $0x1  }
0x13: {  	[smem:$0x3FAE] =	sst s0;
	s0 =	simm.s32 @!p1 $0x0  }
0x14: {  	s2 =	sld [smem:$0x3F92];
	s0 =	simm.s32 @p1 $0x1  }
0x15: {  	[smem:$0x3FAF] =	sst s0;
	s0 =	simm.s32 @!p2 $0x0  }
0x16: {  	s3 =	sld [smem:$0x3FDB];
	s0 =	simm.s32 @p2 $0x1  }
0x17: {  	s4 =	simm.s32 $0x1BF5;
	[smem:$0x3FB1] =	sst s0  }
0x18: {  	s0 =	sld [smem:$0x3F94];
	_ =	swait.ge [sflag:s4], $0x0  }
0x19: {  	s7 =	sld [smem:$0x3F95]  }
0x1a: {  	s8 =	sadd.s32 $0xFFFFE003, lr  }
0x1b: {  	s9 =	sadd.s32 $0xFFFFFEF7, lr;
	s5 =	simm.s32 $0xFFFFFFFF;
	p2 =	slt.u32 s8, $0xFFFFF086  }
0x1c: {  	p1 =	slt.u32 s9, $0xF7A;
	s5 =	simm.s32 @!p2 $0x0  }
0x1d: {  	s5 =	simm.s32 @p1 $0x1;
	p0 =	seq.s32 s7, s2  }
0x1e: {  	s7 =	smul.u32 @!p0 $0xF7A, s2;
	p2 =	seq.s32 @!p0 s5, $0x0  }
0x1f: {  	s9 =	smul.u32 $0xF7A, s1;
	s8 =	simm.s32 @!p0 $0x1BF5;
	p2 =	por !p2, p0  }
0x20: {  	[sflag:s8] =	ssyncset.s32 @!p0 $0xFFFFF086;
	s6 =	sadd.s32 @!p0 s3, s7;
	s7 =	simm.s32 @!p0 $0x108  }
0x21: {  	s3 =	sadd.s32 s3, s9;
	s6 =	sadd.s32 @!p0 $0x88, s6;
	s7 =	simm.s32 @p2 $0x1082  }
0x22: {  	[simem:s7], [sflag:s8] =	dma.local @!p0 [hbm:s6], $0xF7A  }
0x23: {  	s9 =	sor.u32 $0xD0000000, s2;
	s6 =	simm.s32 $0x108;
	_ =	swait.ge @!p0 [sflag:s8], $0x0  }
0x24: {  	s3 =	sadd.s32 $0x88, s3;
	s6 =	simm.s32 @!p1 $0x1082;
	[sflag:s4] =	ssyncset.s32 $0xFFFFF086  }
0x25: {  	[simem:s6], [sflag:s4] =	dma.local [hbm:s3], $0xF7A  }
0x26: {  	[smem:$0x3F95] =	sst s1;
	(tag) =	ssettag s2;
	_ =	strace s9  }
0x27: {  	s1 =	sld [smem:$0x3FA5]  }
0x28: {  	s2 =	sld [smem:$0x3FA6]  }
0x29: {  	s4 =	sld [smem:$0x3FA8]  }
0x2a: {  	p0 =	seq.s32 s5, $0x0;
	s5 =	sld [smem:$0x3FA9]  }
0x2b: {  	s6 =	sld [smem:$0x3FAA]  }
0x2c: {  	s7 =	sld [smem:$0x3FAB]  }
0x2d: {  	s3 =	simm.s32 $0x108;
	s8 =	sld [smem:$0x3FAC]  }
0x2e: {  	s3 =	simm.s32 @!p0 $0x1082;
	s9 =	sld [smem:$0x3FAD]  }
0x2f: {  	lr =	sadd.s32 s0, s3;
	s0 =	sld [smem:$0x3FA4]  }
0x30: {  	s3 =	sld [smem:$0x3FA7]  }
0x31: {  	[smem:$0x3FB0] =	sst s10  }
0x32: {  	s10 =	sld [smem:$0x3FAE];
	_ =	sdelay $0x3  }
0x33: {  	p0 =	seq.s32 s10, $0x1;
	s10 =	sld [smem:$0x3FB0];
	_ =	sdelay $0x3  }
0x34: {  	[smem:$0x3FB0] =	sst s10  }
0x35: {  	s10 =	sld [smem:$0x3FAF];
	_ =	sdelay $0x3  }
0x36: {  	p1 =	seq.s32 s10, $0x1;
	s10 =	sld [smem:$0x3FB0];
	_ =	sdelay $0x3  }
0x37: {  	[smem:$0x3FB0] =	sst s10  }
0x38: {  	s10 =	sld [smem:$0x3FB1]  }
0x39: {  	_ = 	snop;
	(pc) =	sbr.ind lr, $3  }
0x3a: {  	_ = 	snop  }
0x3b: {  	_ = 	snop  }
0x3c: {  	p2 =	seq.s32 s10, $0x1;
	s10 =	sld [smem:$0x3FB0]  }
0x3d: {  	_ =	shalt  }
0x3e: {  	_ =	shalt  }
0x3f: {  	_ =	shalt  }
0x40: {  	_ =	shalt  }
0x41: {  	_ =	shalt  }
0x42: {  	_ =	shalt  }
0x43: {  	_ =	shalt  }
0x44: {  	_ =	shalt  }
0x45: {  	_ =	shalt  }
0x46: {  	_ =	shalt  }
0x47: {  	_ =	shalt  }
0x48: {  	_ =	shalt  }
0x49: {  	_ =	shalt  }
0x4a: {  	_ =	shalt  }
0x4b: {  	_ =	shalt  }
0x4c: {  	_ =	shalt  }
0x4d: {  	_ =	shalt  }
0x4e: {  	_ =	shalt  }
0x4f: {  	_ =	shalt  }
0x50: {  	_ =	shalt  }
0x51: {  	_ =	shalt  }
0x52: {  	_ =	shalt  }
0x53: {  	_ =	shalt  }
0x54: {  	_ =	shalt  }
0x55: {  	_ =	shalt  }
0x56: {  	_ =	shalt  }
0x57: {  	_ =	shalt  }
0x58: {  	_ =	shalt  }
0x59: {  	_ =	shalt  }
0x5a: {  	_ =	shalt  }
0x5b: {  	_ =	shalt  }
0x5c: {  	_ =	shalt  }
0x5d: {  	_ =	shalt  }
0x5e: {  	_ =	shalt  }
0x5f: {  	_ =	shalt  }
0x60: {  	_ =	shalt  }
0x61: {  	_ =	shalt  }
0x62: {  	_ =	shalt  }
0x63: {  	_ =	shalt  }
0x64: {  	_ =	shalt  }
0x65: {  	_ =	shalt  }
0x66: {  	_ =	shalt  }
0x67: {  	_ =	shalt  }
0x68: {  	_ =	shalt  }
0x69: {  	_ =	shalt  }
0x6a: {  	_ =	shalt  }
0x6b: {  	_ =	shalt  }
0x6c: {  	_ =	shalt  }
0x6d: {  	_ =	shalt  }
0x6e: {  	_ =	shalt  }
0x6f: {  	_ =	shalt  }
0x70: {  	_ =	shalt  }
0x71: {  	_ =	shalt  }
0x72: {  	_ =	shalt  }
0x73: {  	_ =	shalt  }
0x74: {  	_ =	shalt  }
0x75: {  	_ =	shalt  }
0x76: {  	_ =	shalt  }
0x77: {  	_ =	shalt  }
0x78: {  	_ =	shalt  }
0x79: {  	_ =	shalt  }
0x7a: {  	_ =	shalt  }
0x7b: {  	_ =	shalt  }
0x7c: {  	_ =	shalt  }
0x7d: {  	_ =	shalt  }
0x7e: {  	_ =	shalt  }
0x7f: {  	_ =	shalt  }
0x80: {  	_ =	shalt  }
0x81: {  	_ =	shalt  }
0x82: {  	_ =	shalt  }
0x83: {  	_ =	shalt  }
0x84: {  	_ =	shalt  }
0x85: {  	_ =	shalt  }
0x86: {  	_ =	shalt  }
0x87: {  	_ =	shalt  }
.Lfunc_end0:
.L_simem_size_0:
called_computation_lowered:
.L_overlay_start_0:
0x88: {  	s2 =	sld [smem:$0x3FD9]  }
0x89: {  	s3 =	sld [smem:$0x3FFE];
	_ =	sdelay $0x1  }
0x8a: {  	s1 =	srdreg.scid  }
0x8b: {  	s0 =	sand.u32 $0x1, s1  }
0x8c: {  	s17 =	sshll.u32 s0, $0xA;
	s2 =	sadd.s32 s3, s2  }
0x8d: {  	s2 =	sadd.s32 s2, s17  }
0x8e: {  	[smem:$0x3FBC] =	sst s2  }
0x8f: {  	_ = 	snop  }
0x90: {  	s2 =	sld [smem:$0x3FC9]  }
0x91: {  	s18 =	sld [smem:$0x3FC4];
	(tm) =	ssettm $0x1  }
0x92: {  	s4 =	sld [smem:$0x3FFB];
	_ =	sdelay $0x3  }
0x93: {  	_ =	strace s4  }
0x94: {  	s4 =	sld [smem:$0x3FFC];
	_ =	sdelay $0x3  }
0x95: {  	_ =	strace s4  }
0x96: {  	s4 =	sld [smem:$0x3FFD];
	_ =	sdelay $0x3  }
0x97: {  	_ =	strace s4  }
0x98: {  	_ =	strace $0x8FFFFFFF  }
0x99: {  	s19 =	sld [smem:$0x3FDB];
	_ =	sdelay $0x1  }
0x9a: {  	s5 =	simm.s32 $_scs_section_size  }
0x9b: {  	s6 =	simm.s32 $_size__tile_overlayer_lowered;
	s7 =	simm.s32 $_tile_overlayer_lowered  }
0x9c: {  	s22 =	simm.s32 $0x1BFF;
	s21 =	sshll.u32 s7, $0x1;
	s4 =	sadd.s32 s5, s19  }
0x9d: {  	s8 =	simm.s32 $0x0;
	s20 =	sshll.u32 s6, $0x1;
	s6 =	sadd.s32 s21, s4  }
0x9e: {  	[timem:s8], [sflag:s22] =	dma.local [hbm:s6], s20  }
0x9f: {  	_ =	swait.ge [sflag:s22], s20  }
0xa0: {  	s5 =	ssub.s32 $0x0, s20;
	[sflag:s22] =	ssyncset.done $0x0  }
0xa1: {  	[sflag:s22] =	ssyncadd.s32 s5;
	_ =	sdelay $0x1  }
0xa2: {  	s23 =	simm.s32 $0x1B8B  }
0xa3: {  	_ =	swait.ge [sflag:s23], $0x1  }
0xa4: {  	[sflag:s23] =	ssyncset.done $0x0  }
0xa5: {  	s25 =	simm.s32 $0x1B8E;
	s24 =	sld [smem:$0x3FFE];
	[sflag:s23] =	ssyncadd.s32 $0xFFFFFFFF  }
0xa6: {  	s26 =	simm.s32 $execute0_lowered;
	[smem:$0x3FD2] =	sst s25  }
0xa7: {  	s6 =	sshll.u32 s26, $0x1;
	_ =	strace $0x80000046;
	[dreg:$0x1] =	wrdreg $0xFFFFFFFF  }
0xa8: {  	s28 =	simm.s32 $_size_execute0_lowered;
	s4 =	sadd.s32 s4, s6;
	[dreg:$0x0] =	wrdreg $0x0  }
0xa9: {  	s6 =	sshll.u32 s28, $0x1;
	[dreg:$0x2] =	wrdreg s4  }
0xaa: {  	[dreg:$0x3] =	wrdreg s6  }
0xab: {  	[dreg:$0x4] =	wrdreg $0xC0  }
0xac: {  	_ =	task [dreg:s8], $0x5FFFF  }
0xad: {  	[dreg:$0x1] =	wrdreg $0xFFFFFFFF  }
0xae: {  	[dreg:$0x0] =	wrdreg $0x60  }
0xaf: {  	[dreg:$0x2] =	wrdreg s2  }
0xb0: {  	[dreg:$0x3] =	wrdreg s18  }
0xb1: {  	[dreg:$0x4] =	wrdreg s24  }
0xb2: {  	[dreg:$0x5] =	wrdreg $0x9  }
0xb3: {  	_ =	task.clear_ibuf [dreg:s8], $0x6FFFF;
	_ =	strace $0x90000046  }
0xb4: {  	s29 =	simm.s32 $0x9;
	_ =	strace $0x80000048  }
0xb5: {  	_ =	swait.ge [sflag:s29], $0x1  }
0xb6: {  	[sflag:s29] =	ssyncadd.s32 $0xFFFFFFFF  }
0xb7: {  	_ =	strace $0x90000048  }
0xb8: {  	_ =	sfence  }
0xb9: {  	s30 =	sld [smem:$0x0];
	_ =	sdelay $0x2  }
0xba: {  	s31 =	sshll.u32 s1, $0xD;
	s1 =	sshrl.u32 s1, $0x2  }
0xbb: {  	s3 =	sand.u32 $0x4000, s31;
	s1 =	sadd.s32 s1, s30  }
0xbc: {  	s0 =	sor.u32 s3, s0;
	s1 =	sshll.u32 s1, $0x11  }
0xbd: {  	s0 =	sor.u32 s1, s0  }
0xbe: {  	s0 =	sadd.s32 $0x8F2B, s0  }
0xbf: {  	[sflag:s0] =	ssyncadd.remote.s32 $0x1  }
0xc0: {  	_ =	sfence.sel $0xFFFF  }
0xc1: {  	[dreg:$0x0] =	wrdreg $0xFFFFFFFF;
	(pc) =	sbr.abs _section_cstart, $3  }
0xc2: {  	[dreg:$0x1] =	wrdreg $0xFFFFFFFF  }
0xc3: {  	_ =	task.clear_ibuf [dreg:s8], $0x2FFFF;
	_ =	strace $0x9FFFFFFF  }
0xc4: {  	(tm) =	ssettm $0x7FFFFFFF  }
0xc5: {  	_ =	shalt  }
tec
execute0_lowered:
.L_overlay_start_1:
0x0: {  	(tag) =	ssettag $0x1  }
0x1: {  	s0 =	rddreg [dreg:$0x0]  }
0x2: {  	s1 =	rddreg [dreg:$0x2]  }
0x3: {  	s2 =	srdreg.scid;
	s5 =	stileid.u32;
	s3 =	simm.s32 $0x0  }
0x4: {  	s8 =	simm.s32 $0x8200;
	s28 =	simm.s32 $0x9E00;
	s12 =	simm.s32 $0xB600  }
0x5: {  	s7 =	simm.s32 $0xBA00;
	s16 =	simm.s32 $0xD200;
	s11 =	simm.s32 $0xD600  }
0x6: {  	s18 =	simm.s32 $0xEE00;
	s21 =	simm.s32 $0xF200;
	s14 =	simm.s32 $0x10A00  }
0x7: {  	s13 =	simm.s32 $0x10E00;
	s10 =	simm.s32 $0x12600;
	s15 =	simm.s32 $0x12A00  }
0x8: {  	s30 =	simm.s32 $0x14200;
	s23 =	simm.s32 $0x15E00;
	s29 =	simm.s32 $0x2  }
0x9: {  	s2 =	sand.u32 $0x1, s2;
	s5 =	sshll.u32 s5, $0x1;
	[smem:$0x7FF] =	sst s3  }
0xa: {  	s17 =	simm.s32 $0x0;
	s5 =	sor.u32 s2, s5;
	_ =	strace $0x80000047  }
0xb: {  	s2 =	ssub.s32 $0x2, s2;
	s6 =	sshll.u32 s5, $0xC;
	s5 =	sshll.u32 s5, $0x6  }
0xc: {  	v0 =	vlaneseq.u32;
	s25 =	sshrl.u32 s2, $0x1;
	s1 =	sadd.s32 s6, s1;
	s0 =	sadd.s32 s0, s5  }
0xd: {  	v1 =	vimm.s32 $0x0;
	vm0 =	vcmask $0x300;
	v0 =	vmul.u32 $0x80, v0;
	s2 =	ssub.s32 s2, s25;
	[dreg:$0x4] =	wrdreg s0;
	s26 =	sadd.s32 $0x1400, s1  }
0xe: {  	vm15 =	vcmask $0x704;
	v3 =	vsel vm0, $0x1800, v1;
	s6 =	simm.s32 $0x9;
	s31 =	smax.u32 s2, $0x1;
	[dreg:$0x5] =	wrdreg s26  }
0xf: {  	v3 =	vsel vm15, $0x1880, v3;
	v1 =	vor.u32 $0x800, v0;
	v2 =	vor.u32 $0x1000, v0;
	s25 =	simm.s32 $0x1;
	s2 =	simm.s32 $0x14600;
	[dreg:$0x6] =	wrdreg s31  }
.LBB2_1:
0x10: {  	[dreg:$0x7] =	wrdreg s17  }
0x11: {  	s5 =	rddreg [dreg:$0x4];
	s3 =	simm.s32 $0x0  }
0x12: {  	[tilespmem:s3], [sflag:$0x9] =	stream.linear.gather [hbm4b:s5+s3], $0x200, $0x38;
	[tilespmem:$0x16200] =	vst v63  }
0x13: {  	_ =	swait.ge [sflag:s6], $0x200  }
0x14: {  	[sflag:s6] =	ssyncset.done $0x0  }
0x15: {  	[sflag:s6] =	ssyncadd.s32 $0xFFFFFE00  }
0x16: {  	v4 =	vld [tilespmem:$0x0];
	_ =	sdelay $0x4  }
0x17: {  	(v2sf) =	vpush v4, $0x0;
	_ =	sdelay $0x5  }
0x18: {  	(v2sf) =	vpush v4, $0x1;
	_ =	sdelay $0x8  }
0x19: {  	s4 =	spop (v2sf)  }
0x1a: {  	s9 =	sand.u32 $0x7F, s4  }
0x1b: {  	s17 =	sshra.s32 s4, $0x1F;
	p1 =	slt.s32 s4, $0x1;
	p0 =	sne.s32 s9, $0x0  }
0x1c: {  	(v2sf) =	vpush v4, $0x2;
	s6 =	sshrl.u32 s17, $0x19;
	p0 =	por !p1, !p0  }
0x1d: {  	s5 =	sadd.s32 s6, s4;
	s6 =	simm.s32 $0x1;
	p0 =	por !p0, !p0  }
0x1e: {  	s1 =	simm.s32 $0x400;
	s5 =	sshrl.u32 s5, $0x7;
	s6 =	simm.s32 @!p0 $0x0  }
0x1f: {  	s19 =	simm.s32 $0x9A00;
	s20 =	spop (v2sf);
	s5 =	ssub.s32 s5, s6  }
0x20: {  	s0 =	rddreg [dreg:$0x1];
	s22 =	sand.u32 $0x7F, s20;
	s5 =	sshll.u32 s5, $0x7  }
0x21: {  	s24 =	sshra.s32 s20, $0x1F;
	p6 =	slt.s32 s20, $0x1;
	s5 =	sand.u32 $0x1FFFFF80, s5  }
0x22: {  	s4 =	simm.s32 $0x7A1400;
	p5 =	sne.s32 s22, $0x0;
	s5 =	sadd.s32 s0, s5  }
0x23: {  	[tilespmem:s8], [sflag:$0x1] =	stream.strided.gather [hbm4b:s5+s1], $0x1800, s4, s1, $0x38;
	[tilespmem:$0x16200] =	vst v63  }
0x24: {  	p0 =	por !p6, !p5;
	s6 =	sshrl.u32 s24, $0x19;
	s5 =	sadd.s32 $0x5B8F00, s5  }
0x25: {  	(v2sf) =	vpush v4, $0x3;
	[tilespmem:s19], [sflag:$0x1] =	stream.linear.gather [hbm4b:s5+s3], $0x100, $0x38;
	[tilespmem:$0x16200] =	vst v63  }
0x26: {  	p0 =	por !p0, !p0;
	s5 =	sadd.s32 s6, s20;
	s6 =	simm.s32 $0x1  }
0x27: {  	s5 =	sshrl.u32 s5, $0x7;
	s6 =	simm.s32 @!p0 $0x0  }
0x28: {  	s5 =	ssub.s32 s5, s6  }
0x29: {  	s5 =	sshll.u32 s5, $0x7  }
0x2a: {  	s5 =	sand.u32 $0x1FFFFF80, s5  }
0x2b: {  	s26 =	spop (v2sf);
	s5 =	sadd.s32 s0, s5  }
0x2c: {  	[tilespmem:s28], [sflag:$0x2] =	stream.strided.gather [hbm4b:s5+s1], $0x1800, s4, s1, $0x38;
	[tilespmem:$0x16200] =	vst v63  }
0x2d: {  	s31 =	sshra.s32 s26, $0x1F;
	s28 =	sand.u32 $0x7F, s26  }
0x2e: {  	p2 =	slt.s32 s26, $0x1;
	s5 =	sadd.s32 $0x5B8F00, s5;
	p1 =	sne.s32 s28, $0x0  }
0x2f: {  	[tilespmem:s12], [sflag:$0x2] =	stream.linear.gather [hbm4b:s5+s3], $0x100, $0x38;
	[tilespmem:$0x16200] =	vst v63  }
0x30: {  	(v2sf) =	vpush v4, $0x4;
	s6 =	sshrl.u32 s31, $0x19;
	p0 =	por !p2, !p1  }
0x31: {  	s5 =	sadd.s32 s6, s26;
	s6 =	simm.s32 $0x1;
	p0 =	por !p0, !p0  }
0x32: {  	s5 =	sshrl.u32 s5, $0x7;
	s6 =	simm.s32 @!p0 $0x0  }
0x33: {  	s5 =	ssub.s32 s5, s6  }
0x34: {  	s8 =	spop (v2sf);
	s5 =	sshll.u32 s5, $0x7  }
0x35: {  	s9 =	sand.u32 $0x7F, s8;
	p4 =	slt.s32 s8, $0x1;
	s5 =	sand.u32 $0x1FFFFF80, s5  }
0x36: {  	p3 =	sne.s32 s9, $0x0;
	s12 =	sshra.s32 s8, $0x1F;
	s5 =	sadd.s32 s0, s5  }
0x37: {  	[tilespmem:s7], [sflag:$0x3] =	stream.strided.gather [hbm4b:s5+s1], $0x1800, s4, s1, $0x38;
	[tilespmem:$0x16200] =	vst v63  }
0x38: {  	p0 =	por !p4, !p3;
	s6 =	sshrl.u32 s12, $0x19;
	s5 =	sadd.s32 $0x5B8F00, s5  }
0x39: {  	[tilespmem:s16], [sflag:$0x3] =	stream.linear.gather [hbm4b:s5+s3], $0x100, $0x38;
	[tilespmem:$0x16200] =	vst v63  }
0x3a: {  	(v2sf) =	vpush v4, $0x5;
	p0 =	por !p0, !p0;
	s5 =	sadd.s32 s6, s8;
	s6 =	simm.s32 $0x1  }
0x3b: {  	s5 =	sshrl.u32 s5, $0x7;
	s6 =	simm.s32 @!p0 $0x0  }
0x3c: {  	s5 =	ssub.s32 s5, s6  }
0x3d: {  	s5 =	sshll.u32 s5, $0x7  }
0x3e: {  	s5 =	sand.u32 $0x1FFFFF80, s5  }
0x3f: {  	s16 =	spop (v2sf);
	s5 =	sadd.s32 s0, s5  }
0x40: {  	[tilespmem:s11], [sflag:$0x4] =	stream.strided.gather [hbm4b:s5+s1], $0x1800, s4, s1, $0x38;
	[tilespmem:$0x16200] =	vst v63  }
0x41: {  	s17 =	sand.u32 $0x7F, s16;
	s5 =	sadd.s32 $0x5B8F00, s5  }
0x42: {  	[tilespmem:s18], [sflag:$0x4] =	stream.linear.gather [hbm4b:s5+s3], $0x100, $0x38;
	[tilespmem:$0x16200] =	vst v63  }
0x43: {  	p6 =	slt.s32 s16, $0x1;
	p5 =	sne.s32 s17, $0x0;
	s18 =	sshra.s32 s16, $0x1F  }
0x44: {  	(v2sf) =	vpush v4, $0x6;
	p0 =	por !p6, !p5;
	s6 =	sshrl.u32 s18, $0x19  }
0x45: {  	p0 =	por !p0, !p0;
	s5 =	sadd.s32 s6, s16;
	s6 =	simm.s32 $0x1  }
0x46: {  	s5 =	sshrl.u32 s5, $0x7;
	s6 =	simm.s32 @!p0 $0x0  }
0x47: {  	s5 =	ssub.s32 s5, s6  }
0x48: {  	s5 =	sshll.u32 s5, $0x7  }
0x49: {  	s19 =	spop (v2sf);
	s5 =	sand.u32 $0x1FFFFF80, s5  }
0x4a: {  	s20 =	sand.u32 $0x7F, s19;
	s5 =	sadd.s32 s0, s5  }
0x4b: {  	[tilespmem:s21], [sflag:$0x5] =	stream.strided.gather [hbm4b:s5+s1], $0x1800, s4, s1, $0x38;
	[tilespmem:$0x16200] =	vst v63  }
0x4c: {  	p2 =	slt.s32 s19, $0x1;
	p1 =	sne.s32 s20, $0x0;
	s21 =	sshra.s32 s19, $0x1F  }
0x4d: {  	p0 =	por !p2, !p1;
	s5 =	sadd.s32 $0x5B8F00, s5;
	s6 =	sshrl.u32 s21, $0x19  }
0x4e: {  	[tilespmem:s14], [sflag:$0x5] =	stream.linear.gather [hbm4b:s5+s3], $0x100, $0x38;
	[tilespmem:$0x16200] =	vst v63  }
0x4f: {  	p0 =	por !p0, !p0;
	s5 =	sadd.s32 s6, s19;
	s6 =	simm.s32 $0x1  }
0x50: {  	s5 =	sshrl.u32 s5, $0x7;
	s6 =	simm.s32 @!p0 $0x0  }
0x51: {  	(v2sf) =	vpush v4, $0x7;
	s5 =	ssub.s32 s5, s6  }
0x52: {  	s5 =	sshll.u32 s5, $0x7  }
0x53: {  	s22 =	spop (v2sf);
	s5 =	sand.u32 $0x1FFFFF80, s5  }
0x54: {  	s24 =	sand.u32 $0x7F, s22;
	s26 =	sshra.s32 s22, $0x1F;
	s5 =	sadd.s32 s0, s5  }
0x55: {  	[tilespmem:s13], [sflag:$0x6] =	stream.strided.gather [hbm4b:s5+s1], $0x1800, s4, s1, $0x38;
	[tilespmem:$0x16200] =	vst v63  }
0x56: {  	p4 =	slt.s32 s22, $0x1;
	p3 =	sne.s32 s24, $0x0;
	s5 =	sadd.s32 $0x5B8F00, s5  }
0x57: {  	[tilespmem:s10], [sflag:$0x6] =	stream.linear.gather [hbm4b:s5+s3], $0x100, $0x38;
	[tilespmem:$0x16200] =	vst v63  }
0x58: {  	p0 =	por !p4, !p3;
	s5 =	sshrl.u32 s26, $0x19  }
0x59: {  	p0 =	por !p0, !p0;
	s6 =	simm.s32 $0x1;
	s5 =	sadd.s32 s5, s22  }
0x5a: {  	s6 =	simm.s32 @!p0 $0x0;
	s5 =	sshrl.u32 s5, $0x7  }
0x5b: {  	s5 =	ssub.s32 s5, s6  }
0x5c: {  	s5 =	sshll.u32 s5, $0x7  }
0x5d: {  	s5 =	sand.u32 $0x1FFFFF80, s5  }
0x5e: {  	s5 =	sadd.s32 s0, s5  }
0x5f: {  	[tilespmem:s15], [sflag:$0x7] =	stream.strided.gather [hbm4b:s5+s1], $0x1800, s4, s1, $0x38;
	[tilespmem:$0x16200] =	vst v63  }
0x60: {  	s28 =	spop (v2sf);
	s5 =	sadd.s32 $0x5B8F00, s5  }
0x61: {  	[tilespmem:s30], [sflag:$0x7] =	stream.linear.gather [hbm4b:s5+s3], $0x100, $0x38;
	[tilespmem:$0x16200] =	vst v63  }
0x62: {  	s30 =	sand.u32 $0x7F, s28  }
0x63: {  	s31 =	sshra.s32 s28, $0x1F;
	p6 =	slt.s32 s28, $0x1;
	p5 =	sne.s32 s30, $0x0  }
0x64: {  	s6 =	sshrl.u32 s31, $0x19;
	p0 =	por !p6, !p5  }
0x65: {  	s5 =	sadd.s32 s6, s28;
	s6 =	simm.s32 $0x1;
	p0 =	por !p0, !p0  }
0x66: {  	s5 =	sshrl.u32 s5, $0x7;
	s6 =	simm.s32 @!p0 $0x0  }
0x67: {  	s5 =	ssub.s32 s5, s6  }
0x68: {  	s5 =	sshll.u32 s5, $0x7  }
0x69: {  	s5 =	sand.u32 $0x1FFFFF80, s5  }
0x6a: {  	s5 =	sadd.s32 s0, s5  }
0x6b: {  	[tilespmem:s2], [sflag:$0x8] =	stream.strided.gather [hbm4b:s5+s1], $0x1800, s4, s1, $0x38;
	[tilespmem:$0x16200] =	vst v63  }
0x6c: {  	s7 =	simm.s32 $0x0;
	s6 =	simm.s32 $0x400;
	s5 =	sadd.s32 $0x5B8F00, s5  }
0x6d: {  	[tilespmem:s23], [sflag:$0x8] =	stream.linear.gather [hbm4b:s5+s3], $0x100, $0x38;
	[tilespmem:$0x16200] =	vst v63  }
.LBB2_2:
0x6e: {  	s5 =	sshra.s32 s7, $0x2  }
0x6f: {  	v5 =	vld [tilespmem:s5+$0x0];
	_ =	sdelay $0x4  }
0x70: {  	(v2sf) =	vpush v5, $0x0;
	_ =	sdelay $0xe  }
0x71: {  	s11 =	spop (v2sf)  }
0x72: {  	v4 =	vld [tilespmem:s5+$0x10];
	s11 =	sand.u32 $0x7F, s11;
	_ =	swait.ge [sflag:s25], $0x1900  }
0x73: {  	v6 =	vor.u32 s11, v0;
	(v2sf) =	vpush v5, $0x8;
	_ =	sdelay $0x2  }
0x74: {  	[sflag:s25] =	ssyncset.done $0x0  }
0x75: {  	s12 =	simm.s32 $0x8200;
	[sflag:s25] =	ssyncadd.s32 $0xFFFFE700  }
0x76: {  	v6 =	vld.idx.msk [tilespmem:v6+s12+$0x0], $0xffff  }
0x77: {  	v7 =	vor.u32 s11, v1;
	_ =	sdelay $0x3  }
0x78: {  	[tilespmem:s6+$0xFFFFFE00] =	vst v6  }
0x79: {  	v6 =	vld.idx.msk [tilespmem:v7+s12+$0x0], $0xffff  }
0x7a: {  	v13 =	vor.u32 s11, v2;
	_ =	sdelay $0x2  }
0x7b: {  	s5 =	spop (v2sf);
	(v2sf) =	vpush v5, $0x1  }
0x7c: {  	[tilespmem:s6+$0xFFFFFE10] =	vst v6  }
0x7d: {  	s13 =	sshra.s32 s5, $0x1F;
	v6 =	vld.idx.msk [tilespmem:v13+s12+$0x0], $0xffff  }
0x7e: {  	v14 =	vor.u32 s11, v3;
	s18 =	sshrl.u32 s13, $0x19  }
0x7f: {  	s11 =	sadd.s32 s18, s5  }
0x80: {  	s19 =	sand.u32 $0xFFFFFF80, s11  }
0x81: {  	p0 =	slt.s32 s5, $0x1;
	p1 =	sne.s32 s5, s19  }
0x82: {  	p0 =	por !p0, !p1;
	[tilespmem:s6+$0xFFFFFE20] =	vst v6  }
0x83: {  	s13 =	simm.s32 $0x1;
	p0 =	por !p0, !p0;
	v6 =	vld.idx.msk [tilespmem:v14+s12+$0x0], $0xffff  }
0x84: {  	s11 =	sshrl.u32 s11, $0x7;
	s13 =	simm.s32 @!p0 $0x0  }
0x85: {  	s11 =	ssub.s32 s11, s13  }
0x86: {  	s11 =	sshll.u32 s11, $0x7  }
0x87: {  	s26 =	simm.s32 $0x7A1400;
	s3 =	rddreg [dreg:$0x1];
	s11 =	sand.u32 $0x1FFFFF80, s11  }
0x88: {  	s1 =	simm.s32 $0x400;
	s0 =	simm.s32 $0x9A00;
	s11 =	sadd.s32 s3, s11;
	[tilespmem:s6+$0xFFFFFE30] =	vst v6  }
0x89: {  	[tilespmem:s12], [sflag:$0x1] =	stream.strided.gather [hbm4b:s11+s1], $0x1800, s26, s1, $0x38;
	[tilespmem:$0x16200] =	vst v63  }
0x8a: {  	s9 =	simm.s32 $0x0;
	s11 =	sadd.s32 $0x5B8F00, s11;
	s20 =	spop (v2sf)  }
0x8b: {  	[tilespmem:s0], [sflag:$0x1] =	stream.linear.gather [hbm4b:s11+s9], $0x100, $0x38;
	[tilespmem:$0x16200] =	vst v63  }
0x8c: {  	s21 =	sand.u32 $0x7F, s20  }
0x8d: {  	_ =	swait.ge [sflag:s29], $0x1900;
	v15 =	vor.u32 s21, v0  }
0x8e: {  	(v2sf) =	vpush v5, $0x9;
	_ =	sdelay $0x1  }
0x8f: {  	[sflag:s29] =	ssyncset.done $0x0  }
0x90: {  	s14 =	simm.s32 $0x9E00;
	[sflag:s29] =	ssyncadd.s32 $0xFFFFE700  }
0x91: {  	v6 =	vld.idx.msk [tilespmem:v15+s14+$0x0], $0xffff  }
0x92: {  	v16 =	vor.u32 s21, v1;
	_ =	sdelay $0x3  }
0x93: {  	[tilespmem:s6+$0xFFFFFE40] =	vst v6  }
0x94: {  	v6 =	vld.idx.msk [tilespmem:v16+s14+$0x0], $0xffff  }
0x95: {  	v17 =	vor.u32 s21, v2;
	_ =	sdelay $0x3  }
0x96: {  	[tilespmem:s6+$0xFFFFFE50] =	vst v6;
	s11 =	spop (v2sf)  }
0x97: {  	(v2sf) =	vpush v5, $0x2;
	v6 =	vld.idx.msk [tilespmem:v17+s14+$0x0], $0xffff;
	s15 =	sshra.s32 s11, $0x1F  }
0x98: {  	v18 =	vor.u32 s21, v3;
	s22 =	sshrl.u32 s15, $0x19  }
0x99: {  	s13 =	sadd.s32 s22, s11  }
0x9a: {  	s23 =	sand.u32 $0xFFFFFF80, s13  }
0x9b: {  	p1 =	slt.s32 s11, $0x1;
	p2 =	sne.s32 s11, s23  }
0x9c: {  	[tilespmem:s6+$0xFFFFFE60] =	vst v6;
	p0 =	por !p1, !p2  }
0x9d: {  	s15 =	simm.s32 $0x1;
	v6 =	vld.idx.msk [tilespmem:v18+s14+$0x0], $0xffff;
	p0 =	por !p0, !p0  }
0x9e: {  	s13 =	sshrl.u32 s13, $0x7;
	s15 =	simm.s32 @!p0 $0x0  }
0x9f: {  	s13 =	ssub.s32 s13, s15  }
0xa0: {  	s13 =	sshll.u32 s13, $0x7  }
0xa1: {  	s13 =	sand.u32 $0x1FFFFF80, s13  }
0xa2: {  	[tilespmem:s6+$0xFFFFFE70] =	vst v6;
	s13 =	sadd.s32 s3, s13  }
0xa3: {  	[tilespmem:s14], [sflag:$0x2] =	stream.strided.gather [hbm4b:s13+s1], $0x1800, s26, s1, $0x38;
	[tilespmem:$0x16200] =	vst v63  }
0xa4: {  	s24 =	simm.s32 $0xB600;
	s13 =	sadd.s32 $0x5B8F00, s13  }
0xa5: {  	[tilespmem:s24], [sflag:$0x2] =	stream.linear.gather [hbm4b:s13+s9], $0x100, $0x38;
	[tilespmem:$0x16200] =	vst v63  }
0xa6: {  	s10 =	simm.s32 $0x3;
	s25 =	spop (v2sf)  }
0xa7: {  	s28 =	sand.u32 $0x7F, s25;
	_ =	swait.ge [sflag:s10], $0x1900  }
0xa8: {  	v19 =	vor.u32 s28, v0;
	(v2sf) =	vpush v5, $0xA;
	_ =	sdelay $0x2  }
0xa9: {  	[sflag:s10] =	ssyncset.done $0x0  }
0xaa: {  	s16 =	simm.s32 $0xBA00;
	[sflag:s10] =	ssyncadd.s32 $0xFFFFE700  }
0xab: {  	v6 =	vld.idx.msk [tilespmem:v19+s16+$0x0], $0xffff  }
0xac: {  	v20 =	vor.u32 s28, v1;
	_ =	sdelay $0x3  }
0xad: {  	[tilespmem:s6+$0xFFFFFE80] =	vst v6  }
0xae: {  	v6 =	vld.idx.msk [tilespmem:v20+s16+$0x0], $0xffff  }
0xaf: {  	v21 =	vor.u32 s28, v2;
	_ =	sdelay $0x2  }
0xb0: {  	s13 =	spop (v2sf);
	(v2sf) =	vpush v5, $0x3  }
0xb1: {  	[tilespmem:s6+$0xFFFFFE90] =	vst v6  }
0xb2: {  	s17 =	sshra.s32 s13, $0x1F;
	v6 =	vld.idx.msk [tilespmem:v21+s16+$0x0], $0xffff  }
0xb3: {  	v22 =	vor.u32 s28, v3;
	s31 =	sshrl.u32 s17, $0x19  }
0xb4: {  	s15 =	sadd.s32 s31, s13  }
0xb5: {  	s0 =	sand.u32 $0xFFFFFF80, s15  }
0xb6: {  	p3 =	slt.s32 s13, $0x1;
	p4 =	sne.s32 s13, s0  }
0xb7: {  	p0 =	por !p3, !p4;
	[tilespmem:s6+$0xFFFFFEA0] =	vst v6  }
0xb8: {  	s17 =	simm.s32 $0x1;
	p0 =	por !p0, !p0;
	v6 =	vld.idx.msk [tilespmem:v22+s16+$0x0], $0xffff  }
0xb9: {  	s15 =	sshrl.u32 s15, $0x7;
	s17 =	simm.s32 @!p0 $0x0  }
0xba: {  	s15 =	ssub.s32 s15, s17  }
0xbb: {  	s15 =	sshll.u32 s15, $0x7  }
0xbc: {  	s15 =	sand.u32 $0x1FFFFF80, s15  }
0xbd: {  	s15 =	sadd.s32 s3, s15;
	[tilespmem:s6+$0xFFFFFEB0] =	vst v6  }
0xbe: {  	[tilespmem:s16], [sflag:$0x3] =	stream.strided.gather [hbm4b:s15+s1], $0x1800, s26, s1, $0x38;
	[tilespmem:$0x16200] =	vst v63  }
0xbf: {  	s2 =	simm.s32 $0xD200;
	s15 =	sadd.s32 $0x5B8F00, s15;
	s4 =	spop (v2sf)  }
0xc0: {  	[tilespmem:s2], [sflag:$0x3] =	stream.linear.gather [hbm4b:s15+s9], $0x100, $0x38;
	[tilespmem:$0x16200] =	vst v63  }
0xc1: {  	s28 =	simm.s32 $0x4;
	s8 =	sand.u32 $0x7F, s4  }
0xc2: {  	_ =	swait.ge [sflag:s28], $0x1900;
	v23 =	vor.u32 s8, v0  }
0xc3: {  	(v2sf) =	vpush v5, $0xB;
	_ =	sdelay $0x1  }
0xc4: {  	[sflag:s28] =	ssyncset.done $0x0  }
0xc5: {  	s18 =	simm.s32 $0xD600;
	[sflag:s28] =	ssyncadd.s32 $0xFFFFE700  }
0xc6: {  	v6 =	vld.idx.msk [tilespmem:v23+s18+$0x0], $0xffff  }
0xc7: {  	v24 =	vor.u32 s8, v1;
	_ =	sdelay $0x3  }
0xc8: {  	[tilespmem:s6+$0xFFFFFEC0] =	vst v6  }
0xc9: {  	v6 =	vld.idx.msk [tilespmem:v24+s18+$0x0], $0xffff  }
0xca: {  	v25 =	vor.u32 s8, v2;
	_ =	sdelay $0x3  }
0xcb: {  	[tilespmem:s6+$0xFFFFFED0] =	vst v6;
	s15 =	spop (v2sf)  }
0xcc: {  	(v2sf) =	vpush v5, $0x4;
	v6 =	vld.idx.msk [tilespmem:v25+s18+$0x0], $0xffff;
	s19 =	sshra.s32 s15, $0x1F  }
0xcd: {  	v26 =	vor.u32 s8, v3;
	s19 =	sshrl.u32 s19, $0x19  }
0xce: {  	s17 =	sadd.s32 s19, s15  }
0xcf: {  	s20 =	sand.u32 $0xFFFFFF80, s17  }
0xd0: {  	p5 =	slt.s32 s15, $0x1;
	p6 =	sne.s32 s15, s20  }
0xd1: {  	[tilespmem:s6+$0xFFFFFEE0] =	vst v6;
	p0 =	por !p5, !p6  }
0xd2: {  	s19 =	simm.s32 $0x1;
	v6 =	vld.idx.msk [tilespmem:v26+s18+$0x0], $0xffff;
	p0 =	por !p0, !p0  }
0xd3: {  	s17 =	sshrl.u32 s17, $0x7;
	s19 =	simm.s32 @!p0 $0x0  }
0xd4: {  	s17 =	ssub.s32 s17, s19  }
0xd5: {  	s17 =	sshll.u32 s17, $0x7  }
0xd6: {  	s17 =	sand.u32 $0x1FFFFF80, s17  }
0xd7: {  	[tilespmem:s6+$0xFFFFFEF0] =	vst v6;
	s17 =	sadd.s32 s3, s17  }
0xd8: {  	[tilespmem:s18], [sflag:$0x4] =	stream.strided.gather [hbm4b:s17+s1], $0x1800, s26, s1, $0x38;
	[tilespmem:$0x16200] =	vst v63  }
0xd9: {  	s21 =	simm.s32 $0xEE00;
	s17 =	sadd.s32 $0x5B8F00, s17  }
0xda: {  	[tilespmem:s21], [sflag:$0x4] =	stream.linear.gather [hbm4b:s17+s9], $0x100, $0x38;
	[tilespmem:$0x16200] =	vst v63  }
0xdb: {  	s4 =	simm.s32 $0x5;
	s22 =	spop (v2sf)  }
0xdc: {  	s23 =	sand.u32 $0x7F, s22;
	_ =	swait.ge [sflag:s4], $0x1900  }
0xdd: {  	v27 =	vor.u32 s23, v0;
	(v2sf) =	vpush v5, $0xC;
	_ =	sdelay $0x2  }
0xde: {  	[sflag:s4] =	ssyncset.done $0x0  }
0xdf: {  	s20 =	simm.s32 $0xF200;
	[sflag:s4] =	ssyncadd.s32 $0xFFFFE700  }
0xe0: {  	v6 =	vld.idx.msk [tilespmem:v27+s20+$0x0], $0xffff  }
0xe1: {  	v28 =	vor.u32 s23, v1;
	_ =	sdelay $0x3  }
0xe2: {  	[tilespmem:s6+$0xFFFFFF00] =	vst v6  }
0xe3: {  	v6 =	vld.idx.msk [tilespmem:v28+s20+$0x0], $0xffff  }
0xe4: {  	v29 =	vor.u32 s23, v2;
	_ =	sdelay $0x2  }
0xe5: {  	s17 =	spop (v2sf);
	(v2sf) =	vpush v5, $0x5  }
0xe6: {  	[tilespmem:s6+$0xFFFFFF10] =	vst v6  }
0xe7: {  	s21 =	sshra.s32 s17, $0x1F;
	v6 =	vld.idx.msk [tilespmem:v29+s20+$0x0], $0xffff  }
0xe8: {  	v30 =	vor.u32 s23, v3;
	s24 =	sshrl.u32 s21, $0x19  }
0xe9: {  	s19 =	sadd.s32 s24, s17  }
0xea: {  	s25 =	sand.u32 $0xFFFFFF80, s19  }
0xeb: {  	p1 =	slt.s32 s17, $0x1;
	p2 =	sne.s32 s17, s25  }
0xec: {  	p0 =	por !p1, !p2;
	[tilespmem:s6+$0xFFFFFF20] =	vst v6  }
0xed: {  	s21 =	simm.s32 $0x1;
	p0 =	por !p0, !p0;
	v6 =	vld.idx.msk [tilespmem:v30+s20+$0x0], $0xffff  }
0xee: {  	s19 =	sshrl.u32 s19, $0x7;
	s21 =	simm.s32 @!p0 $0x0  }
0xef: {  	s19 =	ssub.s32 s19, s21  }
0xf0: {  	s19 =	sshll.u32 s19, $0x7  }
0xf1: {  	s19 =	sand.u32 $0x1FFFFF80, s19  }
0xf2: {  	s19 =	sadd.s32 s3, s19;
	[tilespmem:s6+$0xFFFFFF30] =	vst v6  }
0xf3: {  	[tilespmem:s20], [sflag:$0x5] =	stream.strided.gather [hbm4b:s19+s1], $0x1800, s26, s1, $0x38;
	[tilespmem:$0x16200] =	vst v63  }
0xf4: {  	s31 =	simm.s32 $0x10A00;
	s19 =	sadd.s32 $0x5B8F00, s19;
	s2 =	spop (v2sf)  }
0xf5: {  	[tilespmem:s31], [sflag:$0x5] =	stream.linear.gather [hbm4b:s19+s9], $0x100, $0x38;
	[tilespmem:$0x16200] =	vst v63  }
0xf6: {  	s30 =	simm.s32 $0x6;
	s8 =	sand.u32 $0x7F, s2  }
0xf7: {  	_ =	swait.ge [sflag:s30], $0x1900;
	v31 =	vor.u32 s8, v0  }
0xf8: {  	(v2sf) =	vpush v5, $0xD;
	_ =	sdelay $0x1  }
0xf9: {  	[sflag:s30] =	ssyncset.done $0x0  }
0xfa: {  	s22 =	simm.s32 $0x10E00;
	[sflag:s30] =	ssyncadd.s32 $0xFFFFE700  }
0xfb: {  	v6 =	vld.idx.msk [tilespmem:v31+s22+$0x0], $0xffff  }
0xfc: {  	v32 =	vor.u32 s8, v1;
	_ =	sdelay $0x3  }
0xfd: {  	[tilespmem:s6+$0xFFFFFF40] =	vst v6  }
0xfe: {  	v6 =	vld.idx.msk [tilespmem:v32+s22+$0x0], $0xffff  }
0xff: {  	v33 =	vor.u32 s8, v2;
	_ =	sdelay $0x3  }
0x100: {  	[tilespmem:s6+$0xFFFFFF50] =	vst v6;
	s19 =	spop (v2sf)  }
0x101: {  	(v2sf) =	vpush v5, $0x6;
	v6 =	vld.idx.msk [tilespmem:v33+s22+$0x0], $0xffff;
	s23 =	sshra.s32 s19, $0x1F  }
0x102: {  	v34 =	vor.u32 s8, v3;
	s24 =	sshrl.u32 s23, $0x19  }
0x103: {  	s21 =	sadd.s32 s24, s19  }
0x104: {  	s25 =	sand.u32 $0xFFFFFF80, s21  }
0x105: {  	p3 =	slt.s32 s19, $0x1;
	p4 =	sne.s32 s19, s25  }
0x106: {  	[tilespmem:s6+$0xFFFFFF60] =	vst v6;
	p0 =	por !p3, !p4  }
0x107: {  	s23 =	simm.s32 $0x1;
	v6 =	vld.idx.msk [tilespmem:v34+s22+$0x0], $0xffff;
	p0 =	por !p0, !p0  }
0x108: {  	s21 =	sshrl.u32 s21, $0x7;
	s23 =	simm.s32 @!p0 $0x0  }
0x109: {  	s21 =	ssub.s32 s21, s23  }
0x10a: {  	s21 =	sshll.u32 s21, $0x7  }
0x10b: {  	s21 =	sand.u32 $0x1FFFFF80, s21  }
0x10c: {  	[tilespmem:s6+$0xFFFFFF70] =	vst v6;
	s21 =	sadd.s32 s3, s21  }
0x10d: {  	[tilespmem:s22], [sflag:$0x6] =	stream.strided.gather [hbm4b:s21+s1], $0x1800, s26, s1, $0x38;
	[tilespmem:$0x16200] =	vst v63  }
0x10e: {  	s31 =	simm.s32 $0x12600;
	s21 =	sadd.s32 $0x5B8F00, s21  }
0x10f: {  	[tilespmem:s31], [sflag:$0x6] =	stream.linear.gather [hbm4b:s21+s9], $0x100, $0x38;
	[tilespmem:$0x16200] =	vst v63  }
0x110: {  	s0 =	spop (v2sf);
	s31 =	simm.s32 $0x7  }
0x111: {  	s2 =	sand.u32 $0x7F, s0;
	_ =	swait.ge [sflag:s31], $0x1900  }
0x112: {  	v35 =	vor.u32 s2, v0;
	(v2sf) =	vpush v5, $0xE;
	_ =	sdelay $0x2  }
0x113: {  	[sflag:s31] =	ssyncset.done $0x0  }
0x114: {  	s24 =	simm.s32 $0x12A00;
	[sflag:s31] =	ssyncadd.s32 $0xFFFFE700  }
0x115: {  	v6 =	vld.idx.msk [tilespmem:v35+s24+$0x0], $0xffff  }
0x116: {  	v36 =	vor.u32 s2, v1;
	_ =	sdelay $0x3  }
0x117: {  	[tilespmem:s6+$0xFFFFFF80] =	vst v6  }
0x118: {  	v6 =	vld.idx.msk [tilespmem:v36+s24+$0x0], $0xffff  }
0x119: {  	v37 =	vor.u32 s2, v2;
	_ =	sdelay $0x2  }
0x11a: {  	s21 =	spop (v2sf);
	(v2sf) =	vpush v5, $0x7  }
0x11b: {  	[tilespmem:s6+$0xFFFFFF90] =	vst v6  }
0x11c: {  	s8 =	sshra.s32 s21, $0x1F;
	v6 =	vld.idx.msk [tilespmem:v37+s24+$0x0], $0xffff  }
0x11d: {  	v38 =	vor.u32 s2, v3;
	s25 =	sshrl.u32 s8, $0x19  }
0x11e: {  	s23 =	sadd.s32 s25, s21  }
0x11f: {  	s0 =	sand.u32 $0xFFFFFF80, s23  }
0x120: {  	p5 =	slt.s32 s21, $0x1;
	p6 =	sne.s32 s21, s0  }
0x121: {  	p0 =	por !p5, !p6;
	[tilespmem:s6+$0xFFFFFFA0] =	vst v6  }
0x122: {  	s25 =	simm.s32 $0x1;
	p0 =	por !p0, !p0;
	v6 =	vld.idx.msk [tilespmem:v38+s24+$0x0], $0xffff  }
0x123: {  	s23 =	sshrl.u32 s23, $0x7;
	s25 =	simm.s32 @!p0 $0x0  }
0x124: {  	s23 =	ssub.s32 s23, s25  }
0x125: {  	s23 =	sshll.u32 s23, $0x7  }
0x126: {  	s23 =	sand.u32 $0x1FFFFF80, s23  }
0x127: {  	s23 =	sadd.s32 s3, s23;
	[tilespmem:s6+$0xFFFFFFB0] =	vst v6  }
0x128: {  	[tilespmem:s24], [sflag:$0x7] =	stream.strided.gather [hbm4b:s23+s1], $0x1800, s26, s1, $0x38;
	[tilespmem:$0x16200] =	vst v63  }
0x129: {  	s2 =	simm.s32 $0x14200;
	s23 =	sadd.s32 $0x5B8F00, s23;
	s8 =	spop (v2sf)  }
0x12a: {  	[tilespmem:s2], [sflag:$0x7] =	stream.linear.gather [hbm4b:s23+s9], $0x100, $0x38;
	[tilespmem:$0x16200] =	vst v63  }
0x12b: {  	s25 =	sand.u32 $0x7F, s8;
	s2 =	simm.s32 $0x8  }
0x12c: {  	_ =	swait.ge [sflag:s2], $0x1900;
	v39 =	vor.u32 s25, v0  }
0x12d: {  	(v2sf) =	vpush v5, $0xF;
	_ =	sdelay $0x1  }
0x12e: {  	[sflag:s2] =	ssyncset.done $0x0  }
0x12f: {  	s0 =	simm.s32 $0x14600;
	[sflag:s2] =	ssyncadd.s32 $0xFFFFE700  }
0x130: {  	v5 =	vld.idx.msk [tilespmem:v39+s0+$0x0], $0xffff  }
0x131: {  	v40 =	vor.u32 s25, v1;
	_ =	sdelay $0x3  }
0x132: {  	[tilespmem:s6+$0xFFFFFFC0] =	vst v5  }
0x133: {  	v5 =	vld.idx.msk [tilespmem:v40+s0+$0x0], $0xffff  }
0x134: {  	v41 =	vor.u32 s25, v2;
	_ =	sdelay $0x3  }
0x135: {  	[tilespmem:s6+$0xFFFFFFD0] =	vst v5;
	s23 =	spop (v2sf)  }
0x136: {  	v5 =	vld.idx.msk [tilespmem:v41+s0+$0x0], $0xffff;
	s8 =	sshra.s32 s23, $0x1F  }
0x137: {  	v42 =	vor.u32 s25, v3;
	s8 =	sshrl.u32 s8, $0x19  }
0x138: {  	s8 =	sadd.s32 s8, s23  }
0x139: {  	s25 =	sand.u32 $0xFFFFFF80, s8  }
0x13a: {  	p1 =	slt.s32 s23, $0x1;
	p2 =	sne.s32 s23, s25  }
0x13b: {  	[tilespmem:s6+$0xFFFFFFE0] =	vst v5;
	p0 =	por !p1, !p2  }
0x13c: {  	s25 =	simm.s32 $0x1;
	v5 =	vld.idx.msk [tilespmem:v42+s0+$0x0], $0xffff;
	p0 =	por !p0, !p0  }
0x13d: {  	s8 =	sshrl.u32 s8, $0x7;
	s25 =	simm.s32 @!p0 $0x0  }
0x13e: {  	s8 =	ssub.s32 s8, s25  }
0x13f: {  	s8 =	sshll.u32 s8, $0x7  }
0x140: {  	s8 =	sand.u32 $0x1FFFFF80, s8  }
0x141: {  	s5 =	sand.u32 $0x7F, s5;
	[tilespmem:s6+$0xFFFFFFF0] =	vst v5;
	s8 =	sadd.s32 s3, s8  }
0x142: {  	[tilespmem:s0], [sflag:$0x8] =	stream.strided.gather [hbm4b:s8+s1], $0x1800, s26, s1, $0x38;
	[tilespmem:$0x16200] =	vst v63  }
0x143: {  	s29 =	simm.s32 $0x15E00;
	s25 =	simm.s32 $0x1;
	v5 =	vor.u32 s5, v0;
	s8 =	sadd.s32 $0x5B8F00, s8  }
0x144: {  	[tilespmem:s29], [sflag:$0x8] =	stream.linear.gather [hbm4b:s8+s9], $0x100, $0x38;
	[tilespmem:$0x16200] =	vst v63  }
0x145: {  	_ =	swait.ge [sflag:s25], $0x1900  }
0x146: {  	[sflag:s25] =	ssyncset.done $0x0  }
0x147: {  	(v2sf) =	vpush v4, $0x0;
	[sflag:s25] =	ssyncadd.s32 $0xFFFFE700  }
0x148: {  	v5 =	vld.idx.msk [tilespmem:v5+s12+$0x0], $0xffff  }
0x149: {  	v43 =	vor.u32 s5, v1;
	_ =	sdelay $0x3  }
0x14a: {  	[tilespmem:s6+$0x0] =	vst v5  }
0x14b: {  	v5 =	vld.idx.msk [tilespmem:v43+s12+$0x0], $0xffff  }
0x14c: {  	v44 =	vor.u32 s5, v2;
	_ =	sdelay $0x3  }
0x14d: {  	[tilespmem:s6+$0x10] =	vst v5  }
0x14e: {  	v5 =	vld.idx.msk [tilespmem:v44+s12+$0x0], $0xffff  }
0x14f: {  	v45 =	vor.u32 s5, v3  }
0x150: {  	s5 =	spop (v2sf)  }
0x151: {  	s8 =	sand.u32 $0x7F, s5  }
0x152: {  	p4 =	slt.s32 s5, $0x1;
	p3 =	sne.s32 s8, $0x0;
	s8 =	sshra.s32 s5, $0x1F  }
0x153: {  	s8 =	sshrl.u32 s8, $0x19;
	p0 =	por !p4, !p3;
	[tilespmem:s6+$0x20] =	vst v5  }
0x154: {  	s5 =	sadd.s32 s8, s5;
	p0 =	por !p0, !p0;
	s8 =	simm.s32 $0x1;
	v5 =	vld.idx.msk [tilespmem:v45+s12+$0x0], $0xffff  }
0x155: {  	s5 =	sshrl.u32 s5, $0x7;
	s8 =	simm.s32 @!p0 $0x0  }
0x156: {  	s5 =	ssub.s32 s5, s8  }
0x157: {  	s5 =	sshll.u32 s5, $0x7  }
0x158: {  	s5 =	sand.u32 $0x1FFFFF80, s5  }
0x159: {  	s5 =	sadd.s32 s3, s5;
	[tilespmem:s6+$0x30] =	vst v5  }
0x15a: {  	[tilespmem:s12], [sflag:$0x1] =	stream.strided.gather [hbm4b:s5+s1], $0x1800, s26, s1, $0x38;
	[tilespmem:$0x16200] =	vst v63  }
0x15b: {  	s8 =	sand.u32 $0x7F, s11;
	s5 =	sadd.s32 $0x5B8F00, s5;
	s12 =	simm.s32 $0x9A00  }
0x15c: {  	v5 =	vor.u32 s8, v0;
	[tilespmem:s12], [sflag:$0x1] =	stream.linear.gather [hbm4b:s5+s9], $0x100, $0x38;
	[tilespmem:$0x16200] =	vst v63  }
0x15d: {  	s12 =	simm.s32 $0x2  }
0x15e: {  	s11 =	simm.s32 $0x2;
	_ =	swait.ge [sflag:s12], $0x1900  }
0x15f: {  	s12 =	simm.s32 $0x2;
	[sflag:s11] =	ssyncset.done $0x0  }
0x160: {  	(v2sf) =	vpush v4, $0x1;
	[sflag:s12] =	ssyncadd.s32 $0xFFFFE700  }
0x161: {  	v5 =	vld.idx.msk [tilespmem:v5+s14+$0x0], $0xffff  }
0x162: {  	v46 =	vor.u32 s8, v1;
	_ =	sdelay $0x3  }
0x163: {  	[tilespmem:s6+$0x40] =	vst v5  }
0x164: {  	v5 =	vld.idx.msk [tilespmem:v46+s14+$0x0], $0xffff  }
0x165: {  	v47 =	vor.u32 s8, v2;
	_ =	sdelay $0x3  }
0x166: {  	[tilespmem:s6+$0x50] =	vst v5  }
0x167: {  	v5 =	vld.idx.msk [tilespmem:v47+s14+$0x0], $0xffff  }
0x168: {  	v48 =	vor.u32 s8, v3  }
0x169: {  	s5 =	spop (v2sf)  }
0x16a: {  	s11 =	sand.u32 $0x7F, s5  }
0x16b: {  	s12 =	sshra.s32 s5, $0x1F;
	p6 =	slt.s32 s5, $0x1;
	p5 =	sne.s32 s11, $0x0  }
0x16c: {  	s8 =	sshrl.u32 s12, $0x19;
	p0 =	por !p6, !p5;
	[tilespmem:s6+$0x60] =	vst v5  }
0x16d: {  	s5 =	sadd.s32 s8, s5;
	s8 =	simm.s32 $0x1;
	p0 =	por !p0, !p0;
	v5 =	vld.idx.msk [tilespmem:v48+s14+$0x0], $0xffff  }
0x16e: {  	s5 =	sshrl.u32 s5, $0x7;
	s8 =	simm.s32 @!p0 $0x0  }
0x16f: {  	s5 =	ssub.s32 s5, s8  }
0x170: {  	s5 =	sshll.u32 s5, $0x7  }
0x171: {  	s5 =	sand.u32 $0x1FFFFF80, s5  }
0x172: {  	s5 =	sadd.s32 s3, s5;
	[tilespmem:s6+$0x70] =	vst v5  }
0x173: {  	[tilespmem:s14], [sflag:$0x2] =	stream.strided.gather [hbm4b:s5+s1], $0x1800, s26, s1, $0x38;
	[tilespmem:$0x16200] =	vst v63  }
0x174: {  	s14 =	sand.u32 $0x7F, s13  }
0x175: {  	s5 =	sadd.s32 $0x5B8F00, s5;
	s13 =	simm.s32 $0xB600;
	v5 =	vor.u32 s14, v0  }
0x176: {  	[tilespmem:s13], [sflag:$0x2] =	stream.linear.gather [hbm4b:s5+s9], $0x100, $0x38;
	[tilespmem:$0x16200] =	vst v63  }
0x177: {  	_ =	swait.ge [sflag:s10], $0x1900  }
0x178: {  	[sflag:s10] =	ssyncset.done $0x0  }
0x179: {  	(v2sf) =	vpush v4, $0x2;
	[sflag:s10] =	ssyncadd.s32 $0xFFFFE700  }
0x17a: {  	v5 =	vld.idx.msk [tilespmem:v5+s16+$0x0], $0xffff  }
0x17b: {  	v49 =	vor.u32 s14, v1;
	_ =	sdelay $0x3  }
0x17c: {  	[tilespmem:s6+$0x80] =	vst v5  }
0x17d: {  	v5 =	vld.idx.msk [tilespmem:v49+s16+$0x0], $0xffff  }
0x17e: {  	v50 =	vor.u32 s14, v2;
	_ =	sdelay $0x3  }
0x17f: {  	[tilespmem:s6+$0x90] =	vst v5  }
0x180: {  	v5 =	vld.idx.msk [tilespmem:v50+s16+$0x0], $0xffff  }
0x181: {  	v51 =	vor.u32 s14, v3  }
0x182: {  	s14 =	spop (v2sf)  }
0x183: {  	s10 =	sand.u32 $0x7F, s14  }
0x184: {  	s11 =	sshra.s32 s14, $0x1F;
	p2 =	slt.s32 s14, $0x1;
	p1 =	sne.s32 s10, $0x0  }
0x185: {  	s8 =	sshrl.u32 s11, $0x19;
	p0 =	por !p2, !p1;
	[tilespmem:s6+$0xA0] =	vst v5  }
0x186: {  	s5 =	sadd.s32 s8, s14;
	s8 =	simm.s32 $0x1;
	p0 =	por !p0, !p0;
	v5 =	vld.idx.msk [tilespmem:v51+s16+$0x0], $0xffff  }
0x187: {  	s5 =	sshrl.u32 s5, $0x7;
	s8 =	simm.s32 @!p0 $0x0  }
0x188: {  	s5 =	ssub.s32 s5, s8  }
0x189: {  	s5 =	sshll.u32 s5, $0x7  }
0x18a: {  	s5 =	sand.u32 $0x1FFFFF80, s5  }
0x18b: {  	s13 =	sand.u32 $0x7F, s15;
	s5 =	sadd.s32 s3, s5;
	[tilespmem:s6+$0xB0] =	vst v5  }
0x18c: {  	[tilespmem:s16], [sflag:$0x3] =	stream.strided.gather [hbm4b:s5+s1], $0x1800, s26, s1, $0x38;
	[tilespmem:$0x16200] =	vst v63  }
0x18d: {  	s14 =	simm.s32 $0xD200;
	v5 =	vor.u32 s13, v0;
	s5 =	sadd.s32 $0x5B8F00, s5  }
0x18e: {  	[tilespmem:s14], [sflag:$0x3] =	stream.linear.gather [hbm4b:s5+s9], $0x100, $0x38;
	[tilespmem:$0x16200] =	vst v63  }
0x18f: {  	_ =	swait.ge [sflag:s28], $0x1900  }
0x190: {  	[sflag:s28] =	ssyncset.done $0x0  }
0x191: {  	(v2sf) =	vpush v4, $0x3;
	[sflag:s28] =	ssyncadd.s32 $0xFFFFE700  }
0x192: {  	v5 =	vld.idx.msk [tilespmem:v5+s18+$0x0], $0xffff  }
0x193: {  	v52 =	vor.u32 s13, v1;
	_ =	sdelay $0x3  }
0x194: {  	[tilespmem:s6+$0xC0] =	vst v5  }
0x195: {  	v5 =	vld.idx.msk [tilespmem:v52+s18+$0x0], $0xffff  }
0x196: {  	v53 =	vor.u32 s13, v2;
	_ =	sdelay $0x3  }
0x197: {  	[tilespmem:s6+$0xD0] =	vst v5  }
0x198: {  	v5 =	vld.idx.msk [tilespmem:v53+s18+$0x0], $0xffff  }
0x199: {  	v54 =	vor.u32 s13, v3  }
0x19a: {  	s15 =	spop (v2sf)  }
0x19b: {  	s28 =	sand.u32 $0x7F, s15  }
0x19c: {  	s10 =	sshra.s32 s15, $0x1F;
	p4 =	slt.s32 s15, $0x1;
	p3 =	sne.s32 s28, $0x0  }
0x19d: {  	s8 =	sshrl.u32 s10, $0x19;
	p0 =	por !p4, !p3;
	[tilespmem:s6+$0xE0] =	vst v5  }
0x19e: {  	s5 =	sadd.s32 s8, s15;
	s8 =	simm.s32 $0x1;
	p0 =	por !p0, !p0;
	v5 =	vld.idx.msk [tilespmem:v54+s18+$0x0], $0xffff  }
0x19f: {  	s5 =	sshrl.u32 s5, $0x7;
	s8 =	simm.s32 @!p0 $0x0  }
0x1a0: {  	s5 =	ssub.s32 s5, s8  }
0x1a1: {  	s5 =	sshll.u32 s5, $0x7  }
0x1a2: {  	s5 =	sand.u32 $0x1FFFFF80, s5  }
0x1a3: {  	s11 =	sand.u32 $0x7F, s17;
	s5 =	sadd.s32 s3, s5;
	[tilespmem:s6+$0xF0] =	vst v5  }
0x1a4: {  	[tilespmem:s18], [sflag:$0x4] =	stream.strided.gather [hbm4b:s5+s1], $0x1800, s26, s1, $0x38;
	[tilespmem:$0x16200] =	vst v63  }
0x1a5: {  	s13 =	simm.s32 $0xEE00;
	v5 =	vor.u32 s11, v0;
	s5 =	sadd.s32 $0x5B8F00, s5  }
0x1a6: {  	[tilespmem:s13], [sflag:$0x4] =	stream.linear.gather [hbm4b:s5+s9], $0x100, $0x38;
	[tilespmem:$0x16200] =	vst v63  }
0x1a7: {  	_ =	swait.ge [sflag:s4], $0x1900  }
0x1a8: {  	[sflag:s4] =	ssyncset.done $0x0  }
0x1a9: {  	(v2sf) =	vpush v4, $0x4;
	[sflag:s4] =	ssyncadd.s32 $0xFFFFE700  }
0x1aa: {  	v5 =	vld.idx.msk [tilespmem:v5+s20+$0x0], $0xffff  }
0x1ab: {  	v55 =	vor.u32 s11, v1;
	_ =	sdelay $0x3  }
0x1ac: {  	[tilespmem:s6+$0x100] =	vst v5  }
0x1ad: {  	v5 =	vld.idx.msk [tilespmem:v55+s20+$0x0], $0xffff  }
0x1ae: {  	v56 =	vor.u32 s11, v2;
	_ =	sdelay $0x3  }
0x1af: {  	[tilespmem:s6+$0x110] =	vst v5  }
0x1b0: {  	v5 =	vld.idx.msk [tilespmem:v56+s20+$0x0], $0xffff  }
0x1b1: {  	v57 =	vor.u32 s11, v3  }
0x1b2: {  	s14 =	spop (v2sf)  }
0x1b3: {  	s15 =	sand.u32 $0x7F, s14  }
0x1b4: {  	s17 =	sshra.s32 s14, $0x1F;
	p6 =	slt.s32 s14, $0x1;
	p5 =	sne.s32 s15, $0x0  }
0x1b5: {  	s8 =	sshrl.u32 s17, $0x19;
	p0 =	por !p6, !p5;
	[tilespmem:s6+$0x120] =	vst v5  }
0x1b6: {  	s5 =	sadd.s32 s8, s14;
	s8 =	simm.s32 $0x1;
	p0 =	por !p0, !p0;
	v5 =	vld.idx.msk [tilespmem:v57+s20+$0x0], $0xffff  }
0x1b7: {  	s5 =	sshrl.u32 s5, $0x7;
	s8 =	simm.s32 @!p0 $0x0  }
0x1b8: {  	s5 =	ssub.s32 s5, s8  }
0x1b9: {  	s5 =	sshll.u32 s5, $0x7  }
0x1ba: {  	s5 =	sand.u32 $0x1FFFFF80, s5  }
0x1bb: {  	s5 =	sadd.s32 s3, s5;
	[tilespmem:s6+$0x130] =	vst v5  }
0x1bc: {  	[tilespmem:s20], [sflag:$0x5] =	stream.strided.gather [hbm4b:s5+s1], $0x1800, s26, s1, $0x38;
	[tilespmem:$0x16200] =	vst v63  }
0x1bd: {  	s20 =	sand.u32 $0x7F, s19  }
0x1be: {  	s28 =	simm.s32 $0x10A00;
	s5 =	sadd.s32 $0x5B8F00, s5;
	v5 =	vor.u32 s20, v0  }
0x1bf: {  	[tilespmem:s28], [sflag:$0x5] =	stream.linear.gather [hbm4b:s5+s9], $0x100, $0x38;
	[tilespmem:$0x16200] =	vst v63  }
0x1c0: {  	_ =	swait.ge [sflag:s30], $0x1900  }
0x1c1: {  	[sflag:s30] =	ssyncset.done $0x0  }
0x1c2: {  	(v2sf) =	vpush v4, $0x5;
	[sflag:s30] =	ssyncadd.s32 $0xFFFFE700  }
0x1c3: {  	v5 =	vld.idx.msk [tilespmem:v5+s22+$0x0], $0xffff  }
0x1c4: {  	v58 =	vor.u32 s20, v1;
	_ =	sdelay $0x3  }
0x1c5: {  	[tilespmem:s6+$0x140] =	vst v5  }
0x1c6: {  	v5 =	vld.idx.msk [tilespmem:v58+s22+$0x0], $0xffff  }
0x1c7: {  	v59 =	vor.u32 s20, v2;
	_ =	sdelay $0x3  }
0x1c8: {  	[tilespmem:s6+$0x150] =	vst v5  }
0x1c9: {  	v5 =	vld.idx.msk [tilespmem:v59+s22+$0x0], $0xffff  }
0x1ca: {  	v60 =	vor.u32 s20, v3  }
0x1cb: {  	s4 =	spop (v2sf)  }
0x1cc: {  	s10 =	sand.u32 $0x7F, s4  }
0x1cd: {  	s11 =	sshra.s32 s4, $0x1F;
	p2 =	slt.s32 s4, $0x1;
	p1 =	sne.s32 s10, $0x0  }
0x1ce: {  	s8 =	sshrl.u32 s11, $0x19;
	p0 =	por !p2, !p1;
	[tilespmem:s6+$0x160] =	vst v5  }
0x1cf: {  	s5 =	sadd.s32 s8, s4;
	s8 =	simm.s32 $0x1;
	p0 =	por !p0, !p0;
	v5 =	vld.idx.msk [tilespmem:v60+s22+$0x0], $0xffff  }
0x1d0: {  	s5 =	sshrl.u32 s5, $0x7;
	s8 =	simm.s32 @!p0 $0x0  }
0x1d1: {  	s5 =	ssub.s32 s5, s8  }
0x1d2: {  	s5 =	sshll.u32 s5, $0x7  }
0x1d3: {  	s5 =	sand.u32 $0x1FFFFF80, s5  }
0x1d4: {  	s13 =	sand.u32 $0x7F, s21;
	s5 =	sadd.s32 s3, s5;
	[tilespmem:s6+$0x170] =	vst v5  }
0x1d5: {  	[tilespmem:s22], [sflag:$0x6] =	stream.strided.gather [hbm4b:s5+s1], $0x1800, s26, s1, $0x38;
	[tilespmem:$0x16200] =	vst v63  }
0x1d6: {  	s15 =	simm.s32 $0x12600;
	v5 =	vor.u32 s13, v0;
	s5 =	sadd.s32 $0x5B8F00, s5  }
0x1d7: {  	[tilespmem:s15], [sflag:$0x6] =	stream.linear.gather [hbm4b:s5+s9], $0x100, $0x38;
	[tilespmem:$0x16200] =	vst v63  }
0x1d8: {  	_ =	swait.ge [sflag:s31], $0x1900  }
0x1d9: {  	[sflag:s31] =	ssyncset.done $0x0  }
0x1da: {  	(v2sf) =	vpush v4, $0x6;
	[sflag:s31] =	ssyncadd.s32 $0xFFFFE700  }
0x1db: {  	v5 =	vld.idx.msk [tilespmem:v5+s24+$0x0], $0xffff  }
0x1dc: {  	v61 =	vor.u32 s13, v1;
	_ =	sdelay $0x3  }
0x1dd: {  	[tilespmem:s6+$0x180] =	vst v5  }
0x1de: {  	v5 =	vld.idx.msk [tilespmem:v61+s24+$0x0], $0xffff  }
0x1df: {  	v62 =	vor.u32 s13, v2;
	_ =	sdelay $0x3  }
0x1e0: {  	[tilespmem:s6+$0x190] =	vst v5  }
0x1e1: {  	v5 =	vld.idx.msk [tilespmem:v62+s24+$0x0], $0xffff  }
0x1e2: {  	v63 =	vor.u32 s13, v3  }
0x1e3: {  	s17 =	spop (v2sf)  }
0x1e4: {  	s19 =	sand.u32 $0x7F, s17  }
0x1e5: {  	s20 =	sshra.s32 s17, $0x1F;
	p4 =	slt.s32 s17, $0x1;
	p3 =	sne.s32 s19, $0x0  }
0x1e6: {  	s8 =	sshrl.u32 s20, $0x19;
	p0 =	por !p4, !p3;
	[tilespmem:s6+$0x1A0] =	vst v5  }
0x1e7: {  	s5 =	sadd.s32 s8, s17;
	s8 =	simm.s32 $0x1;
	p0 =	por !p0, !p0;
	v5 =	vld.idx.msk [tilespmem:v63+s24+$0x0], $0xffff  }
0x1e8: {  	s5 =	sshrl.u32 s5, $0x7;
	s8 =	simm.s32 @!p0 $0x0  }
0x1e9: {  	s5 =	ssub.s32 s5, s8  }
0x1ea: {  	s5 =	sshll.u32 s5, $0x7  }
0x1eb: {  	s5 =	sand.u32 $0x1FFFFF80, s5  }
0x1ec: {  	s21 =	sand.u32 $0x7F, s23;
	s5 =	sadd.s32 s3, s5;
	[tilespmem:s6+$0x1B0] =	vst v5  }
0x1ed: {  	[tilespmem:s24], [sflag:$0x7] =	stream.strided.gather [hbm4b:s5+s1], $0x1800, s26, s1, $0x38;
	[tilespmem:$0x16200] =	vst v63  }
0x1ee: {  	s22 =	simm.s32 $0x14200;
	v5 =	vor.u32 s21, v0;
	s5 =	sadd.s32 $0x5B8F00, s5  }
0x1ef: {  	[tilespmem:s22], [sflag:$0x7] =	stream.linear.gather [hbm4b:s5+s9], $0x100, $0x38;
	[tilespmem:$0x16200] =	vst v63  }
0x1f0: {  	_ =	swait.ge [sflag:s2], $0x1900  }
0x1f1: {  	[sflag:s2] =	ssyncset.done $0x0  }
0x1f2: {  	(v2sf) =	vpush v4, $0x7;
	[sflag:s2] =	ssyncadd.s32 $0xFFFFE700  }
0x1f3: {  	v4 =	vld.idx.msk [tilespmem:v5+s0+$0x0], $0xffff  }
0x1f4: {  	v5 =	vor.u32 s21, v1;
	_ =	sdelay $0x3  }
0x1f5: {  	[tilespmem:s6+$0x1C0] =	vst v4  }
0x1f6: {  	v4 =	vld.idx.msk [tilespmem:v5+s0+$0x0], $0xffff  }
0x1f7: {  	v5 =	vor.u32 s21, v2;
	_ =	sdelay $0x3  }
0x1f8: {  	[tilespmem:s6+$0x1D0] =	vst v4  }
0x1f9: {  	v4 =	vld.idx.msk [tilespmem:v5+s0+$0x0], $0xffff  }
0x1fa: {  	v5 =	vor.u32 s21, v3  }
0x1fb: {  	s23 =	spop (v2sf)  }
0x1fc: {  	s29 =	simm.s32 $0x2;
	s24 =	sand.u32 $0x7F, s23  }
0x1fd: {  	s28 =	sshra.s32 s23, $0x1F;
	p6 =	slt.s32 s23, $0x1;
	p5 =	sne.s32 s24, $0x0  }
0x1fe: {  	s12 =	simm.s32 $0xB600;
	s8 =	sshrl.u32 s28, $0x19;
	p0 =	por !p6, !p5;
	[tilespmem:s6+$0x1E0] =	vst v4  }
0x1ff: {  	s5 =	sadd.s32 s8, s23;
	s8 =	simm.s32 $0x1;
	p0 =	por !p0, !p0;
	v4 =	vld.idx.msk [tilespmem:v5+s0+$0x0], $0xffff  }
0x200: {  	s16 =	simm.s32 $0xD200;
	s5 =	sshrl.u32 s5, $0x7;
	s8 =	simm.s32 @!p0 $0x0  }
0x201: {  	s18 =	simm.s32 $0xEE00;
	s14 =	simm.s32 $0x10A00;
	s5 =	ssub.s32 s5, s8  }
0x202: {  	s30 =	simm.s32 $0x14200;
	p0 =	sne.s32 s7, $0x780;
	s5 =	sshll.u32 s5, $0x7  }
.Ltmp0:
0x203: {  	s10 =	simm.s32 $0x12600;
	s5 =	sand.u32 $0x1FFFFF80, s5;
	(pc) =	sbr.rel @p0 .LBB2_2-.Ltmp0, $4  }
0x204: {  	s31 =	simm.s32 $0x15E00;
	s23 =	simm.s32 $0x15E00;
	s5 =	sadd.s32 s3, s5;
	[tilespmem:s6+$0x1F0] =	vst v4  }
0x205: {  	[tilespmem:s0], [sflag:$0x8] =	stream.strided.gather [hbm4b:s5+s1], $0x1800, s26, s1, $0x38;
	[tilespmem:$0x16200] =	vst v63  }
0x206: {  	s7 =	sadd.s32 $0x40, s7;
	s6 =	sadd.s32 $0x400, s6;
	s5 =	sadd.s32 $0x5B8F00, s5  }
0x207: {  	[tilespmem:s31], [sflag:$0x8] =	stream.linear.gather [hbm4b:s5+s9], $0x100, $0x38;
	[tilespmem:$0x16200] =	vst v63  }
0x208: {  	v4 =	vld [tilespmem:$0x1F0];
	_ =	sdelay $0x4  }
0x209: {  	(v2sf) =	vpush v4, $0x0;
	_ =	sdelay $0xe  }
0x20a: {  	s5 =	spop (v2sf)  }
0x20b: {  	s6 =	sand.u32 $0x7F, s5;
	_ =	swait.ge [sflag:s25], $0x1900  }
0x20c: {  	v5 =	vor.u32 s6, v0;
	(v2sf) =	vpush v4, $0x8;
	_ =	sdelay $0x2  }
0x20d: {  	[sflag:s25] =	ssyncset.done $0x0  }
0x20e: {  	s28 =	simm.s32 $0x8200;
	[sflag:s25] =	ssyncadd.s32 $0xFFFFE700  }
0x20f: {  	v5 =	vld.idx.msk [tilespmem:v5+s28+$0x0], $0xffff  }
0x210: {  	v6 =	vor.u32 s6, v1;
	_ =	sdelay $0x3  }
0x211: {  	[tilespmem:$0x7E00] =	vst v5  }
0x212: {  	v5 =	vld.idx.msk [tilespmem:v6+s28+$0x0], $0xffff  }
0x213: {  	v44 =	vor.u32 s6, v2;
	_ =	sdelay $0x2  }
0x214: {  	s5 =	spop (v2sf);
	(v2sf) =	vpush v4, $0x1  }
0x215: {  	[tilespmem:$0x7E10] =	vst v5  }
0x216: {  	s7 =	sshra.s32 s5, $0x1F;
	v5 =	vld.idx.msk [tilespmem:v44+s28+$0x0], $0xffff  }
0x217: {  	v45 =	vor.u32 s6, v3;
	s0 =	sshrl.u32 s7, $0x19  }
0x218: {  	s6 =	sadd.s32 s0, s5  }
0x219: {  	s1 =	sand.u32 $0xFFFFFF80, s6  }
0x21a: {  	p0 =	slt.s32 s5, $0x1;
	p1 =	sne.s32 s5, s1  }
0x21b: {  	p0 =	por !p0, !p1;
	[tilespmem:$0x7E20] =	vst v5  }
0x21c: {  	s7 =	simm.s32 $0x1;
	p0 =	por !p0, !p0;
	v5 =	vld.idx.msk [tilespmem:v45+s28+$0x0], $0xffff  }
0x21d: {  	s6 =	sshrl.u32 s6, $0x7;
	s7 =	simm.s32 @!p0 $0x0  }
0x21e: {  	s6 =	ssub.s32 s6, s7  }
0x21f: {  	s6 =	sshll.u32 s6, $0x7  }
0x220: {  	s26 =	simm.s32 $0x7A1400;
	s3 =	rddreg [dreg:$0x1];
	s6 =	sand.u32 $0x1FFFFF80, s6  }
0x221: {  	s9 =	simm.s32 $0x400;
	s2 =	simm.s32 $0x9A00;
	s6 =	sadd.s32 s3, s6;
	[tilespmem:$0x7E30] =	vst v5  }
0x222: {  	[tilespmem:s28], [sflag:$0x1] =	stream.strided.gather [hbm4b:s6+s9], $0x1800, s26, s9, $0x38;
	[tilespmem:$0x16200] =	vst v63  }
0x223: {  	s0 =	simm.s32 $0x0;
	s6 =	sadd.s32 $0x5B8F00, s6;
	s8 =	spop (v2sf)  }
0x224: {  	[tilespmem:s2], [sflag:$0x1] =	stream.linear.gather [hbm4b:s6+s0], $0x100, $0x38;
	[tilespmem:$0x16200] =	vst v63  }
0x225: {  	s11 =	sand.u32 $0x7F, s8  }
0x226: {  	_ =	swait.ge [sflag:s29], $0x1900;
	v5 =	vor.u32 s11, v0  }
0x227: {  	(v2sf) =	vpush v4, $0x9;
	_ =	sdelay $0x1  }
0x228: {  	[sflag:s29] =	ssyncset.done $0x0  }
0x229: {  	s2 =	simm.s32 $0x9E00;
	[sflag:s29] =	ssyncadd.s32 $0xFFFFE700  }
0x22a: {  	v5 =	vld.idx.msk [tilespmem:v5+s2+$0x0], $0xffff  }
0x22b: {  	v46 =	vor.u32 s11, v1;
	_ =	sdelay $0x3  }
0x22c: {  	[tilespmem:$0x7E40] =	vst v5  }
0x22d: {  	v5 =	vld.idx.msk [tilespmem:v46+s2+$0x0], $0xffff  }
0x22e: {  	v47 =	vor.u32 s11, v2;
	_ =	sdelay $0x3  }
0x22f: {  	[tilespmem:$0x7E50] =	vst v5;
	s6 =	spop (v2sf)  }
0x230: {  	(v2sf) =	vpush v4, $0x2;
	v5 =	vld.idx.msk [tilespmem:v47+s2+$0x0], $0xffff;
	s8 =	sshra.s32 s6, $0x1F  }
0x231: {  	v48 =	vor.u32 s11, v3;
	s15 =	sshrl.u32 s8, $0x19  }
0x232: {  	s7 =	sadd.s32 s15, s6  }
0x233: {  	s17 =	sand.u32 $0xFFFFFF80, s7  }
0x234: {  	p5 =	slt.s32 s6, $0x1;
	p6 =	sne.s32 s6, s17  }
0x235: {  	s13 =	simm.s32 $0x9E00;
	[tilespmem:$0x7E60] =	vst v5;
	p0 =	por !p5, !p6  }
0x236: {  	s8 =	simm.s32 $0x1;
	v5 =	vld.idx.msk [tilespmem:v48+s13+$0x0], $0xffff;
	p0 =	por !p0, !p0  }
0x237: {  	s7 =	sshrl.u32 s7, $0x7;
	s8 =	simm.s32 @!p0 $0x0  }
0x238: {  	s7 =	ssub.s32 s7, s8  }
0x239: {  	s7 =	sshll.u32 s7, $0x7  }
0x23a: {  	s7 =	sand.u32 $0x1FFFFF80, s7  }
0x23b: {  	[tilespmem:$0x7E70] =	vst v5;
	s7 =	sadd.s32 s3, s7  }
0x23c: {  	[tilespmem:s13], [sflag:$0x2] =	stream.strided.gather [hbm4b:s7+s9], $0x1800, s26, s9, $0x38;
	[tilespmem:$0x16200] =	vst v63  }
0x23d: {  	s4 =	simm.s32 $0x0;
	s7 =	sadd.s32 $0x5B8F00, s7  }
0x23e: {  	[tilespmem:s12], [sflag:$0x2] =	stream.linear.gather [hbm4b:s7+s4], $0x100, $0x38;
	[tilespmem:$0x16200] =	vst v63  }
0x23f: {  	s22 =	simm.s32 $0x3;
	s20 =	spop (v2sf)  }
0x240: {  	s21 =	sand.u32 $0x7F, s20;
	_ =	swait.ge [sflag:s22], $0x1900  }
0x241: {  	v5 =	vor.u32 s21, v0;
	(v2sf) =	vpush v4, $0xA;
	_ =	sdelay $0x2  }
0x242: {  	[sflag:s22] =	ssyncset.done $0x0  }
0x243: {  	s24 =	simm.s32 $0xBA00;
	[sflag:s22] =	ssyncadd.s32 $0xFFFFE700  }
0x244: {  	v5 =	vld.idx.msk [tilespmem:v5+s24+$0x0], $0xffff  }
0x245: {  	v49 =	vor.u32 s21, v1;
	_ =	sdelay $0x3  }
0x246: {  	[tilespmem:$0x7E80] =	vst v5  }
0x247: {  	v5 =	vld.idx.msk [tilespmem:v49+s24+$0x0], $0xffff  }
0x248: {  	v50 =	vor.u32 s21, v2;
	_ =	sdelay $0x2  }
0x249: {  	s7 =	spop (v2sf);
	(v2sf) =	vpush v4, $0x3  }
0x24a: {  	[tilespmem:$0x7E90] =	vst v5  }
0x24b: {  	s11 =	sshra.s32 s7, $0x1F;
	v5 =	vld.idx.msk [tilespmem:v50+s24+$0x0], $0xffff  }
0x24c: {  	v51 =	vor.u32 s21, v3;
	s31 =	sshrl.u32 s11, $0x19  }
0x24d: {  	s8 =	sadd.s32 s31, s7  }
0x24e: {  	s2 =	sand.u32 $0xFFFFFF80, s8  }
0x24f: {  	p1 =	slt.s32 s7, $0x1;
	p2 =	sne.s32 s7, s2  }
0x250: {  	s1 =	simm.s32 $0xBA00;
	p0 =	por !p1, !p2;
	[tilespmem:$0x7EA0] =	vst v5  }
0x251: {  	s11 =	simm.s32 $0x1;
	p0 =	por !p0, !p0;
	v5 =	vld.idx.msk [tilespmem:v51+s1+$0x0], $0xffff  }
0x252: {  	s8 =	sshrl.u32 s8, $0x7;
	s11 =	simm.s32 @!p0 $0x0  }
0x253: {  	s8 =	ssub.s32 s8, s11  }
0x254: {  	s8 =	sshll.u32 s8, $0x7  }
0x255: {  	s8 =	sand.u32 $0x1FFFFF80, s8  }
0x256: {  	s8 =	sadd.s32 s3, s8;
	[tilespmem:$0x7EB0] =	vst v5  }
0x257: {  	[tilespmem:s1], [sflag:$0x3] =	stream.strided.gather [hbm4b:s8+s9], $0x1800, s26, s9, $0x38;
	[tilespmem:$0x16200] =	vst v63  }
0x258: {  	s19 =	simm.s32 $0x0;
	s8 =	sadd.s32 $0x5B8F00, s8;
	s11 =	spop (v2sf)  }
0x259: {  	[tilespmem:s16], [sflag:$0x3] =	stream.linear.gather [hbm4b:s8+s19], $0x100, $0x38;
	[tilespmem:$0x16200] =	vst v63  }
0x25a: {  	s13 =	simm.s32 $0x4;
	s8 =	sand.u32 $0x7F, s11  }
0x25b: {  	_ =	swait.ge [sflag:s13], $0x1900;
	v5 =	vor.u32 s8, v0  }
0x25c: {  	(v2sf) =	vpush v4, $0xB;
	_ =	sdelay $0x1  }
0x25d: {  	[sflag:s13] =	ssyncset.done $0x0  }
0x25e: {  	s31 =	simm.s32 $0xD600;
	[sflag:s13] =	ssyncadd.s32 $0xFFFFE700  }
0x25f: {  	v5 =	vld.idx.msk [tilespmem:v5+s31+$0x0], $0xffff  }
0x260: {  	v52 =	vor.u32 s8, v1;
	_ =	sdelay $0x3  }
0x261: {  	[tilespmem:$0x7EC0] =	vst v5  }
0x262: {  	v5 =	vld.idx.msk [tilespmem:v52+s31+$0x0], $0xffff  }
0x263: {  	v53 =	vor.u32 s8, v2;
	_ =	sdelay $0x3  }
0x264: {  	[tilespmem:$0x7ED0] =	vst v5;
	s11 =	spop (v2sf)  }
0x265: {  	(v2sf) =	vpush v4, $0x4;
	v5 =	vld.idx.msk [tilespmem:v53+s31+$0x0], $0xffff;
	s13 =	sshra.s32 s11, $0x1F  }
0x266: {  	v54 =	vor.u32 s8, v3;
	s15 =	sshrl.u32 s13, $0x19  }
0x267: {  	s8 =	sadd.s32 s15, s11  }
0x268: {  	s17 =	sand.u32 $0xFFFFFF80, s8  }
0x269: {  	p3 =	slt.s32 s11, $0x1;
	p4 =	sne.s32 s11, s17  }
0x26a: {  	[tilespmem:$0x7EE0] =	vst v5;
	p0 =	por !p3, !p4  }
0x26b: {  	s13 =	simm.s32 $0x1;
	v5 =	vld.idx.msk [tilespmem:v54+s31+$0x0], $0xffff;
	p0 =	por !p0, !p0  }
0x26c: {  	s8 =	sshrl.u32 s8, $0x7;
	s13 =	simm.s32 @!p0 $0x0  }
0x26d: {  	s8 =	ssub.s32 s8, s13  }
0x26e: {  	s8 =	sshll.u32 s8, $0x7  }
0x26f: {  	s8 =	sand.u32 $0x1FFFFF80, s8  }
0x270: {  	[tilespmem:$0x7EF0] =	vst v5;
	s8 =	sadd.s32 s3, s8  }
0x271: {  	[tilespmem:s31], [sflag:$0x4] =	stream.strided.gather [hbm4b:s8+s9], $0x1800, s26, s9, $0x38;
	[tilespmem:$0x16200] =	vst v63  }
0x272: {  	s4 =	simm.s32 $0x0;
	s8 =	sadd.s32 $0x5B8F00, s8  }
0x273: {  	[tilespmem:s18], [sflag:$0x4] =	stream.linear.gather [hbm4b:s8+s4], $0x100, $0x38;
	[tilespmem:$0x16200] =	vst v63  }
0x274: {  	s21 =	simm.s32 $0x5;
	s20 =	spop (v2sf)  }
0x275: {  	s8 =	sand.u32 $0x7F, s20;
	_ =	swait.ge [sflag:s21], $0x1900  }
0x276: {  	v5 =	vor.u32 s8, v0;
	(v2sf) =	vpush v4, $0xC;
	_ =	sdelay $0x2  }
0x277: {  	[sflag:s21] =	ssyncset.done $0x0  }
0x278: {  	s2 =	simm.s32 $0xF200;
	[sflag:s21] =	ssyncadd.s32 $0xFFFFE700  }
0x279: {  	v5 =	vld.idx.msk [tilespmem:v5+s2+$0x0], $0xffff  }
0x27a: {  	v55 =	vor.u32 s8, v1;
	_ =	sdelay $0x3  }
0x27b: {  	[tilespmem:$0x7F00] =	vst v5  }
0x27c: {  	v5 =	vld.idx.msk [tilespmem:v55+s2+$0x0], $0xffff  }
0x27d: {  	v56 =	vor.u32 s8, v2;
	_ =	sdelay $0x2  }
0x27e: {  	s13 =	spop (v2sf);
	(v2sf) =	vpush v4, $0x5  }
0x27f: {  	[tilespmem:$0x7F10] =	vst v5  }
0x280: {  	s15 =	sshra.s32 s13, $0x1F;
	v5 =	vld.idx.msk [tilespmem:v56+s2+$0x0], $0xffff  }
0x281: {  	v57 =	vor.u32 s8, v3;
	s22 =	sshrl.u32 s15, $0x19  }
0x282: {  	s8 =	sadd.s32 s22, s13  }
0x283: {  	s24 =	sand.u32 $0xFFFFFF80, s8  }
0x284: {  	p5 =	slt.s32 s13, $0x1;
	p6 =	sne.s32 s13, s24  }
0x285: {  	p0 =	por !p5, !p6;
	[tilespmem:$0x7F20] =	vst v5  }
0x286: {  	s15 =	simm.s32 $0x1;
	p0 =	por !p0, !p0;
	v5 =	vld.idx.msk [tilespmem:v57+s2+$0x0], $0xffff  }
0x287: {  	s8 =	sshrl.u32 s8, $0x7;
	s15 =	simm.s32 @!p0 $0x0  }
0x288: {  	s8 =	ssub.s32 s8, s15  }
0x289: {  	s8 =	sshll.u32 s8, $0x7  }
0x28a: {  	s8 =	sand.u32 $0x1FFFFF80, s8  }
0x28b: {  	s8 =	sadd.s32 s3, s8;
	[tilespmem:$0x7F30] =	vst v5  }
0x28c: {  	[tilespmem:s2], [sflag:$0x5] =	stream.strided.gather [hbm4b:s8+s9], $0x1800, s26, s9, $0x38;
	[tilespmem:$0x16200] =	vst v63  }
0x28d: {  	s19 =	simm.s32 $0x0;
	s8 =	sadd.s32 $0x5B8F00, s8;
	s15 =	spop (v2sf)  }
0x28e: {  	[tilespmem:s14], [sflag:$0x5] =	stream.linear.gather [hbm4b:s8+s19], $0x100, $0x38;
	[tilespmem:$0x16200] =	vst v63  }
0x28f: {  	s4 =	simm.s32 $0x6;
	s8 =	sand.u32 $0x7F, s15  }
0x290: {  	_ =	swait.ge [sflag:s4], $0x1900;
	v5 =	vor.u32 s8, v0  }
0x291: {  	(v2sf) =	vpush v4, $0xD;
	_ =	sdelay $0x1  }
0x292: {  	[sflag:s4] =	ssyncset.done $0x0  }
0x293: {  	s20 =	simm.s32 $0x10E00;
	[sflag:s4] =	ssyncadd.s32 $0xFFFFE700  }
0x294: {  	v5 =	vld.idx.msk [tilespmem:v5+s20+$0x0], $0xffff  }
0x295: {  	v58 =	vor.u32 s8, v1;
	_ =	sdelay $0x3  }
0x296: {  	[tilespmem:$0x7F40] =	vst v5  }
0x297: {  	v5 =	vld.idx.msk [tilespmem:v58+s20+$0x0], $0xffff  }
0x298: {  	v59 =	vor.u32 s8, v2;
	_ =	sdelay $0x3  }
0x299: {  	[tilespmem:$0x7F50] =	vst v5;
	s15 =	spop (v2sf)  }
0x29a: {  	(v2sf) =	vpush v4, $0x6;
	v5 =	vld.idx.msk [tilespmem:v59+s20+$0x0], $0xffff;
	s17 =	sshra.s32 s15, $0x1F  }
0x29b: {  	v60 =	vor.u32 s8, v3;
	s17 =	sshrl.u32 s17, $0x19  }
0x29c: {  	s8 =	sadd.s32 s17, s15  }
0x29d: {  	s19 =	sand.u32 $0xFFFFFF80, s8  }
0x29e: {  	p1 =	slt.s32 s15, $0x1;
	p2 =	sne.s32 s15, s19  }
0x29f: {  	[tilespmem:$0x7F60] =	vst v5;
	p0 =	por !p1, !p2  }
0x2a0: {  	s17 =	simm.s32 $0x1;
	v5 =	vld.idx.msk [tilespmem:v60+s20+$0x0], $0xffff;
	p0 =	por !p0, !p0  }
0x2a1: {  	s8 =	sshrl.u32 s8, $0x7;
	s17 =	simm.s32 @!p0 $0x0  }
0x2a2: {  	s8 =	ssub.s32 s8, s17  }
0x2a3: {  	s8 =	sshll.u32 s8, $0x7  }
0x2a4: {  	s8 =	sand.u32 $0x1FFFFF80, s8  }
0x2a5: {  	[tilespmem:$0x7F70] =	vst v5;
	s8 =	sadd.s32 s3, s8  }
0x2a6: {  	[tilespmem:s20], [sflag:$0x6] =	stream.strided.gather [hbm4b:s8+s9], $0x1800, s26, s9, $0x38;
	[tilespmem:$0x16200] =	vst v63  }
0x2a7: {  	s1 =	simm.s32 $0x0;
	s8 =	sadd.s32 $0x5B8F00, s8  }
0x2a8: {  	[tilespmem:s10], [sflag:$0x6] =	stream.linear.gather [hbm4b:s8+s1], $0x100, $0x38;
	[tilespmem:$0x16200] =	vst v63  }
0x2a9: {  	s24 =	spop (v2sf)  }
0x2aa: {  	s8 =	sand.u32 $0x7F, s24;
	s24 =	simm.s32 $0x7  }
0x2ab: {  	_ =	swait.ge [sflag:s24], $0x1900;
	v5 =	vor.u32 s8, v0  }
0x2ac: {  	(v2sf) =	vpush v4, $0xE;
	_ =	sdelay $0x1  }
0x2ad: {  	[sflag:s24] =	ssyncset.done $0x0  }
0x2ae: {  	s22 =	simm.s32 $0x12A00;
	[sflag:s24] =	ssyncadd.s32 $0xFFFFE700  }
0x2af: {  	v5 =	vld.idx.msk [tilespmem:v5+s22+$0x0], $0xffff  }
0x2b0: {  	v61 =	vor.u32 s8, v1;
	_ =	sdelay $0x3  }
0x2b1: {  	[tilespmem:$0x7F80] =	vst v5  }
0x2b2: {  	v5 =	vld.idx.msk [tilespmem:v61+s22+$0x0], $0xffff  }
0x2b3: {  	v62 =	vor.u32 s8, v2;
	_ =	sdelay $0x3  }
0x2b4: {  	[tilespmem:$0x7F90] =	vst v5;
	s17 =	spop (v2sf)  }
0x2b5: {  	(v2sf) =	vpush v4, $0x7;
	v5 =	vld.idx.msk [tilespmem:v62+s22+$0x0], $0xffff;
	s19 =	sshra.s32 s17, $0x1F  }
0x2b6: {  	v63 =	vor.u32 s8, v3;
	s1 =	sshrl.u32 s19, $0x19  }
0x2b7: {  	s8 =	sadd.s32 s1, s17  }
0x2b8: {  	s4 =	sand.u32 $0xFFFFFF80, s8  }
0x2b9: {  	p3 =	slt.s32 s17, $0x1;
	p4 =	sne.s32 s17, s4  }
0x2ba: {  	[tilespmem:$0x7FA0] =	vst v5;
	p0 =	por !p3, !p4  }
0x2bb: {  	s19 =	simm.s32 $0x1;
	v5 =	vld.idx.msk [tilespmem:v63+s22+$0x0], $0xffff;
	p0 =	por !p0, !p0  }
0x2bc: {  	s8 =	sshrl.u32 s8, $0x7;
	s19 =	simm.s32 @!p0 $0x0  }
0x2bd: {  	s8 =	ssub.s32 s8, s19  }
0x2be: {  	s8 =	sshll.u32 s8, $0x7  }
0x2bf: {  	s8 =	sand.u32 $0x1FFFFF80, s8  }
0x2c0: {  	[tilespmem:$0x7FB0] =	vst v5;
	s8 =	sadd.s32 s3, s8  }
0x2c1: {  	[tilespmem:s22], [sflag:$0x7] =	stream.strided.gather [hbm4b:s8+s9], $0x1800, s26, s9, $0x38;
	[tilespmem:$0x16200] =	vst v63  }
0x2c2: {  	s21 =	simm.s32 $0x0;
	s8 =	sadd.s32 $0x5B8F00, s8  }
0x2c3: {  	[tilespmem:s30], [sflag:$0x7] =	stream.linear.gather [hbm4b:s8+s21], $0x100, $0x38;
	[tilespmem:$0x16200] =	vst v63  }
0x2c4: {  	s19 =	spop (v2sf)  }
0x2c5: {  	s4 =	simm.s32 $0x8;
	s8 =	sand.u32 $0x7F, s19  }
0x2c6: {  	_ =	swait.ge [sflag:s4], $0x1900;
	v5 =	vor.u32 s8, v0  }
0x2c7: {  	(v2sf) =	vpush v4, $0xF;
	_ =	sdelay $0x1  }
0x2c8: {  	[sflag:s4] =	ssyncset.done $0x0  }
0x2c9: {  	s0 =	simm.s32 $0x14600;
	[sflag:s4] =	ssyncadd.s32 $0xFFFFE700  }
0x2ca: {  	v4 =	vld.idx.msk [tilespmem:v5+s0+$0x0], $0xffff  }
0x2cb: {  	v5 =	vor.u32 s8, v1;
	_ =	sdelay $0x3  }
0x2cc: {  	[tilespmem:$0x7FC0] =	vst v4  }
0x2cd: {  	v4 =	vld.idx.msk [tilespmem:v5+s0+$0x0], $0xffff  }
0x2ce: {  	v5 =	vor.u32 s8, v2;
	_ =	sdelay $0x3  }
0x2cf: {  	s19 =	spop (v2sf);
	[tilespmem:$0x7FD0] =	vst v4  }
0x2d0: {  	s21 =	sshra.s32 s19, $0x1F;
	v4 =	vld.idx.msk [tilespmem:v5+s0+$0x0], $0xffff  }
0x2d1: {  	v5 =	vor.u32 s8, v3;
	s21 =	sshrl.u32 s21, $0x19  }
0x2d2: {  	s8 =	sadd.s32 s21, s19  }
0x2d3: {  	s21 =	sand.u32 $0xFFFFFF80, s8  }
0x2d4: {  	p5 =	slt.s32 s19, $0x1;
	p6 =	sne.s32 s19, s21  }
0x2d5: {  	p0 =	por !p5, !p6;
	[tilespmem:$0x7FE0] =	vst v4  }
0x2d6: {  	s21 =	simm.s32 $0x1;
	p0 =	por !p0, !p0;
	v4 =	vld.idx.msk [tilespmem:v5+s0+$0x0], $0xffff  }
0x2d7: {  	s8 =	sshrl.u32 s8, $0x7;
	s21 =	simm.s32 @!p0 $0x0  }
0x2d8: {  	s8 =	ssub.s32 s8, s21  }
0x2d9: {  	s8 =	sshll.u32 s8, $0x7  }
0x2da: {  	s8 =	sand.u32 $0x1FFFFF80, s8  }
0x2db: {  	s5 =	sand.u32 $0x7F, s5;
	s8 =	sadd.s32 s3, s8;
	[tilespmem:$0x7FF0] =	vst v4  }
0x2dc: {  	[tilespmem:s0], [sflag:$0x8] =	stream.strided.gather [hbm4b:s8+s9], $0x1800, s26, s9, $0x38;
	[tilespmem:$0x16200] =	vst v63  }
0x2dd: {  	s1 =	simm.s32 $0x0;
	v4 =	vor.u32 s5, v0;
	s8 =	sadd.s32 $0x5B8F00, s8  }
0x2de: {  	[tilespmem:s23], [sflag:$0x8] =	stream.linear.gather [hbm4b:s8+s1], $0x100, $0x38;
	[tilespmem:$0x16200] =	vst v63  }
0x2df: {  	_ =	swait.ge [sflag:s25], $0x1900  }
0x2e0: {  	[sflag:s25] =	ssyncset.done $0x0  }
0x2e1: {  	[sflag:s25] =	ssyncadd.s32 $0xFFFFE700  }
0x2e2: {  	v4 =	vld.idx.msk [tilespmem:v4+s28+$0x0], $0xffff  }
0x2e3: {  	v5 =	vor.u32 s5, v1;
	_ =	sdelay $0x3  }
0x2e4: {  	[tilespmem:$0x8000] =	vst v4  }
0x2e5: {  	v4 =	vld.idx.msk [tilespmem:v5+s28+$0x0], $0xffff  }
0x2e6: {  	v5 =	vor.u32 s5, v2;
	_ =	sdelay $0x3  }
0x2e7: {  	[tilespmem:$0x8010] =	vst v4  }
0x2e8: {  	v4 =	vld.idx.msk [tilespmem:v5+s28+$0x0], $0xffff  }
0x2e9: {  	v5 =	vor.u32 s5, v3;
	_ =	sdelay $0x3  }
0x2ea: {  	[tilespmem:$0x8020] =	vst v4  }
0x2eb: {  	v4 =	vld.idx.msk [tilespmem:v5+s28+$0x0], $0xffff;
	_ =	sdelay $0x2  }
0x2ec: {  	s6 =	sand.u32 $0x7F, s6  }
0x2ed: {  	v5 =	vor.u32 s6, v0  }
0x2ee: {  	[tilespmem:$0x8030] =	vst v4  }
0x2ef: {  	_ =	swait.ge [sflag:s29], $0x1900  }
0x2f0: {  	[sflag:s29] =	ssyncset.done $0x0  }
0x2f1: {  	s9 =	simm.s32 $0x9E00;
	[sflag:s29] =	ssyncadd.s32 $0xFFFFE700  }
0x2f2: {  	v4 =	vld.idx.msk [tilespmem:v5+s9+$0x0], $0xffff  }
0x2f3: {  	v5 =	vor.u32 s6, v1;
	_ =	sdelay $0x3  }
0x2f4: {  	[tilespmem:$0x8040] =	vst v4  }
0x2f5: {  	v4 =	vld.idx.msk [tilespmem:v5+s9+$0x0], $0xffff  }
0x2f6: {  	v5 =	vor.u32 s6, v2;
	_ =	sdelay $0x3  }
0x2f7: {  	[tilespmem:$0x8050] =	vst v4  }
0x2f8: {  	v4 =	vld.idx.msk [tilespmem:v5+s9+$0x0], $0xffff  }
0x2f9: {  	v5 =	vor.u32 s6, v3;
	_ =	sdelay $0x3  }
0x2fa: {  	s21 =	simm.s32 $0x9E00;
	[tilespmem:$0x8060] =	vst v4  }
0x2fb: {  	v4 =	vld.idx.msk [tilespmem:v5+s21+$0x0], $0xffff;
	_ =	sdelay $0x2  }
0x2fc: {  	s26 =	sand.u32 $0x7F, s7  }
0x2fd: {  	v5 =	vor.u32 s26, v0  }
0x2fe: {  	s6 =	simm.s32 $0x3;
	[tilespmem:$0x8070] =	vst v4  }
0x2ff: {  	_ =	swait.ge [sflag:s6], $0x1900  }
0x300: {  	[sflag:s6] =	ssyncset.done $0x0  }
0x301: {  	s7 =	simm.s32 $0xBA00;
	[sflag:s6] =	ssyncadd.s32 $0xFFFFE700  }
0x302: {  	v4 =	vld.idx.msk [tilespmem:v5+s7+$0x0], $0xffff  }
0x303: {  	v5 =	vor.u32 s26, v1;
	_ =	sdelay $0x3  }
0x304: {  	[tilespmem:$0x8080] =	vst v4  }
0x305: {  	v4 =	vld.idx.msk [tilespmem:v5+s7+$0x0], $0xffff  }
0x306: {  	v5 =	vor.u32 s26, v2;
	_ =	sdelay $0x3  }
0x307: {  	[tilespmem:$0x8090] =	vst v4  }
0x308: {  	v4 =	vld.idx.msk [tilespmem:v5+s7+$0x0], $0xffff  }
0x309: {  	v5 =	vor.u32 s26, v3;
	_ =	sdelay $0x3  }
0x30a: {  	s9 =	simm.s32 $0xBA00;
	[tilespmem:$0x80A0] =	vst v4  }
0x30b: {  	v4 =	vld.idx.msk [tilespmem:v5+s9+$0x0], $0xffff;
	_ =	sdelay $0x2  }
0x30c: {  	s21 =	sand.u32 $0x7F, s11  }
0x30d: {  	v5 =	vor.u32 s21, v0  }
0x30e: {  	s26 =	simm.s32 $0x4;
	[tilespmem:$0x80B0] =	vst v4  }
0x30f: {  	_ =	swait.ge [sflag:s26], $0x1900  }
0x310: {  	[sflag:s26] =	ssyncset.done $0x0  }
0x311: {  	[sflag:s26] =	ssyncadd.s32 $0xFFFFE700  }
0x312: {  	v4 =	vld.idx.msk [tilespmem:v5+s31+$0x0], $0xffff  }
0x313: {  	v5 =	vor.u32 s21, v1;
	_ =	sdelay $0x3  }
0x314: {  	[tilespmem:$0x80C0] =	vst v4  }
0x315: {  	v4 =	vld.idx.msk [tilespmem:v5+s31+$0x0], $0xffff  }
0x316: {  	v5 =	vor.u32 s21, v2;
	_ =	sdelay $0x3  }
0x317: {  	[tilespmem:$0x80D0] =	vst v4  }
0x318: {  	v4 =	vld.idx.msk [tilespmem:v5+s31+$0x0], $0xffff  }
0x319: {  	v5 =	vor.u32 s21, v3;
	_ =	sdelay $0x3  }
0x31a: {  	[tilespmem:$0x80E0] =	vst v4  }
0x31b: {  	v4 =	vld.idx.msk [tilespmem:v5+s31+$0x0], $0xffff;
	_ =	sdelay $0x2  }
0x31c: {  	s6 =	sand.u32 $0x7F, s13  }
0x31d: {  	v5 =	vor.u32 s6, v0  }
0x31e: {  	s9 =	simm.s32 $0x5;
	[tilespmem:$0x80F0] =	vst v4  }
0x31f: {  	_ =	swait.ge [sflag:s9], $0x1900  }
0x320: {  	[sflag:s9] =	ssyncset.done $0x0  }
0x321: {  	[sflag:s9] =	ssyncadd.s32 $0xFFFFE700  }
0x322: {  	v4 =	vld.idx.msk [tilespmem:v5+s2+$0x0], $0xffff  }
0x323: {  	v5 =	vor.u32 s6, v1;
	_ =	sdelay $0x3  }
0x324: {  	[tilespmem:$0x8100] =	vst v4  }
0x325: {  	v4 =	vld.idx.msk [tilespmem:v5+s2+$0x0], $0xffff  }
0x326: {  	v5 =	vor.u32 s6, v2;
	_ =	sdelay $0x3  }
0x327: {  	[tilespmem:$0x8110] =	vst v4  }
0x328: {  	v4 =	vld.idx.msk [tilespmem:v5+s2+$0x0], $0xffff  }
0x329: {  	v5 =	vor.u32 s6, v3;
	_ =	sdelay $0x3  }
0x32a: {  	[tilespmem:$0x8120] =	vst v4  }
0x32b: {  	v4 =	vld.idx.msk [tilespmem:v5+s2+$0x0], $0xffff;
	_ =	sdelay $0x2  }
0x32c: {  	s13 =	sand.u32 $0x7F, s15  }
0x32d: {  	v5 =	vor.u32 s13, v0  }
0x32e: {  	s15 =	simm.s32 $0x6;
	[tilespmem:$0x8130] =	vst v4  }
0x32f: {  	_ =	swait.ge [sflag:s15], $0x1900  }
0x330: {  	[sflag:s15] =	ssyncset.done $0x0  }
0x331: {  	[sflag:s15] =	ssyncadd.s32 $0xFFFFE700  }
0x332: {  	v4 =	vld.idx.msk [tilespmem:v5+s20+$0x0], $0xffff  }
0x333: {  	v5 =	vor.u32 s13, v1;
	_ =	sdelay $0x3  }
0x334: {  	[tilespmem:$0x8140] =	vst v4  }
0x335: {  	v4 =	vld.idx.msk [tilespmem:v5+s20+$0x0], $0xffff  }
0x336: {  	v5 =	vor.u32 s13, v2;
	_ =	sdelay $0x3  }
0x337: {  	[tilespmem:$0x8150] =	vst v4  }
0x338: {  	v4 =	vld.idx.msk [tilespmem:v5+s20+$0x0], $0xffff  }
0x339: {  	v5 =	vor.u32 s13, v3;
	_ =	sdelay $0x3  }
0x33a: {  	[tilespmem:$0x8160] =	vst v4  }
0x33b: {  	v4 =	vld.idx.msk [tilespmem:v5+s20+$0x0], $0xffff;
	_ =	sdelay $0x2  }
0x33c: {  	s17 =	sand.u32 $0x7F, s17  }
0x33d: {  	v5 =	vor.u32 s17, v0  }
0x33e: {  	[tilespmem:$0x8170] =	vst v4  }
0x33f: {  	_ =	swait.ge [sflag:s24], $0x1900  }
0x340: {  	[sflag:s24] =	ssyncset.done $0x0  }
0x341: {  	[sflag:s24] =	ssyncadd.s32 $0xFFFFE700  }
0x342: {  	v4 =	vld.idx.msk [tilespmem:v5+s22+$0x0], $0xffff  }
0x343: {  	v5 =	vor.u32 s17, v1;
	_ =	sdelay $0x3  }
0x344: {  	[tilespmem:$0x8180] =	vst v4  }
0x345: {  	v4 =	vld.idx.msk [tilespmem:v5+s22+$0x0], $0xffff  }
0x346: {  	v5 =	vor.u32 s17, v2;
	_ =	sdelay $0x3  }
0x347: {  	[tilespmem:$0x8190] =	vst v4  }
0x348: {  	v4 =	vld.idx.msk [tilespmem:v5+s22+$0x0], $0xffff  }
0x349: {  	v5 =	vor.u32 s17, v3;
	_ =	sdelay $0x3  }
0x34a: {  	[tilespmem:$0x81A0] =	vst v4  }
0x34b: {  	v4 =	vld.idx.msk [tilespmem:v5+s22+$0x0], $0xffff;
	_ =	sdelay $0x2  }
0x34c: {  	s20 =	sand.u32 $0x7F, s19  }
0x34d: {  	v5 =	vor.u32 s20, v0  }
0x34e: {  	[tilespmem:$0x81B0] =	vst v4  }
0x34f: {  	_ =	swait.ge [sflag:s4], $0x1900  }
0x350: {  	[sflag:s4] =	ssyncset.done $0x0  }
0x351: {  	[sflag:s4] =	ssyncadd.s32 $0xFFFFE700  }
0x352: {  	v4 =	vld.idx.msk [tilespmem:v5+s0+$0x0], $0xffff  }
0x353: {  	v5 =	vor.u32 s20, v1;
	_ =	sdelay $0x3  }
0x354: {  	[tilespmem:$0x81C0] =	vst v4  }
0x355: {  	v4 =	vld.idx.msk [tilespmem:v5+s0+$0x0], $0xffff  }
0x356: {  	v5 =	vor.u32 s20, v2;
	_ =	sdelay $0x3  }
0x357: {  	[tilespmem:$0x81D0] =	vst v4  }
0x358: {  	v4 =	vld.idx.msk [tilespmem:v5+s0+$0x0], $0xffff  }
0x359: {  	v5 =	vor.u32 s20, v3;
	_ =	sdelay $0x3  }
0x35a: {  	[tilespmem:$0x81E0] =	vst v4  }
0x35b: {  	v4 =	vld.idx.msk [tilespmem:v5+s0+$0x0], $0xffff;
	_ =	sdelay $0x3  }
0x35c: {  	s3 =	simm.s32 $0x0  }
0x35d: {  	s6 =	simm.s32 $0x9;
	s24 =	simm.s32 $0x200;
	s22 =	rddreg [dreg:$0x5];
	[tilespmem:$0x81F0] =	vst v4  }
0x35e: {  	[hbm4b:s22+s3] =	stream.linear.scatter [tilespmem:s24], [sflag:$0x9], $0x8000, $0x38;
	[tilespmem:$0x16200] =	vst v63  }
0x35f: {  	_ =	swait.ge [sflag:s6], $0x8000  }
0x360: {  	s26 =	rddreg [dreg:$0x7]  }
0x361: {  	s31 =	rddreg [dreg:$0x6];
	s17 =	sadd.s32 $0x1, s26  }
0x362: {  	p0 =	sne.s32 s17, s31  }
.Ltmp1:
0x363: {  	_ = 	snop;
	(pc) =	sbr.rel @p0 .LBB2_1-.Ltmp1, $4  }
0x364: {  	s8 =	simm.s32 $0x8200  }
0x365: {  	s28 =	simm.s32 $0x9E00;
	s11 =	simm.s32 $0xD600;
	s7 =	simm.s32 $0xBA00  }
0x366: {  	s21 =	simm.s32 $0xF200;
	s2 =	simm.s32 $0x14600;
	[sflag:s6] =	ssyncset.done $0x0  }
0x367: {  	s15 =	simm.s32 $0x12A00;
	s13 =	simm.s32 $0x10E00;
	[sflag:s6] =	ssyncadd.s32 $0xFFFF8000  }
0x368: {  	_ =	sfence.sel $0x180000  }
0x369: {  	[bflag:$0x0] =	sbarrier.arrive $0xFFFF  }
0x36a: {  	_ =	strace $0x90000047  }
0x36b: {  	s0 =	stileid.u32;
	[bflag:$0x2] =	sbarrier.arrive $0xFFFF  }
0x36c: {  	p0 =	sne.s32 s0, $0x0;
	s0 =	rddreg [dreg:$0x3]  }
0x36d: {  	s0 =	sadd.s32 @!p0 $0x100000, s0  }
0x36e: {  	[sflag:s0] =	ssyncadd.tile.s32 @!p0 $0x1;
	_ =	shalt  }
.Lfunc_end2:
_tile_overlayer_lowered:
.L_overlay_start_2:
0x36f: {  	(tag) =	ssettag $0x2  }
0x370: {  	s0 =	rddreg [dreg:$0x0];
	s2 =	stileid.u32  }
0x371: {  	s1 =	rddreg [dreg:$0x1];
	p0 =	sne.s32 s2, $0x0  }
0x372: {  	s3 =	rddreg [dreg:$0x2];
	[bflag:$0x3] =	sbarrier.arrive $0xFFFF;
	s2 =	simm.s32 @!p0 $0x1C09  }
0x373: {  	[timem:s3], [sflag:s2] =	dma.local @!p0 [hbm:s0], s1  }
0x374: {  	s0 =	simm.s32 @!p0 $0x9  }
0x375: {  	_ =	swait.ge @!p0 [sflag:s0], s1  }
0x376: {  	s1 =	ssub.s32 @!p0 $0x0, s1;
	[sflag:s0] =	ssyncset.done @!p0 $0x0  }
0x377: {  	[sflag:s0] =	ssyncadd.s32 @!p0 s1  }
0x378: {  	[bflag:$0x3] =	sbarrier.arrive $0xFFFF  }
0x379: {  	_ =	shalt  }

// kernel: kernel.8.cloned.1.call-start
scs
__scs_entry_jumppad:
0x0: {  	(pc) =	sbr.rel $0x88, $3  }
0x1: {  	(tag) =	ssettag $0x0;
	lr =	simm.s32 $0x1  }
0x2: {  	[smem:$0x3F95] =	sst lr;
	_ =	strace $0xD0000000  }
0x3: {  	_ = 	snop  }
0x4: {  	_ = 	snop  }
0x5: {  	_ = 	snop  }
0x6: {  	_ = 	snop  }
0x7: {  	_ = 	snop  }
__scs_overlays_trampoline_lowered:
0x8: {  	[smem:$0x3FA4] =	sst s0  }
0x9: {  	[smem:$0x3FA5] =	sst s1  }
0xa: {  	[smem:$0x3FA6] =	sst s2  }
0xb: {  	[smem:$0x3FA7] =	sst s3  }
0xc: {  	[smem:$0x3FA8] =	sst s4  }
0xd: {  	[smem:$0x3FA9] =	sst s5  }
0xe: {  	[smem:$0x3FAA] =	sst s6  }
0xf: {  	[smem:$0x3FAB] =	sst s7  }
0x10: {  	[smem:$0x3FAC] =	sst s8  }
0x11: {  	[smem:$0x3FAD] =	sst s9;
	s0 =	simm.s32 @!p0 $0x0  }
0x12: {  	s1 =	sld [smem:$0x3F93];
	s0 =	simm.s32 @p0 $0x1  }
0x13: {  	[smem:$0x3FAE] =	sst s0;
	s0 =	simm.s32 @!p1 $0x0  }
0x14: {  	s2 =	sld [smem:$0x3F92];
	s0 =	simm.s32 @p1 $0x1  }
0x15: {  	[smem:$0x3FAF] =	sst s0;
	s0 =	simm.s32 @!p2 $0x0  }
0x16: {  	s3 =	sld [smem:$0x3FDB];
	s0 =	simm.s32 @p2 $0x1  }
0x17: {  	s4 =	simm.s32 $0x1BF5;
	[smem:$0x3FB1] =	sst s0  }
0x18: {  	s0 =	sld [smem:$0x3F94];
	_ =	swait.ge [sflag:s4], $0x0  }
0x19: {  	s7 =	sld [smem:$0x3F95]  }
0x1a: {  	s8 =	sadd.s32 $0xFFFFE003, lr  }
0x1b: {  	s9 =	sadd.s32 $0xFFFFFEF7, lr;
	s5 =	simm.s32 $0xFFFFFFFF;
	p2 =	slt.u32 s8, $0xFFFFF086  }
0x1c: {  	p1 =	slt.u32 s9, $0xF7A;
	s5 =	simm.s32 @!p2 $0x0  }
0x1d: {  	s5 =	simm.s32 @p1 $0x1;
	p0 =	seq.s32 s7, s2  }
0x1e: {  	s7 =	smul.u32 @!p0 $0xF7A, s2;
	p2 =	seq.s32 @!p0 s5, $0x0  }
0x1f: {  	s9 =	smul.u32 $0xF7A, s1;
	s8 =	simm.s32 @!p0 $0x1BF5;
	p2 =	por !p2, p0  }
0x20: {  	[sflag:s8] =	ssyncset.s32 @!p0 $0xFFFFF086;
	s6 =	sadd.s32 @!p0 s3, s7;
	s7 =	simm.s32 @!p0 $0x108  }
0x21: {  	s3 =	sadd.s32 s3, s9;
	s6 =	sadd.s32 @!p0 $0x88, s6;
	s7 =	simm.s32 @p2 $0x1082  }
0x22: {  	[simem:s7], [sflag:s8] =	dma.local @!p0 [hbm:s6], $0xF7A  }
0x23: {  	s9 =	sor.u32 $0xD0000000, s2;
	s6 =	simm.s32 $0x108;
	_ =	swait.ge @!p0 [sflag:s8], $0x0  }
0x24: {  	s3 =	sadd.s32 $0x88, s3;
	s6 =	simm.s32 @!p1 $0x1082;
	[sflag:s4] =	ssyncset.s32 $0xFFFFF086  }
0x25: {  	[simem:s6], [sflag:s4] =	dma.local [hbm:s3], $0xF7A  }
0x26: {  	[smem:$0x3F95] =	sst s1;
	(tag) =	ssettag s2;
	_ =	strace s9  }
0x27: {  	s1 =	sld [smem:$0x3FA5]  }
0x28: {  	s2 =	sld [smem:$0x3FA6]  }
0x29: {  	s4 =	sld [smem:$0x3FA8]  }
0x2a: {  	p0 =	seq.s32 s5, $0x0;
	s5 =	sld [smem:$0x3FA9]  }
0x2b: {  	s6 =	sld [smem:$0x3FAA]  }
0x2c: {  	s7 =	sld [smem:$0x3FAB]  }
0x2d: {  	s3 =	simm.s32 $0x108;
	s8 =	sld [smem:$0x3FAC]  }
0x2e: {  	s3 =	simm.s32 @!p0 $0x1082;
	s9 =	sld [smem:$0x3FAD]  }
0x2f: {  	lr =	sadd.s32 s0, s3;
	s0 =	sld [smem:$0x3FA4]  }
0x30: {  	s3 =	sld [smem:$0x3FA7]  }
0x31: {  	[smem:$0x3FB0] =	sst s10  }
0x32: {  	s10 =	sld [smem:$0x3FAE];
	_ =	sdelay $0x3  }
0x33: {  	p0 =	seq.s32 s10, $0x1;
	s10 =	sld [smem:$0x3FB0];
	_ =	sdelay $0x3  }
0x34: {  	[smem:$0x3FB0] =	sst s10  }
0x35: {  	s10 =	sld [smem:$0x3FAF];
	_ =	sdelay $0x3  }
0x36: {  	p1 =	seq.s32 s10, $0x1;
	s10 =	sld [smem:$0x3FB0];
	_ =	sdelay $0x3  }
0x37: {  	[smem:$0x3FB0] =	sst s10  }
0x38: {  	s10 =	sld [smem:$0x3FB1]  }
0x39: {  	_ = 	snop;
	(pc) =	sbr.ind lr, $3  }
0x3a: {  	_ = 	snop  }
0x3b: {  	_ = 	snop  }
0x3c: {  	p2 =	seq.s32 s10, $0x1;
	s10 =	sld [smem:$0x3FB0]  }
0x3d: {  	_ =	shalt  }
0x3e: {  	_ =	shalt  }
0x3f: {  	_ =	shalt  }
0x40: {  	_ =	shalt  }
0x41: {  	_ =	shalt  }
0x42: {  	_ =	shalt  }
0x43: {  	_ =	shalt  }
0x44: {  	_ =	shalt  }
0x45: {  	_ =	shalt  }
0x46: {  	_ =	shalt  }
0x47: {  	_ =	shalt  }
0x48: {  	_ =	shalt  }
0x49: {  	_ =	shalt  }
0x4a: {  	_ =	shalt  }
0x4b: {  	_ =	shalt  }
0x4c: {  	_ =	shalt  }
0x4d: {  	_ =	shalt  }
0x4e: {  	_ =	shalt  }
0x4f: {  	_ =	shalt  }
0x50: {  	_ =	shalt  }
0x51: {  	_ =	shalt  }
0x52: {  	_ =	shalt  }
0x53: {  	_ =	shalt  }
0x54: {  	_ =	shalt  }
0x55: {  	_ =	shalt  }
0x56: {  	_ =	shalt  }
0x57: {  	_ =	shalt  }
0x58: {  	_ =	shalt  }
0x59: {  	_ =	shalt  }
0x5a: {  	_ =	shalt  }
0x5b: {  	_ =	shalt  }
0x5c: {  	_ =	shalt  }
0x5d: {  	_ =	shalt  }
0x5e: {  	_ =	shalt  }
0x5f: {  	_ =	shalt  }
0x60: {  	_ =	shalt  }
0x61: {  	_ =	shalt  }
0x62: {  	_ =	shalt  }
0x63: {  	_ =	shalt  }
0x64: {  	_ =	shalt  }
0x65: {  	_ =	shalt  }
0x66: {  	_ =	shalt  }
0x67: {  	_ =	shalt  }
0x68: {  	_ =	shalt  }
0x69: {  	_ =	shalt  }
0x6a: {  	_ =	shalt  }
0x6b: {  	_ =	shalt  }
0x6c: {  	_ =	shalt  }
0x6d: {  	_ =	shalt  }
0x6e: {  	_ =	shalt  }
0x6f: {  	_ =	shalt  }
0x70: {  	_ =	shalt  }
0x71: {  	_ =	shalt  }
0x72: {  	_ =	shalt  }
0x73: {  	_ =	shalt  }
0x74: {  	_ =	shalt  }
0x75: {  	_ =	shalt  }
0x76: {  	_ =	shalt  }
0x77: {  	_ =	shalt  }
0x78: {  	_ =	shalt  }
0x79: {  	_ =	shalt  }
0x7a: {  	_ =	shalt  }
0x7b: {  	_ =	shalt  }
0x7c: {  	_ =	shalt  }
0x7d: {  	_ =	shalt  }
0x7e: {  	_ =	shalt  }
0x7f: {  	_ =	shalt  }
0x80: {  	_ =	shalt  }
0x81: {  	_ =	shalt  }
0x82: {  	_ =	shalt  }
0x83: {  	_ =	shalt  }
0x84: {  	_ =	shalt  }
0x85: {  	_ =	shalt  }
0x86: {  	_ =	shalt  }
0x87: {  	_ =	shalt  }
.Lfunc_end0:
.L_simem_size_0:
called_computation.1_lowered:
.L_overlay_start_0:
0x88: {  	s2 =	sld [smem:$0x3FD9]  }
0x89: {  	s3 =	sld [smem:$0x3FFE];
	_ =	sdelay $0x1  }
0x8a: {  	s1 =	srdreg.scid  }
0x8b: {  	s0 =	sand.u32 $0x1, s1  }
0x8c: {  	s17 =	sshll.u32 s0, $0xA;
	s2 =	sadd.s32 s3, s2  }
0x8d: {  	s2 =	sadd.s32 s2, s17  }
0x8e: {  	[smem:$0x3FBC] =	sst s2  }
0x8f: {  	_ = 	snop  }
0x90: {  	s18 =	sld [smem:$0x3FC8]  }
0x91: {  	s4 =	sld [smem:$0x3FC7]  }
0x92: {  	s5 =	sld [smem:$0x3FC6]  }
0x93: {  	s6 =	sld [smem:$0x3FD0];
	(tm) =	ssettm $0x1  }
0x94: {  	s19 =	sld [smem:$0x3FFB];
	_ =	sdelay $0x3  }
0x95: {  	_ =	strace s19  }
0x96: {  	s2 =	sld [smem:$0x3FFC];
	_ =	sdelay $0x3  }
0x97: {  	_ =	strace s2  }
0x98: {  	s2 =	sld [smem:$0x3FFD];
	_ =	sdelay $0x3  }
0x99: {  	_ =	strace s2  }
0x9a: {  	_ =	strace $0x8FFFFFFF  }
0x9b: {  	s20 =	sld [smem:$0x3FDB];
	_ =	sdelay $0x1  }
0x9c: {  	s7 =	simm.s32 $_scs_section_size  }
0x9d: {  	s8 =	simm.s32 $_size__tile_overlayer_lowered;
	s9 =	simm.s32 $_tile_overlayer_lowered  }
0x9e: {  	s10 =	simm.s32 $0x1BFF;
	s21 =	sshll.u32 s9, $0x1;
	s7 =	sadd.s32 s7, s20  }
0x9f: {  	s22 =	simm.s32 $0x0;
	s8 =	sshll.u32 s8, $0x1;
	s9 =	sadd.s32 s21, s7  }
0xa0: {  	[timem:s22], [sflag:s10] =	dma.local [hbm:s9], s8  }
0xa1: {  	_ =	swait.ge [sflag:s10], s8  }
0xa2: {  	s8 =	ssub.s32 $0x0, s8;
	[sflag:s10] =	ssyncset.done $0x0  }
0xa3: {  	[sflag:s10] =	ssyncadd.s32 s8;
	_ =	sdelay $0x1  }
0xa4: {  	s23 =	simm.s32 $0x1B8B  }
0xa5: {  	_ =	swait.ge [sflag:s23], $0x1  }
0xa6: {  	[sflag:s23] =	ssyncset.done $0x0  }
0xa7: {  	[sflag:s23] =	ssyncadd.s32 $0xFFFFFFFF  }
0xa8: {  	s8 =	sld [smem:$0x0]  }
0xa9: {  	s9 =	sand.u32 $0xFFFFFFFE, s1  }
0xaa: {  	p0 =	sne.s32 s1, s9  }
0xab: {  	s9 =	sshll.u32 @p0 s9, $0xE  }
0xac: {  	s9 =	sadd.s32 @p0 $0x11B8D, s9;
	s10 =	sshll.u32 @p0 s8, $0x11  }
0xad: {  	s9 =	sor.u32 @p0 s10, s9  }
0xae: {  	[sflag:s9] =	ssyncadd.remote.s32 @p0 $0x1;
	_ =	sdelay $0x1  }
0xaf: {  	s9 =	simm.s32 @p0 $0x1B8D  }
0xb0: {  	_ =	swait.eq @p0 [sflag:s9], $0x1  }
0xb1: {  	[sflag:s9] =	ssyncadd.s32 @p0 $0xFFFFFFFF  }
0xb2: {  	s10 =	sshll.u32 @!p0 s1, $0xE  }
0xb3: {  	s10 =	sor.u32 @!p0 $0x4000, s10;
	s9 =	simm.s32 @!p0 $0x1B8D  }
0xb4: {  	s8 =	sshll.u32 @!p0 s8, $0x11;
	s10 =	sadd.s32 @!p0 $0x11B8D, s10;
	_ =	swait.eq @!p0 [sflag:s9], $0x1  }
0xb5: {  	s8 =	sor.u32 @!p0 s8, s10;
	[sflag:s9] =	ssyncadd.s32 @!p0 $0xFFFFFFFF  }
0xb6: {  	s25 =	simm.s32 $0x1B8E;
	s24 =	sld [smem:$0x3FFE];
	[sflag:s8] =	ssyncadd.remote.s32 @!p0 $0x1  }
0xb7: {  	s26 =	simm.s32 $execute0_lowered;
	[smem:$0x3FD2] =	sst s25  }
0xb8: {  	s9 =	sshll.u32 s26, $0x1;
	_ =	strace $0x80000049;
	[dreg:$0x1] =	wrdreg $0xFFFFFFFF  }
0xb9: {  	s28 =	simm.s32 $_size_execute0_lowered;
	s7 =	sadd.s32 s7, s9;
	[dreg:$0x0] =	wrdreg $0x0  }
0xba: {  	s9 =	sshll.u32 s28, $0x1;
	[dreg:$0x2] =	wrdreg s7  }
0xbb: {  	[dreg:$0x3] =	wrdreg s9  }
0xbc: {  	[dreg:$0x4] =	wrdreg $0xC0  }
0xbd: {  	_ =	task [dreg:s22], $0x5FFFF  }
0xbe: {  	[dreg:$0x1] =	wrdreg $0xFFFFFFFF  }
0xbf: {  	[dreg:$0x0] =	wrdreg $0x60  }
0xc0: {  	[dreg:$0x2] =	wrdreg s18  }
0xc1: {  	[dreg:$0x3] =	wrdreg s4  }
0xc2: {  	[dreg:$0x4] =	wrdreg s5  }
0xc3: {  	[dreg:$0x5] =	wrdreg s6  }
0xc4: {  	[dreg:$0x6] =	wrdreg s24  }
0xc5: {  	[dreg:$0x7] =	wrdreg $0xA  }
0xc6: {  	_ =	task.clear_ibuf [dreg:s22], $0x8FFFF;
	_ =	strace $0x90000049  }
0xc7: {  	s29 =	simm.s32 $0xA;
	_ =	strace $0x8000004B  }
0xc8: {  	_ =	swait.ge [sflag:s29], $0x1  }
0xc9: {  	[sflag:s29] =	ssyncadd.s32 $0xFFFFFFFF  }
0xca: {  	_ =	strace $0x9000004B  }
0xcb: {  	_ =	sfence  }
0xcc: {  	s30 =	sld [smem:$0x0];
	_ =	sdelay $0x2  }
0xcd: {  	s31 =	sshll.u32 s1, $0xD;
	s1 =	sshrl.u32 s1, $0x2  }
0xce: {  	s4 =	sand.u32 $0x4000, s31;
	s1 =	sadd.s32 s1, s30  }
0xcf: {  	s0 =	sor.u32 s4, s0;
	s1 =	sshll.u32 s1, $0x11  }
0xd0: {  	s0 =	sor.u32 s1, s0  }
0xd1: {  	s0 =	sadd.s32 $0x8F2B, s0  }
0xd2: {  	[sflag:s0] =	ssyncadd.remote.s32 $0x1  }
0xd3: {  	_ =	sfence.sel $0xFFFF  }
0xd4: {  	[dreg:$0x0] =	wrdreg $0xFFFFFFFF;
	(pc) =	sbr.abs _section_cstart, $3  }
0xd5: {  	[dreg:$0x1] =	wrdreg $0xFFFFFFFF  }
0xd6: {  	_ =	task.clear_ibuf [dreg:s22], $0x2FFFF;
	_ =	strace $0x9FFFFFFF  }
0xd7: {  	(tm) =	ssettm $0x7FFFFFFF  }
tec
execute0_lowered:
.L_overlay_start_1:
0x0: {  	(tag) =	ssettag $0x1  }
0x1: {  	s0 =	rddreg [dreg:$0x0]  }
0x2: {  	s9 =	rddreg [dreg:$0x1]  }
0x3: {  	s11 =	rddreg [dreg:$0x2]  }
0x4: {  	s13 =	rddreg [dreg:$0x3]  }
0x5: {  	s7 =	rddreg [dreg:$0x4]  }
0x6: {  	s1 =	simm.s32 $0x0;
	s5 =	srdreg.scid;
	s2 =	stileid.u32  }
0x7: {  	s18 =	simm.s32 $0x200;
	s19 =	simm.s32 $0x0;
	s8 =	sand.u32 $0x1, s5  }
0x8: {  	[smem:$0x7FF] =	sst s1;
	s10 =	sshll.u32 s2, $0xA;
	s12 =	sshll.u32 s8, $0x9  }
0x9: {  	s3 =	sadd.s32 $0x21400, s7;
	s4 =	sadd.s32 $0x32E800, s7;
	s10 =	sor.u32 s12, s10  }
0xa: {  	s5 =	sadd.s32 $0x332800, s7;
	s6 =	sadd.s32 $0x1A7E00, s7;
	s15 =	sshrl.u32 s10, $0x3  }
0xb: {  	_ =	strace $0x8000004A;
	s8 =	ssub.s32 $0x2, s8;
	s0 =	sadd.s32 s0, s15  }
0xc: {  	s14 =	sshrl.u32 s8, $0x1;
	s26 =	sadd.s32 s9, s15;
	[dreg:$0x6] =	wrdreg s0  }
0xd: {  	s12 =	sshll.u32 s10, $0x4;
	s29 =	sadd.s32 s11, s15;
	[dreg:$0x8] =	wrdreg s26  }
0xe: {  	s16 =	sadd.s32 s12, s7;
	s31 =	sadd.s32 s13, s15;
	[dreg:$0xa] =	wrdreg s29  }
0xf: {  	s17 =	ssub.s32 s8, s14;
	s25 =	sadd.s32 $0x336800, s16;
	[dreg:$0xc] =	wrdreg s31  }
0x10: {  	s15 =	smax.u32 s17, $0x1;
	s28 =	sadd.s32 $0x376800, s16;
	[dreg:$0x7] =	wrdreg s25  }
0x11: {  	s17 =	simm.s32 $0x1;
	s30 =	sadd.s32 $0x3B6800, s16;
	[dreg:$0x9] =	wrdreg s28  }
0x12: {  	s14 =	sadd.s32 $0x3F6800, s16;
	s16 =	simm.s32 $0x2;
	[dreg:$0xb] =	wrdreg s30  }
.LBB2_1:
0x13: {  	s0 =	rddreg [dreg:$0x6]  }
0x14: {  	[tilespmem:s1], [sflag:$0x2] =	stream.linear.gather [hbm4b:s0+s1], $0x200, $0x38;
	[tilespmem:$0x10200] =	vst v63  }
0x15: {  	_ =	swait.ge [sflag:s16], $0x200  }
0x16: {  	[sflag:s16] =	ssyncset.done $0x0  }
0x17: {  	[sflag:s16] =	ssyncadd.s32 $0xFFFFFE00  }
0x18: {  	v0 =	vld [tilespmem:s1+$0x0];
	_ =	sdelay $0x4  }
0x19: {  	v0 =	vshll.u32 v0, $0x4  }
0x1a: {  	(v2sf) =	vpush v0, $0x0  }
0x1b: {  	(v2sf) =	vpush v0, $0x1  }
0x1c: {  	(v2sf) =	vpush v0, $0x2;
	_ =	sdelay $0x1  }
0x1d: {  	(v2sf) =	vpush v0, $0x4;
	_ =	sdelay $0x1  }
0x1e: {  	(v2sf) =	vpush v0, $0x3  }
0x1f: {  	(v2sf) =	vpush v0, $0x5  }
0x20: {  	s21 =	simm.s32 $0x2000;
	s20 =	simm.s32 $0x0;
	s22 =	simm.s32 $0x0;
	(v2sf) =	vpush v0, $0x6  }
.LBB2_2:
0x21: {  	p0 =	sne.s32 s21, $0x3E000  }
0x22: {  	s2 =	sadd.s32 $0x280, s20;
	s26 =	sadd.s32 $0x780, s20;
	s23 =	smov.u32 s21  }
0x23: {  	s21 =	sadd.s32 $0x2000, s21;
	s30 =	sadd.s32 $0x580, s20;
	s24 =	sadd.s32 $0x800, s20;
	(v2sf) =	vpush v0, $0x7  }
0x24: {  	s0 =	sadd.s32 $0x480, s20;
	s29 =	sadd.s32 $0x600, s20;
	s25 =	sadd.s32 $0x880, s20  }
0x25: {  	s7 =	sadd.s32 $0x200, s20;
	s8 =	sadd.s32 $0x400, s20;
	(v2sf) =	vpush v0, $0x8  }
0x26: {  	s9 =	sadd.s32 $0x500, s20;
	s22 =	sadd.s32 $0x10, s22  }
0x27: {  	s10 =	sadd.s32 $0x300, s20;
	s28 =	sadd.s32 $0x700, s20;
	s31 =	spop (v2sf);
	(v2sf) =	vpush v0, $0x9  }
0x28: {  	s11 =	sand.u32 $0x1FFFFFF0, s31;
	s31 =	sadd.s32 $0x680, s20;
	s12 =	spop (v2sf)  }
0x29: {  	s11 =	sadd.s32 s3, s11;
	s12 =	sand.u32 $0x1FFFFFF0, s12;
	s13 =	spop (v2sf);
	(v2sf) =	vpush v0, $0xA  }
0x2a: {  	[tilespmem:s7], [sflag:$0x1] =	stream.linear.gather [hbm4b:s11+s1], $0x80, $0x38;
	[tilespmem:$0x10200] =	vst v63  }
0x2b: {  	s7 =	sadd.s32 s3, s12;
	s11 =	sadd.s32 $0x380, s20;
	s12 =	spop (v2sf);
	(v2sf) =	vpush v0, $0xB  }
0x2c: {  	[tilespmem:s2], [sflag:$0x1] =	stream.linear.gather [hbm4b:s7+s1], $0x80, $0x38;
	[tilespmem:$0x10200] =	vst v63  }
0x2d: {  	s2 =	sand.u32 $0x1FFFFFF0, s13;
	s7 =	sand.u32 $0x1FFFFFF0, s12;
	s12 =	spop (v2sf);
	(v2sf) =	vpush v0, $0xC  }
0x2e: {  	s2 =	sadd.s32 s3, s2;
	s12 =	sand.u32 $0x1FFFFFF0, s12;
	s13 =	spop (v2sf)  }
0x2f: {  	[tilespmem:s10], [sflag:$0x1] =	stream.linear.gather [hbm4b:s2+s1], $0x80, $0x38;
	(v2sf) =	vpush v0, $0xD;
	[tilespmem:$0x10200] =	vst v63  }
0x30: {  	s2 =	sadd.s32 s3, s12;
	s10 =	sand.u32 $0x1FFFFFF0, s13;
	s12 =	spop (v2sf)  }
0x31: {  	[tilespmem:s11], [sflag:$0x1] =	stream.linear.gather [hbm4b:s2+s1], $0x80, $0x38;
	(v2sf) =	vpush v0, $0xE;
	[tilespmem:$0x10200] =	vst v63  }
0x32: {  	s2 =	sadd.s32 s3, s7;
	s7 =	sand.u32 $0x1FFFFFF0, s12;
	s11 =	spop (v2sf)  }
0x33: {  	[tilespmem:s8], [sflag:$0x1] =	stream.linear.gather [hbm4b:s2+s1], $0x80, $0x38;
	(v2sf) =	vpush v0, $0xF;
	[tilespmem:$0x10200] =	vst v63  }
0x34: {  	s2 =	sadd.s32 s3, s10;
	s8 =	sand.u32 $0x1FFFFFF0, s11;
	s10 =	spop (v2sf)  }
0x35: {  	[tilespmem:s0], [sflag:$0x1] =	stream.linear.gather [hbm4b:s2+s1], $0x80, $0x38;
	[tilespmem:$0x10200] =	vst v63  }
0x36: {  	s0 =	sadd.s32 s3, s7;
	s2 =	sand.u32 $0x1FFFFFF0, s10;
	s7 =	spop (v2sf)  }
0x37: {  	[tilespmem:s9], [sflag:$0x1] =	stream.linear.gather [hbm4b:s0+s1], $0x80, $0x38;
	[tilespmem:$0x10200] =	vst v63  }
0x38: {  	s0 =	sadd.s32 s3, s8;
	s7 =	sand.u32 $0x1FFFFFF0, s7;
	s8 =	spop (v2sf)  }
0x39: {  	[tilespmem:s30], [sflag:$0x1] =	stream.linear.gather [hbm4b:s0+s1], $0x80, $0x38;
	[tilespmem:$0x10200] =	vst v63  }
0x3a: {  	s0 =	sadd.s32 s3, s2;
	s2 =	sand.u32 $0x1FFFFFF0, s8;
	s8 =	spop (v2sf)  }
0x3b: {  	[tilespmem:s29], [sflag:$0x1] =	stream.linear.gather [hbm4b:s0+s1], $0x80, $0x38;
	[tilespmem:$0x10200] =	vst v63  }
0x3c: {  	s0 =	sadd.s32 s3, s7;
	s7 =	sand.u32 $0x1FFFFFF0, s8;
	s8 =	spop (v2sf)  }
0x3d: {  	[tilespmem:s31], [sflag:$0x1] =	stream.linear.gather [hbm4b:s0+s1], $0x80, $0x38;
	[tilespmem:$0x10200] =	vst v63  }
0x3e: {  	s0 =	sadd.s32 s3, s2;
	s2 =	sand.u32 $0x1FFFFFF0, s8;
	s8 =	spop (v2sf)  }
0x3f: {  	[tilespmem:s28], [sflag:$0x1] =	stream.linear.gather [hbm4b:s0+s1], $0x80, $0x38;
	[tilespmem:$0x10200] =	vst v63  }
0x40: {  	s0 =	sadd.s32 s3, s7;
	s7 =	sand.u32 $0x1FFFFFF0, s8;
	s8 =	spop (v2sf)  }
0x41: {  	[tilespmem:s26], [sflag:$0x1] =	stream.linear.gather [hbm4b:s0+s1], $0x80, $0x38;
	[tilespmem:$0x10200] =	vst v63  }
0x42: {  	s0 =	sadd.s32 s3, s2;
	s2 =	sand.u32 $0x1FFFFFF0, s8;
	s8 =	spop (v2sf)  }
0x43: {  	[tilespmem:s24], [sflag:$0x1] =	stream.linear.gather [hbm4b:s0+s1], $0x80, $0x38;
	[tilespmem:$0x10200] =	vst v63  }
0x44: {  	s0 =	sadd.s32 s3, s7;
	s7 =	sand.u32 $0x1FFFFFF0, s8  }
0x45: {  	[tilespmem:s25], [sflag:$0x1] =	stream.linear.gather [hbm4b:s0+s1], $0x80, $0x38;
	[tilespmem:$0x10200] =	vst v63  }
0x46: {  	s2 =	sadd.s32 s3, s2;
	s0 =	sadd.s32 $0x900, s20  }
0x47: {  	[tilespmem:s0], [sflag:$0x1] =	stream.linear.gather [hbm4b:s2+s1], $0x80, $0x38;
	[tilespmem:$0x10200] =	vst v63  }
0x48: {  	s0 =	sadd.s32 $0x980, s20;
	s2 =	sadd.s32 s3, s7  }
0x49: {  	[tilespmem:s0], [sflag:$0x1] =	stream.linear.gather [hbm4b:s2+s1], $0x80, $0x38;
	[tilespmem:$0x10200] =	vst v63  }
0x4a: {  	v0 =	vld [tilespmem:s22+$0x0];
	_ =	sdelay $0x4  }
0x4b: {  	v0 =	vshll.u32 v0, $0x4  }
0x4c: {  	(v2sf) =	vpush v0, $0x0  }
0x4d: {  	(v2sf) =	vpush v0, $0x1  }
0x4e: {  	(v2sf) =	vpush v0, $0x2;
	_ =	sdelay $0x1  }
0x4f: {  	(v2sf) =	vpush v0, $0x4  }
.Ltmp0:
0x50: {  	(pc) =	sbr.rel @p0 .LBB2_2-.Ltmp0, $3  }
0x51: {  	(v2sf) =	vpush v0, $0x3  }
0x52: {  	(v2sf) =	vpush v0, $0x5;
	_ =	sdelay $0x1  }
0x53: {  	s20 =	sshra.s32 s23, $0x2;
	(v2sf) =	vpush v0, $0x6  }
0x54: {  	_ =	sdelay $0x1  }
0x55: {  	s0 =	sadd.s32 $0x280, s20;
	s23 =	sadd.s32 $0x780, s20  }
0x56: {  	s2 =	sadd.s32 $0x580, s20;
	s21 =	sadd.s32 $0x800, s20;
	(v2sf) =	vpush v0, $0x7;
	s7 =	sadd.s32 $0x480, s20  }
0x57: {  	s8 =	sadd.s32 $0x600, s20;
	s22 =	sadd.s32 $0x880, s20;
	s9 =	sadd.s32 $0x200, s20  }
0x58: {  	s10 =	sadd.s32 $0x400, s20;
	s11 =	sadd.s32 $0x500, s20;
	(v2sf) =	vpush v0, $0x8;
	s12 =	spop (v2sf)  }
0x59: {  	s13 =	sadd.s32 $0x300, s20;
	s12 =	sand.u32 $0x1FFFFFF0, s12;
	s24 =	spop (v2sf)  }
0x5a: {  	(v2sf) =	vpush v0, $0x9;
	s12 =	sadd.s32 s3, s12;
	s24 =	sand.u32 $0x1FFFFFF0, s24;
	s25 =	spop (v2sf)  }
0x5b: {  	[tilespmem:s9], [sflag:$0x1] =	stream.linear.gather [hbm4b:s12+s1], $0x80, $0x38;
	[tilespmem:$0x10200] =	vst v63  }
0x5c: {  	s26 =	sadd.s32 $0x380, s20;
	(v2sf) =	vpush v0, $0xA;
	s30 =	sadd.s32 s3, s24;
	s31 =	spop (v2sf)  }
0x5d: {  	[tilespmem:s0], [sflag:$0x1] =	stream.linear.gather [hbm4b:s30+s1], $0x80, $0x38;
	[tilespmem:$0x10200] =	vst v63  }
0x5e: {  	s9 =	sadd.s32 $0x700, s20;
	s28 =	sand.u32 $0x1FFFFFF0, s25;
	(v2sf) =	vpush v0, $0xB;
	s29 =	spop (v2sf)  }
0x5f: {  	s12 =	sadd.s32 s3, s28;
	s0 =	sadd.s32 $0x680, s20;
	s25 =	sand.u32 $0x1FFFFFF0, s29  }
0x60: {  	(v2sf) =	vpush v0, $0xC;
	[tilespmem:s13], [sflag:$0x1] =	stream.linear.gather [hbm4b:s12+s1], $0x80, $0x38;
	[tilespmem:$0x10200] =	vst v63  }
0x61: {  	s30 =	sand.u32 $0x1FFFFFF0, s31;
	s31 =	spop (v2sf);
	s28 =	sadd.s32 s3, s25  }
0x62: {  	(v2sf) =	vpush v0, $0xD;
	[tilespmem:s26], [sflag:$0x1] =	stream.linear.gather [hbm4b:s28+s1], $0x80, $0x38;
	[tilespmem:$0x10200] =	vst v63  }
0x63: {  	s12 =	sadd.s32 s3, s30;
	s13 =	sand.u32 $0x1FFFFFF0, s31;
	s29 =	spop (v2sf)  }
0x64: {  	(v2sf) =	vpush v0, $0xE;
	[tilespmem:s10], [sflag:$0x1] =	stream.linear.gather [hbm4b:s12+s1], $0x80, $0x38;
	[tilespmem:$0x10200] =	vst v63  }
0x65: {  	s13 =	sadd.s32 s3, s13;
	s30 =	sand.u32 $0x1FFFFFF0, s29;
	s31 =	spop (v2sf)  }
0x66: {  	(v2sf) =	vpush v0, $0xF;
	[tilespmem:s7], [sflag:$0x1] =	stream.linear.gather [hbm4b:s13+s1], $0x80, $0x38;
	[tilespmem:$0x10200] =	vst v63  }
0x67: {  	s24 =	sand.u32 $0x1FFFFFF0, s31;
	s25 =	spop (v2sf);
	s10 =	sadd.s32 s3, s30  }
0x68: {  	[tilespmem:s11], [sflag:$0x1] =	stream.linear.gather [hbm4b:s10+s1], $0x80, $0x38;
	[tilespmem:$0x10200] =	vst v63  }
0x69: {  	s26 =	sand.u32 $0x1FFFFFF0, s25;
	s7 =	sadd.s32 s3, s24;
	s28 =	spop (v2sf)  }
0x6a: {  	[tilespmem:s2], [sflag:$0x1] =	stream.linear.gather [hbm4b:s7+s1], $0x80, $0x38;
	[tilespmem:$0x10200] =	vst v63  }
0x6b: {  	s10 =	sadd.s32 s3, s26;
	s29 =	sand.u32 $0x1FFFFFF0, s28;
	s30 =	spop (v2sf)  }
0x6c: {  	[tilespmem:s8], [sflag:$0x1] =	stream.linear.gather [hbm4b:s10+s1], $0x80, $0x38;
	[tilespmem:$0x10200] =	vst v63  }
0x6d: {  	s7 =	sand.u32 $0x1FFFFFF0, s30;
	s2 =	sadd.s32 s3, s29;
	s31 =	spop (v2sf)  }
0x6e: {  	[tilespmem:s0], [sflag:$0x1] =	stream.linear.gather [hbm4b:s2+s1], $0x80, $0x38;
	[tilespmem:$0x10200] =	vst v63  }
0x6f: {  	s7 =	sadd.s32 s3, s7;
	s10 =	sand.u32 $0x1FFFFFF0, s31;
	s11 =	spop (v2sf)  }
0x70: {  	[tilespmem:s9], [sflag:$0x1] =	stream.linear.gather [hbm4b:s7+s1], $0x80, $0x38;
	[tilespmem:$0x10200] =	vst v63  }
0x71: {  	s0 =	sadd.s32 s3, s10;
	s2 =	sand.u32 $0x1FFFFFF0, s11;
	s12 =	spop (v2sf)  }
0x72: {  	[tilespmem:s23], [sflag:$0x1] =	stream.linear.gather [hbm4b:s0+s1], $0x80, $0x38;
	[tilespmem:$0x10200] =	vst v63  }
0x73: {  	s13 =	sand.u32 $0x1FFFFFF0, s12;
	s2 =	sadd.s32 s3, s2;
	s23 =	spop (v2sf)  }
0x74: {  	[tilespmem:s21], [sflag:$0x1] =	stream.linear.gather [hbm4b:s2+s1], $0x80, $0x38;
	[tilespmem:$0x10200] =	vst v63  }
0x75: {  	s0 =	sadd.s32 s3, s13;
	s24 =	sand.u32 $0x1FFFFFF0, s23;
	s25 =	spop (v2sf)  }
0x76: {  	[tilespmem:s22], [sflag:$0x1] =	stream.linear.gather [hbm4b:s0+s1], $0x80, $0x38;
	[tilespmem:$0x10200] =	vst v63  }
0x77: {  	s28 =	sadd.s32 $0x900, s20;
	s26 =	sand.u32 $0x1FFFFFF0, s25;
	s2 =	sadd.s32 s3, s24  }
0x78: {  	[tilespmem:s28], [sflag:$0x1] =	stream.linear.gather [hbm4b:s2+s1], $0x80, $0x38;
	[tilespmem:$0x10200] =	vst v63  }
0x79: {  	s29 =	sadd.s32 $0x980, s20;
	s0 =	sadd.s32 s3, s26  }
0x7a: {  	[tilespmem:s29], [sflag:$0x1] =	stream.linear.gather [hbm4b:s0+s1], $0x80, $0x38;
	[tilespmem:$0x10200] =	vst v63  }
0x7b: {  	_ =	swait.ge [sflag:s17], $0x10000  }
0x7c: {  	[sflag:s17] =	ssyncset.done $0x0  }
0x7d: {  	s21 =	simm.s32 $0x0;
	s30 =	rddreg [dreg:$0x7];
	[sflag:s17] =	ssyncadd.s32 $0xFFFF0000  }
0x7e: {  	[hbm4b:s30+s21] =	stream.linear.scatter [tilespmem:s18], [sflag:$0x2], $0x10000, $0x38;
	[tilespmem:$0x10200] =	vst v63  }
0x7f: {  	_ =	swait.ge [sflag:s16], $0x10000  }
0x80: {  	[sflag:s16] =	ssyncset.done $0x0  }
0x81: {  	s31 =	rddreg [dreg:$0x8];
	[sflag:s16] =	ssyncadd.s32 $0xFFFF0000  }
0x82: {  	[tilespmem:s21], [sflag:$0x2] =	stream.linear.gather [hbm4b:s31+s21], $0x200, $0x38;
	[tilespmem:$0x10200] =	vst v63  }
0x83: {  	_ =	swait.ge [sflag:s16], $0x200  }
0x84: {  	[sflag:s16] =	ssyncset.done $0x0  }
0x85: {  	[sflag:s16] =	ssyncadd.s32 $0xFFFFFE00  }
0x86: {  	v0 =	vld [tilespmem:s21+$0x0];
	_ =	sdelay $0x4  }
0x87: {  	v0 =	vshll.u32 v0, $0x4  }
0x88: {  	(v2sf) =	vpush v0, $0x0  }
0x89: {  	(v2sf) =	vpush v0, $0x1  }
0x8a: {  	(v2sf) =	vpush v0, $0x2;
	_ =	sdelay $0x1  }
0x8b: {  	(v2sf) =	vpush v0, $0x4;
	_ =	sdelay $0x1  }
0x8c: {  	(v2sf) =	vpush v0, $0x3  }
0x8d: {  	(v2sf) =	vpush v0, $0x5  }
0x8e: {  	s20 =	simm.s32 $0x0;
	s22 =	simm.s32 $0x2000;
	(v2sf) =	vpush v0, $0x6  }
.LBB2_4:
0x8f: {  	p0 =	sne.s32 s22, $0x3E000  }
0x90: {  	s2 =	sadd.s32 $0x280, s20;
	s26 =	sadd.s32 $0x780, s20;
	s23 =	smov.u32 s22  }
0x91: {  	s22 =	sadd.s32 $0x2000, s22;
	s30 =	sadd.s32 $0x580, s20;
	s24 =	sadd.s32 $0x800, s20;
	(v2sf) =	vpush v0, $0x7  }
0x92: {  	s0 =	sadd.s32 $0x480, s20;
	s29 =	sadd.s32 $0x600, s20;
	s25 =	sadd.s32 $0x880, s20  }
0x93: {  	s7 =	sadd.s32 $0x200, s20;
	s8 =	sadd.s32 $0x400, s20;
	(v2sf) =	vpush v0, $0x8  }
0x94: {  	s9 =	sadd.s32 $0x500, s20;
	s21 =	sadd.s32 $0x10, s21  }
0x95: {  	s10 =	sadd.s32 $0x300, s20;
	s28 =	sadd.s32 $0x700, s20;
	s11 =	spop (v2sf);
	(v2sf) =	vpush v0, $0x9  }
0x96: {  	s31 =	sadd.s32 $0x680, s20;
	s11 =	sand.u32 $0x1FFFFFF0, s11;
	s12 =	spop (v2sf)  }
0x97: {  	s11 =	sadd.s32 s4, s11;
	s12 =	sand.u32 $0x1FFFFFF0, s12;
	s13 =	spop (v2sf);
	(v2sf) =	vpush v0, $0xA  }
0x98: {  	[tilespmem:s7], [sflag:$0x1] =	stream.linear.gather [hbm4b:s11+s1], $0x80, $0x38;
	[tilespmem:$0x10200] =	vst v63  }
0x99: {  	s7 =	sadd.s32 s4, s12;
	s11 =	sadd.s32 $0x380, s20;
	s12 =	spop (v2sf);
	(v2sf) =	vpush v0, $0xB  }
0x9a: {  	[tilespmem:s2], [sflag:$0x1] =	stream.linear.gather [hbm4b:s7+s1], $0x80, $0x38;
	[tilespmem:$0x10200] =	vst v63  }
0x9b: {  	s2 =	sand.u32 $0x1FFFFFF0, s13;
	s7 =	sand.u32 $0x1FFFFFF0, s12;
	s12 =	spop (v2sf);
	(v2sf) =	vpush v0, $0xC  }
0x9c: {  	s2 =	sadd.s32 s4, s2;
	s12 =	sand.u32 $0x1FFFFFF0, s12;
	s13 =	spop (v2sf)  }
0x9d: {  	[tilespmem:s10], [sflag:$0x1] =	stream.linear.gather [hbm4b:s2+s1], $0x80, $0x38;
	(v2sf) =	vpush v0, $0xD;
	[tilespmem:$0x10200] =	vst v63  }
0x9e: {  	s2 =	sadd.s32 s4, s12;
	s10 =	sand.u32 $0x1FFFFFF0, s13;
	s12 =	spop (v2sf)  }
0x9f: {  	[tilespmem:s11], [sflag:$0x1] =	stream.linear.gather [hbm4b:s2+s1], $0x80, $0x38;
	(v2sf) =	vpush v0, $0xE;
	[tilespmem:$0x10200] =	vst v63  }
0xa0: {  	s2 =	sadd.s32 s4, s7;
	s7 =	sand.u32 $0x1FFFFFF0, s12;
	s11 =	spop (v2sf)  }
0xa1: {  	[tilespmem:s8], [sflag:$0x1] =	stream.linear.gather [hbm4b:s2+s1], $0x80, $0x38;
	(v2sf) =	vpush v0, $0xF;
	[tilespmem:$0x10200] =	vst v63  }
0xa2: {  	s2 =	sadd.s32 s4, s10;
	s8 =	sand.u32 $0x1FFFFFF0, s11;
	s10 =	spop (v2sf)  }
0xa3: {  	[tilespmem:s0], [sflag:$0x1] =	stream.linear.gather [hbm4b:s2+s1], $0x80, $0x38;
	[tilespmem:$0x10200] =	vst v63  }
0xa4: {  	s0 =	sadd.s32 s4, s7;
	s2 =	sand.u32 $0x1FFFFFF0, s10;
	s7 =	spop (v2sf)  }
0xa5: {  	[tilespmem:s9], [sflag:$0x1] =	stream.linear.gather [hbm4b:s0+s1], $0x80, $0x38;
	[tilespmem:$0x10200] =	vst v63  }
0xa6: {  	s0 =	sadd.s32 s4, s8;
	s7 =	sand.u32 $0x1FFFFFF0, s7;
	s8 =	spop (v2sf)  }
0xa7: {  	[tilespmem:s30], [sflag:$0x1] =	stream.linear.gather [hbm4b:s0+s1], $0x80, $0x38;
	[tilespmem:$0x10200] =	vst v63  }
0xa8: {  	s0 =	sadd.s32 s4, s2;
	s2 =	sand.u32 $0x1FFFFFF0, s8;
	s8 =	spop (v2sf)  }
0xa9: {  	[tilespmem:s29], [sflag:$0x1] =	stream.linear.gather [hbm4b:s0+s1], $0x80, $0x38;
	[tilespmem:$0x10200] =	vst v63  }
0xaa: {  	s0 =	sadd.s32 s4, s7;
	s7 =	sand.u32 $0x1FFFFFF0, s8;
	s8 =	spop (v2sf)  }
0xab: {  	[tilespmem:s31], [sflag:$0x1] =	stream.linear.gather [hbm4b:s0+s1], $0x80, $0x38;
	[tilespmem:$0x10200] =	vst v63  }
0xac: {  	s0 =	sadd.s32 s4, s2;
	s2 =	sand.u32 $0x1FFFFFF0, s8;
	s8 =	spop (v2sf)  }
0xad: {  	[tilespmem:s28], [sflag:$0x1] =	stream.linear.gather [hbm4b:s0+s1], $0x80, $0x38;
	[tilespmem:$0x10200] =	vst v63  }
0xae: {  	s0 =	sadd.s32 s4, s7;
	s7 =	sand.u32 $0x1FFFFFF0, s8;
	s8 =	spop (v2sf)  }
0xaf: {  	[tilespmem:s26], [sflag:$0x1] =	stream.linear.gather [hbm4b:s0+s1], $0x80, $0x38;
	[tilespmem:$0x10200] =	vst v63  }
0xb0: {  	s0 =	sadd.s32 s4, s2;
	s2 =	sand.u32 $0x1FFFFFF0, s8;
	s8 =	spop (v2sf)  }
0xb1: {  	[tilespmem:s24], [sflag:$0x1] =	stream.linear.gather [hbm4b:s0+s1], $0x80, $0x38;
	[tilespmem:$0x10200] =	vst v63  }
0xb2: {  	s0 =	sadd.s32 s4, s7;
	s7 =	sand.u32 $0x1FFFFFF0, s8  }
0xb3: {  	[tilespmem:s25], [sflag:$0x1] =	stream.linear.gather [hbm4b:s0+s1], $0x80, $0x38;
	[tilespmem:$0x10200] =	vst v63  }
0xb4: {  	s2 =	sadd.s32 s4, s2;
	s0 =	sadd.s32 $0x900, s20  }
0xb5: {  	[tilespmem:s0], [sflag:$0x1] =	stream.linear.gather [hbm4b:s2+s1], $0x80, $0x38;
	[tilespmem:$0x10200] =	vst v63  }
0xb6: {  	s0 =	sadd.s32 $0x980, s20;
	s2 =	sadd.s32 s4, s7  }
0xb7: {  	[tilespmem:s0], [sflag:$0x1] =	stream.linear.gather [hbm4b:s2+s1], $0x80, $0x38;
	[tilespmem:$0x10200] =	vst v63  }
0xb8: {  	v0 =	vld [tilespmem:s21+$0x0];
	_ =	sdelay $0x4  }
0xb9: {  	v0 =	vshll.u32 v0, $0x4  }
0xba: {  	(v2sf) =	vpush v0, $0x0  }
0xbb: {  	(v2sf) =	vpush v0, $0x1  }
0xbc: {  	(v2sf) =	vpush v0, $0x2;
	_ =	sdelay $0x1  }
0xbd: {  	(v2sf) =	vpush v0, $0x4  }
.Ltmp1:
0xbe: {  	(pc) =	sbr.rel @p0 .LBB2_4-.Ltmp1, $3  }
0xbf: {  	(v2sf) =	vpush v0, $0x3  }
0xc0: {  	(v2sf) =	vpush v0, $0x5;
	_ =	sdelay $0x1  }
0xc1: {  	s20 =	sshra.s32 s23, $0x2;
	(v2sf) =	vpush v0, $0x6  }
0xc2: {  	_ =	sdelay $0x1  }
0xc3: {  	s0 =	sadd.s32 $0x280, s20;
	s23 =	sadd.s32 $0x780, s20  }
0xc4: {  	s2 =	sadd.s32 $0x580, s20;
	s21 =	sadd.s32 $0x800, s20;
	(v2sf) =	vpush v0, $0x7;
	s7 =	sadd.s32 $0x480, s20  }
0xc5: {  	s8 =	sadd.s32 $0x600, s20;
	s22 =	sadd.s32 $0x880, s20;
	s9 =	sadd.s32 $0x200, s20  }
0xc6: {  	s10 =	sadd.s32 $0x400, s20;
	s11 =	sadd.s32 $0x500, s20;
	(v2sf) =	vpush v0, $0x8;
	s12 =	spop (v2sf)  }
0xc7: {  	s13 =	sadd.s32 $0x300, s20;
	s12 =	sand.u32 $0x1FFFFFF0, s12;
	s24 =	spop (v2sf)  }
0xc8: {  	(v2sf) =	vpush v0, $0x9;
	s12 =	sadd.s32 s4, s12;
	s24 =	sand.u32 $0x1FFFFFF0, s24;
	s25 =	spop (v2sf)  }
0xc9: {  	[tilespmem:s9], [sflag:$0x1] =	stream.linear.gather [hbm4b:s12+s1], $0x80, $0x38;
	[tilespmem:$0x10200] =	vst v63  }
0xca: {  	s26 =	sadd.s32 $0x380, s20;
	(v2sf) =	vpush v0, $0xA;
	s30 =	sadd.s32 s4, s24;
	s31 =	spop (v2sf)  }
0xcb: {  	[tilespmem:s0], [sflag:$0x1] =	stream.linear.gather [hbm4b:s30+s1], $0x80, $0x38;
	[tilespmem:$0x10200] =	vst v63  }
0xcc: {  	s9 =	sadd.s32 $0x700, s20;
	s28 =	sand.u32 $0x1FFFFFF0, s25;
	(v2sf) =	vpush v0, $0xB;
	s29 =	spop (v2sf)  }
0xcd: {  	s12 =	sadd.s32 s4, s28;
	s0 =	sadd.s32 $0x680, s20;
	s25 =	sand.u32 $0x1FFFFFF0, s29  }
0xce: {  	(v2sf) =	vpush v0, $0xC;
	[tilespmem:s13], [sflag:$0x1] =	stream.linear.gather [hbm4b:s12+s1], $0x80, $0x38;
	[tilespmem:$0x10200] =	vst v63  }
0xcf: {  	s30 =	sand.u32 $0x1FFFFFF0, s31;
	s31 =	spop (v2sf);
	s28 =	sadd.s32 s4, s25  }
0xd0: {  	(v2sf) =	vpush v0, $0xD;
	[tilespmem:s26], [sflag:$0x1] =	stream.linear.gather [hbm4b:s28+s1], $0x80, $0x38;
	[tilespmem:$0x10200] =	vst v63  }
0xd1: {  	s12 =	sadd.s32 s4, s30;
	s13 =	sand.u32 $0x1FFFFFF0, s31;
	s29 =	spop (v2sf)  }
0xd2: {  	(v2sf) =	vpush v0, $0xE;
	[tilespmem:s10], [sflag:$0x1] =	stream.linear.gather [hbm4b:s12+s1], $0x80, $0x38;
	[tilespmem:$0x10200] =	vst v63  }
0xd3: {  	s13 =	sadd.s32 s4, s13;
	s30 =	sand.u32 $0x1FFFFFF0, s29;
	s31 =	spop (v2sf)  }
0xd4: {  	(v2sf) =	vpush v0, $0xF;
	[tilespmem:s7], [sflag:$0x1] =	stream.linear.gather [hbm4b:s13+s1], $0x80, $0x38;
	[tilespmem:$0x10200] =	vst v63  }
0xd5: {  	s24 =	sand.u32 $0x1FFFFFF0, s31;
	s25 =	spop (v2sf);
	s10 =	sadd.s32 s4, s30  }
0xd6: {  	[tilespmem:s11], [sflag:$0x1] =	stream.linear.gather [hbm4b:s10+s1], $0x80, $0x38;
	[tilespmem:$0x10200] =	vst v63  }
0xd7: {  	s26 =	sand.u32 $0x1FFFFFF0, s25;
	s7 =	sadd.s32 s4, s24;
	s28 =	spop (v2sf)  }
0xd8: {  	[tilespmem:s2], [sflag:$0x1] =	stream.linear.gather [hbm4b:s7+s1], $0x80, $0x38;
	[tilespmem:$0x10200] =	vst v63  }
0xd9: {  	s10 =	sadd.s32 s4, s26;
	s29 =	sand.u32 $0x1FFFFFF0, s28;
	s30 =	spop (v2sf)  }
0xda: {  	[tilespmem:s8], [sflag:$0x1] =	stream.linear.gather [hbm4b:s10+s1], $0x80, $0x38;
	[tilespmem:$0x10200] =	vst v63  }
0xdb: {  	s7 =	sand.u32 $0x1FFFFFF0, s30;
	s2 =	sadd.s32 s4, s29;
	s31 =	spop (v2sf)  }
0xdc: {  	[tilespmem:s0], [sflag:$0x1] =	stream.linear.gather [hbm4b:s2+s1], $0x80, $0x38;
	[tilespmem:$0x10200] =	vst v63  }
0xdd: {  	s7 =	sadd.s32 s4, s7;
	s10 =	sand.u32 $0x1FFFFFF0, s31;
	s11 =	spop (v2sf)  }
0xde: {  	[tilespmem:s9], [sflag:$0x1] =	stream.linear.gather [hbm4b:s7+s1], $0x80, $0x38;
	[tilespmem:$0x10200] =	vst v63  }
0xdf: {  	s0 =	sadd.s32 s4, s10;
	s2 =	sand.u32 $0x1FFFFFF0, s11;
	s12 =	spop (v2sf)  }
0xe0: {  	[tilespmem:s23], [sflag:$0x1] =	stream.linear.gather [hbm4b:s0+s1], $0x80, $0x38;
	[tilespmem:$0x10200] =	vst v63  }
0xe1: {  	s13 =	sand.u32 $0x1FFFFFF0, s12;
	s2 =	sadd.s32 s4, s2;
	s23 =	spop (v2sf)  }
0xe2: {  	[tilespmem:s21], [sflag:$0x1] =	stream.linear.gather [hbm4b:s2+s1], $0x80, $0x38;
	[tilespmem:$0x10200] =	vst v63  }
0xe3: {  	s0 =	sadd.s32 s4, s13;
	s24 =	sand.u32 $0x1FFFFFF0, s23;
	s25 =	spop (v2sf)  }
0xe4: {  	[tilespmem:s22], [sflag:$0x1] =	stream.linear.gather [hbm4b:s0+s1], $0x80, $0x38;
	[tilespmem:$0x10200] =	vst v63  }
0xe5: {  	s28 =	sadd.s32 $0x900, s20;
	s26 =	sand.u32 $0x1FFFFFF0, s25;
	s2 =	sadd.s32 s4, s24  }
0xe6: {  	[tilespmem:s28], [sflag:$0x1] =	stream.linear.gather [hbm4b:s2+s1], $0x80, $0x38;
	[tilespmem:$0x10200] =	vst v63  }
0xe7: {  	s29 =	sadd.s32 $0x980, s20;
	s0 =	sadd.s32 s4, s26  }
0xe8: {  	[tilespmem:s29], [sflag:$0x1] =	stream.linear.gather [hbm4b:s0+s1], $0x80, $0x38;
	[tilespmem:$0x10200] =	vst v63  }
0xe9: {  	_ =	swait.ge [sflag:s17], $0x10000  }
0xea: {  	[sflag:s17] =	ssyncset.done $0x0  }
0xeb: {  	s21 =	simm.s32 $0x0;
	s30 =	rddreg [dreg:$0x9];
	[sflag:s17] =	ssyncadd.s32 $0xFFFF0000  }
0xec: {  	[hbm4b:s30+s21] =	stream.linear.scatter [tilespmem:s18], [sflag:$0x2], $0x10000, $0x38;
	[tilespmem:$0x10200] =	vst v63  }
0xed: {  	_ =	swait.ge [sflag:s16], $0x10000  }
0xee: {  	[sflag:s16] =	ssyncset.done $0x0  }
0xef: {  	s31 =	rddreg [dreg:$0xa];
	[sflag:s16] =	ssyncadd.s32 $0xFFFF0000  }
0xf0: {  	[tilespmem:s21], [sflag:$0x2] =	stream.linear.gather [hbm4b:s31+s21], $0x200, $0x38;
	[tilespmem:$0x10200] =	vst v63  }
0xf1: {  	_ =	swait.ge [sflag:s16], $0x200  }
0xf2: {  	[sflag:s16] =	ssyncset.done $0x0  }
0xf3: {  	[sflag:s16] =	ssyncadd.s32 $0xFFFFFE00  }
0xf4: {  	v0 =	vld [tilespmem:s21+$0x0];
	_ =	sdelay $0x4  }
0xf5: {  	v0 =	vshll.u32 v0, $0x4  }
0xf6: {  	(v2sf) =	vpush v0, $0x0  }
0xf7: {  	(v2sf) =	vpush v0, $0x1  }
0xf8: {  	(v2sf) =	vpush v0, $0x2;
	_ =	sdelay $0x1  }
0xf9: {  	(v2sf) =	vpush v0, $0x4;
	_ =	sdelay $0x1  }
0xfa: {  	(v2sf) =	vpush v0, $0x3  }
0xfb: {  	(v2sf) =	vpush v0, $0x5  }
0xfc: {  	s20 =	simm.s32 $0x0;
	s22 =	simm.s32 $0x2000;
	(v2sf) =	vpush v0, $0x6  }
.LBB2_6:
0xfd: {  	p0 =	sne.s32 s22, $0x3E000  }
0xfe: {  	s2 =	sadd.s32 $0x280, s20;
	s26 =	sadd.s32 $0x780, s20;
	s23 =	smov.u32 s22  }
0xff: {  	s22 =	sadd.s32 $0x2000, s22;
	s30 =	sadd.s32 $0x580, s20;
	s24 =	sadd.s32 $0x800, s20;
	(v2sf) =	vpush v0, $0x7  }
0x100: {  	s0 =	sadd.s32 $0x480, s20;
	s29 =	sadd.s32 $0x600, s20;
	s25 =	sadd.s32 $0x880, s20  }
0x101: {  	s7 =	sadd.s32 $0x200, s20;
	s8 =	sadd.s32 $0x400, s20;
	(v2sf) =	vpush v0, $0x8  }
0x102: {  	s9 =	sadd.s32 $0x500, s20;
	s21 =	sadd.s32 $0x10, s21  }
0x103: {  	s10 =	sadd.s32 $0x300, s20;
	s28 =	sadd.s32 $0x700, s20;
	s11 =	spop (v2sf);
	(v2sf) =	vpush v0, $0x9  }
0x104: {  	s31 =	sadd.s32 $0x680, s20;
	s11 =	sand.u32 $0x1FFFFFF0, s11;
	s12 =	spop (v2sf)  }
0x105: {  	s11 =	sadd.s32 s5, s11;
	s12 =	sand.u32 $0x1FFFFFF0, s12;
	s13 =	spop (v2sf);
	(v2sf) =	vpush v0, $0xA  }
0x106: {  	[tilespmem:s7], [sflag:$0x1] =	stream.linear.gather [hbm4b:s11+s1], $0x80, $0x38;
	[tilespmem:$0x10200] =	vst v63  }
0x107: {  	s7 =	sadd.s32 s5, s12;
	s11 =	sadd.s32 $0x380, s20;
	s12 =	spop (v2sf);
	(v2sf) =	vpush v0, $0xB  }
0x108: {  	[tilespmem:s2], [sflag:$0x1] =	stream.linear.gather [hbm4b:s7+s1], $0x80, $0x38;
	[tilespmem:$0x10200] =	vst v63  }
0x109: {  	s2 =	sand.u32 $0x1FFFFFF0, s13;
	s7 =	sand.u32 $0x1FFFFFF0, s12;
	s12 =	spop (v2sf);
	(v2sf) =	vpush v0, $0xC  }
0x10a: {  	s2 =	sadd.s32 s5, s2;
	s12 =	sand.u32 $0x1FFFFFF0, s12;
	s13 =	spop (v2sf)  }
0x10b: {  	[tilespmem:s10], [sflag:$0x1] =	stream.linear.gather [hbm4b:s2+s1], $0x80, $0x38;
	(v2sf) =	vpush v0, $0xD;
	[tilespmem:$0x10200] =	vst v63  }
0x10c: {  	s2 =	sadd.s32 s5, s12;
	s10 =	sand.u32 $0x1FFFFFF0, s13;
	s12 =	spop (v2sf)  }
0x10d: {  	[tilespmem:s11], [sflag:$0x1] =	stream.linear.gather [hbm4b:s2+s1], $0x80, $0x38;
	(v2sf) =	vpush v0, $0xE;
	[tilespmem:$0x10200] =	vst v63  }
0x10e: {  	s2 =	sadd.s32 s5, s7;
	s7 =	sand.u32 $0x1FFFFFF0, s12;
	s11 =	spop (v2sf)  }
0x10f: {  	[tilespmem:s8], [sflag:$0x1] =	stream.linear.gather [hbm4b:s2+s1], $0x80, $0x38;
	(v2sf) =	vpush v0, $0xF;
	[tilespmem:$0x10200] =	vst v63  }
0x110: {  	s2 =	sadd.s32 s5, s10;
	s8 =	sand.u32 $0x1FFFFFF0, s11;
	s10 =	spop (v2sf)  }
0x111: {  	[tilespmem:s0], [sflag:$0x1] =	stream.linear.gather [hbm4b:s2+s1], $0x80, $0x38;
	[tilespmem:$0x10200] =	vst v63  }
0x112: {  	s0 =	sadd.s32 s5, s7;
	s2 =	sand.u32 $0x1FFFFFF0, s10;
	s7 =	spop (v2sf)  }
0x113: {  	[tilespmem:s9], [sflag:$0x1] =	stream.linear.gather [hbm4b:s0+s1], $0x80, $0x38;
	[tilespmem:$0x10200] =	vst v63  }
0x114: {  	s0 =	sadd.s32 s5, s8;
	s7 =	sand.u32 $0x1FFFFFF0, s7;
	s8 =	spop (v2sf)  }
0x115: {  	[tilespmem:s30], [sflag:$0x1] =	stream.linear.gather [hbm4b:s0+s1], $0x80, $0x38;
	[tilespmem:$0x10200] =	vst v63  }
0x116: {  	s0 =	sadd.s32 s5, s2;
	s2 =	sand.u32 $0x1FFFFFF0, s8;
	s8 =	spop (v2sf)  }
0x117: {  	[tilespmem:s29], [sflag:$0x1] =	stream.linear.gather [hbm4b:s0+s1], $0x80, $0x38;
	[tilespmem:$0x10200] =	vst v63  }
0x118: {  	s0 =	sadd.s32 s5, s7;
	s7 =	sand.u32 $0x1FFFFFF0, s8;
	s8 =	spop (v2sf)  }
0x119: {  	[tilespmem:s31], [sflag:$0x1] =	stream.linear.gather [hbm4b:s0+s1], $0x80, $0x38;
	[tilespmem:$0x10200] =	vst v63  }
0x11a: {  	s0 =	sadd.s32 s5, s2;
	s2 =	sand.u32 $0x1FFFFFF0, s8;
	s8 =	spop (v2sf)  }
0x11b: {  	[tilespmem:s28], [sflag:$0x1] =	stream.linear.gather [hbm4b:s0+s1], $0x80, $0x38;
	[tilespmem:$0x10200] =	vst v63  }
0x11c: {  	s0 =	sadd.s32 s5, s7;
	s7 =	sand.u32 $0x1FFFFFF0, s8;
	s8 =	spop (v2sf)  }
0x11d: {  	[tilespmem:s26], [sflag:$0x1] =	stream.linear.gather [hbm4b:s0+s1], $0x80, $0x38;
	[tilespmem:$0x10200] =	vst v63  }
0x11e: {  	s0 =	sadd.s32 s5, s2;
	s2 =	sand.u32 $0x1FFFFFF0, s8;
	s8 =	spop (v2sf)  }
0x11f: {  	[tilespmem:s24], [sflag:$0x1] =	stream.linear.gather [hbm4b:s0+s1], $0x80, $0x38;
	[tilespmem:$0x10200] =	vst v63  }
0x120: {  	s0 =	sadd.s32 s5, s7;
	s7 =	sand.u32 $0x1FFFFFF0, s8  }
0x121: {  	[tilespmem:s25], [sflag:$0x1] =	stream.linear.gather [hbm4b:s0+s1], $0x80, $0x38;
	[tilespmem:$0x10200] =	vst v63  }
0x122: {  	s2 =	sadd.s32 s5, s2;
	s0 =	sadd.s32 $0x900, s20  }
0x123: {  	[tilespmem:s0], [sflag:$0x1] =	stream.linear.gather [hbm4b:s2+s1], $0x80, $0x38;
	[tilespmem:$0x10200] =	vst v63  }
0x124: {  	s0 =	sadd.s32 $0x980, s20;
	s2 =	sadd.s32 s5, s7  }
0x125: {  	[tilespmem:s0], [sflag:$0x1] =	stream.linear.gather [hbm4b:s2+s1], $0x80, $0x38;
	[tilespmem:$0x10200] =	vst v63  }
0x126: {  	v0 =	vld [tilespmem:s21+$0x0];
	_ =	sdelay $0x4  }
0x127: {  	v0 =	vshll.u32 v0, $0x4  }
0x128: {  	(v2sf) =	vpush v0, $0x0  }
0x129: {  	(v2sf) =	vpush v0, $0x1  }
0x12a: {  	(v2sf) =	vpush v0, $0x2;
	_ =	sdelay $0x1  }
0x12b: {  	(v2sf) =	vpush v0, $0x4  }
.Ltmp2:
0x12c: {  	(pc) =	sbr.rel @p0 .LBB2_6-.Ltmp2, $3  }
0x12d: {  	(v2sf) =	vpush v0, $0x3  }
0x12e: {  	(v2sf) =	vpush v0, $0x5;
	_ =	sdelay $0x1  }
0x12f: {  	s20 =	sshra.s32 s23, $0x2;
	(v2sf) =	vpush v0, $0x6  }
0x130: {  	_ =	sdelay $0x1  }
0x131: {  	s0 =	sadd.s32 $0x280, s20;
	s23 =	sadd.s32 $0x780, s20  }
0x132: {  	s2 =	sadd.s32 $0x580, s20;
	s21 =	sadd.s32 $0x800, s20;
	(v2sf) =	vpush v0, $0x7;
	s7 =	sadd.s32 $0x480, s20  }
0x133: {  	s8 =	sadd.s32 $0x600, s20;
	s22 =	sadd.s32 $0x880, s20;
	s9 =	sadd.s32 $0x200, s20  }
0x134: {  	s10 =	sadd.s32 $0x400, s20;
	s11 =	sadd.s32 $0x500, s20;
	(v2sf) =	vpush v0, $0x8;
	s12 =	spop (v2sf)  }
0x135: {  	s13 =	sadd.s32 $0x300, s20;
	s12 =	sand.u32 $0x1FFFFFF0, s12;
	s24 =	spop (v2sf)  }
0x136: {  	(v2sf) =	vpush v0, $0x9;
	s12 =	sadd.s32 s5, s12;
	s24 =	sand.u32 $0x1FFFFFF0, s24;
	s25 =	spop (v2sf)  }
0x137: {  	[tilespmem:s9], [sflag:$0x1] =	stream.linear.gather [hbm4b:s12+s1], $0x80, $0x38;
	[tilespmem:$0x10200] =	vst v63  }
0x138: {  	s26 =	sadd.s32 $0x380, s20;
	(v2sf) =	vpush v0, $0xA;
	s30 =	sadd.s32 s5, s24;
	s31 =	spop (v2sf)  }
0x139: {  	[tilespmem:s0], [sflag:$0x1] =	stream.linear.gather [hbm4b:s30+s1], $0x80, $0x38;
	[tilespmem:$0x10200] =	vst v63  }
0x13a: {  	s9 =	sadd.s32 $0x700, s20;
	s28 =	sand.u32 $0x1FFFFFF0, s25;
	(v2sf) =	vpush v0, $0xB;
	s29 =	spop (v2sf)  }
0x13b: {  	s12 =	sadd.s32 s5, s28;
	s0 =	sadd.s32 $0x680, s20;
	s25 =	sand.u32 $0x1FFFFFF0, s29  }
0x13c: {  	(v2sf) =	vpush v0, $0xC;
	[tilespmem:s13], [sflag:$0x1] =	stream.linear.gather [hbm4b:s12+s1], $0x80, $0x38;
	[tilespmem:$0x10200] =	vst v63  }
0x13d: {  	s30 =	sand.u32 $0x1FFFFFF0, s31;
	s31 =	spop (v2sf);
	s28 =	sadd.s32 s5, s25  }
0x13e: {  	(v2sf) =	vpush v0, $0xD;
	[tilespmem:s26], [sflag:$0x1] =	stream.linear.gather [hbm4b:s28+s1], $0x80, $0x38;
	[tilespmem:$0x10200] =	vst v63  }
0x13f: {  	s12 =	sadd.s32 s5, s30;
	s13 =	sand.u32 $0x1FFFFFF0, s31;
	s29 =	spop (v2sf)  }
0x140: {  	(v2sf) =	vpush v0, $0xE;
	[tilespmem:s10], [sflag:$0x1] =	stream.linear.gather [hbm4b:s12+s1], $0x80, $0x38;
	[tilespmem:$0x10200] =	vst v63  }
0x141: {  	s13 =	sadd.s32 s5, s13;
	s30 =	sand.u32 $0x1FFFFFF0, s29;
	s31 =	spop (v2sf)  }
0x142: {  	(v2sf) =	vpush v0, $0xF;
	[tilespmem:s7], [sflag:$0x1] =	stream.linear.gather [hbm4b:s13+s1], $0x80, $0x38;
	[tilespmem:$0x10200] =	vst v63  }
0x143: {  	s24 =	sand.u32 $0x1FFFFFF0, s31;
	s25 =	spop (v2sf);
	s10 =	sadd.s32 s5, s30  }
0x144: {  	[tilespmem:s11], [sflag:$0x1] =	stream.linear.gather [hbm4b:s10+s1], $0x80, $0x38;
	[tilespmem:$0x10200] =	vst v63  }
0x145: {  	s26 =	sand.u32 $0x1FFFFFF0, s25;
	s7 =	sadd.s32 s5, s24;
	s28 =	spop (v2sf)  }
0x146: {  	[tilespmem:s2], [sflag:$0x1] =	stream.linear.gather [hbm4b:s7+s1], $0x80, $0x38;
	[tilespmem:$0x10200] =	vst v63  }
0x147: {  	s10 =	sadd.s32 s5, s26;
	s29 =	sand.u32 $0x1FFFFFF0, s28;
	s30 =	spop (v2sf)  }
0x148: {  	[tilespmem:s8], [sflag:$0x1] =	stream.linear.gather [hbm4b:s10+s1], $0x80, $0x38;
	[tilespmem:$0x10200] =	vst v63  }
0x149: {  	s7 =	sand.u32 $0x1FFFFFF0, s30;
	s2 =	sadd.s32 s5, s29;
	s31 =	spop (v2sf)  }
0x14a: {  	[tilespmem:s0], [sflag:$0x1] =	stream.linear.gather [hbm4b:s2+s1], $0x80, $0x38;
	[tilespmem:$0x10200] =	vst v63  }
0x14b: {  	s7 =	sadd.s32 s5, s7;
	s10 =	sand.u32 $0x1FFFFFF0, s31;
	s11 =	spop (v2sf)  }
0x14c: {  	[tilespmem:s9], [sflag:$0x1] =	stream.linear.gather [hbm4b:s7+s1], $0x80, $0x38;
	[tilespmem:$0x10200] =	vst v63  }
0x14d: {  	s0 =	sadd.s32 s5, s10;
	s2 =	sand.u32 $0x1FFFFFF0, s11;
	s12 =	spop (v2sf)  }
0x14e: {  	[tilespmem:s23], [sflag:$0x1] =	stream.linear.gather [hbm4b:s0+s1], $0x80, $0x38;
	[tilespmem:$0x10200] =	vst v63  }
0x14f: {  	s13 =	sand.u32 $0x1FFFFFF0, s12;
	s2 =	sadd.s32 s5, s2;
	s23 =	spop (v2sf)  }
0x150: {  	[tilespmem:s21], [sflag:$0x1] =	stream.linear.gather [hbm4b:s2+s1], $0x80, $0x38;
	[tilespmem:$0x10200] =	vst v63  }
0x151: {  	s0 =	sadd.s32 s5, s13;
	s24 =	sand.u32 $0x1FFFFFF0, s23;
	s25 =	spop (v2sf)  }
0x152: {  	[tilespmem:s22], [sflag:$0x1] =	stream.linear.gather [hbm4b:s0+s1], $0x80, $0x38;
	[tilespmem:$0x10200] =	vst v63  }
0x153: {  	s28 =	sadd.s32 $0x900, s20;
	s26 =	sand.u32 $0x1FFFFFF0, s25;
	s2 =	sadd.s32 s5, s24  }
0x154: {  	[tilespmem:s28], [sflag:$0x1] =	stream.linear.gather [hbm4b:s2+s1], $0x80, $0x38;
	[tilespmem:$0x10200] =	vst v63  }
0x155: {  	s29 =	sadd.s32 $0x980, s20;
	s0 =	sadd.s32 s5, s26  }
0x156: {  	[tilespmem:s29], [sflag:$0x1] =	stream.linear.gather [hbm4b:s0+s1], $0x80, $0x38;
	[tilespmem:$0x10200] =	vst v63  }
0x157: {  	_ =	swait.ge [sflag:s17], $0x10000  }
0x158: {  	[sflag:s17] =	ssyncset.done $0x0  }
0x159: {  	s21 =	simm.s32 $0x0;
	s30 =	rddreg [dreg:$0xb];
	[sflag:s17] =	ssyncadd.s32 $0xFFFF0000  }
0x15a: {  	[hbm4b:s30+s21] =	stream.linear.scatter [tilespmem:s18], [sflag:$0x2], $0x10000, $0x38;
	[tilespmem:$0x10200] =	vst v63  }
0x15b: {  	_ =	swait.ge [sflag:s16], $0x10000  }
0x15c: {  	[sflag:s16] =	ssyncset.done $0x0  }
0x15d: {  	s31 =	rddreg [dreg:$0xc];
	[sflag:s16] =	ssyncadd.s32 $0xFFFF0000  }
0x15e: {  	[tilespmem:s21], [sflag:$0x2] =	stream.linear.gather [hbm4b:s31+s21], $0x200, $0x38;
	[tilespmem:$0x10200] =	vst v63  }
0x15f: {  	_ =	swait.ge [sflag:s16], $0x200  }
0x160: {  	[sflag:s16] =	ssyncset.done $0x0  }
0x161: {  	[sflag:s16] =	ssyncadd.s32 $0xFFFFFE00  }
0x162: {  	v0 =	vld [tilespmem:s21+$0x0];
	_ =	sdelay $0x4  }
0x163: {  	v0 =	vshll.u32 v0, $0x4  }
0x164: {  	(v2sf) =	vpush v0, $0x0  }
0x165: {  	(v2sf) =	vpush v0, $0x1  }
0x166: {  	(v2sf) =	vpush v0, $0x2;
	_ =	sdelay $0x1  }
0x167: {  	(v2sf) =	vpush v0, $0x4;
	_ =	sdelay $0x1  }
0x168: {  	(v2sf) =	vpush v0, $0x3  }
0x169: {  	(v2sf) =	vpush v0, $0x5  }
0x16a: {  	s20 =	simm.s32 $0x0;
	s22 =	simm.s32 $0x2000;
	(v2sf) =	vpush v0, $0x6  }
.LBB2_8:
0x16b: {  	p0 =	sne.s32 s22, $0x3E000  }
0x16c: {  	s2 =	sadd.s32 $0x280, s20;
	s26 =	sadd.s32 $0x780, s20;
	s23 =	smov.u32 s22  }
0x16d: {  	s22 =	sadd.s32 $0x2000, s22;
	s30 =	sadd.s32 $0x580, s20;
	s24 =	sadd.s32 $0x800, s20;
	(v2sf) =	vpush v0, $0x7  }
0x16e: {  	s0 =	sadd.s32 $0x480, s20;
	s29 =	sadd.s32 $0x600, s20;
	s25 =	sadd.s32 $0x880, s20  }
0x16f: {  	s7 =	sadd.s32 $0x200, s20;
	s8 =	sadd.s32 $0x400, s20;
	(v2sf) =	vpush v0, $0x8  }
0x170: {  	s9 =	sadd.s32 $0x500, s20;
	s21 =	sadd.s32 $0x10, s21  }
0x171: {  	s10 =	sadd.s32 $0x300, s20;
	s28 =	sadd.s32 $0x700, s20;
	s11 =	spop (v2sf);
	(v2sf) =	vpush v0, $0x9  }
0x172: {  	s31 =	sadd.s32 $0x680, s20;
	s11 =	sand.u32 $0x1FFFFFF0, s11;
	s12 =	spop (v2sf)  }
0x173: {  	s11 =	sadd.s32 s6, s11;
	s12 =	sand.u32 $0x1FFFFFF0, s12;
	s13 =	spop (v2sf);
	(v2sf) =	vpush v0, $0xA  }
0x174: {  	[tilespmem:s7], [sflag:$0x1] =	stream.linear.gather [hbm4b:s11+s1], $0x80, $0x38;
	[tilespmem:$0x10200] =	vst v63  }
0x175: {  	s7 =	sadd.s32 s6, s12;
	s11 =	sadd.s32 $0x380, s20;
	s12 =	spop (v2sf);
	(v2sf) =	vpush v0, $0xB  }
0x176: {  	[tilespmem:s2], [sflag:$0x1] =	stream.linear.gather [hbm4b:s7+s1], $0x80, $0x38;
	[tilespmem:$0x10200] =	vst v63  }
0x177: {  	s2 =	sand.u32 $0x1FFFFFF0, s13;
	s7 =	sand.u32 $0x1FFFFFF0, s12;
	s12 =	spop (v2sf);
	(v2sf) =	vpush v0, $0xC  }
0x178: {  	s2 =	sadd.s32 s6, s2;
	s12 =	sand.u32 $0x1FFFFFF0, s12;
	s13 =	spop (v2sf)  }
0x179: {  	[tilespmem:s10], [sflag:$0x1] =	stream.linear.gather [hbm4b:s2+s1], $0x80, $0x38;
	(v2sf) =	vpush v0, $0xD;
	[tilespmem:$0x10200] =	vst v63  }
0x17a: {  	s2 =	sadd.s32 s6, s12;
	s10 =	sand.u32 $0x1FFFFFF0, s13;
	s12 =	spop (v2sf)  }
0x17b: {  	[tilespmem:s11], [sflag:$0x1] =	stream.linear.gather [hbm4b:s2+s1], $0x80, $0x38;
	(v2sf) =	vpush v0, $0xE;
	[tilespmem:$0x10200] =	vst v63  }
0x17c: {  	s2 =	sadd.s32 s6, s7;
	s7 =	sand.u32 $0x1FFFFFF0, s12;
	s11 =	spop (v2sf)  }
0x17d: {  	[tilespmem:s8], [sflag:$0x1] =	stream.linear.gather [hbm4b:s2+s1], $0x80, $0x38;
	(v2sf) =	vpush v0, $0xF;
	[tilespmem:$0x10200] =	vst v63  }
0x17e: {  	s2 =	sadd.s32 s6, s10;
	s8 =	sand.u32 $0x1FFFFFF0, s11;
	s10 =	spop (v2sf)  }
0x17f: {  	[tilespmem:s0], [sflag:$0x1] =	stream.linear.gather [hbm4b:s2+s1], $0x80, $0x38;
	[tilespmem:$0x10200] =	vst v63  }
0x180: {  	s0 =	sadd.s32 s6, s7;
	s2 =	sand.u32 $0x1FFFFFF0, s10;
	s7 =	spop (v2sf)  }
0x181: {  	[tilespmem:s9], [sflag:$0x1] =	stream.linear.gather [hbm4b:s0+s1], $0x80, $0x38;
	[tilespmem:$0x10200] =	vst v63  }
0x182: {  	s0 =	sadd.s32 s6, s8;
	s7 =	sand.u32 $0x1FFFFFF0, s7;
	s8 =	spop (v2sf)  }
0x183: {  	[tilespmem:s30], [sflag:$0x1] =	stream.linear.gather [hbm4b:s0+s1], $0x80, $0x38;
	[tilespmem:$0x10200] =	vst v63  }
0x184: {  	s0 =	sadd.s32 s6, s2;
	s2 =	sand.u32 $0x1FFFFFF0, s8;
	s8 =	spop (v2sf)  }
0x185: {  	[tilespmem:s29], [sflag:$0x1] =	stream.linear.gather [hbm4b:s0+s1], $0x80, $0x38;
	[tilespmem:$0x10200] =	vst v63  }
0x186: {  	s0 =	sadd.s32 s6, s7;
	s7 =	sand.u32 $0x1FFFFFF0, s8;
	s8 =	spop (v2sf)  }
0x187: {  	[tilespmem:s31], [sflag:$0x1] =	stream.linear.gather [hbm4b:s0+s1], $0x80, $0x38;
	[tilespmem:$0x10200] =	vst v63  }
0x188: {  	s0 =	sadd.s32 s6, s2;
	s2 =	sand.u32 $0x1FFFFFF0, s8;
	s8 =	spop (v2sf)  }
0x189: {  	[tilespmem:s28], [sflag:$0x1] =	stream.linear.gather [hbm4b:s0+s1], $0x80, $0x38;
	[tilespmem:$0x10200] =	vst v63  }
0x18a: {  	s0 =	sadd.s32 s6, s7;
	s7 =	sand.u32 $0x1FFFFFF0, s8;
	s8 =	spop (v2sf)  }
0x18b: {  	[tilespmem:s26], [sflag:$0x1] =	stream.linear.gather [hbm4b:s0+s1], $0x80, $0x38;
	[tilespmem:$0x10200] =	vst v63  }
0x18c: {  	s0 =	sadd.s32 s6, s2;
	s2 =	sand.u32 $0x1FFFFFF0, s8;
	s8 =	spop (v2sf)  }
0x18d: {  	[tilespmem:s24], [sflag:$0x1] =	stream.linear.gather [hbm4b:s0+s1], $0x80, $0x38;
	[tilespmem:$0x10200] =	vst v63  }
0x18e: {  	s0 =	sadd.s32 s6, s7;
	s7 =	sand.u32 $0x1FFFFFF0, s8  }
0x18f: {  	[tilespmem:s25], [sflag:$0x1] =	stream.linear.gather [hbm4b:s0+s1], $0x80, $0x38;
	[tilespmem:$0x10200] =	vst v63  }
0x190: {  	s2 =	sadd.s32 s6, s2;
	s0 =	sadd.s32 $0x900, s20  }
0x191: {  	[tilespmem:s0], [sflag:$0x1] =	stream.linear.gather [hbm4b:s2+s1], $0x80, $0x38;
	[tilespmem:$0x10200] =	vst v63  }
0x192: {  	s0 =	sadd.s32 $0x980, s20;
	s2 =	sadd.s32 s6, s7  }
0x193: {  	[tilespmem:s0], [sflag:$0x1] =	stream.linear.gather [hbm4b:s2+s1], $0x80, $0x38;
	[tilespmem:$0x10200] =	vst v63  }
0x194: {  	v0 =	vld [tilespmem:s21+$0x0];
	_ =	sdelay $0x4  }
0x195: {  	v0 =	vshll.u32 v0, $0x4  }
0x196: {  	(v2sf) =	vpush v0, $0x0  }
0x197: {  	(v2sf) =	vpush v0, $0x1  }
0x198: {  	(v2sf) =	vpush v0, $0x2;
	_ =	sdelay $0x1  }
0x199: {  	(v2sf) =	vpush v0, $0x4  }
.Ltmp3:
0x19a: {  	(pc) =	sbr.rel @p0 .LBB2_8-.Ltmp3, $3  }
0x19b: {  	(v2sf) =	vpush v0, $0x3  }
0x19c: {  	(v2sf) =	vpush v0, $0x5;
	_ =	sdelay $0x1  }
0x19d: {  	s20 =	sshra.s32 s23, $0x2;
	(v2sf) =	vpush v0, $0x6  }
0x19e: {  	_ =	sdelay $0x1  }
0x19f: {  	s0 =	sadd.s32 $0x280, s20;
	s23 =	sadd.s32 $0x780, s20  }
0x1a0: {  	s2 =	sadd.s32 $0x580, s20;
	s21 =	sadd.s32 $0x800, s20;
	(v2sf) =	vpush v0, $0x7;
	s7 =	sadd.s32 $0x480, s20  }
0x1a1: {  	s8 =	sadd.s32 $0x600, s20;
	s22 =	sadd.s32 $0x880, s20;
	s9 =	sadd.s32 $0x200, s20  }
0x1a2: {  	s10 =	sadd.s32 $0x400, s20;
	s11 =	sadd.s32 $0x500, s20;
	(v2sf) =	vpush v0, $0x8;
	s12 =	spop (v2sf)  }
0x1a3: {  	s13 =	sadd.s32 $0x300, s20;
	s12 =	sand.u32 $0x1FFFFFF0, s12;
	s24 =	spop (v2sf)  }
0x1a4: {  	(v2sf) =	vpush v0, $0x9;
	s12 =	sadd.s32 s6, s12;
	s24 =	sand.u32 $0x1FFFFFF0, s24;
	s25 =	spop (v2sf)  }
0x1a5: {  	[tilespmem:s9], [sflag:$0x1] =	stream.linear.gather [hbm4b:s12+s1], $0x80, $0x38;
	[tilespmem:$0x10200] =	vst v63  }
0x1a6: {  	(v2sf) =	vpush v0, $0xA;
	s26 =	sadd.s32 s6, s24;
	s29 =	sand.u32 $0x1FFFFFF0, s25;
	s28 =	spop (v2sf)  }
0x1a7: {  	[tilespmem:s0], [sflag:$0x1] =	stream.linear.gather [hbm4b:s26+s1], $0x80, $0x38;
	[tilespmem:$0x10200] =	vst v63  }
0x1a8: {  	s9 =	sadd.s32 $0x700, s20;
	(v2sf) =	vpush v0, $0xB;
	s12 =	sadd.s32 s6, s29;
	s30 =	spop (v2sf)  }
0x1a9: {  	s0 =	sadd.s32 $0x680, s20;
	s26 =	sadd.s32 $0x380, s20;
	s25 =	sand.u32 $0x1FFFFFF0, s30  }
0x1aa: {  	(v2sf) =	vpush v0, $0xC;
	[tilespmem:s13], [sflag:$0x1] =	stream.linear.gather [hbm4b:s12+s1], $0x80, $0x38;
	[tilespmem:$0x10200] =	vst v63  }
0x1ab: {  	s31 =	sand.u32 $0x1FFFFFF0, s28;
	s28 =	spop (v2sf);
	s29 =	sadd.s32 s6, s25  }
0x1ac: {  	(v2sf) =	vpush v0, $0xD;
	[tilespmem:s26], [sflag:$0x1] =	stream.linear.gather [hbm4b:s29+s1], $0x80, $0x38;
	[tilespmem:$0x10200] =	vst v63  }
0x1ad: {  	s12 =	sadd.s32 s6, s31;
	s13 =	sand.u32 $0x1FFFFFF0, s28;
	s30 =	spop (v2sf)  }
0x1ae: {  	(v2sf) =	vpush v0, $0xE;
	[tilespmem:s10], [sflag:$0x1] =	stream.linear.gather [hbm4b:s12+s1], $0x80, $0x38;
	[tilespmem:$0x10200] =	vst v63  }
0x1af: {  	s13 =	sadd.s32 s6, s13;
	s31 =	sand.u32 $0x1FFFFFF0, s30;
	s24 =	spop (v2sf)  }
0x1b0: {  	(v2sf) =	vpush v0, $0xF;
	[tilespmem:s7], [sflag:$0x1] =	stream.linear.gather [hbm4b:s13+s1], $0x80, $0x38;
	[tilespmem:$0x10200] =	vst v63  }
0x1b1: {  	s25 =	sand.u32 $0x1FFFFFF0, s24;
	s26 =	spop (v2sf);
	s10 =	sadd.s32 s6, s31  }
0x1b2: {  	[tilespmem:s11], [sflag:$0x1] =	stream.linear.gather [hbm4b:s10+s1], $0x80, $0x38;
	[tilespmem:$0x10200] =	vst v63  }
0x1b3: {  	s28 =	sand.u32 $0x1FFFFFF0, s26;
	s7 =	sadd.s32 s6, s25;
	s29 =	spop (v2sf)  }
0x1b4: {  	[tilespmem:s2], [sflag:$0x1] =	stream.linear.gather [hbm4b:s7+s1], $0x80, $0x38;
	[tilespmem:$0x10200] =	vst v63  }
0x1b5: {  	s10 =	sadd.s32 s6, s28;
	s30 =	sand.u32 $0x1FFFFFF0, s29;
	s31 =	spop (v2sf)  }
0x1b6: {  	[tilespmem:s8], [sflag:$0x1] =	stream.linear.gather [hbm4b:s10+s1], $0x80, $0x38;
	[tilespmem:$0x10200] =	vst v63  }
0x1b7: {  	s7 =	sand.u32 $0x1FFFFFF0, s31;
	s2 =	sadd.s32 s6, s30;
	s10 =	spop (v2sf)  }
0x1b8: {  	[tilespmem:s0], [sflag:$0x1] =	stream.linear.gather [hbm4b:s2+s1], $0x80, $0x38;
	[tilespmem:$0x10200] =	vst v63  }
0x1b9: {  	s7 =	sadd.s32 s6, s7;
	s11 =	sand.u32 $0x1FFFFFF0, s10;
	s12 =	spop (v2sf)  }
0x1ba: {  	[tilespmem:s9], [sflag:$0x1] =	stream.linear.gather [hbm4b:s7+s1], $0x80, $0x38;
	[tilespmem:$0x10200] =	vst v63  }
0x1bb: {  	s0 =	sadd.s32 s6, s11;
	s2 =	sand.u32 $0x1FFFFFF0, s12;
	s13 =	spop (v2sf)  }
0x1bc: {  	[tilespmem:s23], [sflag:$0x1] =	stream.linear.gather [hbm4b:s0+s1], $0x80, $0x38;
	[tilespmem:$0x10200] =	vst v63  }
0x1bd: {  	s24 =	sand.u32 $0x1FFFFFF0, s13;
	s2 =	sadd.s32 s6, s2;
	s25 =	spop (v2sf)  }
0x1be: {  	[tilespmem:s21], [sflag:$0x1] =	stream.linear.gather [hbm4b:s2+s1], $0x80, $0x38;
	[tilespmem:$0x10200] =	vst v63  }
0x1bf: {  	s26 =	sand.u32 $0x1FFFFFF0, s25;
	s28 =	spop (v2sf);
	s0 =	sadd.s32 s6, s24  }
0x1c0: {  	[tilespmem:s22], [sflag:$0x1] =	stream.linear.gather [hbm4b:s0+s1], $0x80, $0x38;
	[tilespmem:$0x10200] =	vst v63  }
0x1c1: {  	s30 =	sadd.s32 $0x900, s20;
	s29 =	sand.u32 $0x1FFFFFF0, s28;
	s2 =	sadd.s32 s6, s26  }
0x1c2: {  	[tilespmem:s30], [sflag:$0x1] =	stream.linear.gather [hbm4b:s2+s1], $0x80, $0x38;
	[tilespmem:$0x10200] =	vst v63  }
0x1c3: {  	s31 =	sadd.s32 $0x980, s20;
	s0 =	sadd.s32 s6, s29  }
0x1c4: {  	[tilespmem:s31], [sflag:$0x1] =	stream.linear.gather [hbm4b:s0+s1], $0x80, $0x38;
	[tilespmem:$0x10200] =	vst v63  }
0x1c5: {  	s19 =	sadd.s32 $0x1, s19;
	_ =	swait.ge [sflag:s17], $0x10000  }
0x1c6: {  	p0 =	sne.s32 s19, s15;
	[sflag:s17] =	ssyncset.done $0x0  }
.Ltmp4:
0x1c7: {  	[sflag:s17] =	ssyncadd.s32 $0xFFFF0000;
	(pc) =	sbr.rel @p0 .LBB2_1-.Ltmp4, $4  }
0x1c8: {  	[hbm4b:s14+s1] =	stream.linear.scatter [tilespmem:s18], [sflag:$0x2], $0x10000, $0x38;
	[tilespmem:$0x10200] =	vst v63  }
0x1c9: {  	_ =	swait.ge [sflag:s16], $0x10000  }
0x1ca: {  	[sflag:s16] =	ssyncset.done $0x0  }
0x1cb: {  	[sflag:s16] =	ssyncadd.s32 $0xFFFF0000  }
0x1cc: {  	_ =	sfence.sel $0x180000  }
0x1cd: {  	[bflag:$0x0] =	sbarrier.arrive $0xFFFF  }
0x1ce: {  	_ =	strace $0x9000004A  }
0x1cf: {  	s0 =	stileid.u32;
	[bflag:$0x2] =	sbarrier.arrive $0xFFFF  }
0x1d0: {  	p0 =	sne.s32 s0, $0x0;
	s0 =	rddreg [dreg:$0x5]  }
0x1d1: {  	s0 =	sadd.s32 @!p0 $0x100000, s0  }
0x1d2: {  	[sflag:s0] =	ssyncadd.tile.s32 @!p0 $0x1;
	_ =	shalt  }
.Lfunc_end2:
_tile_overlayer_lowered:
.L_overlay_start_2:
0x1d3: {  	(tag) =	ssettag $0x2  }
0x1d4: {  	s0 =	rddreg [dreg:$0x0];
	s2 =	stileid.u32  }
0x1d5: {  	s1 =	rddreg [dreg:$0x1];
	p0 =	sne.s32 s2, $0x0  }
0x1d6: {  	s3 =	rddreg [dreg:$0x2];
	[bflag:$0x3] =	sbarrier.arrive $0xFFFF;
	s2 =	simm.s32 @!p0 $0x1C02  }
0x1d7: {  	[timem:s3], [sflag:s2] =	dma.local @!p0 [hbm:s0], s1  }
0x1d8: {  	s0 =	simm.s32 @!p0 $0x2  }
0x1d9: {  	_ =	swait.ge @!p0 [sflag:s0], s1  }
0x1da: {  	s1 =	ssub.s32 @!p0 $0x0, s1;
	[sflag:s0] =	ssyncset.done @!p0 $0x0  }
0x1db: {  	[sflag:s0] =	ssyncadd.s32 @!p0 s1  }
0x1dc: {  	[bflag:$0x3] =	sbarrier.arrive $0xFFFF  }
0x1dd: {  	_ =	shalt  }

</sc_bundles>
